<compile_context>
chip_gen: v7x
topology: tpu7x:2x2x1
jax: 0.10.2.dev20260603
libtpu: 0.0.44.dev20260713+nightly
codegen_flags: <defaults>
</compile_context>

<pallas_src>
import functools

import jax
import jax.numpy as jnp
from jax import lax
from jax.experimental import pallas as pl
from jax.experimental.pallas import tpu as pltpu
from jax.experimental.pallas import tpu_sc as plsc

_NC = 2
_NS = 16
_L = 16
_NW = _NC * _NS

_B = 16384
_NNUM = 13
_NCAT = 26
_CATDIM = 1000
_D = 128
_NSLOT = 1 + _NNUM + _NCAT

_BPW = _B // _NW
_CB = 4
_NCHUNK = _BPW // _CB
_NBUF = 5

_QS = _D // _L
_IP = 32

_mesh = plsc.VectorSubcoreMesh(core_axis_name="c", subcore_axis_name="s")


@functools.partial(
    pl.kernel,
    mesh=_mesh,
    compiler_params=pltpu.CompilerParams(needs_layout_passes=False),
    out_type=jax.ShapeDtypeStruct((_B, _NSLOT, _D), jnp.float32),
    scratch_types=[
        pltpu.VMEM((_BPW * _IP,), jnp.int32),
        pltpu.VMEM((_NBUF, _CB, _NSLOT, _D), jnp.float32),
        pltpu.VMEM((_BPW * _NNUM,), jnp.float32),
        pltpu.VMEM((_NNUM, _D), jnp.float32),
        pltpu.VMEM((_NNUM, _D), jnp.float32),
        pltpu.VMEM((1, _D), jnp.float32),
        pltpu.SemaphoreType.DMA,
        pltpu.SemaphoreType.DMA,
        pltpu.SemaphoreType.DMA,
    ],
)
def _tokenize_sc(xnum_hbm, idx_hbm, w_hbm, bn_hbm, tab_hbm, cls_hbm, out_hbm,
                 idx_v, stage_buf, xn_v, w_v, bn_v, cls_v,
                 gsem, osem, ssem):
    wid = lax.axis_index("s") * _NC + lax.axis_index("c")
    base0 = wid * _BPW

    def issue_gathers(c, par):
        for b in range(_CB):
            pltpu.async_copy(
                tab_hbm.at[idx_v.at[pl.ds((c * _CB + b) * _IP, _NCAT)]],
                stage_buf.at[par, b, pl.ds(1 + _NNUM, _NCAT)], gsem)

    def wait_gathers(par):
        for b in range(_CB):
            pltpu.make_async_copy(
                tab_hbm.at[idx_v.at[pl.ds(b * _IP, _NCAT)]],
                stage_buf.at[par, b, pl.ds(1 + _NNUM, _NCAT)], gsem).wait()

    def wait_out(par):
        pltpu.make_async_copy(stage_buf.at[par], out_hbm.at[pl.ds(0, _CB)],
                              osem).wait()

    pltpu.async_copy(idx_hbm.at[pl.ds(base0 * _IP, _BPW * _IP)], idx_v, ssem)
    pltpu.async_copy(xnum_hbm.at[pl.ds(base0 * _NNUM, _BPW * _NNUM)], xn_v,
                     ssem)
    pltpu.async_copy(w_hbm, w_v, ssem)
    pltpu.async_copy(bn_hbm, bn_v, ssem)
    pltpu.async_copy(cls_hbm, cls_v, ssem)
    pltpu.make_async_copy(idx_hbm.at[pl.ds(0, _BPW * _IP)], idx_v,
                          ssem).wait()
    pltpu.make_async_copy(xnum_hbm.at[pl.ds(0, _BPW * _NNUM)], xn_v,
                          ssem).wait()
    pltpu.make_async_copy(w_hbm, w_v, ssem).wait()
    pltpu.make_async_copy(bn_hbm, bn_v, ssem).wait()
    pltpu.make_async_copy(cls_hbm, cls_v, ssem).wait()

    for q in range(_QS):
        cv = cls_v[0, pl.ds(q * _L, _L)]
        for p in range(_NBUF):

            def fill_b(b, _, cv=cv, q=q, p=p):
                stage_buf[p, b, 0, pl.ds(q * _L, _L)] = cv
                return 0

            lax.fori_loop(0, _CB, fill_b, 0)

    issue_gathers(0, 0)

    def chunk_body(c, _):
        par = lax.rem(c, _NBUF)
        nxt = lax.rem(c + 1, _NBUF)
        base = base0 + c * _CB

        @pl.when(c + 1 < _NCHUNK)
        def _():
            @pl.when(c + 1 >= _NBUF)
            def _():
                wait_out(nxt)

            issue_gathers(c + 1, nxt)

        for j in range(_NNUM):
            wq = [w_v[j, pl.ds(q * _L, _L)] for q in range(_QS)]
            bq = [bn_v[j, pl.ds(q * _L, _L)] for q in range(_QS)]

            def num_body(b, _, j=j, wq=wq, bq=bq):
                fi = jnp.full((_L,), (c * _CB + b) * _NNUM + j, jnp.int32)
                xs = plsc.load_gather(xn_v, [fi])
                for q in range(_QS):
                    stage_buf[par, b, 1 + j, pl.ds(q * _L, _L)] = (
                        xs * wq[q] + bq[q])
                return 0

            lax.fori_loop(0, _CB, num_body, 0)

        wait_gathers(par)

        pltpu.async_copy(stage_buf.at[par], out_hbm.at[pl.ds(base, _CB)], osem)
        return 0

    lax.fori_loop(0, _NCHUNK, chunk_body, 0)

    for p in range(_NBUF):
        wait_out(p)


def kernel(x_num, x_cat, num_weights, num_biases, cat_tables, cat_biases,
           cls_token):
    offs = (jnp.arange(_NCAT, dtype=jnp.int32) * _CATDIM)[None, :]
    idx = x_cat.astype(jnp.int32) + offs
    idx = jnp.pad(idx, ((0, 0), (0, _IP - _NCAT))).reshape(-1)
    tab = (cat_tables + cat_biases[:, None, :]).reshape(_NCAT * _CATDIM, _D)
    cls = cls_token.reshape(1, _D)
    return _tokenize_sc(x_num.reshape(-1), idx, num_weights, num_biases, tab,
                        cls)

# --- scband reference (transcript-rebuilt; emitter-appended) ---
"""Pipeline reference for scband-feature-tokenizer-5446018531469 (READ-ONLY COPY).

The authoritative reference and input builder live on the scoring server;
editing this copy changes nothing except your own understanding.
"""

import jax, jax.numpy as jnp
import numpy as np

N_NUM = 13
N_CAT = 26
CAT_DIM = 1000
D_EMB = 128
BATCH = 16384


def setup_inputs(seed: int = 0) -> dict:
    key = jax.random.key(seed)
    ks = jax.random.split(key, 8)
    x_num = jax.random.normal(ks[0], (BATCH, N_NUM), dtype=jnp.float32)
    x_cat = jax.random.randint(ks[1], (BATCH, N_CAT), 0, CAT_DIM, dtype=jnp.int64)
    # xavier_uniform bound for (n_num, d_emb): sqrt(6/(fan_in+fan_out))
    b_num = float(np.sqrt(6.0 / (N_NUM + D_EMB)))
    num_weights = jax.random.uniform(ks[2], (N_NUM, D_EMB), dtype=jnp.float32, minval=-b_num, maxval=b_num)
    num_biases = jnp.zeros((N_NUM, D_EMB), dtype=jnp.float32)
    b_cat = float(np.sqrt(6.0 / (CAT_DIM + D_EMB)))
    cat_tables = jax.random.uniform(ks[3], (N_CAT, CAT_DIM, D_EMB), dtype=jnp.float32, minval=-b_cat, maxval=b_cat)
    cat_biases = jnp.zeros((N_CAT, D_EMB), dtype=jnp.float32)
    cls_token = jax.random.normal(ks[4], (1, 1, D_EMB), dtype=jnp.float32)
    return {
        "x_num": x_num,
        "x_cat": x_cat,
        "num_weights": num_weights,
        "num_biases": num_biases,
        "cat_tables": cat_tables,
        "cat_biases": cat_biases,
        "cls_token": cls_token,
    }


def reference(x_num, x_cat, num_weights, num_biases, cat_tables, cat_biases, cls_token):
    # numeric tokens: [B, n_num, d_emb]
    num_tokens = x_num[:, :, None] * num_weights[None, :, :] + num_biases[None, :, :]
    # categorical tokens: per-field embedding lookup + per-field bias
    # cat_tables[i, x_cat[:, i]] for each field i -> vectorized advanced indexing
    field_idx = jnp.arange(N_CAT)[None, :]  # [1, n_cat]
    cat_tokens = cat_tables[field_idx, x_cat]  # [B, n_cat, d_emb]
    cat_tokens = cat_tokens + cat_biases[None, :, :]
    feature_tokens = jnp.concatenate([num_tokens, cat_tokens], axis=1)
    cls = jnp.broadcast_to(cls_token, (feature_tokens.shape[0], 1, cls_token.shape[2]))
    full_sequence = jnp.concatenate([cls, feature_tokens], axis=1)
    return full_sequence


if False:  # reference __main__ guard neutralized (emitter)
    out = reference(**setup_inputs())
    print(out.shape)

if __name__ == "__main__":
    import jax
    _d = setup_inputs()
    print(jax.jit(kernel)(*tuple(_d.values())))

</pallas_src>

<mosaic_0001>
#map = affine_map<(d0, d1) -> (0)>
#map1 = affine_map<(d0, d1) -> (0, 0)>
#map2 = affine_map<(d0, d1) -> (0, 0, 0)>
module attributes {stable_mosaic.version = 14 : i64} {
  func.func @_tokenize_sc(%arg0: i32, %arg1: i32, %arg2: memref<212992xf32, #tpu.memory_space<hbm>>, %arg3: memref<524288xi32, #tpu.memory_space<hbm>>, %arg4: memref<13x128xf32, #tpu.memory_space<hbm>>, %arg5: memref<13x128xf32, #tpu.memory_space<hbm>>, %arg6: memref<26000x128xf32, #tpu.memory_space<hbm>>, %arg7: memref<1x128xf32, #tpu.memory_space<hbm>>, %arg8: memref<16384x40x128xf32, #tpu.memory_space<hbm>>, %arg9: memref<16384xi32, #tpu.memory_space<vmem>>, %arg10: memref<5x4x40x128xf32, #tpu.memory_space<vmem>>, %arg11: memref<6656xf32, #tpu.memory_space<vmem>>, %arg12: memref<13x128xf32, #tpu.memory_space<vmem>>, %arg13: memref<13x128xf32, #tpu.memory_space<vmem>>, %arg14: memref<1x128xf32, #tpu.memory_space<vmem>>, %arg15: memref<!tpu.dma_semaphore, #tpu.memory_space<semaphore_mem>>, %arg16: memref<!tpu.dma_semaphore, #tpu.memory_space<semaphore_mem>>, %arg17: memref<!tpu.dma_semaphore, #tpu.memory_space<semaphore_mem>>) attributes {dimension_semantics = [#tpu.dimension_semantics<core_parallel>, #tpu.dimension_semantics<subcore_parallel>], iteration_bounds = array<i64: 2, 16>, scalar_prefetch = 0 : i64, scratch_operands = 9 : i64, tpu.core_type = #tpu.core_type<sc_vector_subcore>, window_params = [{transform_indices = #map}, {transform_indices = #map}, {transform_indices = #map1}, {transform_indices = #map1}, {transform_indices = #map1}, {transform_indices = #map1}, {transform_indices = #map2}]} {
    %mul3A = arith.constant 2 : i32
    %mul3A_0 = arith.muli %arg1, %mul3A : i32
    %add3A = arith.addi %mul3A_0, %arg0 : i32
    %mul3A_1 = arith.constant 512 : i32
    %mul3A_2 = arith.muli %add3A, %mul3A_1 : i32
    %mul3A_3 = arith.constant 32 : i32
    %mul3A_4 = arith.muli %mul3A_2, %mul3A_3 : i32
    %dma_start3A = tpu.memref_slice %arg3[%mul3A_4] : memref<524288xi32, #tpu.memory_space<hbm>> -> memref<16384xi32, #tpu.memory_space<hbm>>
    %dma_start3A_5 = tpu.memref_slice %arg3[%mul3A_4] : memref<524288xi32, #tpu.memory_space<hbm>> -> memref<16384xi32, #tpu.memory_space<hbm>>
    tpu.enqueue_dma source(%dma_start3A_5 : memref<16384xi32, #tpu.memory_space<hbm>>) target(%arg9 : memref<16384xi32, #tpu.memory_space<vmem>>) target_semaphore(%arg17 : memref<!tpu.dma_semaphore, #tpu.memory_space<semaphore_mem>>)
    %mul3A_6 = arith.constant 13 : i32
    %mul3A_7 = arith.muli %mul3A_2, %mul3A_6 : i32
    %dma_start3A_8 = tpu.memref_slice %arg2[%mul3A_7] : memref<212992xf32, #tpu.memory_space<hbm>> -> memref<6656xf32, #tpu.memory_space<hbm>>
    %dma_start3A_9 = tpu.memref_slice %arg2[%mul3A_7] : memref<212992xf32, #tpu.memory_space<hbm>> -> memref<6656xf32, #tpu.memory_space<hbm>>
    tpu.enqueue_dma source(%dma_start3A_9 : memref<6656xf32, #tpu.memory_space<hbm>>) target(%arg11 : memref<6656xf32, #tpu.memory_space<vmem>>) target_semaphore(%arg17 : memref<!tpu.dma_semaphore, #tpu.memory_space<semaphore_mem>>)
    tpu.enqueue_dma source(%arg4 : memref<13x128xf32, #tpu.memory_space<hbm>>) target(%arg12 : memref<13x128xf32, #tpu.memory_space<vmem>>) target_semaphore(%arg17 : memref<!tpu.dma_semaphore, #tpu.memory_space<semaphore_mem>>)
    tpu.enqueue_dma source(%arg5 : memref<13x128xf32, #tpu.memory_space<hbm>>) target(%arg13 : memref<13x128xf32, #tpu.memory_space<vmem>>) target_semaphore(%arg17 : memref<!tpu.dma_semaphore, #tpu.memory_space<semaphore_mem>>)
    tpu.enqueue_dma source(%arg7 : memref<1x128xf32, #tpu.memory_space<hbm>>) target(%arg14 : memref<1x128xf32, #tpu.memory_space<vmem>>) target_semaphore(%arg17 : memref<!tpu.dma_semaphore, #tpu.memory_space<semaphore_mem>>)
    %dma_wait3A = arith.constant 0 : i32
    %dma_wait3A_10 = tpu.memref_slice %arg3[%dma_wait3A] : memref<524288xi32, #tpu.memory_space<hbm>> -> memref<16384xi32, #tpu.memory_space<hbm>>
    %dma_wait3A_11 = arith.constant 0 : i32
    %dma_wait3A_12 = tpu.memref_slice %arg3[%dma_wait3A_11] : memref<524288xi32, #tpu.memory_space<hbm>> -> memref<16384xi32, #tpu.memory_space<hbm>>
    tpu.wait_dma2 semaphore(%arg17 : memref<!tpu.dma_semaphore, #tpu.memory_space<semaphore_mem>>) src(%dma_wait3A_12 : memref<16384xi32, #tpu.memory_space<hbm>>) dst(%arg9 : memref<16384xi32, #tpu.memory_space<vmem>>)
    %dma_wait3A_13 = arith.constant 0 : i32
    %dma_wait3A_14 = tpu.memref_slice %arg2[%dma_wait3A_13] : memref<212992xf32, #tpu.memory_space<hbm>> -> memref<6656xf32, #tpu.memory_space<hbm>>
    %dma_wait3A_15 = arith.constant 0 : i32
    %dma_wait3A_16 = tpu.memref_slice %arg2[%dma_wait3A_15] : memref<212992xf32, #tpu.memory_space<hbm>> -> memref<6656xf32, #tpu.memory_space<hbm>>
    tpu.wait_dma2 semaphore(%arg17 : memref<!tpu.dma_semaphore, #tpu.memory_space<semaphore_mem>>) src(%dma_wait3A_16 : memref<6656xf32, #tpu.memory_space<hbm>>) dst(%arg11 : memref<6656xf32, #tpu.memory_space<vmem>>)
    tpu.wait_dma2 semaphore(%arg17 : memref<!tpu.dma_semaphore, #tpu.memory_space<semaphore_mem>>) src(%arg4 : memref<13x128xf32, #tpu.memory_space<hbm>>) dst(%arg12 : memref<13x128xf32, #tpu.memory_space<vmem>>)
    tpu.wait_dma2 semaphore(%arg17 : memref<!tpu.dma_semaphore, #tpu.memory_space<semaphore_mem>>) src(%arg5 : memref<13x128xf32, #tpu.memory_space<hbm>>) dst(%arg13 : memref<13x128xf32, #tpu.memory_space<vmem>>)
    tpu.wait_dma2 semaphore(%arg17 : memref<!tpu.dma_semaphore, #tpu.memory_space<semaphore_mem>>) src(%arg7 : memref<1x128xf32, #tpu.memory_space<hbm>>) dst(%arg14 : memref<1x128xf32, #tpu.memory_space<vmem>>)
    %get3A = arith.constant 0 : i32
    %get3A_17 = arith.index_cast %get3A : i32 to index
    %get3A_18 = arith.constant 0 : index
    %get3A_19 = tpu.vector_load %arg14[%get3A_17, %get3A_18] {strides = array<i32>} : memref<1x128xf32, #tpu.memory_space<vmem>>, vector<16xf32>,
    %scan3A = arith.constant 0 : i32
    %scan3A_20 = arith.constant 0 : i32
    %scan3A_21 = arith.constant 4 : i32
    %scan3A_22 = arith.addi %scan3A_20, %scan3A_21 : i32
    %scan3A_23 = arith.constant 1 : i32
    %scan3A_24 = scf.for %scan3A_473 = %scan3A_20 to %scan3A_22 step %scan3A_23 iter_args(%scan3A_474 = %scan3A) -> (i32)  : i32 {
      %swap3A = arith.constant 0 : i32
      %swap3A_475 = arith.constant 0 : i32
      %swap3A_476 = arith.index_cast %swap3A : i32 to index
      %swap3A_477 = arith.index_cast %scan3A_473 : i32 to index
      %swap3A_478 = arith.index_cast %swap3A_475 : i32 to index
      %swap3A_479 = arith.constant 0 : index
      %swap3A_480 = tpu.vector_load %arg10[%swap3A_476, %swap3A_477, %swap3A_478, %swap3A_479] {strides = array<i32>} : memref<5x4x40x128xf32, #tpu.memory_space<vmem>>, vector<16xf32>,
      tpu.vector_store %arg10[%swap3A_476, %swap3A_477, %swap3A_478, %swap3A_479], %get3A_19 {strides = array<i32>} : memref<5x4x40x128xf32, #tpu.memory_space<vmem>>, vector<16xf32>,
      %scan3A_481 = arith.constant 0 : i32
      scf.yield %scan3A_481 : i32
    }
    %scan3A_25 = arith.constant 4 : i32
    %scan3A_26 = arith.constant 0 : i32
    %scan3A_27 = arith.constant 0 : i32
    %scan3A_28 = arith.constant 4 : i32
    %scan3A_29 = arith.addi %scan3A_27, %scan3A_28 : i32
    %scan3A_30 = arith.constant 1 : i32
    %scan3A_31 = scf.for %scan3A_473 = %scan3A_27 to %scan3A_29 step %scan3A_30 iter_args(%scan3A_474 = %scan3A_26) -> (i32)  : i32 {
      %swap3A = arith.constant 1 : i32
      %swap3A_475 = arith.constant 0 : i32
      %swap3A_476 = arith.index_cast %swap3A : i32 to index
      %swap3A_477 = arith.index_cast %scan3A_473 : i32 to index
      %swap3A_478 = arith.index_cast %swap3A_475 : i32 to index
      %swap3A_479 = arith.constant 0 : index
      %swap3A_480 = tpu.vector_load %arg10[%swap3A_476, %swap3A_477, %swap3A_478, %swap3A_479] {strides = array<i32>} : memref<5x4x40x128xf32, #tpu.memory_space<vmem>>, vector<16xf32>,
      tpu.vector_store %arg10[%swap3A_476, %swap3A_477, %swap3A_478, %swap3A_479], %get3A_19 {strides = array<i32>} : memref<5x4x40x128xf32, #tpu.memory_space<vmem>>, vector<16xf32>,
      %scan3A_481 = arith.constant 0 : i32
      scf.yield %scan3A_481 : i32
    }
    %scan3A_32 = arith.constant 4 : i32
    %scan3A_33 = arith.constant 0 : i32
    %scan3A_34 = arith.constant 0 : i32
    %scan3A_35 = arith.constant 4 : i32
    %scan3A_36 = arith.addi %scan3A_34, %scan3A_35 : i32
    %scan3A_37 = arith.constant 1 : i32
    %scan3A_38 = scf.for %scan3A_473 = %scan3A_34 to %scan3A_36 step %scan3A_37 iter_args(%scan3A_474 = %scan3A_33) -> (i32)  : i32 {
      %swap3A = arith.constant 2 : i32
      %swap3A_475 = arith.constant 0 : i32
      %swap3A_476 = arith.index_cast %swap3A : i32 to index
      %swap3A_477 = arith.index_cast %scan3A_473 : i32 to index
      %swap3A_478 = arith.index_cast %swap3A_475 : i32 to index
      %swap3A_479 = arith.constant 0 : index
      %swap3A_480 = tpu.vector_load %arg10[%swap3A_476, %swap3A_477, %swap3A_478, %swap3A_479] {strides = array<i32>} : memref<5x4x40x128xf32, #tpu.memory_space<vmem>>, vector<16xf32>,
      tpu.vector_store %arg10[%swap3A_476, %swap3A_477, %swap3A_478, %swap3A_479], %get3A_19 {strides = array<i32>} : memref<5x4x40x128xf32, #tpu.memory_space<vmem>>, vector<16xf32>,
      %scan3A_481 = arith.constant 0 : i32
      scf.yield %scan3A_481 : i32
    }
    %scan3A_39 = arith.constant 4 : i32
    %scan3A_40 = arith.constant 0 : i32
    %scan3A_41 = arith.constant 0 : i32
    %scan3A_42 = arith.constant 4 : i32
    %scan3A_43 = arith.addi %scan3A_41, %scan3A_42 : i32
    %scan3A_44 = arith.constant 1 : i32
    %scan3A_45 = scf.for %scan3A_473 = %scan3A_41 to %scan3A_43 step %scan3A_44 iter_args(%scan3A_474 = %scan3A_40) -> (i32)  : i32 {
      %swap3A = arith.constant 3 : i32
      %swap3A_475 = arith.constant 0 : i32
      %swap3A_476 = arith.index_cast %swap3A : i32 to index
      %swap3A_477 = arith.index_cast %scan3A_473 : i32 to index
      %swap3A_478 = arith.index_cast %swap3A_475 : i32 to index
      %swap3A_479 = arith.constant 0 : index
      %swap3A_480 = tpu.vector_load %arg10[%swap3A_476, %swap3A_477, %swap3A_478, %swap3A_479] {strides = array<i32>} : memref<5x4x40x128xf32, #tpu.memory_space<vmem>>, vector<16xf32>,
      tpu.vector_store %arg10[%swap3A_476, %swap3A_477, %swap3A_478, %swap3A_479], %get3A_19 {strides = array<i32>} : memref<5x4x40x128xf32, #tpu.memory_space<vmem>>, vector<16xf32>,
      %scan3A_481 = arith.constant 0 : i32
      scf.yield %scan3A_481 : i32
    }
    %scan3A_46 = arith.constant 4 : i32
    %scan3A_47 = arith.constant 0 : i32
    %scan3A_48 = arith.constant 0 : i32
    %scan3A_49 = arith.constant 4 : i32
    %scan3A_50 = arith.addi %scan3A_48, %scan3A_49 : i32
    %scan3A_51 = arith.constant 1 : i32
    %scan3A_52 = scf.for %scan3A_473 = %scan3A_48 to %scan3A_50 step %scan3A_51 iter_args(%scan3A_474 = %scan3A_47) -> (i32)  : i32 {
      %swap3A = arith.constant 4 : i32
      %swap3A_475 = arith.constant 0 : i32
      %swap3A_476 = arith.index_cast %swap3A : i32 to index
      %swap3A_477 = arith.index_cast %scan3A_473 : i32 to index
      %swap3A_478 = arith.index_cast %swap3A_475 : i32 to index
      %swap3A_479 = arith.constant 0 : index
      %swap3A_480 = tpu.vector_load %arg10[%swap3A_476, %swap3A_477, %swap3A_478, %swap3A_479] {strides = array<i32>} : memref<5x4x40x128xf32, #tpu.memory_space<vmem>>, vector<16xf32>,
      tpu.vector_store %arg10[%swap3A_476, %swap3A_477, %swap3A_478, %swap3A_479], %get3A_19 {strides = array<i32>} : memref<5x4x40x128xf32, #tpu.memory_space<vmem>>, vector<16xf32>,
      %scan3A_481 = arith.constant 0 : i32
      scf.yield %scan3A_481 : i32
    }
    %scan3A_53 = arith.constant 4 : i32
    %get3A_54 = arith.constant 0 : i32
    %get3A_55 = arith.index_cast %get3A_54 : i32 to index
    %get3A_56 = arith.constant 16 : index
    %get3A_57 = tpu.vector_load %arg14[%get3A_55, %get3A_56] {strides = array<i32>} : memref<1x128xf32, #tpu.memory_space<vmem>>, vector<16xf32>,
    %scan3A_58 = arith.constant 0 : i32
    %scan3A_59 = arith.constant 0 : i32
    %scan3A_60 = arith.constant 4 : i32
    %scan3A_61 = arith.addi %scan3A_59, %scan3A_60 : i32
    %scan3A_62 = arith.constant 1 : i32
    %scan3A_63 = scf.for %scan3A_473 = %scan3A_59 to %scan3A_61 step %scan3A_62 iter_args(%scan3A_474 = %scan3A_58) -> (i32)  : i32 {
      %swap3A = arith.constant 0 : i32
      %swap3A_475 = arith.constant 0 : i32
      %swap3A_476 = arith.index_cast %swap3A : i32 to index
      %swap3A_477 = arith.index_cast %scan3A_473 : i32 to index
      %swap3A_478 = arith.index_cast %swap3A_475 : i32 to index
      %swap3A_479 = arith.constant 16 : index
      %swap3A_480 = tpu.vector_load %arg10[%swap3A_476, %swap3A_477, %swap3A_478, %swap3A_479] {strides = array<i32>} : memref<5x4x40x128xf32, #tpu.memory_space<vmem>>, vector<16xf32>,
      tpu.vector_store %arg10[%swap3A_476, %swap3A_477, %swap3A_478, %swap3A_479], %get3A_57 {strides = array<i32>} : memref<5x4x40x128xf32, #tpu.memory_space<vmem>>, vector<16xf32>,
      %scan3A_481 = arith.constant 0 : i32
      scf.yield %scan3A_481 : i32
    }
    %scan3A_64 = arith.constant 4 : i32
    %scan3A_65 = arith.constant 0 : i32
    %scan3A_66 = arith.constant 0 : i32
    %scan3A_67 = arith.constant 4 : i32
    %scan3A_68 = arith.addi %scan3A_66, %scan3A_67 : i32
    %scan3A_69 = arith.constant 1 : i32
    %scan3A_70 = scf.for %scan3A_473 = %scan3A_66 to %scan3A_68 step %scan3A_69 iter_args(%scan3A_474 = %scan3A_65) -> (i32)  : i32 {
      %swap3A = arith.constant 1 : i32
      %swap3A_475 = arith.constant 0 : i32
      %swap3A_476 = arith.index_cast %swap3A : i32 to index
      %swap3A_477 = arith.index_cast %scan3A_473 : i32 to index
      %swap3A_478 = arith.index_cast %swap3A_475 : i32 to index
      %swap3A_479 = arith.constant 16 : index
      %swap3A_480 = tpu.vector_load %arg10[%swap3A_476, %swap3A_477, %swap3A_478, %swap3A_479] {strides = array<i32>} : memref<5x4x40x128xf32, #tpu.memory_space<vmem>>, vector<16xf32>,
      tpu.vector_store %arg10[%swap3A_476, %swap3A_477, %swap3A_478, %swap3A_479], %get3A_57 {strides = array<i32>} : memref<5x4x40x128xf32, #tpu.memory_space<vmem>>, vector<16xf32>,
      %scan3A_481 = arith.constant 0 : i32
      scf.yield %scan3A_481 : i32
    }
    %scan3A_71 = arith.constant 4 : i32
    %scan3A_72 = arith.constant 0 : i32
    %scan3A_73 = arith.constant 0 : i32
    %scan3A_74 = arith.constant 4 : i32
    %scan3A_75 = arith.addi %scan3A_73, %scan3A_74 : i32
    %scan3A_76 = arith.constant 1 : i32
    %scan3A_77 = scf.for %scan3A_473 = %scan3A_73 to %scan3A_75 step %scan3A_76 iter_args(%scan3A_474 = %scan3A_72) -> (i32)  : i32 {
      %swap3A = arith.constant 2 : i32
      %swap3A_475 = arith.constant 0 : i32
      %swap3A_476 = arith.index_cast %swap3A : i32 to index
      %swap3A_477 = arith.index_cast %scan3A_473 : i32 to index
      %swap3A_478 = arith.index_cast %swap3A_475 : i32 to index
      %swap3A_479 = arith.constant 16 : index
      %swap3A_480 = tpu.vector_load %arg10[%swap3A_476, %swap3A_477, %swap3A_478, %swap3A_479] {strides = array<i32>} : memref<5x4x40x128xf32, #tpu.memory_space<vmem>>, vector<16xf32>,
      tpu.vector_store %arg10[%swap3A_476, %swap3A_477, %swap3A_478, %swap3A_479], %get3A_57 {strides = array<i32>} : memref<5x4x40x128xf32, #tpu.memory_space<vmem>>, vector<16xf32>,
      %scan3A_481 = arith.constant 0 : i32
      scf.yield %scan3A_481 : i32
    }
    %scan3A_78 = arith.constant 4 : i32
    %scan3A_79 = arith.constant 0 : i32
    %scan3A_80 = arith.constant 0 : i32
    %scan3A_81 = arith.constant 4 : i32
    %scan3A_82 = arith.addi %scan3A_80, %scan3A_81 : i32
    %scan3A_83 = arith.constant 1 : i32
    %scan3A_84 = scf.for %scan3A_473 = %scan3A_80 to %scan3A_82 step %scan3A_83 iter_args(%scan3A_474 = %scan3A_79) -> (i32)  : i32 {
      %swap3A = arith.constant 3 : i32
      %swap3A_475 = arith.constant 0 : i32
      %swap3A_476 = arith.index_cast %swap3A : i32 to index
      %swap3A_477 = arith.index_cast %scan3A_473 : i32 to index
      %swap3A_478 = arith.index_cast %swap3A_475 : i32 to index
      %swap3A_479 = arith.constant 16 : index
      %swap3A_480 = tpu.vector_load %arg10[%swap3A_476, %swap3A_477, %swap3A_478, %swap3A_479] {strides = array<i32>} : memref<5x4x40x128xf32, #tpu.memory_space<vmem>>, vector<16xf32>,
      tpu.vector_store %arg10[%swap3A_476, %swap3A_477, %swap3A_478, %swap3A_479], %get3A_57 {strides = array<i32>} : memref<5x4x40x128xf32, #tpu.memory_space<vmem>>, vector<16xf32>,
      %scan3A_481 = arith.constant 0 : i32
      scf.yield %scan3A_481 : i32
    }
    %scan3A_85 = arith.constant 4 : i32
    %scan3A_86 = arith.constant 0 : i32
    %scan3A_87 = arith.constant 0 : i32
    %scan3A_88 = arith.constant 4 : i32
    %scan3A_89 = arith.addi %scan3A_87, %scan3A_88 : i32
    %scan3A_90 = arith.constant 1 : i32
    %scan3A_91 = scf.for %scan3A_473 = %scan3A_87 to %scan3A_89 step %scan3A_90 iter_args(%scan3A_474 = %scan3A_86) -> (i32)  : i32 {
      %swap3A = arith.constant 4 : i32
      %swap3A_475 = arith.constant 0 : i32
      %swap3A_476 = arith.index_cast %swap3A : i32 to index
      %swap3A_477 = arith.index_cast %scan3A_473 : i32 to index
      %swap3A_478 = arith.index_cast %swap3A_475 : i32 to index
      %swap3A_479 = arith.constant 16 : index
      %swap3A_480 = tpu.vector_load %arg10[%swap3A_476, %swap3A_477, %swap3A_478, %swap3A_479] {strides = array<i32>} : memref<5x4x40x128xf32, #tpu.memory_space<vmem>>, vector<16xf32>,
      tpu.vector_store %arg10[%swap3A_476, %swap3A_477, %swap3A_478, %swap3A_479], %get3A_57 {strides = array<i32>} : memref<5x4x40x128xf32, #tpu.memory_space<vmem>>, vector<16xf32>,
      %scan3A_481 = arith.constant 0 : i32
      scf.yield %scan3A_481 : i32
    }
    %scan3A_92 = arith.constant 4 : i32
    %get3A_93 = arith.constant 0 : i32
    %get3A_94 = arith.index_cast %get3A_93 : i32 to index
    %get3A_95 = arith.constant 32 : index
    %get3A_96 = tpu.vector_load %arg14[%get3A_94, %get3A_95] {strides = array<i32>} : memref<1x128xf32, #tpu.memory_space<vmem>>, vector<16xf32>,
    %scan3A_97 = arith.constant 0 : i32
    %scan3A_98 = arith.constant 0 : i32
    %scan3A_99 = arith.constant 4 : i32
    %scan3A_100 = arith.addi %scan3A_98, %scan3A_99 : i32
    %scan3A_101 = arith.constant 1 : i32
    %scan3A_102 = scf.for %scan3A_473 = %scan3A_98 to %scan3A_100 step %scan3A_101 iter_args(%scan3A_474 = %scan3A_97) -> (i32)  : i32 {
      %swap3A = arith.constant 0 : i32
      %swap3A_475 = arith.constant 0 : i32
      %swap3A_476 = arith.index_cast %swap3A : i32 to index
      %swap3A_477 = arith.index_cast %scan3A_473 : i32 to index
      %swap3A_478 = arith.index_cast %swap3A_475 : i32 to index
      %swap3A_479 = arith.constant 32 : index
      %swap3A_480 = tpu.vector_load %arg10[%swap3A_476, %swap3A_477, %swap3A_478, %swap3A_479] {strides = array<i32>} : memref<5x4x40x128xf32, #tpu.memory_space<vmem>>, vector<16xf32>,
      tpu.vector_store %arg10[%swap3A_476, %swap3A_477, %swap3A_478, %swap3A_479], %get3A_96 {strides = array<i32>} : memref<5x4x40x128xf32, #tpu.memory_space<vmem>>, vector<16xf32>,
      %scan3A_481 = arith.constant 0 : i32
      scf.yield %scan3A_481 : i32
    }
    %scan3A_103 = arith.constant 4 : i32
    %scan3A_104 = arith.constant 0 : i32
    %scan3A_105 = arith.constant 0 : i32
    %scan3A_106 = arith.constant 4 : i32
    %scan3A_107 = arith.addi %scan3A_105, %scan3A_106 : i32
    %scan3A_108 = arith.constant 1 : i32
    %scan3A_109 = scf.for %scan3A_473 = %scan3A_105 to %scan3A_107 step %scan3A_108 iter_args(%scan3A_474 = %scan3A_104) -> (i32)  : i32 {
      %swap3A = arith.constant 1 : i32
      %swap3A_475 = arith.constant 0 : i32
      %swap3A_476 = arith.index_cast %swap3A : i32 to index
      %swap3A_477 = arith.index_cast %scan3A_473 : i32 to index
      %swap3A_478 = arith.index_cast %swap3A_475 : i32 to index
      %swap3A_479 = arith.constant 32 : index
      %swap3A_480 = tpu.vector_load %arg10[%swap3A_476, %swap3A_477, %swap3A_478, %swap3A_479] {strides = array<i32>} : memref<5x4x40x128xf32, #tpu.memory_space<vmem>>, vector<16xf32>,
      tpu.vector_store %arg10[%swap3A_476, %swap3A_477, %swap3A_478, %swap3A_479], %get3A_96 {strides = array<i32>} : memref<5x4x40x128xf32, #tpu.memory_space<vmem>>, vector<16xf32>,
      %scan3A_481 = arith.constant 0 : i32
      scf.yield %scan3A_481 : i32
    }
    %scan3A_110 = arith.constant 4 : i32
    %scan3A_111 = arith.constant 0 : i32
    %scan3A_112 = arith.constant 0 : i32
    %scan3A_113 = arith.constant 4 : i32
    %scan3A_114 = arith.addi %scan3A_112, %scan3A_113 : i32
    %scan3A_115 = arith.constant 1 : i32
    %scan3A_116 = scf.for %scan3A_473 = %scan3A_112 to %scan3A_114 step %scan3A_115 iter_args(%scan3A_474 = %scan3A_111) -> (i32)  : i32 {
      %swap3A = arith.constant 2 : i32
      %swap3A_475 = arith.constant 0 : i32
      %swap3A_476 = arith.index_cast %swap3A : i32 to index
      %swap3A_477 = arith.index_cast %scan3A_473 : i32 to index
      %swap3A_478 = arith.index_cast %swap3A_475 : i32 to index
      %swap3A_479 = arith.constant 32 : index
      %swap3A_480 = tpu.vector_load %arg10[%swap3A_476, %swap3A_477, %swap3A_478, %swap3A_479] {strides = array<i32>} : memref<5x4x40x128xf32, #tpu.memory_space<vmem>>, vector<16xf32>,
      tpu.vector_store %arg10[%swap3A_476, %swap3A_477, %swap3A_478, %swap3A_479], %get3A_96 {strides = array<i32>} : memref<5x4x40x128xf32, #tpu.memory_space<vmem>>, vector<16xf32>,
      %scan3A_481 = arith.constant 0 : i32
      scf.yield %scan3A_481 : i32
    }
    %scan3A_117 = arith.constant 4 : i32
    %scan3A_118 = arith.constant 0 : i32
    %scan3A_119 = arith.constant 0 : i32
    %scan3A_120 = arith.constant 4 : i32
    %scan3A_121 = arith.addi %scan3A_119, %scan3A_120 : i32
    %scan3A_122 = arith.constant 1 : i32
    %scan3A_123 = scf.for %scan3A_473 = %scan3A_119 to %scan3A_121 step %scan3A_122 iter_args(%scan3A_474 = %scan3A_118) -> (i32)  : i32 {
      %swap3A = arith.constant 3 : i32
      %swap3A_475 = arith.constant 0 : i32
      %swap3A_476 = arith.index_cast %swap3A : i32 to index
      %swap3A_477 = arith.index_cast %scan3A_473 : i32 to index
      %swap3A_478 = arith.index_cast %swap3A_475 : i32 to index
      %swap3A_479 = arith.constant 32 : index
      %swap3A_480 = tpu.vector_load %arg10[%swap3A_476, %swap3A_477, %swap3A_478, %swap3A_479] {strides = array<i32>} : memref<5x4x40x128xf32, #tpu.memory_space<vmem>>, vector<16xf32>,
      tpu.vector_store %arg10[%swap3A_476, %swap3A_477, %swap3A_478, %swap3A_479], %get3A_96 {strides = array<i32>} : memref<5x4x40x128xf32, #tpu.memory_space<vmem>>, vector<16xf32>,
      %scan3A_481 = arith.constant 0 : i32
      scf.yield %scan3A_481 : i32
    }
    %scan3A_124 = arith.constant 4 : i32
    %scan3A_125 = arith.constant 0 : i32
    %scan3A_126 = arith.constant 0 : i32
    %scan3A_127 = arith.constant 4 : i32
    %scan3A_128 = arith.addi %scan3A_126, %scan3A_127 : i32
    %scan3A_129 = arith.constant 1 : i32
    %scan3A_130 = scf.for %scan3A_473 = %scan3A_126 to %scan3A_128 step %scan3A_129 iter_args(%scan3A_474 = %scan3A_125) -> (i32)  : i32 {
      %swap3A = arith.constant 4 : i32
      %swap3A_475 = arith.constant 0 : i32
      %swap3A_476 = arith.index_cast %swap3A : i32 to index
      %swap3A_477 = arith.index_cast %scan3A_473 : i32 to index
      %swap3A_478 = arith.index_cast %swap3A_475 : i32 to index
      %swap3A_479 = arith.constant 32 : index
      %swap3A_480 = tpu.vector_load %arg10[%swap3A_476, %swap3A_477, %swap3A_478, %swap3A_479] {strides = array<i32>} : memref<5x4x40x128xf32, #tpu.memory_space<vmem>>, vector<16xf32>,
      tpu.vector_store %arg10[%swap3A_476, %swap3A_477, %swap3A_478, %swap3A_479], %get3A_96 {strides = array<i32>} : memref<5x4x40x128xf32, #tpu.memory_space<vmem>>, vector<16xf32>,
      %scan3A_481 = arith.constant 0 : i32
      scf.yield %scan3A_481 : i32
    }
    %scan3A_131 = arith.constant 4 : i32
    %get3A_132 = arith.constant 0 : i32
    %get3A_133 = arith.index_cast %get3A_132 : i32 to index
    %get3A_134 = arith.constant 48 : index
    %get3A_135 = tpu.vector_load %arg14[%get3A_133, %get3A_134] {strides = array<i32>} : memref<1x128xf32, #tpu.memory_space<vmem>>, vector<16xf32>,
    %scan3A_136 = arith.constant 0 : i32
    %scan3A_137 = arith.constant 0 : i32
    %scan3A_138 = arith.constant 4 : i32
    %scan3A_139 = arith.addi %scan3A_137, %scan3A_138 : i32
    %scan3A_140 = arith.constant 1 : i32
    %scan3A_141 = scf.for %scan3A_473 = %scan3A_137 to %scan3A_139 step %scan3A_140 iter_args(%scan3A_474 = %scan3A_136) -> (i32)  : i32 {
      %swap3A = arith.constant 0 : i32
      %swap3A_475 = arith.constant 0 : i32
      %swap3A_476 = arith.index_cast %swap3A : i32 to index
      %swap3A_477 = arith.index_cast %scan3A_473 : i32 to index
      %swap3A_478 = arith.index_cast %swap3A_475 : i32 to index
      %swap3A_479 = arith.constant 48 : index
      %swap3A_480 = tpu.vector_load %arg10[%swap3A_476, %swap3A_477, %swap3A_478, %swap3A_479] {strides = array<i32>} : memref<5x4x40x128xf32, #tpu.memory_space<vmem>>, vector<16xf32>,
      tpu.vector_store %arg10[%swap3A_476, %swap3A_477, %swap3A_478, %swap3A_479], %get3A_135 {strides = array<i32>} : memref<5x4x40x128xf32, #tpu.memory_space<vmem>>, vector<16xf32>,
      %scan3A_481 = arith.constant 0 : i32
      scf.yield %scan3A_481 : i32
    }
    %scan3A_142 = arith.constant 4 : i32
    %scan3A_143 = arith.constant 0 : i32
    %scan3A_144 = arith.constant 0 : i32
    %scan3A_145 = arith.constant 4 : i32
    %scan3A_146 = arith.addi %scan3A_144, %scan3A_145 : i32
    %scan3A_147 = arith.constant 1 : i32
    %scan3A_148 = scf.for %scan3A_473 = %scan3A_144 to %scan3A_146 step %scan3A_147 iter_args(%scan3A_474 = %scan3A_143) -> (i32)  : i32 {
      %swap3A = arith.constant 1 : i32
      %swap3A_475 = arith.constant 0 : i32
      %swap3A_476 = arith.index_cast %swap3A : i32 to index
      %swap3A_477 = arith.index_cast %scan3A_473 : i32 to index
      %swap3A_478 = arith.index_cast %swap3A_475 : i32 to index
      %swap3A_479 = arith.constant 48 : index
      %swap3A_480 = tpu.vector_load %arg10[%swap3A_476, %swap3A_477, %swap3A_478, %swap3A_479] {strides = array<i32>} : memref<5x4x40x128xf32, #tpu.memory_space<vmem>>, vector<16xf32>,
      tpu.vector_store %arg10[%swap3A_476, %swap3A_477, %swap3A_478, %swap3A_479], %get3A_135 {strides = array<i32>} : memref<5x4x40x128xf32, #tpu.memory_space<vmem>>, vector<16xf32>,
      %scan3A_481 = arith.constant 0 : i32
      scf.yield %scan3A_481 : i32
    }
    %scan3A_149 = arith.constant 4 : i32
    %scan3A_150 = arith.constant 0 : i32
    %scan3A_151 = arith.constant 0 : i32
    %scan3A_152 = arith.constant 4 : i32
    %scan3A_153 = arith.addi %scan3A_151, %scan3A_152 : i32
    %scan3A_154 = arith.constant 1 : i32
    %scan3A_155 = scf.for %scan3A_473 = %scan3A_151 to %scan3A_153 step %scan3A_154 iter_args(%scan3A_474 = %scan3A_150) -> (i32)  : i32 {
      %swap3A = arith.constant 2 : i32
      %swap3A_475 = arith.constant 0 : i32
      %swap3A_476 = arith.index_cast %swap3A : i32 to index
      %swap3A_477 = arith.index_cast %scan3A_473 : i32 to index
      %swap3A_478 = arith.index_cast %swap3A_475 : i32 to index
      %swap3A_479 = arith.constant 48 : index
      %swap3A_480 = tpu.vector_load %arg10[%swap3A_476, %swap3A_477, %swap3A_478, %swap3A_479] {strides = array<i32>} : memref<5x4x40x128xf32, #tpu.memory_space<vmem>>, vector<16xf32>,
      tpu.vector_store %arg10[%swap3A_476, %swap3A_477, %swap3A_478, %swap3A_479], %get3A_135 {strides = array<i32>} : memref<5x4x40x128xf32, #tpu.memory_space<vmem>>, vector<16xf32>,
      %scan3A_481 = arith.constant 0 : i32
      scf.yield %scan3A_481 : i32
    }
    %scan3A_156 = arith.constant 4 : i32
    %scan3A_157 = arith.constant 0 : i32
    %scan3A_158 = arith.constant 0 : i32
    %scan3A_159 = arith.constant 4 : i32
    %scan3A_160 = arith.addi %scan3A_158, %scan3A_159 : i32
    %scan3A_161 = arith.constant 1 : i32
    %scan3A_162 = scf.for %scan3A_473 = %scan3A_158 to %scan3A_160 step %scan3A_161 iter_args(%scan3A_474 = %scan3A_157) -> (i32)  : i32 {
      %swap3A = arith.constant 3 : i32
      %swap3A_475 = arith.constant 0 : i32
      %swap3A_476 = arith.index_cast %swap3A : i32 to index
      %swap3A_477 = arith.index_cast %scan3A_473 : i32 to index
      %swap3A_478 = arith.index_cast %swap3A_475 : i32 to index
      %swap3A_479 = arith.constant 48 : index
      %swap3A_480 = tpu.vector_load %arg10[%swap3A_476, %swap3A_477, %swap3A_478, %swap3A_479] {strides = array<i32>} : memref<5x4x40x128xf32, #tpu.memory_space<vmem>>, vector<16xf32>,
      tpu.vector_store %arg10[%swap3A_476, %swap3A_477, %swap3A_478, %swap3A_479], %get3A_135 {strides = array<i32>} : memref<5x4x40x128xf32, #tpu.memory_space<vmem>>, vector<16xf32>,
      %scan3A_481 = arith.constant 0 : i32
      scf.yield %scan3A_481 : i32
    }
    %scan3A_163 = arith.constant 4 : i32
    %scan3A_164 = arith.constant 0 : i32
    %scan3A_165 = arith.constant 0 : i32
    %scan3A_166 = arith.constant 4 : i32
    %scan3A_167 = arith.addi %scan3A_165, %scan3A_166 : i32
    %scan3A_168 = arith.constant 1 : i32
    %scan3A_169 = scf.for %scan3A_473 = %scan3A_165 to %scan3A_167 step %scan3A_168 iter_args(%scan3A_474 = %scan3A_164) -> (i32)  : i32 {
      %swap3A = arith.constant 4 : i32
      %swap3A_475 = arith.constant 0 : i32
      %swap3A_476 = arith.index_cast %swap3A : i32 to index
      %swap3A_477 = arith.index_cast %scan3A_473 : i32 to index
      %swap3A_478 = arith.index_cast %swap3A_475 : i32 to index
      %swap3A_479 = arith.constant 48 : index
      %swap3A_480 = tpu.vector_load %arg10[%swap3A_476, %swap3A_477, %swap3A_478, %swap3A_479] {strides = array<i32>} : memref<5x4x40x128xf32, #tpu.memory_space<vmem>>, vector<16xf32>,
      tpu.vector_store %arg10[%swap3A_476, %swap3A_477, %swap3A_478, %swap3A_479], %get3A_135 {strides = array<i32>} : memref<5x4x40x128xf32, #tpu.memory_space<vmem>>, vector<16xf32>,
      %scan3A_481 = arith.constant 0 : i32
      scf.yield %scan3A_481 : i32
    }
    %scan3A_170 = arith.constant 4 : i32
    %get3A_171 = arith.constant 0 : i32
    %get3A_172 = arith.index_cast %get3A_171 : i32 to index
    %get3A_173 = arith.constant 64 : index
    %get3A_174 = tpu.vector_load %arg14[%get3A_172, %get3A_173] {strides = array<i32>} : memref<1x128xf32, #tpu.memory_space<vmem>>, vector<16xf32>,
    %scan3A_175 = arith.constant 0 : i32
    %scan3A_176 = arith.constant 0 : i32
    %scan3A_177 = arith.constant 4 : i32
    %scan3A_178 = arith.addi %scan3A_176, %scan3A_177 : i32
    %scan3A_179 = arith.constant 1 : i32
    %scan3A_180 = scf.for %scan3A_473 = %scan3A_176 to %scan3A_178 step %scan3A_179 iter_args(%scan3A_474 = %scan3A_175) -> (i32)  : i32 {
      %swap3A = arith.constant 0 : i32
      %swap3A_475 = arith.constant 0 : i32
      %swap3A_476 = arith.index_cast %swap3A : i32 to index
      %swap3A_477 = arith.index_cast %scan3A_473 : i32 to index
      %swap3A_478 = arith.index_cast %swap3A_475 : i32 to index
      %swap3A_479 = arith.constant 64 : index
      %swap3A_480 = tpu.vector_load %arg10[%swap3A_476, %swap3A_477, %swap3A_478, %swap3A_479] {strides = array<i32>} : memref<5x4x40x128xf32, #tpu.memory_space<vmem>>, vector<16xf32>,
      tpu.vector_store %arg10[%swap3A_476, %swap3A_477, %swap3A_478, %swap3A_479], %get3A_174 {strides = array<i32>} : memref<5x4x40x128xf32, #tpu.memory_space<vmem>>, vector<16xf32>,
      %scan3A_481 = arith.constant 0 : i32
      scf.yield %scan3A_481 : i32
    }
    %scan3A_181 = arith.constant 4 : i32
    %scan3A_182 = arith.constant 0 : i32
    %scan3A_183 = arith.constant 0 : i32
    %scan3A_184 = arith.constant 4 : i32
    %scan3A_185 = arith.addi %scan3A_183, %scan3A_184 : i32
    %scan3A_186 = arith.constant 1 : i32
    %scan3A_187 = scf.for %scan3A_473 = %scan3A_183 to %scan3A_185 step %scan3A_186 iter_args(%scan3A_474 = %scan3A_182) -> (i32)  : i32 {
      %swap3A = arith.constant 1 : i32
      %swap3A_475 = arith.constant 0 : i32
      %swap3A_476 = arith.index_cast %swap3A : i32 to index
      %swap3A_477 = arith.index_cast %scan3A_473 : i32 to index
      %swap3A_478 = arith.index_cast %swap3A_475 : i32 to index
      %swap3A_479 = arith.constant 64 : index
      %swap3A_480 = tpu.vector_load %arg10[%swap3A_476, %swap3A_477, %swap3A_478, %swap3A_479] {strides = array<i32>} : memref<5x4x40x128xf32, #tpu.memory_space<vmem>>, vector<16xf32>,
      tpu.vector_store %arg10[%swap3A_476, %swap3A_477, %swap3A_478, %swap3A_479], %get3A_174 {strides = array<i32>} : memref<5x4x40x128xf32, #tpu.memory_space<vmem>>, vector<16xf32>,
      %scan3A_481 = arith.constant 0 : i32
      scf.yield %scan3A_481 : i32
    }
    %scan3A_188 = arith.constant 4 : i32
    %scan3A_189 = arith.constant 0 : i32
    %scan3A_190 = arith.constant 0 : i32
    %scan3A_191 = arith.constant 4 : i32
    %scan3A_192 = arith.addi %scan3A_190, %scan3A_191 : i32
    %scan3A_193 = arith.constant 1 : i32
    %scan3A_194 = scf.for %scan3A_473 = %scan3A_190 to %scan3A_192 step %scan3A_193 iter_args(%scan3A_474 = %scan3A_189) -> (i32)  : i32 {
      %swap3A = arith.constant 2 : i32
      %swap3A_475 = arith.constant 0 : i32
      %swap3A_476 = arith.index_cast %swap3A : i32 to index
      %swap3A_477 = arith.index_cast %scan3A_473 : i32 to index
      %swap3A_478 = arith.index_cast %swap3A_475 : i32 to index
      %swap3A_479 = arith.constant 64 : index
      %swap3A_480 = tpu.vector_load %arg10[%swap3A_476, %swap3A_477, %swap3A_478, %swap3A_479] {strides = array<i32>} : memref<5x4x40x128xf32, #tpu.memory_space<vmem>>, vector<16xf32>,
      tpu.vector_store %arg10[%swap3A_476, %swap3A_477, %swap3A_478, %swap3A_479], %get3A_174 {strides = array<i32>} : memref<5x4x40x128xf32, #tpu.memory_space<vmem>>, vector<16xf32>,
      %scan3A_481 = arith.constant 0 : i32
      scf.yield %scan3A_481 : i32
    }
    %scan3A_195 = arith.constant 4 : i32
    %scan3A_196 = arith.constant 0 : i32
    %scan3A_197 = arith.constant 0 : i32
    %scan3A_198 = arith.constant 4 : i32
    %scan3A_199 = arith.addi %scan3A_197, %scan3A_198 : i32
    %scan3A_200 = arith.constant 1 : i32
    %scan3A_201 = scf.for %scan3A_473 = %scan3A_197 to %scan3A_199 step %scan3A_200 iter_args(%scan3A_474 = %scan3A_196) -> (i32)  : i32 {
      %swap3A = arith.constant 3 : i32
      %swap3A_475 = arith.constant 0 : i32
      %swap3A_476 = arith.index_cast %swap3A : i32 to index
      %swap3A_477 = arith.index_cast %scan3A_473 : i32 to index
      %swap3A_478 = arith.index_cast %swap3A_475 : i32 to index
      %swap3A_479 = arith.constant 64 : index
      %swap3A_480 = tpu.vector_load %arg10[%swap3A_476, %swap3A_477, %swap3A_478, %swap3A_479] {strides = array<i32>} : memref<5x4x40x128xf32, #tpu.memory_space<vmem>>, vector<16xf32>,
      tpu.vector_store %arg10[%swap3A_476, %swap3A_477, %swap3A_478, %swap3A_479], %get3A_174 {strides = array<i32>} : memref<5x4x40x128xf32, #tpu.memory_space<vmem>>, vector<16xf32>,
      %scan3A_481 = arith.constant 0 : i32
      scf.yield %scan3A_481 : i32
    }
    %scan3A_202 = arith.constant 4 : i32
    %scan3A_203 = arith.constant 0 : i32
    %scan3A_204 = arith.constant 0 : i32
    %scan3A_205 = arith.constant 4 : i32
    %scan3A_206 = arith.addi %scan3A_204, %scan3A_205 : i32
    %scan3A_207 = arith.constant 1 : i32
    %scan3A_208 = scf.for %scan3A_473 = %scan3A_204 to %scan3A_206 step %scan3A_207 iter_args(%scan3A_474 = %scan3A_203) -> (i32)  : i32 {
      %swap3A = arith.constant 4 : i32
      %swap3A_475 = arith.constant 0 : i32
      %swap3A_476 = arith.index_cast %swap3A : i32 to index
      %swap3A_477 = arith.index_cast %scan3A_473 : i32 to index
      %swap3A_478 = arith.index_cast %swap3A_475 : i32 to index
      %swap3A_479 = arith.constant 64 : index
      %swap3A_480 = tpu.vector_load %arg10[%swap3A_476, %swap3A_477, %swap3A_478, %swap3A_479] {strides = array<i32>} : memref<5x4x40x128xf32, #tpu.memory_space<vmem>>, vector<16xf32>,
      tpu.vector_store %arg10[%swap3A_476, %swap3A_477, %swap3A_478, %swap3A_479], %get3A_174 {strides = array<i32>} : memref<5x4x40x128xf32, #tpu.memory_space<vmem>>, vector<16xf32>,
      %scan3A_481 = arith.constant 0 : i32
      scf.yield %scan3A_481 : i32
    }
    %scan3A_209 = arith.constant 4 : i32
    %get3A_210 = arith.constant 0 : i32
    %get3A_211 = arith.index_cast %get3A_210 : i32 to index
    %get3A_212 = arith.constant 80 : index
    %get3A_213 = tpu.vector_load %arg14[%get3A_211, %get3A_212] {strides = array<i32>} : memref<1x128xf32, #tpu.memory_space<vmem>>, vector<16xf32>,
    %scan3A_214 = arith.constant 0 : i32
    %scan3A_215 = arith.constant 0 : i32
    %scan3A_216 = arith.constant 4 : i32
    %scan3A_217 = arith.addi %scan3A_215, %scan3A_216 : i32
    %scan3A_218 = arith.constant 1 : i32
    %scan3A_219 = scf.for %scan3A_473 = %scan3A_215 to %scan3A_217 step %scan3A_218 iter_args(%scan3A_474 = %scan3A_214) -> (i32)  : i32 {
      %swap3A = arith.constant 0 : i32
      %swap3A_475 = arith.constant 0 : i32
      %swap3A_476 = arith.index_cast %swap3A : i32 to index
      %swap3A_477 = arith.index_cast %scan3A_473 : i32 to index
      %swap3A_478 = arith.index_cast %swap3A_475 : i32 to index
      %swap3A_479 = arith.constant 80 : index
      %swap3A_480 = tpu.vector_load %arg10[%swap3A_476, %swap3A_477, %swap3A_478, %swap3A_479] {strides = array<i32>} : memref<5x4x40x128xf32, #tpu.memory_space<vmem>>, vector<16xf32>,
      tpu.vector_store %arg10[%swap3A_476, %swap3A_477, %swap3A_478, %swap3A_479], %get3A_213 {strides = array<i32>} : memref<5x4x40x128xf32, #tpu.memory_space<vmem>>, vector<16xf32>,
      %scan3A_481 = arith.constant 0 : i32
      scf.yield %scan3A_481 : i32
    }
    %scan3A_220 = arith.constant 4 : i32
    %scan3A_221 = arith.constant 0 : i32
    %scan3A_222 = arith.constant 0 : i32
    %scan3A_223 = arith.constant 4 : i32
    %scan3A_224 = arith.addi %scan3A_222, %scan3A_223 : i32
    %scan3A_225 = arith.constant 1 : i32
    %scan3A_226 = scf.for %scan3A_473 = %scan3A_222 to %scan3A_224 step %scan3A_225 iter_args(%scan3A_474 = %scan3A_221) -> (i32)  : i32 {
      %swap3A = arith.constant 1 : i32
      %swap3A_475 = arith.constant 0 : i32
      %swap3A_476 = arith.index_cast %swap3A : i32 to index
      %swap3A_477 = arith.index_cast %scan3A_473 : i32 to index
      %swap3A_478 = arith.index_cast %swap3A_475 : i32 to index
      %swap3A_479 = arith.constant 80 : index
      %swap3A_480 = tpu.vector_load %arg10[%swap3A_476, %swap3A_477, %swap3A_478, %swap3A_479] {strides = array<i32>} : memref<5x4x40x128xf32, #tpu.memory_space<vmem>>, vector<16xf32>,
      tpu.vector_store %arg10[%swap3A_476, %swap3A_477, %swap3A_478, %swap3A_479], %get3A_213 {strides = array<i32>} : memref<5x4x40x128xf32, #tpu.memory_space<vmem>>, vector<16xf32>,
      %scan3A_481 = arith.constant 0 : i32
      scf.yield %scan3A_481 : i32
    }
    %scan3A_227 = arith.constant 4 : i32
    %scan3A_228 = arith.constant 0 : i32
    %scan3A_229 = arith.constant 0 : i32
    %scan3A_230 = arith.constant 4 : i32
    %scan3A_231 = arith.addi %scan3A_229, %scan3A_230 : i32
    %scan3A_232 = arith.constant 1 : i32
    %scan3A_233 = scf.for %scan3A_473 = %scan3A_229 to %scan3A_231 step %scan3A_232 iter_args(%scan3A_474 = %scan3A_228) -> (i32)  : i32 {
      %swap3A = arith.constant 2 : i32
      %swap3A_475 = arith.constant 0 : i32
      %swap3A_476 = arith.index_cast %swap3A : i32 to index
      %swap3A_477 = arith.index_cast %scan3A_473 : i32 to index
      %swap3A_478 = arith.index_cast %swap3A_475 : i32 to index
      %swap3A_479 = arith.constant 80 : index
      %swap3A_480 = tpu.vector_load %arg10[%swap3A_476, %swap3A_477, %swap3A_478, %swap3A_479] {strides = array<i32>} : memref<5x4x40x128xf32, #tpu.memory_space<vmem>>, vector<16xf32>,
      tpu.vector_store %arg10[%swap3A_476, %swap3A_477, %swap3A_478, %swap3A_479], %get3A_213 {strides = array<i32>} : memref<5x4x40x128xf32, #tpu.memory_space<vmem>>, vector<16xf32>,
      %scan3A_481 = arith.constant 0 : i32
      scf.yield %scan3A_481 : i32
    }
    %scan3A_234 = arith.constant 4 : i32
    %scan3A_235 = arith.constant 0 : i32
    %scan3A_236 = arith.constant 0 : i32
    %scan3A_237 = arith.constant 4 : i32
    %scan3A_238 = arith.addi %scan3A_236, %scan3A_237 : i32
    %scan3A_239 = arith.constant 1 : i32
    %scan3A_240 = scf.for %scan3A_473 = %scan3A_236 to %scan3A_238 step %scan3A_239 iter_args(%scan3A_474 = %scan3A_235) -> (i32)  : i32 {
      %swap3A = arith.constant 3 : i32
      %swap3A_475 = arith.constant 0 : i32
      %swap3A_476 = arith.index_cast %swap3A : i32 to index
      %swap3A_477 = arith.index_cast %scan3A_473 : i32 to index
      %swap3A_478 = arith.index_cast %swap3A_475 : i32 to index
      %swap3A_479 = arith.constant 80 : index
      %swap3A_480 = tpu.vector_load %arg10[%swap3A_476, %swap3A_477, %swap3A_478, %swap3A_479] {strides = array<i32>} : memref<5x4x40x128xf32, #tpu.memory_space<vmem>>, vector<16xf32>,
      tpu.vector_store %arg10[%swap3A_476, %swap3A_477, %swap3A_478, %swap3A_479], %get3A_213 {strides = array<i32>} : memref<5x4x40x128xf32, #tpu.memory_space<vmem>>, vector<16xf32>,
      %scan3A_481 = arith.constant 0 : i32
      scf.yield %scan3A_481 : i32
    }
    %scan3A_241 = arith.constant 4 : i32
    %scan3A_242 = arith.constant 0 : i32
    %scan3A_243 = arith.constant 0 : i32
    %scan3A_244 = arith.constant 4 : i32
    %scan3A_245 = arith.addi %scan3A_243, %scan3A_244 : i32
    %scan3A_246 = arith.constant 1 : i32
    %scan3A_247 = scf.for %scan3A_473 = %scan3A_243 to %scan3A_245 step %scan3A_246 iter_args(%scan3A_474 = %scan3A_242) -> (i32)  : i32 {
      %swap3A = arith.constant 4 : i32
      %swap3A_475 = arith.constant 0 : i32
      %swap3A_476 = arith.index_cast %swap3A : i32 to index
      %swap3A_477 = arith.index_cast %scan3A_473 : i32 to index
      %swap3A_478 = arith.index_cast %swap3A_475 : i32 to index
      %swap3A_479 = arith.constant 80 : index
      %swap3A_480 = tpu.vector_load %arg10[%swap3A_476, %swap3A_477, %swap3A_478, %swap3A_479] {strides = array<i32>} : memref<5x4x40x128xf32, #tpu.memory_space<vmem>>, vector<16xf32>,
      tpu.vector_store %arg10[%swap3A_476, %swap3A_477, %swap3A_478, %swap3A_479], %get3A_213 {strides = array<i32>} : memref<5x4x40x128xf32, #tpu.memory_space<vmem>>, vector<16xf32>,
      %scan3A_481 = arith.constant 0 : i32
      scf.yield %scan3A_481 : i32
    }
    %scan3A_248 = arith.constant 4 : i32
    %get3A_249 = arith.constant 0 : i32
    %get3A_250 = arith.index_cast %get3A_249 : i32 to index
    %get3A_251 = arith.constant 96 : index
    %get3A_252 = tpu.vector_load %arg14[%get3A_250, %get3A_251] {strides = array<i32>} : memref<1x128xf32, #tpu.memory_space<vmem>>, vector<16xf32>,
    %scan3A_253 = arith.constant 0 : i32
    %scan3A_254 = arith.constant 0 : i32
    %scan3A_255 = arith.constant 4 : i32
    %scan3A_256 = arith.addi %scan3A_254, %scan3A_255 : i32
    %scan3A_257 = arith.constant 1 : i32
    %scan3A_258 = scf.for %scan3A_473 = %scan3A_254 to %scan3A_256 step %scan3A_257 iter_args(%scan3A_474 = %scan3A_253) -> (i32)  : i32 {
      %swap3A = arith.constant 0 : i32
      %swap3A_475 = arith.constant 0 : i32
      %swap3A_476 = arith.index_cast %swap3A : i32 to index
      %swap3A_477 = arith.index_cast %scan3A_473 : i32 to index
      %swap3A_478 = arith.index_cast %swap3A_475 : i32 to index
      %swap3A_479 = arith.constant 96 : index
      %swap3A_480 = tpu.vector_load %arg10[%swap3A_476, %swap3A_477, %swap3A_478, %swap3A_479] {strides = array<i32>} : memref<5x4x40x128xf32, #tpu.memory_space<vmem>>, vector<16xf32>,
      tpu.vector_store %arg10[%swap3A_476, %swap3A_477, %swap3A_478, %swap3A_479], %get3A_252 {strides = array<i32>} : memref<5x4x40x128xf32, #tpu.memory_space<vmem>>, vector<16xf32>,
      %scan3A_481 = arith.constant 0 : i32
      scf.yield %scan3A_481 : i32
    }
    %scan3A_259 = arith.constant 4 : i32
    %scan3A_260 = arith.constant 0 : i32
    %scan3A_261 = arith.constant 0 : i32
    %scan3A_262 = arith.constant 4 : i32
    %scan3A_263 = arith.addi %scan3A_261, %scan3A_262 : i32
    %scan3A_264 = arith.constant 1 : i32
    %scan3A_265 = scf.for %scan3A_473 = %scan3A_261 to %scan3A_263 step %scan3A_264 iter_args(%scan3A_474 = %scan3A_260) -> (i32)  : i32 {
      %swap3A = arith.constant 1 : i32
      %swap3A_475 = arith.constant 0 : i32
      %swap3A_476 = arith.index_cast %swap3A : i32 to index
      %swap3A_477 = arith.index_cast %scan3A_473 : i32 to index
      %swap3A_478 = arith.index_cast %swap3A_475 : i32 to index
      %swap3A_479 = arith.constant 96 : index
      %swap3A_480 = tpu.vector_load %arg10[%swap3A_476, %swap3A_477, %swap3A_478, %swap3A_479] {strides = array<i32>} : memref<5x4x40x128xf32, #tpu.memory_space<vmem>>, vector<16xf32>,
      tpu.vector_store %arg10[%swap3A_476, %swap3A_477, %swap3A_478, %swap3A_479], %get3A_252 {strides = array<i32>} : memref<5x4x40x128xf32, #tpu.memory_space<vmem>>, vector<16xf32>,
      %scan3A_481 = arith.constant 0 : i32
      scf.yield %scan3A_481 : i32
    }
    %scan3A_266 = arith.constant 4 : i32
    %scan3A_267 = arith.constant 0 : i32
    %scan3A_268 = arith.constant 0 : i32
    %scan3A_269 = arith.constant 4 : i32
    %scan3A_270 = arith.addi %scan3A_268, %scan3A_269 : i32
    %scan3A_271 = arith.constant 1 : i32
    %scan3A_272 = scf.for %scan3A_473 = %scan3A_268 to %scan3A_270 step %scan3A_271 iter_args(%scan3A_474 = %scan3A_267) -> (i32)  : i32 {
      %swap3A = arith.constant 2 : i32
      %swap3A_475 = arith.constant 0 : i32
      %swap3A_476 = arith.index_cast %swap3A : i32 to index
      %swap3A_477 = arith.index_cast %scan3A_473 : i32 to index
      %swap3A_478 = arith.index_cast %swap3A_475 : i32 to index
      %swap3A_479 = arith.constant 96 : index
      %swap3A_480 = tpu.vector_load %arg10[%swap3A_476, %swap3A_477, %swap3A_478, %swap3A_479] {strides = array<i32>} : memref<5x4x40x128xf32, #tpu.memory_space<vmem>>, vector<16xf32>,
      tpu.vector_store %arg10[%swap3A_476, %swap3A_477, %swap3A_478, %swap3A_479], %get3A_252 {strides = array<i32>} : memref<5x4x40x128xf32, #tpu.memory_space<vmem>>, vector<16xf32>,
      %scan3A_481 = arith.constant 0 : i32
      scf.yield %scan3A_481 : i32
    }
    %scan3A_273 = arith.constant 4 : i32
    %scan3A_274 = arith.constant 0 : i32
    %scan3A_275 = arith.constant 0 : i32
    %scan3A_276 = arith.constant 4 : i32
    %scan3A_277 = arith.addi %scan3A_275, %scan3A_276 : i32
    %scan3A_278 = arith.constant 1 : i32
    %scan3A_279 = scf.for %scan3A_473 = %scan3A_275 to %scan3A_277 step %scan3A_278 iter_args(%scan3A_474 = %scan3A_274) -> (i32)  : i32 {
      %swap3A = arith.constant 3 : i32
      %swap3A_475 = arith.constant 0 : i32
      %swap3A_476 = arith.index_cast %swap3A : i32 to index
      %swap3A_477 = arith.index_cast %scan3A_473 : i32 to index
      %swap3A_478 = arith.index_cast %swap3A_475 : i32 to index
      %swap3A_479 = arith.constant 96 : index
      %swap3A_480 = tpu.vector_load %arg10[%swap3A_476, %swap3A_477, %swap3A_478, %swap3A_479] {strides = array<i32>} : memref<5x4x40x128xf32, #tpu.memory_space<vmem>>, vector<16xf32>,
      tpu.vector_store %arg10[%swap3A_476, %swap3A_477, %swap3A_478, %swap3A_479], %get3A_252 {strides = array<i32>} : memref<5x4x40x128xf32, #tpu.memory_space<vmem>>, vector<16xf32>,
      %scan3A_481 = arith.constant 0 : i32
      scf.yield %scan3A_481 : i32
    }
    %scan3A_280 = arith.constant 4 : i32
    %scan3A_281 = arith.constant 0 : i32
    %scan3A_282 = arith.constant 0 : i32
    %scan3A_283 = arith.constant 4 : i32
    %scan3A_284 = arith.addi %scan3A_282, %scan3A_283 : i32
    %scan3A_285 = arith.constant 1 : i32
    %scan3A_286 = scf.for %scan3A_473 = %scan3A_282 to %scan3A_284 step %scan3A_285 iter_args(%scan3A_474 = %scan3A_281) -> (i32)  : i32 {
      %swap3A = arith.constant 4 : i32
      %swap3A_475 = arith.constant 0 : i32
      %swap3A_476 = arith.index_cast %swap3A : i32 to index
      %swap3A_477 = arith.index_cast %scan3A_473 : i32 to index
      %swap3A_478 = arith.index_cast %swap3A_475 : i32 to index
      %swap3A_479 = arith.constant 96 : index
      %swap3A_480 = tpu.vector_load %arg10[%swap3A_476, %swap3A_477, %swap3A_478, %swap3A_479] {strides = array<i32>} : memref<5x4x40x128xf32, #tpu.memory_space<vmem>>, vector<16xf32>,
      tpu.vector_store %arg10[%swap3A_476, %swap3A_477, %swap3A_478, %swap3A_479], %get3A_252 {strides = array<i32>} : memref<5x4x40x128xf32, #tpu.memory_space<vmem>>, vector<16xf32>,
      %scan3A_481 = arith.constant 0 : i32
      scf.yield %scan3A_481 : i32
    }
    %scan3A_287 = arith.constant 4 : i32
    %get3A_288 = arith.constant 0 : i32
    %get3A_289 = arith.index_cast %get3A_288 : i32 to index
    %get3A_290 = arith.constant 112 : index
    %get3A_291 = tpu.vector_load %arg14[%get3A_289, %get3A_290] {strides = array<i32>} : memref<1x128xf32, #tpu.memory_space<vmem>>, vector<16xf32>,
    %scan3A_292 = arith.constant 0 : i32
    %scan3A_293 = arith.constant 0 : i32
    %scan3A_294 = arith.constant 4 : i32
    %scan3A_295 = arith.addi %scan3A_293, %scan3A_294 : i32
    %scan3A_296 = arith.constant 1 : i32
    %scan3A_297 = scf.for %scan3A_473 = %scan3A_293 to %scan3A_295 step %scan3A_296 iter_args(%scan3A_474 = %scan3A_292) -> (i32)  : i32 {
      %swap3A = arith.constant 0 : i32
      %swap3A_475 = arith.constant 0 : i32
      %swap3A_476 = arith.index_cast %swap3A : i32 to index
      %swap3A_477 = arith.index_cast %scan3A_473 : i32 to index
      %swap3A_478 = arith.index_cast %swap3A_475 : i32 to index
      %swap3A_479 = arith.constant 112 : index
      %swap3A_480 = tpu.vector_load %arg10[%swap3A_476, %swap3A_477, %swap3A_478, %swap3A_479] {strides = array<i32>} : memref<5x4x40x128xf32, #tpu.memory_space<vmem>>, vector<16xf32>,
      tpu.vector_store %arg10[%swap3A_476, %swap3A_477, %swap3A_478, %swap3A_479], %get3A_291 {strides = array<i32>} : memref<5x4x40x128xf32, #tpu.memory_space<vmem>>, vector<16xf32>,
      %scan3A_481 = arith.constant 0 : i32
      scf.yield %scan3A_481 : i32
    }
    %scan3A_298 = arith.constant 4 : i32
    %scan3A_299 = arith.constant 0 : i32
    %scan3A_300 = arith.constant 0 : i32
    %scan3A_301 = arith.constant 4 : i32
    %scan3A_302 = arith.addi %scan3A_300, %scan3A_301 : i32
    %scan3A_303 = arith.constant 1 : i32
    %scan3A_304 = scf.for %scan3A_473 = %scan3A_300 to %scan3A_302 step %scan3A_303 iter_args(%scan3A_474 = %scan3A_299) -> (i32)  : i32 {
      %swap3A = arith.constant 1 : i32
      %swap3A_475 = arith.constant 0 : i32
      %swap3A_476 = arith.index_cast %swap3A : i32 to index
      %swap3A_477 = arith.index_cast %scan3A_473 : i32 to index
      %swap3A_478 = arith.index_cast %swap3A_475 : i32 to index
      %swap3A_479 = arith.constant 112 : index
      %swap3A_480 = tpu.vector_load %arg10[%swap3A_476, %swap3A_477, %swap3A_478, %swap3A_479] {strides = array<i32>} : memref<5x4x40x128xf32, #tpu.memory_space<vmem>>, vector<16xf32>,
      tpu.vector_store %arg10[%swap3A_476, %swap3A_477, %swap3A_478, %swap3A_479], %get3A_291 {strides = array<i32>} : memref<5x4x40x128xf32, #tpu.memory_space<vmem>>, vector<16xf32>,
      %scan3A_481 = arith.constant 0 : i32
      scf.yield %scan3A_481 : i32
    }
    %scan3A_305 = arith.constant 4 : i32
    %scan3A_306 = arith.constant 0 : i32
    %scan3A_307 = arith.constant 0 : i32
    %scan3A_308 = arith.constant 4 : i32
    %scan3A_309 = arith.addi %scan3A_307, %scan3A_308 : i32
    %scan3A_310 = arith.constant 1 : i32
    %scan3A_311 = scf.for %scan3A_473 = %scan3A_307 to %scan3A_309 step %scan3A_310 iter_args(%scan3A_474 = %scan3A_306) -> (i32)  : i32 {
      %swap3A = arith.constant 2 : i32
      %swap3A_475 = arith.constant 0 : i32
      %swap3A_476 = arith.index_cast %swap3A : i32 to index
      %swap3A_477 = arith.index_cast %scan3A_473 : i32 to index
      %swap3A_478 = arith.index_cast %swap3A_475 : i32 to index
      %swap3A_479 = arith.constant 112 : index
      %swap3A_480 = tpu.vector_load %arg10[%swap3A_476, %swap3A_477, %swap3A_478, %swap3A_479] {strides = array<i32>} : memref<5x4x40x128xf32, #tpu.memory_space<vmem>>, vector<16xf32>,
      tpu.vector_store %arg10[%swap3A_476, %swap3A_477, %swap3A_478, %swap3A_479], %get3A_291 {strides = array<i32>} : memref<5x4x40x128xf32, #tpu.memory_space<vmem>>, vector<16xf32>,
      %scan3A_481 = arith.constant 0 : i32
      scf.yield %scan3A_481 : i32
    }
    %scan3A_312 = arith.constant 4 : i32
    %scan3A_313 = arith.constant 0 : i32
    %scan3A_314 = arith.constant 0 : i32
    %scan3A_315 = arith.constant 4 : i32
    %scan3A_316 = arith.addi %scan3A_314, %scan3A_315 : i32
    %scan3A_317 = arith.constant 1 : i32
    %scan3A_318 = scf.for %scan3A_473 = %scan3A_314 to %scan3A_316 step %scan3A_317 iter_args(%scan3A_474 = %scan3A_313) -> (i32)  : i32 {
      %swap3A = arith.constant 3 : i32
      %swap3A_475 = arith.constant 0 : i32
      %swap3A_476 = arith.index_cast %swap3A : i32 to index
      %swap3A_477 = arith.index_cast %scan3A_473 : i32 to index
      %swap3A_478 = arith.index_cast %swap3A_475 : i32 to index
      %swap3A_479 = arith.constant 112 : index
      %swap3A_480 = tpu.vector_load %arg10[%swap3A_476, %swap3A_477, %swap3A_478, %swap3A_479] {strides = array<i32>} : memref<5x4x40x128xf32, #tpu.memory_space<vmem>>, vector<16xf32>,
      tpu.vector_store %arg10[%swap3A_476, %swap3A_477, %swap3A_478, %swap3A_479], %get3A_291 {strides = array<i32>} : memref<5x4x40x128xf32, #tpu.memory_space<vmem>>, vector<16xf32>,
      %scan3A_481 = arith.constant 0 : i32
      scf.yield %scan3A_481 : i32
    }
    %scan3A_319 = arith.constant 4 : i32
    %scan3A_320 = arith.constant 0 : i32
    %scan3A_321 = arith.constant 0 : i32
    %scan3A_322 = arith.constant 4 : i32
    %scan3A_323 = arith.addi %scan3A_321, %scan3A_322 : i32
    %scan3A_324 = arith.constant 1 : i32
    %scan3A_325 = scf.for %scan3A_473 = %scan3A_321 to %scan3A_323 step %scan3A_324 iter_args(%scan3A_474 = %scan3A_320) -> (i32)  : i32 {
      %swap3A = arith.constant 4 : i32
      %swap3A_475 = arith.constant 0 : i32
      %swap3A_476 = arith.index_cast %swap3A : i32 to index
      %swap3A_477 = arith.index_cast %scan3A_473 : i32 to index
      %swap3A_478 = arith.index_cast %swap3A_475 : i32 to index
      %swap3A_479 = arith.constant 112 : index
      %swap3A_480 = tpu.vector_load %arg10[%swap3A_476, %swap3A_477, %swap3A_478, %swap3A_479] {strides = array<i32>} : memref<5x4x40x128xf32, #tpu.memory_space<vmem>>, vector<16xf32>,
      tpu.vector_store %arg10[%swap3A_476, %swap3A_477, %swap3A_478, %swap3A_479], %get3A_291 {strides = array<i32>} : memref<5x4x40x128xf32, #tpu.memory_space<vmem>>, vector<16xf32>,
      %scan3A_481 = arith.constant 0 : i32
      scf.yield %scan3A_481 : i32
    }
    %scan3A_326 = arith.constant 4 : i32
    %dma_start3A_327 = arith.constant 0 : i32
    %dma_start3A_328 = arith.constant 0 : i32
    %dma_start3A_329 = arith.constant 14 : i32
    %dma_start3A_330 = arith.constant 0 : i32
    %dma_start3A_331 = tpu.memref_slice %arg10[%dma_start3A_327, %dma_start3A_328, %dma_start3A_329, %dma_start3A_330] : memref<5x4x40x128xf32, #tpu.memory_space<vmem>> -> memref<1x1x26x128xf32, #tpu.memory_space<vmem>>
    %dma_start3A_332 = tpu.memref_squeeze %dma_start3A_331 : memref<1x1x26x128xf32, #tpu.memory_space<vmem>> -> memref<26x128xf32, #tpu.memory_space<vmem>>
    %dma_start3A_333 = arith.constant 0 : i32
    %dma_start3A_334 = tpu.memref_slice %arg9[%dma_start3A_333] : memref<16384xi32, #tpu.memory_space<vmem>> -> memref<26xi32, #tpu.memory_space<vmem>>
    %dma_start3A_335 = arith.constant 0 : i32
    %dma_start3A_336 = arith.constant 0 : i32
    %dma_start3A_337 = tpu.memref_slice %arg6[%dma_start3A_335, %dma_start3A_336] : memref<26000x128xf32, #tpu.memory_space<hbm>> -> memref<26000x128xf32, #tpu.memory_space<hbm>>
    tpu.enqueue_indirect_dma source(%dma_start3A_337 : memref<26000x128xf32, #tpu.memory_space<hbm>>) target(%dma_start3A_332 : memref<26x128xf32, #tpu.memory_space<vmem>>) offsets(%dma_start3A_334 : memref<26xi32, #tpu.memory_space<vmem>>) semaphore(%arg15 : memref<!tpu.dma_semaphore, #tpu.memory_space<semaphore_mem>>)
    %dma_start3A_338 = arith.constant 0 : i32
    %dma_start3A_339 = arith.constant 1 : i32
    %dma_start3A_340 = arith.constant 14 : i32
    %dma_start3A_341 = arith.constant 0 : i32
    %dma_start3A_342 = tpu.memref_slice %arg10[%dma_start3A_338, %dma_start3A_339, %dma_start3A_340, %dma_start3A_341] : memref<5x4x40x128xf32, #tpu.memory_space<vmem>> -> memref<1x1x26x128xf32, #tpu.memory_space<vmem>>
    %dma_start3A_343 = tpu.memref_squeeze %dma_start3A_342 : memref<1x1x26x128xf32, #tpu.memory_space<vmem>> -> memref<26x128xf32, #tpu.memory_space<vmem>>
    %dma_start3A_344 = arith.constant 32 : i32
    %dma_start3A_345 = tpu.memref_slice %arg9[%dma_start3A_344] : memref<16384xi32, #tpu.memory_space<vmem>> -> memref<26xi32, #tpu.memory_space<vmem>>
    %dma_start3A_346 = arith.constant 0 : i32
    %dma_start3A_347 = arith.constant 0 : i32
    %dma_start3A_348 = tpu.memref_slice %arg6[%dma_start3A_346, %dma_start3A_347] : memref<26000x128xf32, #tpu.memory_space<hbm>> -> memref<26000x128xf32, #tpu.memory_space<hbm>>
    tpu.enqueue_indirect_dma source(%dma_start3A_348 : memref<26000x128xf32, #tpu.memory_space<hbm>>) target(%dma_start3A_343 : memref<26x128xf32, #tpu.memory_space<vmem>>) offsets(%dma_start3A_345 : memref<26xi32, #tpu.memory_space<vmem>>) semaphore(%arg15 : memref<!tpu.dma_semaphore, #tpu.memory_space<semaphore_mem>>)
    %dma_start3A_349 = arith.constant 0 : i32
    %dma_start3A_350 = arith.constant 2 : i32
    %dma_start3A_351 = arith.constant 14 : i32
    %dma_start3A_352 = arith.constant 0 : i32
    %dma_start3A_353 = tpu.memref_slice %arg10[%dma_start3A_349, %dma_start3A_350, %dma_start3A_351, %dma_start3A_352] : memref<5x4x40x128xf32, #tpu.memory_space<vmem>> -> memref<1x1x26x128xf32, #tpu.memory_space<vmem>>
    %dma_start3A_354 = tpu.memref_squeeze %dma_start3A_353 : memref<1x1x26x128xf32, #tpu.memory_space<vmem>> -> memref<26x128xf32, #tpu.memory_space<vmem>>
    %dma_start3A_355 = arith.constant 64 : i32
    %dma_start3A_356 = tpu.memref_slice %arg9[%dma_start3A_355] : memref<16384xi32, #tpu.memory_space<vmem>> -> memref<26xi32, #tpu.memory_space<vmem>>
    %dma_start3A_357 = arith.constant 0 : i32
    %dma_start3A_358 = arith.constant 0 : i32
    %dma_start3A_359 = tpu.memref_slice %arg6[%dma_start3A_357, %dma_start3A_358] : memref<26000x128xf32, #tpu.memory_space<hbm>> -> memref<26000x128xf32, #tpu.memory_space<hbm>>
    tpu.enqueue_indirect_dma source(%dma_start3A_359 : memref<26000x128xf32, #tpu.memory_space<hbm>>) target(%dma_start3A_354 : memref<26x128xf32, #tpu.memory_space<vmem>>) offsets(%dma_start3A_356 : memref<26xi32, #tpu.memory_space<vmem>>) semaphore(%arg15 : memref<!tpu.dma_semaphore, #tpu.memory_space<semaphore_mem>>)
    %dma_start3A_360 = arith.constant 0 : i32
    %dma_start3A_361 = arith.constant 3 : i32
    %dma_start3A_362 = arith.constant 14 : i32
    %dma_start3A_363 = arith.constant 0 : i32
    %dma_start3A_364 = tpu.memref_slice %arg10[%dma_start3A_360, %dma_start3A_361, %dma_start3A_362, %dma_start3A_363] : memref<5x4x40x128xf32, #tpu.memory_space<vmem>> -> memref<1x1x26x128xf32, #tpu.memory_space<vmem>>
    %dma_start3A_365 = tpu.memref_squeeze %dma_start3A_364 : memref<1x1x26x128xf32, #tpu.memory_space<vmem>> -> memref<26x128xf32, #tpu.memory_space<vmem>>
    %dma_start3A_366 = arith.constant 96 : i32
    %dma_start3A_367 = tpu.memref_slice %arg9[%dma_start3A_366] : memref<16384xi32, #tpu.memory_space<vmem>> -> memref<26xi32, #tpu.memory_space<vmem>>
    %dma_start3A_368 = arith.constant 0 : i32
    %dma_start3A_369 = arith.constant 0 : i32
    %dma_start3A_370 = tpu.memref_slice %arg6[%dma_start3A_368, %dma_start3A_369] : memref<26000x128xf32, #tpu.memory_space<hbm>> -> memref<26000x128xf32, #tpu.memory_space<hbm>>
    tpu.enqueue_indirect_dma source(%dma_start3A_370 : memref<26000x128xf32, #tpu.memory_space<hbm>>) target(%dma_start3A_365 : memref<26x128xf32, #tpu.memory_space<vmem>>) offsets(%dma_start3A_367 : memref<26xi32, #tpu.memory_space<vmem>>) semaphore(%arg15 : memref<!tpu.dma_semaphore, #tpu.memory_space<semaphore_mem>>)
    %scan3A_371 = arith.constant 0 : i32
    %scan3A_372 = arith.constant 0 : i32
    %scan3A_373 = arith.constant 128 : i32
    %scan3A_374 = arith.addi %scan3A_372, %scan3A_373 : i32
    %scan3A_375 = arith.constant 1 : i32
    %scan3A_376 = scf.for %scan3A_473 = %scan3A_372 to %scan3A_374 step %scan3A_375 iter_args(%scan3A_474 = %scan3A_371) -> (i32)  : i32 {
      %rem3A = arith.constant 5 : i32
      %rem3A_475 = arith.remsi %scan3A_473, %rem3A : i32
      %add3A_476 = arith.constant 1 : i32
      %add3A_477 = arith.addi %scan3A_473, %add3A_476 : i32
      %rem3A_478 = arith.constant 5 : i32
      %rem3A_479 = arith.remsi %add3A_477, %rem3A_478 : i32
      %mul3A_480 = arith.constant 4 : i32
      %mul3A_481 = arith.muli %scan3A_473, %mul3A_480 : i32
      %add3A_482 = arith.addi %mul3A_2, %mul3A_481 : i32
      %add3A_483 = arith.constant 1 : i32
      %add3A_484 = arith.addi %scan3A_473, %add3A_483 : i32
      %lt3A = arith.constant 128 : i32
      %lt3A_485 = arith.cmpi slt, %add3A_484, %lt3A : i32
      %convert_element_type3A = arith.extui %lt3A_485 : i1 to i32
      %cond3A = arith.constant 0 : i32
      %cond3A_486 = arith.cmpi ne, %convert_element_type3A, %cond3A : i32
      scf.if %cond3A_486 {
        %add3A_1467 = arith.constant 1 : i32
        %add3A_1468 = arith.addi %scan3A_473, %add3A_1467 : i32
        %ge3A = arith.constant 5 : i32
        %ge3A_1469 = arith.cmpi sge, %add3A_1468, %ge3A : i32
        %convert_element_type3A_1470 = arith.extui %ge3A_1469 : i1 to i32
        %cond3A_1471 = arith.constant 0 : i32
        %cond3A_1472 = arith.cmpi ne, %convert_element_type3A_1470, %cond3A_1471 : i32
        scf.if %cond3A_1472 {
          %dma_wait3A_1535 = arith.constant 0 : i32
          %dma_wait3A_1536 = arith.constant 0 : i32
          %dma_wait3A_1537 = arith.constant 0 : i32
          %dma_wait3A_1538 = tpu.memref_slice %arg10[%rem3A_479, %dma_wait3A_1535, %dma_wait3A_1536, %dma_wait3A_1537] : memref<5x4x40x128xf32, #tpu.memory_space<vmem>> -> memref<1x4x40x128xf32, #tpu.memory_space<vmem>>
          %dma_wait3A_1539 = tpu.memref_squeeze %dma_wait3A_1538 : memref<1x4x40x128xf32, #tpu.memory_space<vmem>> -> memref<4x40x128xf32, #tpu.memory_space<vmem>>
          %dma_wait3A_1540 = arith.constant 0 : i32
          %dma_wait3A_1541 = arith.constant 0 : i32
          %dma_wait3A_1542 = arith.constant 0 : i32
          %dma_wait3A_1543 = tpu.memref_slice %arg8[%dma_wait3A_1540, %dma_wait3A_1541, %dma_wait3A_1542] : memref<16384x40x128xf32, #tpu.memory_space<hbm>> -> memref<4x40x128xf32, #tpu.memory_space<hbm>>
          %dma_wait3A_1544 = arith.constant 0 : i32
          %dma_wait3A_1545 = arith.constant 0 : i32
          %dma_wait3A_1546 = arith.constant 0 : i32
          %dma_wait3A_1547 = tpu.memref_slice %arg8[%dma_wait3A_1544, %dma_wait3A_1545, %dma_wait3A_1546] : memref<16384x40x128xf32, #tpu.memory_space<hbm>> -> memref<4x40x128xf32, #tpu.memory_space<hbm>>
          %dma_wait3A_1548 = arith.constant 0 : i32
          %dma_wait3A_1549 = arith.constant 0 : i32
          %dma_wait3A_1550 = arith.constant 0 : i32
          %dma_wait3A_1551 = tpu.memref_slice %arg10[%rem3A_479, %dma_wait3A_1548, %dma_wait3A_1549, %dma_wait3A_1550] : memref<5x4x40x128xf32, #tpu.memory_space<vmem>> -> memref<1x4x40x128xf32, #tpu.memory_space<vmem>>
          %dma_wait3A_1552 = tpu.memref_squeeze %dma_wait3A_1551 : memref<1x4x40x128xf32, #tpu.memory_space<vmem>> -> memref<4x40x128xf32, #tpu.memory_space<vmem>>
          tpu.wait_dma2 semaphore(%arg16 : memref<!tpu.dma_semaphore, #tpu.memory_space<semaphore_mem>>) src(%dma_wait3A_1552 : memref<4x40x128xf32, #tpu.memory_space<vmem>>) dst(%dma_wait3A_1547 : memref<4x40x128xf32, #tpu.memory_space<hbm>>)
        } else {
        }
        %add3A_1473 = arith.constant 1 : i32
        %add3A_1474 = arith.addi %scan3A_473, %add3A_1473 : i32
        %mul3A_1475 = arith.constant 4 : i32
        %mul3A_1476 = arith.muli %add3A_1474, %mul3A_1475 : i32
        %add3A_1477 = arith.constant 0 : i32
        %add3A_1478 = arith.addi %mul3A_1476, %add3A_1477 : i32
        %mul3A_1479 = arith.constant 32 : i32
        %mul3A_1480 = arith.muli %add3A_1478, %mul3A_1479 : i32
        %dma_start3A_1481 = arith.constant 0 : i32
        %dma_start3A_1482 = arith.constant 14 : i32
        %dma_start3A_1483 = arith.constant 0 : i32
        %dma_start3A_1484 = tpu.memref_slice %arg10[%rem3A_479, %dma_start3A_1481, %dma_start3A_1482, %dma_start3A_1483] : memref<5x4x40x128xf32, #tpu.memory_space<vmem>> -> memref<1x1x26x128xf32, #tpu.memory_space<vmem>>
        %dma_start3A_1485 = tpu.memref_squeeze %dma_start3A_1484 : memref<1x1x26x128xf32, #tpu.memory_space<vmem>> -> memref<26x128xf32, #tpu.memory_space<vmem>>
        %dma_start3A_1486 = tpu.memref_slice %arg9[%mul3A_1480] : memref<16384xi32, #tpu.memory_space<vmem>> -> memref<26xi32, #tpu.memory_space<vmem>>
        %dma_start3A_1487 = arith.constant 0 : i32
        %dma_start3A_1488 = arith.constant 0 : i32
        %dma_start3A_1489 = tpu.memref_slice %arg6[%dma_start3A_1487, %dma_start3A_1488] : memref<26000x128xf32, #tpu.memory_space<hbm>> -> memref<26000x128xf32, #tpu.memory_space<hbm>>
        tpu.enqueue_indirect_dma source(%dma_start3A_1489 : memref<26000x128xf32, #tpu.memory_space<hbm>>) target(%dma_start3A_1485 : memref<26x128xf32, #tpu.memory_space<vmem>>) offsets(%dma_start3A_1486 : memref<26xi32, #tpu.memory_space<vmem>>) semaphore(%arg15 : memref<!tpu.dma_semaphore, #tpu.memory_space<semaphore_mem>>)
        %mul3A_1490 = arith.constant 4 : i32
        %mul3A_1491 = arith.muli %add3A_1474, %mul3A_1490 : i32
        %add3A_1492 = arith.constant 1 : i32
        %add3A_1493 = arith.addi %mul3A_1491, %add3A_1492 : i32
        %mul3A_1494 = arith.constant 32 : i32
        %mul3A_1495 = arith.muli %add3A_1493, %mul3A_1494 : i32
        %dma_start3A_1496 = arith.constant 1 : i32
        %dma_start3A_1497 = arith.constant 14 : i32
        %dma_start3A_1498 = arith.constant 0 : i32
        %dma_start3A_1499 = tpu.memref_slice %arg10[%rem3A_479, %dma_start3A_1496, %dma_start3A_1497, %dma_start3A_1498] : memref<5x4x40x128xf32, #tpu.memory_space<vmem>> -> memref<1x1x26x128xf32, #tpu.memory_space<vmem>>
        %dma_start3A_1500 = tpu.memref_squeeze %dma_start3A_1499 : memref<1x1x26x128xf32, #tpu.memory_space<vmem>> -> memref<26x128xf32, #tpu.memory_space<vmem>>
        %dma_start3A_1501 = tpu.memref_slice %arg9[%mul3A_1495] : memref<16384xi32, #tpu.memory_space<vmem>> -> memref<26xi32, #tpu.memory_space<vmem>>
        %dma_start3A_1502 = arith.constant 0 : i32
        %dma_start3A_1503 = arith.constant 0 : i32
        %dma_start3A_1504 = tpu.memref_slice %arg6[%dma_start3A_1502, %dma_start3A_1503] : memref<26000x128xf32, #tpu.memory_space<hbm>> -> memref<26000x128xf32, #tpu.memory_space<hbm>>
        tpu.enqueue_indirect_dma source(%dma_start3A_1504 : memref<26000x128xf32, #tpu.memory_space<hbm>>) target(%dma_start3A_1500 : memref<26x128xf32, #tpu.memory_space<vmem>>) offsets(%dma_start3A_1501 : memref<26xi32, #tpu.memory_space<vmem>>) semaphore(%arg15 : memref<!tpu.dma_semaphore, #tpu.memory_space<semaphore_mem>>)
        %mul3A_1505 = arith.constant 4 : i32
        %mul3A_1506 = arith.muli %add3A_1474, %mul3A_1505 : i32
        %add3A_1507 = arith.constant 2 : i32
        %add3A_1508 = arith.addi %mul3A_1506, %add3A_1507 : i32
        %mul3A_1509 = arith.constant 32 : i32
        %mul3A_1510 = arith.muli %add3A_1508, %mul3A_1509 : i32
        %dma_start3A_1511 = arith.constant 2 : i32
        %dma_start3A_1512 = arith.constant 14 : i32
        %dma_start3A_1513 = arith.constant 0 : i32
        %dma_start3A_1514 = tpu.memref_slice %arg10[%rem3A_479, %dma_start3A_1511, %dma_start3A_1512, %dma_start3A_1513] : memref<5x4x40x128xf32, #tpu.memory_space<vmem>> -> memref<1x1x26x128xf32, #tpu.memory_space<vmem>>
        %dma_start3A_1515 = tpu.memref_squeeze %dma_start3A_1514 : memref<1x1x26x128xf32, #tpu.memory_space<vmem>> -> memref<26x128xf32, #tpu.memory_space<vmem>>
        %dma_start3A_1516 = tpu.memref_slice %arg9[%mul3A_1510] : memref<16384xi32, #tpu.memory_space<vmem>> -> memref<26xi32, #tpu.memory_space<vmem>>
        %dma_start3A_1517 = arith.constant 0 : i32
        %dma_start3A_1518 = arith.constant 0 : i32
        %dma_start3A_1519 = tpu.memref_slice %arg6[%dma_start3A_1517, %dma_start3A_1518] : memref<26000x128xf32, #tpu.memory_space<hbm>> -> memref<26000x128xf32, #tpu.memory_space<hbm>>
        tpu.enqueue_indirect_dma source(%dma_start3A_1519 : memref<26000x128xf32, #tpu.memory_space<hbm>>) target(%dma_start3A_1515 : memref<26x128xf32, #tpu.memory_space<vmem>>) offsets(%dma_start3A_1516 : memref<26xi32, #tpu.memory_space<vmem>>) semaphore(%arg15 : memref<!tpu.dma_semaphore, #tpu.memory_space<semaphore_mem>>)
        %mul3A_1520 = arith.constant 4 : i32
        %mul3A_1521 = arith.muli %add3A_1474, %mul3A_1520 : i32
        %add3A_1522 = arith.constant 3 : i32
        %add3A_1523 = arith.addi %mul3A_1521, %add3A_1522 : i32
        %mul3A_1524 = arith.constant 32 : i32
        %mul3A_1525 = arith.muli %add3A_1523, %mul3A_1524 : i32
        %dma_start3A_1526 = arith.constant 3 : i32
        %dma_start3A_1527 = arith.constant 14 : i32
        %dma_start3A_1528 = arith.constant 0 : i32
        %dma_start3A_1529 = tpu.memref_slice %arg10[%rem3A_479, %dma_start3A_1526, %dma_start3A_1527, %dma_start3A_1528] : memref<5x4x40x128xf32, #tpu.memory_space<vmem>> -> memref<1x1x26x128xf32, #tpu.memory_space<vmem>>
        %dma_start3A_1530 = tpu.memref_squeeze %dma_start3A_1529 : memref<1x1x26x128xf32, #tpu.memory_space<vmem>> -> memref<26x128xf32, #tpu.memory_space<vmem>>
        %dma_start3A_1531 = tpu.memref_slice %arg9[%mul3A_1525] : memref<16384xi32, #tpu.memory_space<vmem>> -> memref<26xi32, #tpu.memory_space<vmem>>
        %dma_start3A_1532 = arith.constant 0 : i32
        %dma_start3A_1533 = arith.constant 0 : i32
        %dma_start3A_1534 = tpu.memref_slice %arg6[%dma_start3A_1532, %dma_start3A_1533] : memref<26000x128xf32, #tpu.memory_space<hbm>> -> memref<26000x128xf32, #tpu.memory_space<hbm>>
        tpu.enqueue_indirect_dma source(%dma_start3A_1534 : memref<26000x128xf32, #tpu.memory_space<hbm>>) target(%dma_start3A_1530 : memref<26x128xf32, #tpu.memory_space<vmem>>) offsets(%dma_start3A_1531 : memref<26xi32, #tpu.memory_space<vmem>>) semaphore(%arg15 : memref<!tpu.dma_semaphore, #tpu.memory_space<semaphore_mem>>)
      } else {
      }
      %get3A_487 = arith.constant 0 : i32
      %get3A_488 = arith.index_cast %get3A_487 : i32 to index
      %get3A_489 = arith.constant 0 : index
      %get3A_490 = tpu.vector_load %arg12[%get3A_488, %get3A_489] {strides = array<i32>} : memref<13x128xf32, #tpu.memory_space<vmem>>, vector<16xf32>,
      %get3A_491 = arith.constant 0 : i32
      %get3A_492 = arith.index_cast %get3A_491 : i32 to index
      %get3A_493 = arith.constant 16 : index
      %get3A_494 = tpu.vector_load %arg12[%get3A_492, %get3A_493] {strides = array<i32>} : memref<13x128xf32, #tpu.memory_space<vmem>>, vector<16xf32>,
      %get3A_495 = arith.constant 0 : i32
      %get3A_496 = arith.index_cast %get3A_495 : i32 to index
      %get3A_497 = arith.constant 32 : index
      %get3A_498 = tpu.vector_load %arg12[%get3A_496, %get3A_497] {strides = array<i32>} : memref<13x128xf32, #tpu.memory_space<vmem>>, vector<16xf32>,
      %get3A_499 = arith.constant 0 : i32
      %get3A_500 = arith.index_cast %get3A_499 : i32 to index
      %get3A_501 = arith.constant 48 : index
      %get3A_502 = tpu.vector_load %arg12[%get3A_500, %get3A_501] {strides = array<i32>} : memref<13x128xf32, #tpu.memory_space<vmem>>, vector<16xf32>,
      %get3A_503 = arith.constant 0 : i32
      %get3A_504 = arith.index_cast %get3A_503 : i32 to index
      %get3A_505 = arith.constant 64 : index
      %get3A_506 = tpu.vector_load %arg12[%get3A_504, %get3A_505] {strides = array<i32>} : memref<13x128xf32, #tpu.memory_space<vmem>>, vector<16xf32>,
      %get3A_507 = arith.constant 0 : i32
      %get3A_508 = arith.index_cast %get3A_507 : i32 to index
      %get3A_509 = arith.constant 80 : index
      %get3A_510 = tpu.vector_load %arg12[%get3A_508, %get3A_509] {strides = array<i32>} : memref<13x128xf32, #tpu.memory_space<vmem>>, vector<16xf32>,
      %get3A_511 = arith.constant 0 : i32
      %get3A_512 = arith.index_cast %get3A_511 : i32 to index
      %get3A_513 = arith.constant 96 : index
      %get3A_514 = tpu.vector_load %arg12[%get3A_512, %get3A_513] {strides = array<i32>} : memref<13x128xf32, #tpu.memory_space<vmem>>, vector<16xf32>,
      %get3A_515 = arith.constant 0 : i32
      %get3A_516 = arith.index_cast %get3A_515 : i32 to index
      %get3A_517 = arith.constant 112 : index
      %get3A_518 = tpu.vector_load %arg12[%get3A_516, %get3A_517] {strides = array<i32>} : memref<13x128xf32, #tpu.memory_space<vmem>>, vector<16xf32>,
      %get3A_519 = arith.constant 0 : i32
      %get3A_520 = arith.index_cast %get3A_519 : i32 to index
      %get3A_521 = arith.constant 0 : index
      %get3A_522 = tpu.vector_load %arg13[%get3A_520, %get3A_521] {strides = array<i32>} : memref<13x128xf32, #tpu.memory_space<vmem>>, vector<16xf32>,
      %get3A_523 = arith.constant 0 : i32
      %get3A_524 = arith.index_cast %get3A_523 : i32 to index
      %get3A_525 = arith.constant 16 : index
      %get3A_526 = tpu.vector_load %arg13[%get3A_524, %get3A_525] {strides = array<i32>} : memref<13x128xf32, #tpu.memory_space<vmem>>, vector<16xf32>,
      %get3A_527 = arith.constant 0 : i32
      %get3A_528 = arith.index_cast %get3A_527 : i32 to index
      %get3A_529 = arith.constant 32 : index
      %get3A_530 = tpu.vector_load %arg13[%get3A_528, %get3A_529] {strides = array<i32>} : memref<13x128xf32, #tpu.memory_space<vmem>>, vector<16xf32>,
      %get3A_531 = arith.constant 0 : i32
      %get3A_532 = arith.index_cast %get3A_531 : i32 to index
      %get3A_533 = arith.constant 48 : index
      %get3A_534 = tpu.vector_load %arg13[%get3A_532, %get3A_533] {strides = array<i32>} : memref<13x128xf32, #tpu.memory_space<vmem>>, vector<16xf32>,
      %get3A_535 = arith.constant 0 : i32
      %get3A_536 = arith.index_cast %get3A_535 : i32 to index
      %get3A_537 = arith.constant 64 : index
      %get3A_538 = tpu.vector_load %arg13[%get3A_536, %get3A_537] {strides = array<i32>} : memref<13x128xf32, #tpu.memory_space<vmem>>, vector<16xf32>,
      %get3A_539 = arith.constant 0 : i32
      %get3A_540 = arith.index_cast %get3A_539 : i32 to index
      %get3A_541 = arith.constant 80 : index
      %get3A_542 = tpu.vector_load %arg13[%get3A_540, %get3A_541] {strides = array<i32>} : memref<13x128xf32, #tpu.memory_space<vmem>>, vector<16xf32>,
      %get3A_543 = arith.constant 0 : i32
      %get3A_544 = arith.index_cast %get3A_543 : i32 to index
      %get3A_545 = arith.constant 96 : index
      %get3A_546 = tpu.vector_load %arg13[%get3A_544, %get3A_545] {strides = array<i32>} : memref<13x128xf32, #tpu.memory_space<vmem>>, vector<16xf32>,
      %get3A_547 = arith.constant 0 : i32
      %get3A_548 = arith.index_cast %get3A_547 : i32 to index
      %get3A_549 = arith.constant 112 : index
      %get3A_550 = tpu.vector_load %arg13[%get3A_548, %get3A_549] {strides = array<i32>} : memref<13x128xf32, #tpu.memory_space<vmem>>, vector<16xf32>,
      %scan3A_551 = arith.constant 0 : i32
      %scan3A_552 = arith.constant 0 : i32
      %scan3A_553 = arith.constant 4 : i32
      %scan3A_554 = arith.addi %scan3A_552, %scan3A_553 : i32
      %scan3A_555 = arith.constant 1 : i32
      %scan3A_556 = scf.for %scan3A_1467 = %scan3A_552 to %scan3A_554 step %scan3A_555 iter_args(%scan3A_1468 = %scan3A_551) -> (i32)  : i32 {
        %mul3A_1469 = arith.constant 4 : i32
        %mul3A_1470 = arith.muli %scan3A_473, %mul3A_1469 : i32
        %add3A_1471 = arith.addi %mul3A_1470, %scan3A_1467 : i32
        %mul3A_1472 = arith.constant 13 : i32
        %mul3A_1473 = arith.muli %add3A_1471, %mul3A_1472 : i32
        %add3A_1474 = arith.constant 0 : i32
        %add3A_1475 = arith.addi %mul3A_1473, %add3A_1474 : i32
        %broadcast_in_dim3A = vector.broadcast %add3A_1475 : i32 to vector<16xi32>
        %gather3A = tpu.vector_load_idx %arg11[%broadcast_in_dim3A] : memref<6656xf32, #tpu.memory_space<vmem>>[vector<16xi32>], vector<16xf32>,
        %mul3A_1476 = arith.mulf %gather3A, %get3A_490 : vector<16xf32>
        %add3A_1477 = arith.addf %mul3A_1476, %get3A_522 : vector<16xf32>
        %swap3A = arith.constant 1 : i32
        %swap3A_1478 = arith.index_cast %rem3A_475 : i32 to index
        %swap3A_1479 = arith.index_cast %scan3A_1467 : i32 to index
        %swap3A_1480 = arith.index_cast %swap3A : i32 to index
        %swap3A_1481 = arith.constant 0 : index
        %swap3A_1482 = tpu.vector_load %arg10[%swap3A_1478, %swap3A_1479, %swap3A_1480, %swap3A_1481] {strides = array<i32>} : memref<5x4x40x128xf32, #tpu.memory_space<vmem>>, vector<16xf32>,
        tpu.vector_store %arg10[%swap3A_1478, %swap3A_1479, %swap3A_1480, %swap3A_1481], %add3A_1477 {strides = array<i32>} : memref<5x4x40x128xf32, #tpu.memory_space<vmem>>, vector<16xf32>,
        %mul3A_1483 = arith.mulf %gather3A, %get3A_494 : vector<16xf32>
        %add3A_1484 = arith.addf %mul3A_1483, %get3A_526 : vector<16xf32>
        %swap3A_1485 = arith.constant 1 : i32
        %swap3A_1486 = arith.index_cast %rem3A_475 : i32 to index
        %swap3A_1487 = arith.index_cast %scan3A_1467 : i32 to index
        %swap3A_1488 = arith.index_cast %swap3A_1485 : i32 to index
        %swap3A_1489 = arith.constant 16 : index
        %swap3A_1490 = tpu.vector_load %arg10[%swap3A_1486, %swap3A_1487, %swap3A_1488, %swap3A_1489] {strides = array<i32>} : memref<5x4x40x128xf32, #tpu.memory_space<vmem>>, vector<16xf32>,
        tpu.vector_store %arg10[%swap3A_1486, %swap3A_1487, %swap3A_1488, %swap3A_1489], %add3A_1484 {strides = array<i32>} : memref<5x4x40x128xf32, #tpu.memory_space<vmem>>, vector<16xf32>,
        %mul3A_1491 = arith.mulf %gather3A, %get3A_498 : vector<16xf32>
        %add3A_1492 = arith.addf %mul3A_1491, %get3A_530 : vector<16xf32>
        %swap3A_1493 = arith.constant 1 : i32
        %swap3A_1494 = arith.index_cast %rem3A_475 : i32 to index
        %swap3A_1495 = arith.index_cast %scan3A_1467 : i32 to index
        %swap3A_1496 = arith.index_cast %swap3A_1493 : i32 to index
        %swap3A_1497 = arith.constant 32 : index
        %swap3A_1498 = tpu.vector_load %arg10[%swap3A_1494, %swap3A_1495, %swap3A_1496, %swap3A_1497] {strides = array<i32>} : memref<5x4x40x128xf32, #tpu.memory_space<vmem>>, vector<16xf32>,
        tpu.vector_store %arg10[%swap3A_1494, %swap3A_1495, %swap3A_1496, %swap3A_1497], %add3A_1492 {strides = array<i32>} : memref<5x4x40x128xf32, #tpu.memory_space<vmem>>, vector<16xf32>,
        %mul3A_1499 = arith.mulf %gather3A, %get3A_502 : vector<16xf32>
        %add3A_1500 = arith.addf %mul3A_1499, %get3A_534 : vector<16xf32>
        %swap3A_1501 = arith.constant 1 : i32
        %swap3A_1502 = arith.index_cast %rem3A_475 : i32 to index
        %swap3A_1503 = arith.index_cast %scan3A_1467 : i32 to index
        %swap3A_1504 = arith.index_cast %swap3A_1501 : i32 to index
        %swap3A_1505 = arith.constant 48 : index
        %swap3A_1506 = tpu.vector_load %arg10[%swap3A_1502, %swap3A_1503, %swap3A_1504, %swap3A_1505] {strides = array<i32>} : memref<5x4x40x128xf32, #tpu.memory_space<vmem>>, vector<16xf32>,
        tpu.vector_store %arg10[%swap3A_1502, %swap3A_1503, %swap3A_1504, %swap3A_1505], %add3A_1500 {strides = array<i32>} : memref<5x4x40x128xf32, #tpu.memory_space<vmem>>, vector<16xf32>,
        %mul3A_1507 = arith.mulf %gather3A, %get3A_506 : vector<16xf32>
        %add3A_1508 = arith.addf %mul3A_1507, %get3A_538 : vector<16xf32>
        %swap3A_1509 = arith.constant 1 : i32
        %swap3A_1510 = arith.index_cast %rem3A_475 : i32 to index
        %swap3A_1511 = arith.index_cast %scan3A_1467 : i32 to index
        %swap3A_1512 = arith.index_cast %swap3A_1509 : i32 to index
        %swap3A_1513 = arith.constant 64 : index
        %swap3A_1514 = tpu.vector_load %arg10[%swap3A_1510, %swap3A_1511, %swap3A_1512, %swap3A_1513] {strides = array<i32>} : memref<5x4x40x128xf32, #tpu.memory_space<vmem>>, vector<16xf32>,
        tpu.vector_store %arg10[%swap3A_1510, %swap3A_1511, %swap3A_1512, %swap3A_1513], %add3A_1508 {strides = array<i32>} : memref<5x4x40x128xf32, #tpu.memory_space<vmem>>, vector<16xf32>,
        %mul3A_1515 = arith.mulf %gather3A, %get3A_510 : vector<16xf32>
        %add3A_1516 = arith.addf %mul3A_1515, %get3A_542 : vector<16xf32>
        %swap3A_1517 = arith.constant 1 : i32
        %swap3A_1518 = arith.index_cast %rem3A_475 : i32 to index
        %swap3A_1519 = arith.index_cast %scan3A_1467 : i32 to index
        %swap3A_1520 = arith.index_cast %swap3A_1517 : i32 to index
        %swap3A_1521 = arith.constant 80 : index
        %swap3A_1522 = tpu.vector_load %arg10[%swap3A_1518, %swap3A_1519, %swap3A_1520, %swap3A_1521] {strides = array<i32>} : memref<5x4x40x128xf32, #tpu.memory_space<vmem>>, vector<16xf32>,
        tpu.vector_store %arg10[%swap3A_1518, %swap3A_1519, %swap3A_1520, %swap3A_1521], %add3A_1516 {strides = array<i32>} : memref<5x4x40x128xf32, #tpu.memory_space<vmem>>, vector<16xf32>,
        %mul3A_1523 = arith.mulf %gather3A, %get3A_514 : vector<16xf32>
        %add3A_1524 = arith.addf %mul3A_1523, %get3A_546 : vector<16xf32>
        %swap3A_1525 = arith.constant 1 : i32
        %swap3A_1526 = arith.index_cast %rem3A_475 : i32 to index
        %swap3A_1527 = arith.index_cast %scan3A_1467 : i32 to index
        %swap3A_1528 = arith.index_cast %swap3A_1525 : i32 to index
        %swap3A_1529 = arith.constant 96 : index
        %swap3A_1530 = tpu.vector_load %arg10[%swap3A_1526, %swap3A_1527, %swap3A_1528, %swap3A_1529] {strides = array<i32>} : memref<5x4x40x128xf32, #tpu.memory_space<vmem>>, vector<16xf32>,
        tpu.vector_store %arg10[%swap3A_1526, %swap3A_1527, %swap3A_1528, %swap3A_1529], %add3A_1524 {strides = array<i32>} : memref<5x4x40x128xf32, #tpu.memory_space<vmem>>, vector<16xf32>,
        %mul3A_1531 = arith.mulf %gather3A, %get3A_518 : vector<16xf32>
        %add3A_1532 = arith.addf %mul3A_1531, %get3A_550 : vector<16xf32>
        %swap3A_1533 = arith.constant 1 : i32
        %swap3A_1534 = arith.index_cast %rem3A_475 : i32 to index
        %swap3A_1535 = arith.index_cast %scan3A_1467 : i32 to index
        %swap3A_1536 = arith.index_cast %swap3A_1533 : i32 to index
        %swap3A_1537 = arith.constant 112 : index
        %swap3A_1538 = tpu.vector_load %arg10[%swap3A_1534, %swap3A_1535, %swap3A_1536, %swap3A_1537] {strides = array<i32>} : memref<5x4x40x128xf32, #tpu.memory_space<vmem>>, vector<16xf32>,
        tpu.vector_store %arg10[%swap3A_1534, %swap3A_1535, %swap3A_1536, %swap3A_1537], %add3A_1532 {strides = array<i32>} : memref<5x4x40x128xf32, #tpu.memory_space<vmem>>, vector<16xf32>,
        %scan3A_1539 = arith.constant 0 : i32
        scf.yield %scan3A_1539 : i32
      }
      %scan3A_557 = arith.constant 4 : i32
      %get3A_558 = arith.constant 1 : i32
      %get3A_559 = arith.index_cast %get3A_558 : i32 to index
      %get3A_560 = arith.constant 0 : index
      %get3A_561 = tpu.vector_load %arg12[%get3A_559, %get3A_560] {strides = array<i32>} : memref<13x128xf32, #tpu.memory_space<vmem>>, vector<16xf32>,
      %get3A_562 = arith.constant 1 : i32
      %get3A_563 = arith.index_cast %get3A_562 : i32 to index
      %get3A_564 = arith.constant 16 : index
      %get3A_565 = tpu.vector_load %arg12[%get3A_563, %get3A_564] {strides = array<i32>} : memref<13x128xf32, #tpu.memory_space<vmem>>, vector<16xf32>,
      %get3A_566 = arith.constant 1 : i32
      %get3A_567 = arith.index_cast %get3A_566 : i32 to index
      %get3A_568 = arith.constant 32 : index
      %get3A_569 = tpu.vector_load %arg12[%get3A_567, %get3A_568] {strides = array<i32>} : memref<13x128xf32, #tpu.memory_space<vmem>>, vector<16xf32>,
      %get3A_570 = arith.constant 1 : i32
      %get3A_571 = arith.index_cast %get3A_570 : i32 to index
      %get3A_572 = arith.constant 48 : index
      %get3A_573 = tpu.vector_load %arg12[%get3A_571, %get3A_572] {strides = array<i32>} : memref<13x128xf32, #tpu.memory_space<vmem>>, vector<16xf32>,
      %get3A_574 = arith.constant 1 : i32
      %get3A_575 = arith.index_cast %get3A_574 : i32 to index
      %get3A_576 = arith.constant 64 : index
      %get3A_577 = tpu.vector_load %arg12[%get3A_575, %get3A_576] {strides = array<i32>} : memref<13x128xf32, #tpu.memory_space<vmem>>, vector<16xf32>,
      %get3A_578 = arith.constant 1 : i32
      %get3A_579 = arith.index_cast %get3A_578 : i32 to index
      %get3A_580 = arith.constant 80 : index
      %get3A_581 = tpu.vector_load %arg12[%get3A_579, %get3A_580] {strides = array<i32>} : memref<13x128xf32, #tpu.memory_space<vmem>>, vector<16xf32>,
      %get3A_582 = arith.constant 1 : i32
      %get3A_583 = arith.index_cast %get3A_582 : i32 to index
      %get3A_584 = arith.constant 96 : index
      %get3A_585 = tpu.vector_load %arg12[%get3A_583, %get3A_584] {strides = array<i32>} : memref<13x128xf32, #tpu.memory_space<vmem>>, vector<16xf32>,
      %get3A_586 = arith.constant 1 : i32
      %get3A_587 = arith.index_cast %get3A_586 : i32 to index
      %get3A_588 = arith.constant 112 : index
      %get3A_589 = tpu.vector_load %arg12[%get3A_587, %get3A_588] {strides = array<i32>} : memref<13x128xf32, #tpu.memory_space<vmem>>, vector<16xf32>,
      %get3A_590 = arith.constant 1 : i32
      %get3A_591 = arith.index_cast %get3A_590 : i32 to index
      %get3A_592 = arith.constant 0 : index
      %get3A_593 = tpu.vector_load %arg13[%get3A_591, %get3A_592] {strides = array<i32>} : memref<13x128xf32, #tpu.memory_space<vmem>>, vector<16xf32>,
      %get3A_594 = arith.constant 1 : i32
      %get3A_595 = arith.index_cast %get3A_594 : i32 to index
      %get3A_596 = arith.constant 16 : index
      %get3A_597 = tpu.vector_load %arg13[%get3A_595, %get3A_596] {strides = array<i32>} : memref<13x128xf32, #tpu.memory_space<vmem>>, vector<16xf32>,
      %get3A_598 = arith.constant 1 : i32
      %get3A_599 = arith.index_cast %get3A_598 : i32 to index
      %get3A_600 = arith.constant 32 : index
      %get3A_601 = tpu.vector_load %arg13[%get3A_599, %get3A_600] {strides = array<i32>} : memref<13x128xf32, #tpu.memory_space<vmem>>, vector<16xf32>,
      %get3A_602 = arith.constant 1 : i32
      %get3A_603 = arith.index_cast %get3A_602 : i32 to index
      %get3A_604 = arith.constant 48 : index
      %get3A_605 = tpu.vector_load %arg13[%get3A_603, %get3A_604] {strides = array<i32>} : memref<13x128xf32, #tpu.memory_space<vmem>>, vector<16xf32>,
      %get3A_606 = arith.constant 1 : i32
      %get3A_607 = arith.index_cast %get3A_606 : i32 to index
      %get3A_608 = arith.constant 64 : index
      %get3A_609 = tpu.vector_load %arg13[%get3A_607, %get3A_608] {strides = array<i32>} : memref<13x128xf32, #tpu.memory_space<vmem>>, vector<16xf32>,
      %get3A_610 = arith.constant 1 : i32
      %get3A_611 = arith.index_cast %get3A_610 : i32 to index
      %get3A_612 = arith.constant 80 : index
      %get3A_613 = tpu.vector_load %arg13[%get3A_611, %get3A_612] {strides = array<i32>} : memref<13x128xf32, #tpu.memory_space<vmem>>, vector<16xf32>,
      %get3A_614 = arith.constant 1 : i32
      %get3A_615 = arith.index_cast %get3A_614 : i32 to index
      %get3A_616 = arith.constant 96 : index
      %get3A_617 = tpu.vector_load %arg13[%get3A_615, %get3A_616] {strides = array<i32>} : memref<13x128xf32, #tpu.memory_space<vmem>>, vector<16xf32>,
      %get3A_618 = arith.constant 1 : i32
      %get3A_619 = arith.index_cast %get3A_618 : i32 to index
      %get3A_620 = arith.constant 112 : index
      %get3A_621 = tpu.vector_load %arg13[%get3A_619, %get3A_620] {strides = array<i32>} : memref<13x128xf32, #tpu.memory_space<vmem>>, vector<16xf32>,
      %scan3A_622 = arith.constant 0 : i32
      %scan3A_623 = arith.constant 0 : i32
      %scan3A_624 = arith.constant 4 : i32
      %scan3A_625 = arith.addi %scan3A_623, %scan3A_624 : i32
      %scan3A_626 = arith.constant 1 : i32
      %scan3A_627 = scf.for %scan3A_1467 = %scan3A_623 to %scan3A_625 step %scan3A_626 iter_args(%scan3A_1468 = %scan3A_622) -> (i32)  : i32 {
        %mul3A_1469 = arith.constant 4 : i32
        %mul3A_1470 = arith.muli %scan3A_473, %mul3A_1469 : i32
        %add3A_1471 = arith.addi %mul3A_1470, %scan3A_1467 : i32
        %mul3A_1472 = arith.constant 13 : i32
        %mul3A_1473 = arith.muli %add3A_1471, %mul3A_1472 : i32
        %add3A_1474 = arith.constant 1 : i32
        %add3A_1475 = arith.addi %mul3A_1473, %add3A_1474 : i32
        %broadcast_in_dim3A = vector.broadcast %add3A_1475 : i32 to vector<16xi32>
        %gather3A = tpu.vector_load_idx %arg11[%broadcast_in_dim3A] : memref<6656xf32, #tpu.memory_space<vmem>>[vector<16xi32>], vector<16xf32>,
        %mul3A_1476 = arith.mulf %gather3A, %get3A_561 : vector<16xf32>
        %add3A_1477 = arith.addf %mul3A_1476, %get3A_593 : vector<16xf32>
        %swap3A = arith.constant 2 : i32
        %swap3A_1478 = arith.index_cast %rem3A_475 : i32 to index
        %swap3A_1479 = arith.index_cast %scan3A_1467 : i32 to index
        %swap3A_1480 = arith.index_cast %swap3A : i32 to index
        %swap3A_1481 = arith.constant 0 : index
        %swap3A_1482 = tpu.vector_load %arg10[%swap3A_1478, %swap3A_1479, %swap3A_1480, %swap3A_1481] {strides = array<i32>} : memref<5x4x40x128xf32, #tpu.memory_space<vmem>>, vector<16xf32>,
        tpu.vector_store %arg10[%swap3A_1478, %swap3A_1479, %swap3A_1480, %swap3A_1481], %add3A_1477 {strides = array<i32>} : memref<5x4x40x128xf32, #tpu.memory_space<vmem>>, vector<16xf32>,
        %mul3A_1483 = arith.mulf %gather3A, %get3A_565 : vector<16xf32>
        %add3A_1484 = arith.addf %mul3A_1483, %get3A_597 : vector<16xf32>
        %swap3A_1485 = arith.constant 2 : i32
        %swap3A_1486 = arith.index_cast %rem3A_475 : i32 to index
        %swap3A_1487 = arith.index_cast %scan3A_1467 : i32 to index
        %swap3A_1488 = arith.index_cast %swap3A_1485 : i32 to index
        %swap3A_1489 = arith.constant 16 : index
        %swap3A_1490 = tpu.vector_load %arg10[%swap3A_1486, %swap3A_1487, %swap3A_1488, %swap3A_1489] {strides = array<i32>} : memref<5x4x40x128xf32, #tpu.memory_space<vmem>>, vector<16xf32>,
        tpu.vector_store %arg10[%swap3A_1486, %swap3A_1487, %swap3A_1488, %swap3A_1489], %add3A_1484 {strides = array<i32>} : memref<5x4x40x128xf32, #tpu.memory_space<vmem>>, vector<16xf32>,
        %mul3A_1491 = arith.mulf %gather3A, %get3A_569 : vector<16xf32>
        %add3A_1492 = arith.addf %mul3A_1491, %get3A_601 : vector<16xf32>
        %swap3A_1493 = arith.constant 2 : i32
        %swap3A_1494 = arith.index_cast %rem3A_475 : i32 to index
        %swap3A_1495 = arith.index_cast %scan3A_1467 : i32 to index
        %swap3A_1496 = arith.index_cast %swap3A_1493 : i32 to index
        %swap3A_1497 = arith.constant 32 : index
        %swap3A_1498 = tpu.vector_load %arg10[%swap3A_1494, %swap3A_1495, %swap3A_1496, %swap3A_1497] {strides = array<i32>} : memref<5x4x40x128xf32, #tpu.memory_space<vmem>>, vector<16xf32>,
        tpu.vector_store %arg10[%swap3A_1494, %swap3A_1495, %swap3A_1496, %swap3A_1497], %add3A_1492 {strides = array<i32>} : memref<5x4x40x128xf32, #tpu.memory_space<vmem>>, vector<16xf32>,
        %mul3A_1499 = arith.mulf %gather3A, %get3A_573 : vector<16xf32>
        %add3A_1500 = arith.addf %mul3A_1499, %get3A_605 : vector<16xf32>
        %swap3A_1501 = arith.constant 2 : i32
        %swap3A_1502 = arith.index_cast %rem3A_475 : i32 to index
        %swap3A_1503 = arith.index_cast %scan3A_1467 : i32 to index
        %swap3A_1504 = arith.index_cast %swap3A_1501 : i32 to index
        %swap3A_1505 = arith.constant 48 : index
        %swap3A_1506 = tpu.vector_load %arg10[%swap3A_1502, %swap3A_1503, %swap3A_1504, %swap3A_1505] {strides = array<i32>} : memref<5x4x40x128xf32, #tpu.memory_space<vmem>>, vector<16xf32>,
        tpu.vector_store %arg10[%swap3A_1502, %swap3A_1503, %swap3A_1504, %swap3A_1505], %add3A_1500 {strides = array<i32>} : memref<5x4x40x128xf32, #tpu.memory_space<vmem>>, vector<16xf32>,
        %mul3A_1507 = arith.mulf %gather3A, %get3A_577 : vector<16xf32>
        %add3A_1508 = arith.addf %mul3A_1507, %get3A_609 : vector<16xf32>
        %swap3A_1509 = arith.constant 2 : i32
        %swap3A_1510 = arith.index_cast %rem3A_475 : i32 to index
        %swap3A_1511 = arith.index_cast %scan3A_1467 : i32 to index
        %swap3A_1512 = arith.index_cast %swap3A_1509 : i32 to index
        %swap3A_1513 = arith.constant 64 : index
        %swap3A_1514 = tpu.vector_load %arg10[%swap3A_1510, %swap3A_1511, %swap3A_1512, %swap3A_1513] {strides = array<i32>} : memref<5x4x40x128xf32, #tpu.memory_space<vmem>>, vector<16xf32>,
        tpu.vector_store %arg10[%swap3A_1510, %swap3A_1511, %swap3A_1512, %swap3A_1513], %add3A_1508 {strides = array<i32>} : memref<5x4x40x128xf32, #tpu.memory_space<vmem>>, vector<16xf32>,
        %mul3A_1515 = arith.mulf %gather3A, %get3A_581 : vector<16xf32>
        %add3A_1516 = arith.addf %mul3A_1515, %get3A_613 : vector<16xf32>
        %swap3A_1517 = arith.constant 2 : i32
        %swap3A_1518 = arith.index_cast %rem3A_475 : i32 to index
        %swap3A_1519 = arith.index_cast %scan3A_1467 : i32 to index
        %swap3A_1520 = arith.index_cast %swap3A_1517 : i32 to index
        %swap3A_1521 = arith.constant 80 : index
        %swap3A_1522 = tpu.vector_load %arg10[%swap3A_1518, %swap3A_1519, %swap3A_1520, %swap3A_1521] {strides = array<i32>} : memref<5x4x40x128xf32, #tpu.memory_space<vmem>>, vector<16xf32>,
        tpu.vector_store %arg10[%swap3A_1518, %swap3A_1519, %swap3A_1520, %swap3A_1521], %add3A_1516 {strides = array<i32>} : memref<5x4x40x128xf32, #tpu.memory_space<vmem>>, vector<16xf32>,
        %mul3A_1523 = arith.mulf %gather3A, %get3A_585 : vector<16xf32>
        %add3A_1524 = arith.addf %mul3A_1523, %get3A_617 : vector<16xf32>
        %swap3A_1525 = arith.constant 2 : i32
        %swap3A_1526 = arith.index_cast %rem3A_475 : i32 to index
        %swap3A_1527 = arith.index_cast %scan3A_1467 : i32 to index
        %swap3A_1528 = arith.index_cast %swap3A_1525 : i32 to index
        %swap3A_1529 = arith.constant 96 : index
        %swap3A_1530 = tpu.vector_load %arg10[%swap3A_1526, %swap3A_1527, %swap3A_1528, %swap3A_1529] {strides = array<i32>} : memref<5x4x40x128xf32, #tpu.memory_space<vmem>>, vector<16xf32>,
        tpu.vector_store %arg10[%swap3A_1526, %swap3A_1527, %swap3A_1528, %swap3A_1529], %add3A_1524 {strides = array<i32>} : memref<5x4x40x128xf32, #tpu.memory_space<vmem>>, vector<16xf32>,
        %mul3A_1531 = arith.mulf %gather3A, %get3A_589 : vector<16xf32>
        %add3A_1532 = arith.addf %mul3A_1531, %get3A_621 : vector<16xf32>
        %swap3A_1533 = arith.constant 2 : i32
        %swap3A_1534 = arith.index_cast %rem3A_475 : i32 to index
        %swap3A_1535 = arith.index_cast %scan3A_1467 : i32 to index
        %swap3A_1536 = arith.index_cast %swap3A_1533 : i32 to index
        %swap3A_1537 = arith.constant 112 : index
        %swap3A_1538 = tpu.vector_load %arg10[%swap3A_1534, %swap3A_1535, %swap3A_1536, %swap3A_1537] {strides = array<i32>} : memref<5x4x40x128xf32, #tpu.memory_space<vmem>>, vector<16xf32>,
        tpu.vector_store %arg10[%swap3A_1534, %swap3A_1535, %swap3A_1536, %swap3A_1537], %add3A_1532 {strides = array<i32>} : memref<5x4x40x128xf32, #tpu.memory_space<vmem>>, vector<16xf32>,
        %scan3A_1539 = arith.constant 0 : i32
        scf.yield %scan3A_1539 : i32
      }
      %scan3A_628 = arith.constant 4 : i32
      %get3A_629 = arith.constant 2 : i32
      %get3A_630 = arith.index_cast %get3A_629 : i32 to index
      %get3A_631 = arith.constant 0 : index
      %get3A_632 = tpu.vector_load %arg12[%get3A_630, %get3A_631] {strides = array<i32>} : memref<13x128xf32, #tpu.memory_space<vmem>>, vector<16xf32>,
      %get3A_633 = arith.constant 2 : i32
      %get3A_634 = arith.index_cast %get3A_633 : i32 to index
      %get3A_635 = arith.constant 16 : index
      %get3A_636 = tpu.vector_load %arg12[%get3A_634, %get3A_635] {strides = array<i32>} : memref<13x128xf32, #tpu.memory_space<vmem>>, vector<16xf32>,
      %get3A_637 = arith.constant 2 : i32
      %get3A_638 = arith.index_cast %get3A_637 : i32 to index
      %get3A_639 = arith.constant 32 : index
      %get3A_640 = tpu.vector_load %arg12[%get3A_638, %get3A_639] {strides = array<i32>} : memref<13x128xf32, #tpu.memory_space<vmem>>, vector<16xf32>,
      %get3A_641 = arith.constant 2 : i32
      %get3A_642 = arith.index_cast %get3A_641 : i32 to index
      %get3A_643 = arith.constant 48 : index
      %get3A_644 = tpu.vector_load %arg12[%get3A_642, %get3A_643] {strides = array<i32>} : memref<13x128xf32, #tpu.memory_space<vmem>>, vector<16xf32>,
      %get3A_645 = arith.constant 2 : i32
      %get3A_646 = arith.index_cast %get3A_645 : i32 to index
      %get3A_647 = arith.constant 64 : index
      %get3A_648 = tpu.vector_load %arg12[%get3A_646, %get3A_647] {strides = array<i32>} : memref<13x128xf32, #tpu.memory_space<vmem>>, vector<16xf32>,
      %get3A_649 = arith.constant 2 : i32
      %get3A_650 = arith.index_cast %get3A_649 : i32 to index
      %get3A_651 = arith.constant 80 : index
      %get3A_652 = tpu.vector_load %arg12[%get3A_650, %get3A_651] {strides = array<i32>} : memref<13x128xf32, #tpu.memory_space<vmem>>, vector<16xf32>,
      %get3A_653 = arith.constant 2 : i32
      %get3A_654 = arith.index_cast %get3A_653 : i32 to index
      %get3A_655 = arith.constant 96 : index
      %get3A_656 = tpu.vector_load %arg12[%get3A_654, %get3A_655] {strides = array<i32>} : memref<13x128xf32, #tpu.memory_space<vmem>>, vector<16xf32>,
      %get3A_657 = arith.constant 2 : i32
      %get3A_658 = arith.index_cast %get3A_657 : i32 to index
      %get3A_659 = arith.constant 112 : index
      %get3A_660 = tpu.vector_load %arg12[%get3A_658, %get3A_659] {strides = array<i32>} : memref<13x128xf32, #tpu.memory_space<vmem>>, vector<16xf32>,
      %get3A_661 = arith.constant 2 : i32
      %get3A_662 = arith.index_cast %get3A_661 : i32 to index
      %get3A_663 = arith.constant 0 : index
      %get3A_664 = tpu.vector_load %arg13[%get3A_662, %get3A_663] {strides = array<i32>} : memref<13x128xf32, #tpu.memory_space<vmem>>, vector<16xf32>,
      %get3A_665 = arith.constant 2 : i32
      %get3A_666 = arith.index_cast %get3A_665 : i32 to index
      %get3A_667 = arith.constant 16 : index
      %get3A_668 = tpu.vector_load %arg13[%get3A_666, %get3A_667] {strides = array<i32>} : memref<13x128xf32, #tpu.memory_space<vmem>>, vector<16xf32>,
      %get3A_669 = arith.constant 2 : i32
      %get3A_670 = arith.index_cast %get3A_669 : i32 to index
      %get3A_671 = arith.constant 32 : index
      %get3A_672 = tpu.vector_load %arg13[%get3A_670, %get3A_671] {strides = array<i32>} : memref<13x128xf32, #tpu.memory_space<vmem>>, vector<16xf32>,
      %get3A_673 = arith.constant 2 : i32
      %get3A_674 = arith.index_cast %get3A_673 : i32 to index
      %get3A_675 = arith.constant 48 : index
      %get3A_676 = tpu.vector_load %arg13[%get3A_674, %get3A_675] {strides = array<i32>} : memref<13x128xf32, #tpu.memory_space<vmem>>, vector<16xf32>,
      %get3A_677 = arith.constant 2 : i32
      %get3A_678 = arith.index_cast %get3A_677 : i32 to index
      %get3A_679 = arith.constant 64 : index
      %get3A_680 = tpu.vector_load %arg13[%get3A_678, %get3A_679] {strides = array<i32>} : memref<13x128xf32, #tpu.memory_space<vmem>>, vector<16xf32>,
      %get3A_681 = arith.constant 2 : i32
      %get3A_682 = arith.index_cast %get3A_681 : i32 to index
      %get3A_683 = arith.constant 80 : index
      %get3A_684 = tpu.vector_load %arg13[%get3A_682, %get3A_683] {strides = array<i32>} : memref<13x128xf32, #tpu.memory_space<vmem>>, vector<16xf32>,
      %get3A_685 = arith.constant 2 : i32
      %get3A_686 = arith.index_cast %get3A_685 : i32 to index
      %get3A_687 = arith.constant 96 : index
      %get3A_688 = tpu.vector_load %arg13[%get3A_686, %get3A_687] {strides = array<i32>} : memref<13x128xf32, #tpu.memory_space<vmem>>, vector<16xf32>,
      %get3A_689 = arith.constant 2 : i32
      %get3A_690 = arith.index_cast %get3A_689 : i32 to index
      %get3A_691 = arith.constant 112 : index
      %get3A_692 = tpu.vector_load %arg13[%get3A_690, %get3A_691] {strides = array<i32>} : memref<13x128xf32, #tpu.memory_space<vmem>>, vector<16xf32>,
      %scan3A_693 = arith.constant 0 : i32
      %scan3A_694 = arith.constant 0 : i32
      %scan3A_695 = arith.constant 4 : i32
      %scan3A_696 = arith.addi %scan3A_694, %scan3A_695 : i32
      %scan3A_697 = arith.constant 1 : i32
      %scan3A_698 = scf.for %scan3A_1467 = %scan3A_694 to %scan3A_696 step %scan3A_697 iter_args(%scan3A_1468 = %scan3A_693) -> (i32)  : i32 {
        %mul3A_1469 = arith.constant 4 : i32
        %mul3A_1470 = arith.muli %scan3A_473, %mul3A_1469 : i32
        %add3A_1471 = arith.addi %mul3A_1470, %scan3A_1467 : i32
        %mul3A_1472 = arith.constant 13 : i32
        %mul3A_1473 = arith.muli %add3A_1471, %mul3A_1472 : i32
        %add3A_1474 = arith.constant 2 : i32
        %add3A_1475 = arith.addi %mul3A_1473, %add3A_1474 : i32
        %broadcast_in_dim3A = vector.broadcast %add3A_1475 : i32 to vector<16xi32>
        %gather3A = tpu.vector_load_idx %arg11[%broadcast_in_dim3A] : memref<6656xf32, #tpu.memory_space<vmem>>[vector<16xi32>], vector<16xf32>,
        %mul3A_1476 = arith.mulf %gather3A, %get3A_632 : vector<16xf32>
        %add3A_1477 = arith.addf %mul3A_1476, %get3A_664 : vector<16xf32>
        %swap3A = arith.constant 3 : i32
        %swap3A_1478 = arith.index_cast %rem3A_475 : i32 to index
        %swap3A_1479 = arith.index_cast %scan3A_1467 : i32 to index
        %swap3A_1480 = arith.index_cast %swap3A : i32 to index
        %swap3A_1481 = arith.constant 0 : index
        %swap3A_1482 = tpu.vector_load %arg10[%swap3A_1478, %swap3A_1479, %swap3A_1480, %swap3A_1481] {strides = array<i32>} : memref<5x4x40x128xf32, #tpu.memory_space<vmem>>, vector<16xf32>,
        tpu.vector_store %arg10[%swap3A_1478, %swap3A_1479, %swap3A_1480, %swap3A_1481], %add3A_1477 {strides = array<i32>} : memref<5x4x40x128xf32, #tpu.memory_space<vmem>>, vector<16xf32>,
        %mul3A_1483 = arith.mulf %gather3A, %get3A_636 : vector<16xf32>
        %add3A_1484 = arith.addf %mul3A_1483, %get3A_668 : vector<16xf32>
        %swap3A_1485 = arith.constant 3 : i32
        %swap3A_1486 = arith.index_cast %rem3A_475 : i32 to index
        %swap3A_1487 = arith.index_cast %scan3A_1467 : i32 to index
        %swap3A_1488 = arith.index_cast %swap3A_1485 : i32 to index
        %swap3A_1489 = arith.constant 16 : index
        %swap3A_1490 = tpu.vector_load %arg10[%swap3A_1486, %swap3A_1487, %swap3A_1488, %swap3A_1489] {strides = array<i32>} : memref<5x4x40x128xf32, #tpu.memory_space<vmem>>, vector<16xf32>,
        tpu.vector_store %arg10[%swap3A_1486, %swap3A_1487, %swap3A_1488, %swap3A_1489], %add3A_1484 {strides = array<i32>} : memref<5x4x40x128xf32, #tpu.memory_space<vmem>>, vector<16xf32>,
        %mul3A_1491 = arith.mulf %gather3A, %get3A_640 : vector<16xf32>
        %add3A_1492 = arith.addf %mul3A_1491, %get3A_672 : vector<16xf32>
        %swap3A_1493 = arith.constant 3 : i32
        %swap3A_1494 = arith.index_cast %rem3A_475 : i32 to index
        %swap3A_1495 = arith.index_cast %scan3A_1467 : i32 to index
        %swap3A_1496 = arith.index_cast %swap3A_1493 : i32 to index
        %swap3A_1497 = arith.constant 32 : index
        %swap3A_1498 = tpu.vector_load %arg10[%swap3A_1494, %swap3A_1495, %swap3A_1496, %swap3A_1497] {strides = array<i32>} : memref<5x4x40x128xf32, #tpu.memory_space<vmem>>, vector<16xf32>,
        tpu.vector_store %arg10[%swap3A_1494, %swap3A_1495, %swap3A_1496, %swap3A_1497], %add3A_1492 {strides = array<i32>} : memref<5x4x40x128xf32, #tpu.memory_space<vmem>>, vector<16xf32>,
        %mul3A_1499 = arith.mulf %gather3A, %get3A_644 : vector<16xf32>
        %add3A_1500 = arith.addf %mul3A_1499, %get3A_676 : vector<16xf32>
        %swap3A_1501 = arith.constant 3 : i32
        %swap3A_1502 = arith.index_cast %rem3A_475 : i32 to index
        %swap3A_1503 = arith.index_cast %scan3A_1467 : i32 to index
        %swap3A_1504 = arith.index_cast %swap3A_1501 : i32 to index
        %swap3A_1505 = arith.constant 48 : index
        %swap3A_1506 = tpu.vector_load %arg10[%swap3A_1502, %swap3A_1503, %swap3A_1504, %swap3A_1505] {strides = array<i32>} : memref<5x4x40x128xf32, #tpu.memory_space<vmem>>, vector<16xf32>,
        tpu.vector_store %arg10[%swap3A_1502, %swap3A_1503, %swap3A_1504, %swap3A_1505], %add3A_1500 {strides = array<i32>} : memref<5x4x40x128xf32, #tpu.memory_space<vmem>>, vector<16xf32>,
        %mul3A_1507 = arith.mulf %gather3A, %get3A_648 : vector<16xf32>
        %add3A_1508 = arith.addf %mul3A_1507, %get3A_680 : vector<16xf32>
        %swap3A_1509 = arith.constant 3 : i32
        %swap3A_1510 = arith.index_cast %rem3A_475 : i32 to index
        %swap3A_1511 = arith.index_cast %scan3A_1467 : i32 to index
        %swap3A_1512 = arith.index_cast %swap3A_1509 : i32 to index
        %swap3A_1513 = arith.constant 64 : index
        %swap3A_1514 = tpu.vector_load %arg10[%swap3A_1510, %swap3A_1511, %swap3A_1512, %swap3A_1513] {strides = array<i32>} : memref<5x4x40x128xf32, #tpu.memory_space<vmem>>, vector<16xf32>,
        tpu.vector_store %arg10[%swap3A_1510, %swap3A_1511, %swap3A_1512, %swap3A_1513], %add3A_1508 {strides = array<i32>} : memref<5x4x40x128xf32, #tpu.memory_space<vmem>>, vector<16xf32>,
        %mul3A_1515 = arith.mulf %gather3A, %get3A_652 : vector<16xf32>
        %add3A_1516 = arith.addf %mul3A_1515, %get3A_684 : vector<16xf32>
        %swap3A_1517 = arith.constant 3 : i32
        %swap3A_1518 = arith.index_cast %rem3A_475 : i32 to index
        %swap3A_1519 = arith.index_cast %scan3A_1467 : i32 to index
        %swap3A_1520 = arith.index_cast %swap3A_1517 : i32 to index
        %swap3A_1521 = arith.constant 80 : index
        %swap3A_1522 = tpu.vector_load %arg10[%swap3A_1518, %swap3A_1519, %swap3A_1520, %swap3A_1521] {strides = array<i32>} : memref<5x4x40x128xf32, #tpu.memory_space<vmem>>, vector<16xf32>,
        tpu.vector_store %arg10[%swap3A_1518, %swap3A_1519, %swap3A_1520, %swap3A_1521], %add3A_1516 {strides = array<i32>} : memref<5x4x40x128xf32, #tpu.memory_space<vmem>>, vector<16xf32>,
        %mul3A_1523 = arith.mulf %gather3A, %get3A_656 : vector<16xf32>
        %add3A_1524 = arith.addf %mul3A_1523, %get3A_688 : vector<16xf32>
        %swap3A_1525 = arith.constant 3 : i32
        %swap3A_1526 = arith.index_cast %rem3A_475 : i32 to index
        %swap3A_1527 = arith.index_cast %scan3A_1467 : i32 to index
        %swap3A_1528 = arith.index_cast %swap3A_1525 : i32 to index
        %swap3A_1529 = arith.constant 96 : index
        %swap3A_1530 = tpu.vector_load %arg10[%swap3A_1526, %swap3A_1527, %swap3A_1528, %swap3A_1529] {strides = array<i32>} : memref<5x4x40x128xf32, #tpu.memory_space<vmem>>, vector<16xf32>,
        tpu.vector_store %arg10[%swap3A_1526, %swap3A_1527, %swap3A_1528, %swap3A_1529], %add3A_1524 {strides = array<i32>} : memref<5x4x40x128xf32, #tpu.memory_space<vmem>>, vector<16xf32>,
        %mul3A_1531 = arith.mulf %gather3A, %get3A_660 : vector<16xf32>
        %add3A_1532 = arith.addf %mul3A_1531, %get3A_692 : vector<16xf32>
        %swap3A_1533 = arith.constant 3 : i32
        %swap3A_1534 = arith.index_cast %rem3A_475 : i32 to index
        %swap3A_1535 = arith.index_cast %scan3A_1467 : i32 to index
        %swap3A_1536 = arith.index_cast %swap3A_1533 : i32 to index
        %swap3A_1537 = arith.constant 112 : index
        %swap3A_1538 = tpu.vector_load %arg10[%swap3A_1534, %swap3A_1535, %swap3A_1536, %swap3A_1537] {strides = array<i32>} : memref<5x4x40x128xf32, #tpu.memory_space<vmem>>, vector<16xf32>,
        tpu.vector_store %arg10[%swap3A_1534, %swap3A_1535, %swap3A_1536, %swap3A_1537], %add3A_1532 {strides = array<i32>} : memref<5x4x40x128xf32, #tpu.memory_space<vmem>>, vector<16xf32>,
        %scan3A_1539 = arith.constant 0 : i32
        scf.yield %scan3A_1539 : i32
      }
      %scan3A_699 = arith.constant 4 : i32
      %get3A_700 = arith.constant 3 : i32
      %get3A_701 = arith.index_cast %get3A_700 : i32 to index
      %get3A_702 = arith.constant 0 : index
      %get3A_703 = tpu.vector_load %arg12[%get3A_701, %get3A_702] {strides = array<i32>} : memref<13x128xf32, #tpu.memory_space<vmem>>, vector<16xf32>,
      %get3A_704 = arith.constant 3 : i32
      %get3A_705 = arith.index_cast %get3A_704 : i32 to index
      %get3A_706 = arith.constant 16 : index
      %get3A_707 = tpu.vector_load %arg12[%get3A_705, %get3A_706] {strides = array<i32>} : memref<13x128xf32, #tpu.memory_space<vmem>>, vector<16xf32>,
      %get3A_708 = arith.constant 3 : i32
      %get3A_709 = arith.index_cast %get3A_708 : i32 to index
      %get3A_710 = arith.constant 32 : index
      %get3A_711 = tpu.vector_load %arg12[%get3A_709, %get3A_710] {strides = array<i32>} : memref<13x128xf32, #tpu.memory_space<vmem>>, vector<16xf32>,
      %get3A_712 = arith.constant 3 : i32
      %get3A_713 = arith.index_cast %get3A_712 : i32 to index
      %get3A_714 = arith.constant 48 : index
      %get3A_715 = tpu.vector_load %arg12[%get3A_713, %get3A_714] {strides = array<i32>} : memref<13x128xf32, #tpu.memory_space<vmem>>, vector<16xf32>,
      %get3A_716 = arith.constant 3 : i32
      %get3A_717 = arith.index_cast %get3A_716 : i32 to index
      %get3A_718 = arith.constant 64 : index
      %get3A_719 = tpu.vector_load %arg12[%get3A_717, %get3A_718] {strides = array<i32>} : memref<13x128xf32, #tpu.memory_space<vmem>>, vector<16xf32>,
      %get3A_720 = arith.constant 3 : i32
      %get3A_721 = arith.index_cast %get3A_720 : i32 to index
      %get3A_722 = arith.constant 80 : index
      %get3A_723 = tpu.vector_load %arg12[%get3A_721, %get3A_722] {strides = array<i32>} : memref<13x128xf32, #tpu.memory_space<vmem>>, vector<16xf32>,
      %get3A_724 = arith.constant 3 : i32
      %get3A_725 = arith.index_cast %get3A_724 : i32 to index
      %get3A_726 = arith.constant 96 : index
      %get3A_727 = tpu.vector_load %arg12[%get3A_725, %get3A_726] {strides = array<i32>} : memref<13x128xf32, #tpu.memory_space<vmem>>, vector<16xf32>,
      %get3A_728 = arith.constant 3 : i32
      %get3A_729 = arith.index_cast %get3A_728 : i32 to index
      %get3A_730 = arith.constant 112 : index
      %get3A_731 = tpu.vector_load %arg12[%get3A_729, %get3A_730] {strides = array<i32>} : memref<13x128xf32, #tpu.memory_space<vmem>>, vector<16xf32>,
      %get3A_732 = arith.constant 3 : i32
      %get3A_733 = arith.index_cast %get3A_732 : i32 to index
      %get3A_734 = arith.constant 0 : index
      %get3A_735 = tpu.vector_load %arg13[%get3A_733, %get3A_734] {strides = array<i32>} : memref<13x128xf32, #tpu.memory_space<vmem>>, vector<16xf32>,
      %get3A_736 = arith.constant 3 : i32
      %get3A_737 = arith.index_cast %get3A_736 : i32 to index
      %get3A_738 = arith.constant 16 : index
      %get3A_739 = tpu.vector_load %arg13[%get3A_737, %get3A_738] {strides = array<i32>} : memref<13x128xf32, #tpu.memory_space<vmem>>, vector<16xf32>,
      %get3A_740 = arith.constant 3 : i32
      %get3A_741 = arith.index_cast %get3A_740 : i32 to index
      %get3A_742 = arith.constant 32 : index
      %get3A_743 = tpu.vector_load %arg13[%get3A_741, %get3A_742] {strides = array<i32>} : memref<13x128xf32, #tpu.memory_space<vmem>>, vector<16xf32>,
      %get3A_744 = arith.constant 3 : i32
      %get3A_745 = arith.index_cast %get3A_744 : i32 to index
      %get3A_746 = arith.constant 48 : index
      %get3A_747 = tpu.vector_load %arg13[%get3A_745, %get3A_746] {strides = array<i32>} : memref<13x128xf32, #tpu.memory_space<vmem>>, vector<16xf32>,
      %get3A_748 = arith.constant 3 : i32
      %get3A_749 = arith.index_cast %get3A_748 : i32 to index
      %get3A_750 = arith.constant 64 : index
      %get3A_751 = tpu.vector_load %arg13[%get3A_749, %get3A_750] {strides = array<i32>} : memref<13x128xf32, #tpu.memory_space<vmem>>, vector<16xf32>,
      %get3A_752 = arith.constant 3 : i32
      %get3A_753 = arith.index_cast %get3A_752 : i32 to index
      %get3A_754 = arith.constant 80 : index
      %get3A_755 = tpu.vector_load %arg13[%get3A_753, %get3A_754] {strides = array<i32>} : memref<13x128xf32, #tpu.memory_space<vmem>>, vector<16xf32>,
      %get3A_756 = arith.constant 3 : i32
      %get3A_757 = arith.index_cast %get3A_756 : i32 to index
      %get3A_758 = arith.constant 96 : index
      %get3A_759 = tpu.vector_load %arg13[%get3A_757, %get3A_758] {strides = array<i32>} : memref<13x128xf32, #tpu.memory_space<vmem>>, vector<16xf32>,
      %get3A_760 = arith.constant 3 : i32
      %get3A_761 = arith.index_cast %get3A_760 : i32 to index
      %get3A_762 = arith.constant 112 : index
      %get3A_763 = tpu.vector_load %arg13[%get3A_761, %get3A_762] {strides = array<i32>} : memref<13x128xf32, #tpu.memory_space<vmem>>, vector<16xf32>,
      %scan3A_764 = arith.constant 0 : i32
      %scan3A_765 = arith.constant 0 : i32
      %scan3A_766 = arith.constant 4 : i32
      %scan3A_767 = arith.addi %scan3A_765, %scan3A_766 : i32
      %scan3A_768 = arith.constant 1 : i32
      %scan3A_769 = scf.for %scan3A_1467 = %scan3A_765 to %scan3A_767 step %scan3A_768 iter_args(%scan3A_1468 = %scan3A_764) -> (i32)  : i32 {
        %mul3A_1469 = arith.constant 4 : i32
        %mul3A_1470 = arith.muli %scan3A_473, %mul3A_1469 : i32
        %add3A_1471 = arith.addi %mul3A_1470, %scan3A_1467 : i32
        %mul3A_1472 = arith.constant 13 : i32
        %mul3A_1473 = arith.muli %add3A_1471, %mul3A_1472 : i32
        %add3A_1474 = arith.constant 3 : i32
        %add3A_1475 = arith.addi %mul3A_1473, %add3A_1474 : i32
        %broadcast_in_dim3A = vector.broadcast %add3A_1475 : i32 to vector<16xi32>
        %gather3A = tpu.vector_load_idx %arg11[%broadcast_in_dim3A] : memref<6656xf32, #tpu.memory_space<vmem>>[vector<16xi32>], vector<16xf32>,
        %mul3A_1476 = arith.mulf %gather3A, %get3A_703 : vector<16xf32>
        %add3A_1477 = arith.addf %mul3A_1476, %get3A_735 : vector<16xf32>
        %swap3A = arith.constant 4 : i32
        %swap3A_1478 = arith.index_cast %rem3A_475 : i32 to index
        %swap3A_1479 = arith.index_cast %scan3A_1467 : i32 to index
        %swap3A_1480 = arith.index_cast %swap3A : i32 to index
        %swap3A_1481 = arith.constant 0 : index
        %swap3A_1482 = tpu.vector_load %arg10[%swap3A_1478, %swap3A_1479, %swap3A_1480, %swap3A_1481] {strides = array<i32>} : memref<5x4x40x128xf32, #tpu.memory_space<vmem>>, vector<16xf32>,
        tpu.vector_store %arg10[%swap3A_1478, %swap3A_1479, %swap3A_1480, %swap3A_1481], %add3A_1477 {strides = array<i32>} : memref<5x4x40x128xf32, #tpu.memory_space<vmem>>, vector<16xf32>,
        %mul3A_1483 = arith.mulf %gather3A, %get3A_707 : vector<16xf32>
        %add3A_1484 = arith.addf %mul3A_1483, %get3A_739 : vector<16xf32>
        %swap3A_1485 = arith.constant 4 : i32
        %swap3A_1486 = arith.index_cast %rem3A_475 : i32 to index
        %swap3A_1487 = arith.index_cast %scan3A_1467 : i32 to index
        %swap3A_1488 = arith.index_cast %swap3A_1485 : i32 to index
        %swap3A_1489 = arith.constant 16 : index
        %swap3A_1490 = tpu.vector_load %arg10[%swap3A_1486, %swap3A_1487, %swap3A_1488, %swap3A_1489] {strides = array<i32>} : memref<5x4x40x128xf32, #tpu.memory_space<vmem>>, vector<16xf32>,
        tpu.vector_store %arg10[%swap3A_1486, %swap3A_1487, %swap3A_1488, %swap3A_1489], %add3A_1484 {strides = array<i32>} : memref<5x4x40x128xf32, #tpu.memory_space<vmem>>, vector<16xf32>,
        %mul3A_1491 = arith.mulf %gather3A, %get3A_711 : vector<16xf32>
        %add3A_1492 = arith.addf %mul3A_1491, %get3A_743 : vector<16xf32>
        %swap3A_1493 = arith.constant 4 : i32
        %swap3A_1494 = arith.index_cast %rem3A_475 : i32 to index
        %swap3A_1495 = arith.index_cast %scan3A_1467 : i32 to index
        %swap3A_1496 = arith.index_cast %swap3A_1493 : i32 to index
        %swap3A_1497 = arith.constant 32 : index
        %swap3A_1498 = tpu.vector_load %arg10[%swap3A_1494, %swap3A_1495, %swap3A_1496, %swap3A_1497] {strides = array<i32>} : memref<5x4x40x128xf32, #tpu.memory_space<vmem>>, vector<16xf32>,
        tpu.vector_store %arg10[%swap3A_1494, %swap3A_1495, %swap3A_1496, %swap3A_1497], %add3A_1492 {strides = array<i32>} : memref<5x4x40x128xf32, #tpu.memory_space<vmem>>, vector<16xf32>,
        %mul3A_1499 = arith.mulf %gather3A, %get3A_715 : vector<16xf32>
        %add3A_1500 = arith.addf %mul3A_1499, %get3A_747 : vector<16xf32>
        %swap3A_1501 = arith.constant 4 : i32
        %swap3A_1502 = arith.index_cast %rem3A_475 : i32 to index
        %swap3A_1503 = arith.index_cast %scan3A_1467 : i32 to index
        %swap3A_1504 = arith.index_cast %swap3A_1501 : i32 to index
        %swap3A_1505 = arith.constant 48 : index
        %swap3A_1506 = tpu.vector_load %arg10[%swap3A_1502, %swap3A_1503, %swap3A_1504, %swap3A_1505] {strides = array<i32>} : memref<5x4x40x128xf32, #tpu.memory_space<vmem>>, vector<16xf32>,
        tpu.vector_store %arg10[%swap3A_1502, %swap3A_1503, %swap3A_1504, %swap3A_1505], %add3A_1500 {strides = array<i32>} : memref<5x4x40x128xf32, #tpu.memory_space<vmem>>, vector<16xf32>,
        %mul3A_1507 = arith.mulf %gather3A, %get3A_719 : vector<16xf32>
        %add3A_1508 = arith.addf %mul3A_1507, %get3A_751 : vector<16xf32>
        %swap3A_1509 = arith.constant 4 : i32
        %swap3A_1510 = arith.index_cast %rem3A_475 : i32 to index
        %swap3A_1511 = arith.index_cast %scan3A_1467 : i32 to index
        %swap3A_1512 = arith.index_cast %swap3A_1509 : i32 to index
        %swap3A_1513 = arith.constant 64 : index
        %swap3A_1514 = tpu.vector_load %arg10[%swap3A_1510, %swap3A_1511, %swap3A_1512, %swap3A_1513] {strides = array<i32>} : memref<5x4x40x128xf32, #tpu.memory_space<vmem>>, vector<16xf32>,
        tpu.vector_store %arg10[%swap3A_1510, %swap3A_1511, %swap3A_1512, %swap3A_1513], %add3A_1508 {strides = array<i32>} : memref<5x4x40x128xf32, #tpu.memory_space<vmem>>, vector<16xf32>,
        %mul3A_1515 = arith.mulf %gather3A, %get3A_723 : vector<16xf32>
        %add3A_1516 = arith.addf %mul3A_1515, %get3A_755 : vector<16xf32>
        %swap3A_1517 = arith.constant 4 : i32
        %swap3A_1518 = arith.index_cast %rem3A_475 : i32 to index
        %swap3A_1519 = arith.index_cast %scan3A_1467 : i32 to index
        %swap3A_1520 = arith.index_cast %swap3A_1517 : i32 to index
        %swap3A_1521 = arith.constant 80 : index
        %swap3A_1522 = tpu.vector_load %arg10[%swap3A_1518, %swap3A_1519, %swap3A_1520, %swap3A_1521] {strides = array<i32>} : memref<5x4x40x128xf32, #tpu.memory_space<vmem>>, vector<16xf32>,
        tpu.vector_store %arg10[%swap3A_1518, %swap3A_1519, %swap3A_1520, %swap3A_1521], %add3A_1516 {strides = array<i32>} : memref<5x4x40x128xf32, #tpu.memory_space<vmem>>, vector<16xf32>,
        %mul3A_1523 = arith.mulf %gather3A, %get3A_727 : vector<16xf32>
        %add3A_1524 = arith.addf %mul3A_1523, %get3A_759 : vector<16xf32>
        %swap3A_1525 = arith.constant 4 : i32
        %swap3A_1526 = arith.index_cast %rem3A_475 : i32 to index
        %swap3A_1527 = arith.index_cast %scan3A_1467 : i32 to index
        %swap3A_1528 = arith.index_cast %swap3A_1525 : i32 to index
        %swap3A_1529 = arith.constant 96 : index
        %swap3A_1530 = tpu.vector_load %arg10[%swap3A_1526, %swap3A_1527, %swap3A_1528, %swap3A_1529] {strides = array<i32>} : memref<5x4x40x128xf32, #tpu.memory_space<vmem>>, vector<16xf32>,
        tpu.vector_store %arg10[%swap3A_1526, %swap3A_1527, %swap3A_1528, %swap3A_1529], %add3A_1524 {strides = array<i32>} : memref<5x4x40x128xf32, #tpu.memory_space<vmem>>, vector<16xf32>,
        %mul3A_1531 = arith.mulf %gather3A, %get3A_731 : vector<16xf32>
        %add3A_1532 = arith.addf %mul3A_1531, %get3A_763 : vector<16xf32>
        %swap3A_1533 = arith.constant 4 : i32
        %swap3A_1534 = arith.index_cast %rem3A_475 : i32 to index
        %swap3A_1535 = arith.index_cast %scan3A_1467 : i32 to index
        %swap3A_1536 = arith.index_cast %swap3A_1533 : i32 to index
        %swap3A_1537 = arith.constant 112 : index
        %swap3A_1538 = tpu.vector_load %arg10[%swap3A_1534, %swap3A_1535, %swap3A_1536, %swap3A_1537] {strides = array<i32>} : memref<5x4x40x128xf32, #tpu.memory_space<vmem>>, vector<16xf32>,
        tpu.vector_store %arg10[%swap3A_1534, %swap3A_1535, %swap3A_1536, %swap3A_1537], %add3A_1532 {strides = array<i32>} : memref<5x4x40x128xf32, #tpu.memory_space<vmem>>, vector<16xf32>,
        %scan3A_1539 = arith.constant 0 : i32
        scf.yield %scan3A_1539 : i32
      }
      %scan3A_770 = arith.constant 4 : i32
      %get3A_771 = arith.constant 4 : i32
      %get3A_772 = arith.index_cast %get3A_771 : i32 to index
      %get3A_773 = arith.constant 0 : index
      %get3A_774 = tpu.vector_load %arg12[%get3A_772, %get3A_773] {strides = array<i32>} : memref<13x128xf32, #tpu.memory_space<vmem>>, vector<16xf32>,
      %get3A_775 = arith.constant 4 : i32
      %get3A_776 = arith.index_cast %get3A_775 : i32 to index
      %get3A_777 = arith.constant 16 : index
      %get3A_778 = tpu.vector_load %arg12[%get3A_776, %get3A_777] {strides = array<i32>} : memref<13x128xf32, #tpu.memory_space<vmem>>, vector<16xf32>,
      %get3A_779 = arith.constant 4 : i32
      %get3A_780 = arith.index_cast %get3A_779 : i32 to index
      %get3A_781 = arith.constant 32 : index
      %get3A_782 = tpu.vector_load %arg12[%get3A_780, %get3A_781] {strides = array<i32>} : memref<13x128xf32, #tpu.memory_space<vmem>>, vector<16xf32>,
      %get3A_783 = arith.constant 4 : i32
      %get3A_784 = arith.index_cast %get3A_783 : i32 to index
      %get3A_785 = arith.constant 48 : index
      %get3A_786 = tpu.vector_load %arg12[%get3A_784, %get3A_785] {strides = array<i32>} : memref<13x128xf32, #tpu.memory_space<vmem>>, vector<16xf32>,
      %get3A_787 = arith.constant 4 : i32
      %get3A_788 = arith.index_cast %get3A_787 : i32 to index
      %get3A_789 = arith.constant 64 : index
      %get3A_790 = tpu.vector_load %arg12[%get3A_788, %get3A_789] {strides = array<i32>} : memref<13x128xf32, #tpu.memory_space<vmem>>, vector<16xf32>,
      %get3A_791 = arith.constant 4 : i32
      %get3A_792 = arith.index_cast %get3A_791 : i32 to index
      %get3A_793 = arith.constant 80 : index
      %get3A_794 = tpu.vector_load %arg12[%get3A_792, %get3A_793] {strides = array<i32>} : memref<13x128xf32, #tpu.memory_space<vmem>>, vector<16xf32>,
      %get3A_795 = arith.constant 4 : i32
      %get3A_796 = arith.index_cast %get3A_795 : i32 to index
      %get3A_797 = arith.constant 96 : index
      %get3A_798 = tpu.vector_load %arg12[%get3A_796, %get3A_797] {strides = array<i32>} : memref<13x128xf32, #tpu.memory_space<vmem>>, vector<16xf32>,
      %get3A_799 = arith.constant 4 : i32
      %get3A_800 = arith.index_cast %get3A_799 : i32 to index
      %get3A_801 = arith.constant 112 : index
      %get3A_802 = tpu.vector_load %arg12[%get3A_800, %get3A_801] {strides = array<i32>} : memref<13x128xf32, #tpu.memory_space<vmem>>, vector<16xf32>,
      %get3A_803 = arith.constant 4 : i32
      %get3A_804 = arith.index_cast %get3A_803 : i32 to index
      %get3A_805 = arith.constant 0 : index
      %get3A_806 = tpu.vector_load %arg13[%get3A_804, %get3A_805] {strides = array<i32>} : memref<13x128xf32, #tpu.memory_space<vmem>>, vector<16xf32>,
      %get3A_807 = arith.constant 4 : i32
      %get3A_808 = arith.index_cast %get3A_807 : i32 to index
      %get3A_809 = arith.constant 16 : index
      %get3A_810 = tpu.vector_load %arg13[%get3A_808, %get3A_809] {strides = array<i32>} : memref<13x128xf32, #tpu.memory_space<vmem>>, vector<16xf32>,
      %get3A_811 = arith.constant 4 : i32
      %get3A_812 = arith.index_cast %get3A_811 : i32 to index
      %get3A_813 = arith.constant 32 : index
      %get3A_814 = tpu.vector_load %arg13[%get3A_812, %get3A_813] {strides = array<i32>} : memref<13x128xf32, #tpu.memory_space<vmem>>, vector<16xf32>,
      %get3A_815 = arith.constant 4 : i32
      %get3A_816 = arith.index_cast %get3A_815 : i32 to index
      %get3A_817 = arith.constant 48 : index
      %get3A_818 = tpu.vector_load %arg13[%get3A_816, %get3A_817] {strides = array<i32>} : memref<13x128xf32, #tpu.memory_space<vmem>>, vector<16xf32>,
      %get3A_819 = arith.constant 4 : i32
      %get3A_820 = arith.index_cast %get3A_819 : i32 to index
      %get3A_821 = arith.constant 64 : index
      %get3A_822 = tpu.vector_load %arg13[%get3A_820, %get3A_821] {strides = array<i32>} : memref<13x128xf32, #tpu.memory_space<vmem>>, vector<16xf32>,
      %get3A_823 = arith.constant 4 : i32
      %get3A_824 = arith.index_cast %get3A_823 : i32 to index
      %get3A_825 = arith.constant 80 : index
      %get3A_826 = tpu.vector_load %arg13[%get3A_824, %get3A_825] {strides = array<i32>} : memref<13x128xf32, #tpu.memory_space<vmem>>, vector<16xf32>,
      %get3A_827 = arith.constant 4 : i32
      %get3A_828 = arith.index_cast %get3A_827 : i32 to index
      %get3A_829 = arith.constant 96 : index
      %get3A_830 = tpu.vector_load %arg13[%get3A_828, %get3A_829] {strides = array<i32>} : memref<13x128xf32, #tpu.memory_space<vmem>>, vector<16xf32>,
      %get3A_831 = arith.constant 4 : i32
      %get3A_832 = arith.index_cast %get3A_831 : i32 to index
      %get3A_833 = arith.constant 112 : index
      %get3A_834 = tpu.vector_load %arg13[%get3A_832, %get3A_833] {strides = array<i32>} : memref<13x128xf32, #tpu.memory_space<vmem>>, vector<16xf32>,
      %scan3A_835 = arith.constant 0 : i32
      %scan3A_836 = arith.constant 0 : i32
      %scan3A_837 = arith.constant 4 : i32
      %scan3A_838 = arith.addi %scan3A_836, %scan3A_837 : i32
      %scan3A_839 = arith.constant 1 : i32
      %scan3A_840 = scf.for %scan3A_1467 = %scan3A_836 to %scan3A_838 step %scan3A_839 iter_args(%scan3A_1468 = %scan3A_835) -> (i32)  : i32 {
        %mul3A_1469 = arith.constant 4 : i32
        %mul3A_1470 = arith.muli %scan3A_473, %mul3A_1469 : i32
        %add3A_1471 = arith.addi %mul3A_1470, %scan3A_1467 : i32
        %mul3A_1472 = arith.constant 13 : i32
        %mul3A_1473 = arith.muli %add3A_1471, %mul3A_1472 : i32
        %add3A_1474 = arith.constant 4 : i32
        %add3A_1475 = arith.addi %mul3A_1473, %add3A_1474 : i32
        %broadcast_in_dim3A = vector.broadcast %add3A_1475 : i32 to vector<16xi32>
        %gather3A = tpu.vector_load_idx %arg11[%broadcast_in_dim3A] : memref<6656xf32, #tpu.memory_space<vmem>>[vector<16xi32>], vector<16xf32>,
        %mul3A_1476 = arith.mulf %gather3A, %get3A_774 : vector<16xf32>
        %add3A_1477 = arith.addf %mul3A_1476, %get3A_806 : vector<16xf32>
        %swap3A = arith.constant 5 : i32
        %swap3A_1478 = arith.index_cast %rem3A_475 : i32 to index
        %swap3A_1479 = arith.index_cast %scan3A_1467 : i32 to index
        %swap3A_1480 = arith.index_cast %swap3A : i32 to index
        %swap3A_1481 = arith.constant 0 : index
        %swap3A_1482 = tpu.vector_load %arg10[%swap3A_1478, %swap3A_1479, %swap3A_1480, %swap3A_1481] {strides = array<i32>} : memref<5x4x40x128xf32, #tpu.memory_space<vmem>>, vector<16xf32>,
        tpu.vector_store %arg10[%swap3A_1478, %swap3A_1479, %swap3A_1480, %swap3A_1481], %add3A_1477 {strides = array<i32>} : memref<5x4x40x128xf32, #tpu.memory_space<vmem>>, vector<16xf32>,
        %mul3A_1483 = arith.mulf %gather3A, %get3A_778 : vector<16xf32>
        %add3A_1484 = arith.addf %mul3A_1483, %get3A_810 : vector<16xf32>
        %swap3A_1485 = arith.constant 5 : i32
        %swap3A_1486 = arith.index_cast %rem3A_475 : i32 to index
        %swap3A_1487 = arith.index_cast %scan3A_1467 : i32 to index
        %swap3A_1488 = arith.index_cast %swap3A_1485 : i32 to index
        %swap3A_1489 = arith.constant 16 : index
        %swap3A_1490 = tpu.vector_load %arg10[%swap3A_1486, %swap3A_1487, %swap3A_1488, %swap3A_1489] {strides = array<i32>} : memref<5x4x40x128xf32, #tpu.memory_space<vmem>>, vector<16xf32>,
        tpu.vector_store %arg10[%swap3A_1486, %swap3A_1487, %swap3A_1488, %swap3A_1489], %add3A_1484 {strides = array<i32>} : memref<5x4x40x128xf32, #tpu.memory_space<vmem>>, vector<16xf32>,
        %mul3A_1491 = arith.mulf %gather3A, %get3A_782 : vector<16xf32>
        %add3A_1492 = arith.addf %mul3A_1491, %get3A_814 : vector<16xf32>
        %swap3A_1493 = arith.constant 5 : i32
        %swap3A_1494 = arith.index_cast %rem3A_475 : i32 to index
        %swap3A_1495 = arith.index_cast %scan3A_1467 : i32 to index
        %swap3A_1496 = arith.index_cast %swap3A_1493 : i32 to index
        %swap3A_1497 = arith.constant 32 : index
        %swap3A_1498 = tpu.vector_load %arg10[%swap3A_1494, %swap3A_1495, %swap3A_1496, %swap3A_1497] {strides = array<i32>} : memref<5x4x40x128xf32, #tpu.memory_space<vmem>>, vector<16xf32>,
        tpu.vector_store %arg10[%swap3A_1494, %swap3A_1495, %swap3A_1496, %swap3A_1497], %add3A_1492 {strides = array<i32>} : memref<5x4x40x128xf32, #tpu.memory_space<vmem>>, vector<16xf32>,
        %mul3A_1499 = arith.mulf %gather3A, %get3A_786 : vector<16xf32>
        %add3A_1500 = arith.addf %mul3A_1499, %get3A_818 : vector<16xf32>
        %swap3A_1501 = arith.constant 5 : i32
        %swap3A_1502 = arith.index_cast %rem3A_475 : i32 to index
        %swap3A_1503 = arith.index_cast %scan3A_1467 : i32 to index
        %swap3A_1504 = arith.index_cast %swap3A_1501 : i32 to index
        %swap3A_1505 = arith.constant 48 : index
        %swap3A_1506 = tpu.vector_load %arg10[%swap3A_1502, %swap3A_1503, %swap3A_1504, %swap3A_1505] {strides = array<i32>} : memref<5x4x40x128xf32, #tpu.memory_space<vmem>>, vector<16xf32>,
        tpu.vector_store %arg10[%swap3A_1502, %swap3A_1503, %swap3A_1504, %swap3A_1505], %add3A_1500 {strides = array<i32>} : memref<5x4x40x128xf32, #tpu.memory_space<vmem>>, vector<16xf32>,
        %mul3A_1507 = arith.mulf %gather3A, %get3A_790 : vector<16xf32>
        %add3A_1508 = arith.addf %mul3A_1507, %get3A_822 : vector<16xf32>
        %swap3A_1509 = arith.constant 5 : i32
        %swap3A_1510 = arith.index_cast %rem3A_475 : i32 to index
        %swap3A_1511 = arith.index_cast %scan3A_1467 : i32 to index
        %swap3A_1512 = arith.index_cast %swap3A_1509 : i32 to index
        %swap3A_1513 = arith.constant 64 : index
        %swap3A_1514 = tpu.vector_load %arg10[%swap3A_1510, %swap3A_1511, %swap3A_1512, %swap3A_1513] {strides = array<i32>} : memref<5x4x40x128xf32, #tpu.memory_space<vmem>>, vector<16xf32>,
        tpu.vector_store %arg10[%swap3A_1510, %swap3A_1511, %swap3A_1512, %swap3A_1513], %add3A_1508 {strides = array<i32>} : memref<5x4x40x128xf32, #tpu.memory_space<vmem>>, vector<16xf32>,
        %mul3A_1515 = arith.mulf %gather3A, %get3A_794 : vector<16xf32>
        %add3A_1516 = arith.addf %mul3A_1515, %get3A_826 : vector<16xf32>
        %swap3A_1517 = arith.constant 5 : i32
        %swap3A_1518 = arith.index_cast %rem3A_475 : i32 to index
        %swap3A_1519 = arith.index_cast %scan3A_1467 : i32 to index
        %swap3A_1520 = arith.index_cast %swap3A_1517 : i32 to index
        %swap3A_1521 = arith.constant 80 : index
        %swap3A_1522 = tpu.vector_load %arg10[%swap3A_1518, %swap3A_1519, %swap3A_1520, %swap3A_1521] {strides = array<i32>} : memref<5x4x40x128xf32, #tpu.memory_space<vmem>>, vector<16xf32>,
        tpu.vector_store %arg10[%swap3A_1518, %swap3A_1519, %swap3A_1520, %swap3A_1521], %add3A_1516 {strides = array<i32>} : memref<5x4x40x128xf32, #tpu.memory_space<vmem>>, vector<16xf32>,
        %mul3A_1523 = arith.mulf %gather3A, %get3A_798 : vector<16xf32>
        %add3A_1524 = arith.addf %mul3A_1523, %get3A_830 : vector<16xf32>
        %swap3A_1525 = arith.constant 5 : i32
        %swap3A_1526 = arith.index_cast %rem3A_475 : i32 to index
        %swap3A_1527 = arith.index_cast %scan3A_1467 : i32 to index
        %swap3A_1528 = arith.index_cast %swap3A_1525 : i32 to index
        %swap3A_1529 = arith.constant 96 : index
        %swap3A_1530 = tpu.vector_load %arg10[%swap3A_1526, %swap3A_1527, %swap3A_1528, %swap3A_1529] {strides = array<i32>} : memref<5x4x40x128xf32, #tpu.memory_space<vmem>>, vector<16xf32>,
        tpu.vector_store %arg10[%swap3A_1526, %swap3A_1527, %swap3A_1528, %swap3A_1529], %add3A_1524 {strides = array<i32>} : memref<5x4x40x128xf32, #tpu.memory_space<vmem>>, vector<16xf32>,
        %mul3A_1531 = arith.mulf %gather3A, %get3A_802 : vector<16xf32>
        %add3A_1532 = arith.addf %mul3A_1531, %get3A_834 : vector<16xf32>
        %swap3A_1533 = arith.constant 5 : i32
        %swap3A_1534 = arith.index_cast %rem3A_475 : i32 to index
        %swap3A_1535 = arith.index_cast %scan3A_1467 : i32 to index
        %swap3A_1536 = arith.index_cast %swap3A_1533 : i32 to index
        %swap3A_1537 = arith.constant 112 : index
        %swap3A_1538 = tpu.vector_load %arg10[%swap3A_1534, %swap3A_1535, %swap3A_1536, %swap3A_1537] {strides = array<i32>} : memref<5x4x40x128xf32, #tpu.memory_space<vmem>>, vector<16xf32>,
        tpu.vector_store %arg10[%swap3A_1534, %swap3A_1535, %swap3A_1536, %swap3A_1537], %add3A_1532 {strides = array<i32>} : memref<5x4x40x128xf32, #tpu.memory_space<vmem>>, vector<16xf32>,
        %scan3A_1539 = arith.constant 0 : i32
        scf.yield %scan3A_1539 : i32
      }
      %scan3A_841 = arith.constant 4 : i32
      %get3A_842 = arith.constant 5 : i32
      %get3A_843 = arith.index_cast %get3A_842 : i32 to index
      %get3A_844 = arith.constant 0 : index
      %get3A_845 = tpu.vector_load %arg12[%get3A_843, %get3A_844] {strides = array<i32>} : memref<13x128xf32, #tpu.memory_space<vmem>>, vector<16xf32>,
      %get3A_846 = arith.constant 5 : i32
      %get3A_847 = arith.index_cast %get3A_846 : i32 to index
      %get3A_848 = arith.constant 16 : index
      %get3A_849 = tpu.vector_load %arg12[%get3A_847, %get3A_848] {strides = array<i32>} : memref<13x128xf32, #tpu.memory_space<vmem>>, vector<16xf32>,
      %get3A_850 = arith.constant 5 : i32
      %get3A_851 = arith.index_cast %get3A_850 : i32 to index
      %get3A_852 = arith.constant 32 : index
      %get3A_853 = tpu.vector_load %arg12[%get3A_851, %get3A_852] {strides = array<i32>} : memref<13x128xf32, #tpu.memory_space<vmem>>, vector<16xf32>,
      %get3A_854 = arith.constant 5 : i32
      %get3A_855 = arith.index_cast %get3A_854 : i32 to index
      %get3A_856 = arith.constant 48 : index
      %get3A_857 = tpu.vector_load %arg12[%get3A_855, %get3A_856] {strides = array<i32>} : memref<13x128xf32, #tpu.memory_space<vmem>>, vector<16xf32>,
      %get3A_858 = arith.constant 5 : i32
      %get3A_859 = arith.index_cast %get3A_858 : i32 to index
      %get3A_860 = arith.constant 64 : index
      %get3A_861 = tpu.vector_load %arg12[%get3A_859, %get3A_860] {strides = array<i32>} : memref<13x128xf32, #tpu.memory_space<vmem>>, vector<16xf32>,
      %get3A_862 = arith.constant 5 : i32
      %get3A_863 = arith.index_cast %get3A_862 : i32 to index
      %get3A_864 = arith.constant 80 : index
      %get3A_865 = tpu.vector_load %arg12[%get3A_863, %get3A_864] {strides = array<i32>} : memref<13x128xf32, #tpu.memory_space<vmem>>, vector<16xf32>,
      %get3A_866 = arith.constant 5 : i32
      %get3A_867 = arith.index_cast %get3A_866 : i32 to index
      %get3A_868 = arith.constant 96 : index
      %get3A_869 = tpu.vector_load %arg12[%get3A_867, %get3A_868] {strides = array<i32>} : memref<13x128xf32, #tpu.memory_space<vmem>>, vector<16xf32>,
      %get3A_870 = arith.constant 5 : i32
      %get3A_871 = arith.index_cast %get3A_870 : i32 to index
      %get3A_872 = arith.constant 112 : index
      %get3A_873 = tpu.vector_load %arg12[%get3A_871, %get3A_872] {strides = array<i32>} : memref<13x128xf32, #tpu.memory_space<vmem>>, vector<16xf32>,
      %get3A_874 = arith.constant 5 : i32
      %get3A_875 = arith.index_cast %get3A_874 : i32 to index
      %get3A_876 = arith.constant 0 : index
      %get3A_877 = tpu.vector_load %arg13[%get3A_875, %get3A_876] {strides = array<i32>} : memref<13x128xf32, #tpu.memory_space<vmem>>, vector<16xf32>,
      %get3A_878 = arith.constant 5 : i32
      %get3A_879 = arith.index_cast %get3A_878 : i32 to index
      %get3A_880 = arith.constant 16 : index
      %get3A_881 = tpu.vector_load %arg13[%get3A_879, %get3A_880] {strides = array<i32>} : memref<13x128xf32, #tpu.memory_space<vmem>>, vector<16xf32>,
      %get3A_882 = arith.constant 5 : i32
      %get3A_883 = arith.index_cast %get3A_882 : i32 to index
      %get3A_884 = arith.constant 32 : index
      %get3A_885 = tpu.vector_load %arg13[%get3A_883, %get3A_884] {strides = array<i32>} : memref<13x128xf32, #tpu.memory_space<vmem>>, vector<16xf32>,
      %get3A_886 = arith.constant 5 : i32
      %get3A_887 = arith.index_cast %get3A_886 : i32 to index
      %get3A_888 = arith.constant 48 : index
      %get3A_889 = tpu.vector_load %arg13[%get3A_887, %get3A_888] {strides = array<i32>} : memref<13x128xf32, #tpu.memory_space<vmem>>, vector<16xf32>,
      %get3A_890 = arith.constant 5 : i32
      %get3A_891 = arith.index_cast %get3A_890 : i32 to index
      %get3A_892 = arith.constant 64 : index
      %get3A_893 = tpu.vector_load %arg13[%get3A_891, %get3A_892] {strides = array<i32>} : memref<13x128xf32, #tpu.memory_space<vmem>>, vector<16xf32>,
      %get3A_894 = arith.constant 5 : i32
      %get3A_895 = arith.index_cast %get3A_894 : i32 to index
      %get3A_896 = arith.constant 80 : index
      %get3A_897 = tpu.vector_load %arg13[%get3A_895, %get3A_896] {strides = array<i32>} : memref<13x128xf32, #tpu.memory_space<vmem>>, vector<16xf32>,
      %get3A_898 = arith.constant 5 : i32
      %get3A_899 = arith.index_cast %get3A_898 : i32 to index
      %get3A_900 = arith.constant 96 : index
      %get3A_901 = tpu.vector_load %arg13[%get3A_899, %get3A_900] {strides = array<i32>} : memref<13x128xf32, #tpu.memory_space<vmem>>, vector<16xf32>,
      %get3A_902 = arith.constant 5 : i32
      %get3A_903 = arith.index_cast %get3A_902 : i32 to index
      %get3A_904 = arith.constant 112 : index
      %get3A_905 = tpu.vector_load %arg13[%get3A_903, %get3A_904] {strides = array<i32>} : memref<13x128xf32, #tpu.memory_space<vmem>>, vector<16xf32>,
      %scan3A_906 = arith.constant 0 : i32
      %scan3A_907 = arith.constant 0 : i32
      %scan3A_908 = arith.constant 4 : i32
      %scan3A_909 = arith.addi %scan3A_907, %scan3A_908 : i32
      %scan3A_910 = arith.constant 1 : i32
      %scan3A_911 = scf.for %scan3A_1467 = %scan3A_907 to %scan3A_909 step %scan3A_910 iter_args(%scan3A_1468 = %scan3A_906) -> (i32)  : i32 {
        %mul3A_1469 = arith.constant 4 : i32
        %mul3A_1470 = arith.muli %scan3A_473, %mul3A_1469 : i32
        %add3A_1471 = arith.addi %mul3A_1470, %scan3A_1467 : i32
        %mul3A_1472 = arith.constant 13 : i32
        %mul3A_1473 = arith.muli %add3A_1471, %mul3A_1472 : i32
        %add3A_1474 = arith.constant 5 : i32
        %add3A_1475 = arith.addi %mul3A_1473, %add3A_1474 : i32
        %broadcast_in_dim3A = vector.broadcast %add3A_1475 : i32 to vector<16xi32>
        %gather3A = tpu.vector_load_idx %arg11[%broadcast_in_dim3A] : memref<6656xf32, #tpu.memory_space<vmem>>[vector<16xi32>], vector<16xf32>,
        %mul3A_1476 = arith.mulf %gather3A, %get3A_845 : vector<16xf32>
        %add3A_1477 = arith.addf %mul3A_1476, %get3A_877 : vector<16xf32>
        %swap3A = arith.constant 6 : i32
        %swap3A_1478 = arith.index_cast %rem3A_475 : i32 to index
        %swap3A_1479 = arith.index_cast %scan3A_1467 : i32 to index
        %swap3A_1480 = arith.index_cast %swap3A : i32 to index
        %swap3A_1481 = arith.constant 0 : index
        %swap3A_1482 = tpu.vector_load %arg10[%swap3A_1478, %swap3A_1479, %swap3A_1480, %swap3A_1481] {strides = array<i32>} : memref<5x4x40x128xf32, #tpu.memory_space<vmem>>, vector<16xf32>,
        tpu.vector_store %arg10[%swap3A_1478, %swap3A_1479, %swap3A_1480, %swap3A_1481], %add3A_1477 {strides = array<i32>} : memref<5x4x40x128xf32, #tpu.memory_space<vmem>>, vector<16xf32>,
        %mul3A_1483 = arith.mulf %gather3A, %get3A_849 : vector<16xf32>
        %add3A_1484 = arith.addf %mul3A_1483, %get3A_881 : vector<16xf32>
        %swap3A_1485 = arith.constant 6 : i32
        %swap3A_1486 = arith.index_cast %rem3A_475 : i32 to index
        %swap3A_1487 = arith.index_cast %scan3A_1467 : i32 to index
        %swap3A_1488 = arith.index_cast %swap3A_1485 : i32 to index
        %swap3A_1489 = arith.constant 16 : index
        %swap3A_1490 = tpu.vector_load %arg10[%swap3A_1486, %swap3A_1487, %swap3A_1488, %swap3A_1489] {strides = array<i32>} : memref<5x4x40x128xf32, #tpu.memory_space<vmem>>, vector<16xf32>,
        tpu.vector_store %arg10[%swap3A_1486, %swap3A_1487, %swap3A_1488, %swap3A_1489], %add3A_1484 {strides = array<i32>} : memref<5x4x40x128xf32, #tpu.memory_space<vmem>>, vector<16xf32>,
        %mul3A_1491 = arith.mulf %gather3A, %get3A_853 : vector<16xf32>
        %add3A_1492 = arith.addf %mul3A_1491, %get3A_885 : vector<16xf32>
        %swap3A_1493 = arith.constant 6 : i32
        %swap3A_1494 = arith.index_cast %rem3A_475 : i32 to index
        %swap3A_1495 = arith.index_cast %scan3A_1467 : i32 to index
        %swap3A_1496 = arith.index_cast %swap3A_1493 : i32 to index
        %swap3A_1497 = arith.constant 32 : index
        %swap3A_1498 = tpu.vector_load %arg10[%swap3A_1494, %swap3A_1495, %swap3A_1496, %swap3A_1497] {strides = array<i32>} : memref<5x4x40x128xf32, #tpu.memory_space<vmem>>, vector<16xf32>,
        tpu.vector_store %arg10[%swap3A_1494, %swap3A_1495, %swap3A_1496, %swap3A_1497], %add3A_1492 {strides = array<i32>} : memref<5x4x40x128xf32, #tpu.memory_space<vmem>>, vector<16xf32>,
        %mul3A_1499 = arith.mulf %gather3A, %get3A_857 : vector<16xf32>
        %add3A_1500 = arith.addf %mul3A_1499, %get3A_889 : vector<16xf32>
        %swap3A_1501 = arith.constant 6 : i32
        %swap3A_1502 = arith.index_cast %rem3A_475 : i32 to index
        %swap3A_1503 = arith.index_cast %scan3A_1467 : i32 to index
        %swap3A_1504 = arith.index_cast %swap3A_1501 : i32 to index
        %swap3A_1505 = arith.constant 48 : index
        %swap3A_1506 = tpu.vector_load %arg10[%swap3A_1502, %swap3A_1503, %swap3A_1504, %swap3A_1505] {strides = array<i32>} : memref<5x4x40x128xf32, #tpu.memory_space<vmem>>, vector<16xf32>,
        tpu.vector_store %arg10[%swap3A_1502, %swap3A_1503, %swap3A_1504, %swap3A_1505], %add3A_1500 {strides = array<i32>} : memref<5x4x40x128xf32, #tpu.memory_space<vmem>>, vector<16xf32>,
        %mul3A_1507 = arith.mulf %gather3A, %get3A_861 : vector<16xf32>
        %add3A_1508 = arith.addf %mul3A_1507, %get3A_893 : vector<16xf32>
        %swap3A_1509 = arith.constant 6 : i32
        %swap3A_1510 = arith.index_cast %rem3A_475 : i32 to index
        %swap3A_1511 = arith.index_cast %scan3A_1467 : i32 to index
        %swap3A_1512 = arith.index_cast %swap3A_1509 : i32 to index
        %swap3A_1513 = arith.constant 64 : index
        %swap3A_1514 = tpu.vector_load %arg10[%swap3A_1510, %swap3A_1511, %swap3A_1512, %swap3A_1513] {strides = array<i32>} : memref<5x4x40x128xf32, #tpu.memory_space<vmem>>, vector<16xf32>,
        tpu.vector_store %arg10[%swap3A_1510, %swap3A_1511, %swap3A_1512, %swap3A_1513], %add3A_1508 {strides = array<i32>} : memref<5x4x40x128xf32, #tpu.memory_space<vmem>>, vector<16xf32>,
        %mul3A_1515 = arith.mulf %gather3A, %get3A_865 : vector<16xf32>
        %add3A_1516 = arith.addf %mul3A_1515, %get3A_897 : vector<16xf32>
        %swap3A_1517 = arith.constant 6 : i32
        %swap3A_1518 = arith.index_cast %rem3A_475 : i32 to index
        %swap3A_1519 = arith.index_cast %scan3A_1467 : i32 to index
        %swap3A_1520 = arith.index_cast %swap3A_1517 : i32 to index
        %swap3A_1521 = arith.constant 80 : index
        %swap3A_1522 = tpu.vector_load %arg10[%swap3A_1518, %swap3A_1519, %swap3A_1520, %swap3A_1521] {strides = array<i32>} : memref<5x4x40x128xf32, #tpu.memory_space<vmem>>, vector<16xf32>,
        tpu.vector_store %arg10[%swap3A_1518, %swap3A_1519, %swap3A_1520, %swap3A_1521], %add3A_1516 {strides = array<i32>} : memref<5x4x40x128xf32, #tpu.memory_space<vmem>>, vector<16xf32>,
        %mul3A_1523 = arith.mulf %gather3A, %get3A_869 : vector<16xf32>
        %add3A_1524 = arith.addf %mul3A_1523, %get3A_901 : vector<16xf32>
        %swap3A_1525 = arith.constant 6 : i32
        %swap3A_1526 = arith.index_cast %rem3A_475 : i32 to index
        %swap3A_1527 = arith.index_cast %scan3A_1467 : i32 to index
        %swap3A_1528 = arith.index_cast %swap3A_1525 : i32 to index
        %swap3A_1529 = arith.constant 96 : index
        %swap3A_1530 = tpu.vector_load %arg10[%swap3A_1526, %swap3A_1527, %swap3A_1528, %swap3A_1529] {strides = array<i32>} : memref<5x4x40x128xf32, #tpu.memory_space<vmem>>, vector<16xf32>,
        tpu.vector_store %arg10[%swap3A_1526, %swap3A_1527, %swap3A_1528, %swap3A_1529], %add3A_1524 {strides = array<i32>} : memref<5x4x40x128xf32, #tpu.memory_space<vmem>>, vector<16xf32>,
        %mul3A_1531 = arith.mulf %gather3A, %get3A_873 : vector<16xf32>
        %add3A_1532 = arith.addf %mul3A_1531, %get3A_905 : vector<16xf32>
        %swap3A_1533 = arith.constant 6 : i32
        %swap3A_1534 = arith.index_cast %rem3A_475 : i32 to index
        %swap3A_1535 = arith.index_cast %scan3A_1467 : i32 to index
        %swap3A_1536 = arith.index_cast %swap3A_1533 : i32 to index
        %swap3A_1537 = arith.constant 112 : index
        %swap3A_1538 = tpu.vector_load %arg10[%swap3A_1534, %swap3A_1535, %swap3A_1536, %swap3A_1537] {strides = array<i32>} : memref<5x4x40x128xf32, #tpu.memory_space<vmem>>, vector<16xf32>,
        tpu.vector_store %arg10[%swap3A_1534, %swap3A_1535, %swap3A_1536, %swap3A_1537], %add3A_1532 {strides = array<i32>} : memref<5x4x40x128xf32, #tpu.memory_space<vmem>>, vector<16xf32>,
        %scan3A_1539 = arith.constant 0 : i32
        scf.yield %scan3A_1539 : i32
      }
      %scan3A_912 = arith.constant 4 : i32
      %get3A_913 = arith.constant 6 : i32
      %get3A_914 = arith.index_cast %get3A_913 : i32 to index
      %get3A_915 = arith.constant 0 : index
      %get3A_916 = tpu.vector_load %arg12[%get3A_914, %get3A_915] {strides = array<i32>} : memref<13x128xf32, #tpu.memory_space<vmem>>, vector<16xf32>,
      %get3A_917 = arith.constant 6 : i32
      %get3A_918 = arith.index_cast %get3A_917 : i32 to index
      %get3A_919 = arith.constant 16 : index
      %get3A_920 = tpu.vector_load %arg12[%get3A_918, %get3A_919] {strides = array<i32>} : memref<13x128xf32, #tpu.memory_space<vmem>>, vector<16xf32>,
      %get3A_921 = arith.constant 6 : i32
      %get3A_922 = arith.index_cast %get3A_921 : i32 to index
      %get3A_923 = arith.constant 32 : index
      %get3A_924 = tpu.vector_load %arg12[%get3A_922, %get3A_923] {strides = array<i32>} : memref<13x128xf32, #tpu.memory_space<vmem>>, vector<16xf32>,
      %get3A_925 = arith.constant 6 : i32
      %get3A_926 = arith.index_cast %get3A_925 : i32 to index
      %get3A_927 = arith.constant 48 : index
      %get3A_928 = tpu.vector_load %arg12[%get3A_926, %get3A_927] {strides = array<i32>} : memref<13x128xf32, #tpu.memory_space<vmem>>, vector<16xf32>,
      %get3A_929 = arith.constant 6 : i32
      %get3A_930 = arith.index_cast %get3A_929 : i32 to index
      %get3A_931 = arith.constant 64 : index
      %get3A_932 = tpu.vector_load %arg12[%get3A_930, %get3A_931] {strides = array<i32>} : memref<13x128xf32, #tpu.memory_space<vmem>>, vector<16xf32>,
      %get3A_933 = arith.constant 6 : i32
      %get3A_934 = arith.index_cast %get3A_933 : i32 to index
      %get3A_935 = arith.constant 80 : index
      %get3A_936 = tpu.vector_load %arg12[%get3A_934, %get3A_935] {strides = array<i32>} : memref<13x128xf32, #tpu.memory_space<vmem>>, vector<16xf32>,
      %get3A_937 = arith.constant 6 : i32
      %get3A_938 = arith.index_cast %get3A_937 : i32 to index
      %get3A_939 = arith.constant 96 : index
      %get3A_940 = tpu.vector_load %arg12[%get3A_938, %get3A_939] {strides = array<i32>} : memref<13x128xf32, #tpu.memory_space<vmem>>, vector<16xf32>,
      %get3A_941 = arith.constant 6 : i32
      %get3A_942 = arith.index_cast %get3A_941 : i32 to index
      %get3A_943 = arith.constant 112 : index
      %get3A_944 = tpu.vector_load %arg12[%get3A_942, %get3A_943] {strides = array<i32>} : memref<13x128xf32, #tpu.memory_space<vmem>>, vector<16xf32>,
      %get3A_945 = arith.constant 6 : i32
      %get3A_946 = arith.index_cast %get3A_945 : i32 to index
      %get3A_947 = arith.constant 0 : index
      %get3A_948 = tpu.vector_load %arg13[%get3A_946, %get3A_947] {strides = array<i32>} : memref<13x128xf32, #tpu.memory_space<vmem>>, vector<16xf32>,
      %get3A_949 = arith.constant 6 : i32
      %get3A_950 = arith.index_cast %get3A_949 : i32 to index
      %get3A_951 = arith.constant 16 : index
      %get3A_952 = tpu.vector_load %arg13[%get3A_950, %get3A_951] {strides = array<i32>} : memref<13x128xf32, #tpu.memory_space<vmem>>, vector<16xf32>,
      %get3A_953 = arith.constant 6 : i32
      %get3A_954 = arith.index_cast %get3A_953 : i32 to index
      %get3A_955 = arith.constant 32 : index
      %get3A_956 = tpu.vector_load %arg13[%get3A_954, %get3A_955] {strides = array<i32>} : memref<13x128xf32, #tpu.memory_space<vmem>>, vector<16xf32>,
      %get3A_957 = arith.constant 6 : i32
      %get3A_958 = arith.index_cast %get3A_957 : i32 to index
      %get3A_959 = arith.constant 48 : index
      %get3A_960 = tpu.vector_load %arg13[%get3A_958, %get3A_959] {strides = array<i32>} : memref<13x128xf32, #tpu.memory_space<vmem>>, vector<16xf32>,
      %get3A_961 = arith.constant 6 : i32
      %get3A_962 = arith.index_cast %get3A_961 : i32 to index
      %get3A_963 = arith.constant 64 : index
      %get3A_964 = tpu.vector_load %arg13[%get3A_962, %get3A_963] {strides = array<i32>} : memref<13x128xf32, #tpu.memory_space<vmem>>, vector<16xf32>,
      %get3A_965 = arith.constant 6 : i32
      %get3A_966 = arith.index_cast %get3A_965 : i32 to index
      %get3A_967 = arith.constant 80 : index
      %get3A_968 = tpu.vector_load %arg13[%get3A_966, %get3A_967] {strides = array<i32>} : memref<13x128xf32, #tpu.memory_space<vmem>>, vector<16xf32>,
      %get3A_969 = arith.constant 6 : i32
      %get3A_970 = arith.index_cast %get3A_969 : i32 to index
      %get3A_971 = arith.constant 96 : index
      %get3A_972 = tpu.vector_load %arg13[%get3A_970, %get3A_971] {strides = array<i32>} : memref<13x128xf32, #tpu.memory_space<vmem>>, vector<16xf32>,
      %get3A_973 = arith.constant 6 : i32
      %get3A_974 = arith.index_cast %get3A_973 : i32 to index
      %get3A_975 = arith.constant 112 : index
      %get3A_976 = tpu.vector_load %arg13[%get3A_974, %get3A_975] {strides = array<i32>} : memref<13x128xf32, #tpu.memory_space<vmem>>, vector<16xf32>,
      %scan3A_977 = arith.constant 0 : i32
      %scan3A_978 = arith.constant 0 : i32
      %scan3A_979 = arith.constant 4 : i32
      %scan3A_980 = arith.addi %scan3A_978, %scan3A_979 : i32
      %scan3A_981 = arith.constant 1 : i32
      %scan3A_982 = scf.for %scan3A_1467 = %scan3A_978 to %scan3A_980 step %scan3A_981 iter_args(%scan3A_1468 = %scan3A_977) -> (i32)  : i32 {
        %mul3A_1469 = arith.constant 4 : i32
        %mul3A_1470 = arith.muli %scan3A_473, %mul3A_1469 : i32
        %add3A_1471 = arith.addi %mul3A_1470, %scan3A_1467 : i32
        %mul3A_1472 = arith.constant 13 : i32
        %mul3A_1473 = arith.muli %add3A_1471, %mul3A_1472 : i32
        %add3A_1474 = arith.constant 6 : i32
        %add3A_1475 = arith.addi %mul3A_1473, %add3A_1474 : i32
        %broadcast_in_dim3A = vector.broadcast %add3A_1475 : i32 to vector<16xi32>
        %gather3A = tpu.vector_load_idx %arg11[%broadcast_in_dim3A] : memref<6656xf32, #tpu.memory_space<vmem>>[vector<16xi32>], vector<16xf32>,
        %mul3A_1476 = arith.mulf %gather3A, %get3A_916 : vector<16xf32>
        %add3A_1477 = arith.addf %mul3A_1476, %get3A_948 : vector<16xf32>
        %swap3A = arith.constant 7 : i32
        %swap3A_1478 = arith.index_cast %rem3A_475 : i32 to index
        %swap3A_1479 = arith.index_cast %scan3A_1467 : i32 to index
        %swap3A_1480 = arith.index_cast %swap3A : i32 to index
        %swap3A_1481 = arith.constant 0 : index
        %swap3A_1482 = tpu.vector_load %arg10[%swap3A_1478, %swap3A_1479, %swap3A_1480, %swap3A_1481] {strides = array<i32>} : memref<5x4x40x128xf32, #tpu.memory_space<vmem>>, vector<16xf32>,
        tpu.vector_store %arg10[%swap3A_1478, %swap3A_1479, %swap3A_1480, %swap3A_1481], %add3A_1477 {strides = array<i32>} : memref<5x4x40x128xf32, #tpu.memory_space<vmem>>, vector<16xf32>,
        %mul3A_1483 = arith.mulf %gather3A, %get3A_920 : vector<16xf32>
        %add3A_1484 = arith.addf %mul3A_1483, %get3A_952 : vector<16xf32>
        %swap3A_1485 = arith.constant 7 : i32
        %swap3A_1486 = arith.index_cast %rem3A_475 : i32 to index
        %swap3A_1487 = arith.index_cast %scan3A_1467 : i32 to index
        %swap3A_1488 = arith.index_cast %swap3A_1485 : i32 to index
        %swap3A_1489 = arith.constant 16 : index
        %swap3A_1490 = tpu.vector_load %arg10[%swap3A_1486, %swap3A_1487, %swap3A_1488, %swap3A_1489] {strides = array<i32>} : memref<5x4x40x128xf32, #tpu.memory_space<vmem>>, vector<16xf32>,
        tpu.vector_store %arg10[%swap3A_1486, %swap3A_1487, %swap3A_1488, %swap3A_1489], %add3A_1484 {strides = array<i32>} : memref<5x4x40x128xf32, #tpu.memory_space<vmem>>, vector<16xf32>,
        %mul3A_1491 = arith.mulf %gather3A, %get3A_924 : vector<16xf32>
        %add3A_1492 = arith.addf %mul3A_1491, %get3A_956 : vector<16xf32>
        %swap3A_1493 = arith.constant 7 : i32
        %swap3A_1494 = arith.index_cast %rem3A_475 : i32 to index
        %swap3A_1495 = arith.index_cast %scan3A_1467 : i32 to index
        %swap3A_1496 = arith.index_cast %swap3A_1493 : i32 to index
        %swap3A_1497 = arith.constant 32 : index
        %swap3A_1498 = tpu.vector_load %arg10[%swap3A_1494, %swap3A_1495, %swap3A_1496, %swap3A_1497] {strides = array<i32>} : memref<5x4x40x128xf32, #tpu.memory_space<vmem>>, vector<16xf32>,
        tpu.vector_store %arg10[%swap3A_1494, %swap3A_1495, %swap3A_1496, %swap3A_1497], %add3A_1492 {strides = array<i32>} : memref<5x4x40x128xf32, #tpu.memory_space<vmem>>, vector<16xf32>,
        %mul3A_1499 = arith.mulf %gather3A, %get3A_928 : vector<16xf32>
        %add3A_1500 = arith.addf %mul3A_1499, %get3A_960 : vector<16xf32>
        %swap3A_1501 = arith.constant 7 : i32
        %swap3A_1502 = arith.index_cast %rem3A_475 : i32 to index
        %swap3A_1503 = arith.index_cast %scan3A_1467 : i32 to index
        %swap3A_1504 = arith.index_cast %swap3A_1501 : i32 to index
        %swap3A_1505 = arith.constant 48 : index
        %swap3A_1506 = tpu.vector_load %arg10[%swap3A_1502, %swap3A_1503, %swap3A_1504, %swap3A_1505] {strides = array<i32>} : memref<5x4x40x128xf32, #tpu.memory_space<vmem>>, vector<16xf32>,
        tpu.vector_store %arg10[%swap3A_1502, %swap3A_1503, %swap3A_1504, %swap3A_1505], %add3A_1500 {strides = array<i32>} : memref<5x4x40x128xf32, #tpu.memory_space<vmem>>, vector<16xf32>,
        %mul3A_1507 = arith.mulf %gather3A, %get3A_932 : vector<16xf32>
        %add3A_1508 = arith.addf %mul3A_1507, %get3A_964 : vector<16xf32>
        %swap3A_1509 = arith.constant 7 : i32
        %swap3A_1510 = arith.index_cast %rem3A_475 : i32 to index
        %swap3A_1511 = arith.index_cast %scan3A_1467 : i32 to index
        %swap3A_1512 = arith.index_cast %swap3A_1509 : i32 to index
        %swap3A_1513 = arith.constant 64 : index
        %swap3A_1514 = tpu.vector_load %arg10[%swap3A_1510, %swap3A_1511, %swap3A_1512, %swap3A_1513] {strides = array<i32>} : memref<5x4x40x128xf32, #tpu.memory_space<vmem>>, vector<16xf32>,
        tpu.vector_store %arg10[%swap3A_1510, %swap3A_1511, %swap3A_1512, %swap3A_1513], %add3A_1508 {strides = array<i32>} : memref<5x4x40x128xf32, #tpu.memory_space<vmem>>, vector<16xf32>,
        %mul3A_1515 = arith.mulf %gather3A, %get3A_936 : vector<16xf32>
        %add3A_1516 = arith.addf %mul3A_1515, %get3A_968 : vector<16xf32>
        %swap3A_1517 = arith.constant 7 : i32
        %swap3A_1518 = arith.index_cast %rem3A_475 : i32 to index
        %swap3A_1519 = arith.index_cast %scan3A_1467 : i32 to index
        %swap3A_1520 = arith.index_cast %swap3A_1517 : i32 to index
        %swap3A_1521 = arith.constant 80 : index
        %swap3A_1522 = tpu.vector_load %arg10[%swap3A_1518, %swap3A_1519, %swap3A_1520, %swap3A_1521] {strides = array<i32>} : memref<5x4x40x128xf32, #tpu.memory_space<vmem>>, vector<16xf32>,
        tpu.vector_store %arg10[%swap3A_1518, %swap3A_1519, %swap3A_1520, %swap3A_1521], %add3A_1516 {strides = array<i32>} : memref<5x4x40x128xf32, #tpu.memory_space<vmem>>, vector<16xf32>,
        %mul3A_1523 = arith.mulf %gather3A, %get3A_940 : vector<16xf32>
        %add3A_1524 = arith.addf %mul3A_1523, %get3A_972 : vector<16xf32>
        %swap3A_1525 = arith.constant 7 : i32
        %swap3A_1526 = arith.index_cast %rem3A_475 : i32 to index
        %swap3A_1527 = arith.index_cast %scan3A_1467 : i32 to index
        %swap3A_1528 = arith.index_cast %swap3A_1525 : i32 to index
        %swap3A_1529 = arith.constant 96 : index
        %swap3A_1530 = tpu.vector_load %arg10[%swap3A_1526, %swap3A_1527, %swap3A_1528, %swap3A_1529] {strides = array<i32>} : memref<5x4x40x128xf32, #tpu.memory_space<vmem>>, vector<16xf32>,
        tpu.vector_store %arg10[%swap3A_1526, %swap3A_1527, %swap3A_1528, %swap3A_1529], %add3A_1524 {strides = array<i32>} : memref<5x4x40x128xf32, #tpu.memory_space<vmem>>, vector<16xf32>,
        %mul3A_1531 = arith.mulf %gather3A, %get3A_944 : vector<16xf32>
        %add3A_1532 = arith.addf %mul3A_1531, %get3A_976 : vector<16xf32>
        %swap3A_1533 = arith.constant 7 : i32
        %swap3A_1534 = arith.index_cast %rem3A_475 : i32 to index
        %swap3A_1535 = arith.index_cast %scan3A_1467 : i32 to index
        %swap3A_1536 = arith.index_cast %swap3A_1533 : i32 to index
        %swap3A_1537 = arith.constant 112 : index
        %swap3A_1538 = tpu.vector_load %arg10[%swap3A_1534, %swap3A_1535, %swap3A_1536, %swap3A_1537] {strides = array<i32>} : memref<5x4x40x128xf32, #tpu.memory_space<vmem>>, vector<16xf32>,
        tpu.vector_store %arg10[%swap3A_1534, %swap3A_1535, %swap3A_1536, %swap3A_1537], %add3A_1532 {strides = array<i32>} : memref<5x4x40x128xf32, #tpu.memory_space<vmem>>, vector<16xf32>,
        %scan3A_1539 = arith.constant 0 : i32
        scf.yield %scan3A_1539 : i32
      }
      %scan3A_983 = arith.constant 4 : i32
      %get3A_984 = arith.constant 7 : i32
      %get3A_985 = arith.index_cast %get3A_984 : i32 to index
      %get3A_986 = arith.constant 0 : index
      %get3A_987 = tpu.vector_load %arg12[%get3A_985, %get3A_986] {strides = array<i32>} : memref<13x128xf32, #tpu.memory_space<vmem>>, vector<16xf32>,
      %get3A_988 = arith.constant 7 : i32
      %get3A_989 = arith.index_cast %get3A_988 : i32 to index
      %get3A_990 = arith.constant 16 : index
      %get3A_991 = tpu.vector_load %arg12[%get3A_989, %get3A_990] {strides = array<i32>} : memref<13x128xf32, #tpu.memory_space<vmem>>, vector<16xf32>,
      %get3A_992 = arith.constant 7 : i32
      %get3A_993 = arith.index_cast %get3A_992 : i32 to index
      %get3A_994 = arith.constant 32 : index
      %get3A_995 = tpu.vector_load %arg12[%get3A_993, %get3A_994] {strides = array<i32>} : memref<13x128xf32, #tpu.memory_space<vmem>>, vector<16xf32>,
      %get3A_996 = arith.constant 7 : i32
      %get3A_997 = arith.index_cast %get3A_996 : i32 to index
      %get3A_998 = arith.constant 48 : index
      %get3A_999 = tpu.vector_load %arg12[%get3A_997, %get3A_998] {strides = array<i32>} : memref<13x128xf32, #tpu.memory_space<vmem>>, vector<16xf32>,
      %get3A_1000 = arith.constant 7 : i32
      %get3A_1001 = arith.index_cast %get3A_1000 : i32 to index
      %get3A_1002 = arith.constant 64 : index
      %get3A_1003 = tpu.vector_load %arg12[%get3A_1001, %get3A_1002] {strides = array<i32>} : memref<13x128xf32, #tpu.memory_space<vmem>>, vector<16xf32>,
      %get3A_1004 = arith.constant 7 : i32
      %get3A_1005 = arith.index_cast %get3A_1004 : i32 to index
      %get3A_1006 = arith.constant 80 : index
      %get3A_1007 = tpu.vector_load %arg12[%get3A_1005, %get3A_1006] {strides = array<i32>} : memref<13x128xf32, #tpu.memory_space<vmem>>, vector<16xf32>,
      %get3A_1008 = arith.constant 7 : i32
      %get3A_1009 = arith.index_cast %get3A_1008 : i32 to index
      %get3A_1010 = arith.constant 96 : index
      %get3A_1011 = tpu.vector_load %arg12[%get3A_1009, %get3A_1010] {strides = array<i32>} : memref<13x128xf32, #tpu.memory_space<vmem>>, vector<16xf32>,
      %get3A_1012 = arith.constant 7 : i32
      %get3A_1013 = arith.index_cast %get3A_1012 : i32 to index
      %get3A_1014 = arith.constant 112 : index
      %get3A_1015 = tpu.vector_load %arg12[%get3A_1013, %get3A_1014] {strides = array<i32>} : memref<13x128xf32, #tpu.memory_space<vmem>>, vector<16xf32>,
      %get3A_1016 = arith.constant 7 : i32
      %get3A_1017 = arith.index_cast %get3A_1016 : i32 to index
      %get3A_1018 = arith.constant 0 : index
      %get3A_1019 = tpu.vector_load %arg13[%get3A_1017, %get3A_1018] {strides = array<i32>} : memref<13x128xf32, #tpu.memory_space<vmem>>, vector<16xf32>,
      %get3A_1020 = arith.constant 7 : i32
      %get3A_1021 = arith.index_cast %get3A_1020 : i32 to index
      %get3A_1022 = arith.constant 16 : index
      %get3A_1023 = tpu.vector_load %arg13[%get3A_1021, %get3A_1022] {strides = array<i32>} : memref<13x128xf32, #tpu.memory_space<vmem>>, vector<16xf32>,
      %get3A_1024 = arith.constant 7 : i32
      %get3A_1025 = arith.index_cast %get3A_1024 : i32 to index
      %get3A_1026 = arith.constant 32 : index
      %get3A_1027 = tpu.vector_load %arg13[%get3A_1025, %get3A_1026] {strides = array<i32>} : memref<13x128xf32, #tpu.memory_space<vmem>>, vector<16xf32>,
      %get3A_1028 = arith.constant 7 : i32
      %get3A_1029 = arith.index_cast %get3A_1028 : i32 to index
      %get3A_1030 = arith.constant 48 : index
      %get3A_1031 = tpu.vector_load %arg13[%get3A_1029, %get3A_1030] {strides = array<i32>} : memref<13x128xf32, #tpu.memory_space<vmem>>, vector<16xf32>,
      %get3A_1032 = arith.constant 7 : i32
      %get3A_1033 = arith.index_cast %get3A_1032 : i32 to index
      %get3A_1034 = arith.constant 64 : index
      %get3A_1035 = tpu.vector_load %arg13[%get3A_1033, %get3A_1034] {strides = array<i32>} : memref<13x128xf32, #tpu.memory_space<vmem>>, vector<16xf32>,
      %get3A_1036 = arith.constant 7 : i32
      %get3A_1037 = arith.index_cast %get3A_1036 : i32 to index
      %get3A_1038 = arith.constant 80 : index
      %get3A_1039 = tpu.vector_load %arg13[%get3A_1037, %get3A_1038] {strides = array<i32>} : memref<13x128xf32, #tpu.memory_space<vmem>>, vector<16xf32>,
      %get3A_1040 = arith.constant 7 : i32
      %get3A_1041 = arith.index_cast %get3A_1040 : i32 to index
      %get3A_1042 = arith.constant 96 : index
      %get3A_1043 = tpu.vector_load %arg13[%get3A_1041, %get3A_1042] {strides = array<i32>} : memref<13x128xf32, #tpu.memory_space<vmem>>, vector<16xf32>,
      %get3A_1044 = arith.constant 7 : i32
      %get3A_1045 = arith.index_cast %get3A_1044 : i32 to index
      %get3A_1046 = arith.constant 112 : index
      %get3A_1047 = tpu.vector_load %arg13[%get3A_1045, %get3A_1046] {strides = array<i32>} : memref<13x128xf32, #tpu.memory_space<vmem>>, vector<16xf32>,
      %scan3A_1048 = arith.constant 0 : i32
      %scan3A_1049 = arith.constant 0 : i32
      %scan3A_1050 = arith.constant 4 : i32
      %scan3A_1051 = arith.addi %scan3A_1049, %scan3A_1050 : i32
      %scan3A_1052 = arith.constant 1 : i32
      %scan3A_1053 = scf.for %scan3A_1467 = %scan3A_1049 to %scan3A_1051 step %scan3A_1052 iter_args(%scan3A_1468 = %scan3A_1048) -> (i32)  : i32 {
        %mul3A_1469 = arith.constant 4 : i32
        %mul3A_1470 = arith.muli %scan3A_473, %mul3A_1469 : i32
        %add3A_1471 = arith.addi %mul3A_1470, %scan3A_1467 : i32
        %mul3A_1472 = arith.constant 13 : i32
        %mul3A_1473 = arith.muli %add3A_1471, %mul3A_1472 : i32
        %add3A_1474 = arith.constant 7 : i32
        %add3A_1475 = arith.addi %mul3A_1473, %add3A_1474 : i32
        %broadcast_in_dim3A = vector.broadcast %add3A_1475 : i32 to vector<16xi32>
        %gather3A = tpu.vector_load_idx %arg11[%broadcast_in_dim3A] : memref<6656xf32, #tpu.memory_space<vmem>>[vector<16xi32>], vector<16xf32>,
        %mul3A_1476 = arith.mulf %gather3A, %get3A_987 : vector<16xf32>
        %add3A_1477 = arith.addf %mul3A_1476, %get3A_1019 : vector<16xf32>
        %swap3A = arith.constant 8 : i32
        %swap3A_1478 = arith.index_cast %rem3A_475 : i32 to index
        %swap3A_1479 = arith.index_cast %scan3A_1467 : i32 to index
        %swap3A_1480 = arith.index_cast %swap3A : i32 to index
        %swap3A_1481 = arith.constant 0 : index
        %swap3A_1482 = tpu.vector_load %arg10[%swap3A_1478, %swap3A_1479, %swap3A_1480, %swap3A_1481] {strides = array<i32>} : memref<5x4x40x128xf32, #tpu.memory_space<vmem>>, vector<16xf32>,
        tpu.vector_store %arg10[%swap3A_1478, %swap3A_1479, %swap3A_1480, %swap3A_1481], %add3A_1477 {strides = array<i32>} : memref<5x4x40x128xf32, #tpu.memory_space<vmem>>, vector<16xf32>,
        %mul3A_1483 = arith.mulf %gather3A, %get3A_991 : vector<16xf32>
        %add3A_1484 = arith.addf %mul3A_1483, %get3A_1023 : vector<16xf32>
        %swap3A_1485 = arith.constant 8 : i32
        %swap3A_1486 = arith.index_cast %rem3A_475 : i32 to index
        %swap3A_1487 = arith.index_cast %scan3A_1467 : i32 to index
        %swap3A_1488 = arith.index_cast %swap3A_1485 : i32 to index
        %swap3A_1489 = arith.constant 16 : index
        %swap3A_1490 = tpu.vector_load %arg10[%swap3A_1486, %swap3A_1487, %swap3A_1488, %swap3A_1489] {strides = array<i32>} : memref<5x4x40x128xf32, #tpu.memory_space<vmem>>, vector<16xf32>,
        tpu.vector_store %arg10[%swap3A_1486, %swap3A_1487, %swap3A_1488, %swap3A_1489], %add3A_1484 {strides = array<i32>} : memref<5x4x40x128xf32, #tpu.memory_space<vmem>>, vector<16xf32>,
        %mul3A_1491 = arith.mulf %gather3A, %get3A_995 : vector<16xf32>
        %add3A_1492 = arith.addf %mul3A_1491, %get3A_1027 : vector<16xf32>
        %swap3A_1493 = arith.constant 8 : i32
        %swap3A_1494 = arith.index_cast %rem3A_475 : i32 to index
        %swap3A_1495 = arith.index_cast %scan3A_1467 : i32 to index
        %swap3A_1496 = arith.index_cast %swap3A_1493 : i32 to index
        %swap3A_1497 = arith.constant 32 : index
        %swap3A_1498 = tpu.vector_load %arg10[%swap3A_1494, %swap3A_1495, %swap3A_1496, %swap3A_1497] {strides = array<i32>} : memref<5x4x40x128xf32, #tpu.memory_space<vmem>>, vector<16xf32>,
        tpu.vector_store %arg10[%swap3A_1494, %swap3A_1495, %swap3A_1496, %swap3A_1497], %add3A_1492 {strides = array<i32>} : memref<5x4x40x128xf32, #tpu.memory_space<vmem>>, vector<16xf32>,
        %mul3A_1499 = arith.mulf %gather3A, %get3A_999 : vector<16xf32>
        %add3A_1500 = arith.addf %mul3A_1499, %get3A_1031 : vector<16xf32>
        %swap3A_1501 = arith.constant 8 : i32
        %swap3A_1502 = arith.index_cast %rem3A_475 : i32 to index
        %swap3A_1503 = arith.index_cast %scan3A_1467 : i32 to index
        %swap3A_1504 = arith.index_cast %swap3A_1501 : i32 to index
        %swap3A_1505 = arith.constant 48 : index
        %swap3A_1506 = tpu.vector_load %arg10[%swap3A_1502, %swap3A_1503, %swap3A_1504, %swap3A_1505] {strides = array<i32>} : memref<5x4x40x128xf32, #tpu.memory_space<vmem>>, vector<16xf32>,
        tpu.vector_store %arg10[%swap3A_1502, %swap3A_1503, %swap3A_1504, %swap3A_1505], %add3A_1500 {strides = array<i32>} : memref<5x4x40x128xf32, #tpu.memory_space<vmem>>, vector<16xf32>,
        %mul3A_1507 = arith.mulf %gather3A, %get3A_1003 : vector<16xf32>
        %add3A_1508 = arith.addf %mul3A_1507, %get3A_1035 : vector<16xf32>
        %swap3A_1509 = arith.constant 8 : i32
        %swap3A_1510 = arith.index_cast %rem3A_475 : i32 to index
        %swap3A_1511 = arith.index_cast %scan3A_1467 : i32 to index
        %swap3A_1512 = arith.index_cast %swap3A_1509 : i32 to index
        %swap3A_1513 = arith.constant 64 : index
        %swap3A_1514 = tpu.vector_load %arg10[%swap3A_1510, %swap3A_1511, %swap3A_1512, %swap3A_1513] {strides = array<i32>} : memref<5x4x40x128xf32, #tpu.memory_space<vmem>>, vector<16xf32>,
        tpu.vector_store %arg10[%swap3A_1510, %swap3A_1511, %swap3A_1512, %swap3A_1513], %add3A_1508 {strides = array<i32>} : memref<5x4x40x128xf32, #tpu.memory_space<vmem>>, vector<16xf32>,
        %mul3A_1515 = arith.mulf %gather3A, %get3A_1007 : vector<16xf32>
        %add3A_1516 = arith.addf %mul3A_1515, %get3A_1039 : vector<16xf32>
        %swap3A_1517 = arith.constant 8 : i32
        %swap3A_1518 = arith.index_cast %rem3A_475 : i32 to index
        %swap3A_1519 = arith.index_cast %scan3A_1467 : i32 to index
        %swap3A_1520 = arith.index_cast %swap3A_1517 : i32 to index
        %swap3A_1521 = arith.constant 80 : index
        %swap3A_1522 = tpu.vector_load %arg10[%swap3A_1518, %swap3A_1519, %swap3A_1520, %swap3A_1521] {strides = array<i32>} : memref<5x4x40x128xf32, #tpu.memory_space<vmem>>, vector<16xf32>,
        tpu.vector_store %arg10[%swap3A_1518, %swap3A_1519, %swap3A_1520, %swap3A_1521], %add3A_1516 {strides = array<i32>} : memref<5x4x40x128xf32, #tpu.memory_space<vmem>>, vector<16xf32>,
        %mul3A_1523 = arith.mulf %gather3A, %get3A_1011 : vector<16xf32>
        %add3A_1524 = arith.addf %mul3A_1523, %get3A_1043 : vector<16xf32>
        %swap3A_1525 = arith.constant 8 : i32
        %swap3A_1526 = arith.index_cast %rem3A_475 : i32 to index
        %swap3A_1527 = arith.index_cast %scan3A_1467 : i32 to index
        %swap3A_1528 = arith.index_cast %swap3A_1525 : i32 to index
        %swap3A_1529 = arith.constant 96 : index
        %swap3A_1530 = tpu.vector_load %arg10[%swap3A_1526, %swap3A_1527, %swap3A_1528, %swap3A_1529] {strides = array<i32>} : memref<5x4x40x128xf32, #tpu.memory_space<vmem>>, vector<16xf32>,
        tpu.vector_store %arg10[%swap3A_1526, %swap3A_1527, %swap3A_1528, %swap3A_1529], %add3A_1524 {strides = array<i32>} : memref<5x4x40x128xf32, #tpu.memory_space<vmem>>, vector<16xf32>,
        %mul3A_1531 = arith.mulf %gather3A, %get3A_1015 : vector<16xf32>
        %add3A_1532 = arith.addf %mul3A_1531, %get3A_1047 : vector<16xf32>
        %swap3A_1533 = arith.constant 8 : i32
        %swap3A_1534 = arith.index_cast %rem3A_475 : i32 to index
        %swap3A_1535 = arith.index_cast %scan3A_1467 : i32 to index
        %swap3A_1536 = arith.index_cast %swap3A_1533 : i32 to index
        %swap3A_1537 = arith.constant 112 : index
        %swap3A_1538 = tpu.vector_load %arg10[%swap3A_1534, %swap3A_1535, %swap3A_1536, %swap3A_1537] {strides = array<i32>} : memref<5x4x40x128xf32, #tpu.memory_space<vmem>>, vector<16xf32>,
        tpu.vector_store %arg10[%swap3A_1534, %swap3A_1535, %swap3A_1536, %swap3A_1537], %add3A_1532 {strides = array<i32>} : memref<5x4x40x128xf32, #tpu.memory_space<vmem>>, vector<16xf32>,
        %scan3A_1539 = arith.constant 0 : i32
        scf.yield %scan3A_1539 : i32
      }
      %scan3A_1054 = arith.constant 4 : i32
      %get3A_1055 = arith.constant 8 : i32
      %get3A_1056 = arith.index_cast %get3A_1055 : i32 to index
      %get3A_1057 = arith.constant 0 : index
      %get3A_1058 = tpu.vector_load %arg12[%get3A_1056, %get3A_1057] {strides = array<i32>} : memref<13x128xf32, #tpu.memory_space<vmem>>, vector<16xf32>,
      %get3A_1059 = arith.constant 8 : i32
      %get3A_1060 = arith.index_cast %get3A_1059 : i32 to index
      %get3A_1061 = arith.constant 16 : index
      %get3A_1062 = tpu.vector_load %arg12[%get3A_1060, %get3A_1061] {strides = array<i32>} : memref<13x128xf32, #tpu.memory_space<vmem>>, vector<16xf32>,
      %get3A_1063 = arith.constant 8 : i32
      %get3A_1064 = arith.index_cast %get3A_1063 : i32 to index
      %get3A_1065 = arith.constant 32 : index
      %get3A_1066 = tpu.vector_load %arg12[%get3A_1064, %get3A_1065] {strides = array<i32>} : memref<13x128xf32, #tpu.memory_space<vmem>>, vector<16xf32>,
      %get3A_1067 = arith.constant 8 : i32
      %get3A_1068 = arith.index_cast %get3A_1067 : i32 to index
      %get3A_1069 = arith.constant 48 : index
      %get3A_1070 = tpu.vector_load %arg12[%get3A_1068, %get3A_1069] {strides = array<i32>} : memref<13x128xf32, #tpu.memory_space<vmem>>, vector<16xf32>,
      %get3A_1071 = arith.constant 8 : i32
      %get3A_1072 = arith.index_cast %get3A_1071 : i32 to index
      %get3A_1073 = arith.constant 64 : index
      %get3A_1074 = tpu.vector_load %arg12[%get3A_1072, %get3A_1073] {strides = array<i32>} : memref<13x128xf32, #tpu.memory_space<vmem>>, vector<16xf32>,
      %get3A_1075 = arith.constant 8 : i32
      %get3A_1076 = arith.index_cast %get3A_1075 : i32 to index
      %get3A_1077 = arith.constant 80 : index
      %get3A_1078 = tpu.vector_load %arg12[%get3A_1076, %get3A_1077] {strides = array<i32>} : memref<13x128xf32, #tpu.memory_space<vmem>>, vector<16xf32>,
      %get3A_1079 = arith.constant 8 : i32
      %get3A_1080 = arith.index_cast %get3A_1079 : i32 to index
      %get3A_1081 = arith.constant 96 : index
      %get3A_1082 = tpu.vector_load %arg12[%get3A_1080, %get3A_1081] {strides = array<i32>} : memref<13x128xf32, #tpu.memory_space<vmem>>, vector<16xf32>,
      %get3A_1083 = arith.constant 8 : i32
      %get3A_1084 = arith.index_cast %get3A_1083 : i32 to index
      %get3A_1085 = arith.constant 112 : index
      %get3A_1086 = tpu.vector_load %arg12[%get3A_1084, %get3A_1085] {strides = array<i32>} : memref<13x128xf32, #tpu.memory_space<vmem>>, vector<16xf32>,
      %get3A_1087 = arith.constant 8 : i32
      %get3A_1088 = arith.index_cast %get3A_1087 : i32 to index
      %get3A_1089 = arith.constant 0 : index
      %get3A_1090 = tpu.vector_load %arg13[%get3A_1088, %get3A_1089] {strides = array<i32>} : memref<13x128xf32, #tpu.memory_space<vmem>>, vector<16xf32>,
      %get3A_1091 = arith.constant 8 : i32
      %get3A_1092 = arith.index_cast %get3A_1091 : i32 to index
      %get3A_1093 = arith.constant 16 : index
      %get3A_1094 = tpu.vector_load %arg13[%get3A_1092, %get3A_1093] {strides = array<i32>} : memref<13x128xf32, #tpu.memory_space<vmem>>, vector<16xf32>,
      %get3A_1095 = arith.constant 8 : i32
      %get3A_1096 = arith.index_cast %get3A_1095 : i32 to index
      %get3A_1097 = arith.constant 32 : index
      %get3A_1098 = tpu.vector_load %arg13[%get3A_1096, %get3A_1097] {strides = array<i32>} : memref<13x128xf32, #tpu.memory_space<vmem>>, vector<16xf32>,
      %get3A_1099 = arith.constant 8 : i32
      %get3A_1100 = arith.index_cast %get3A_1099 : i32 to index
      %get3A_1101 = arith.constant 48 : index
      %get3A_1102 = tpu.vector_load %arg13[%get3A_1100, %get3A_1101] {strides = array<i32>} : memref<13x128xf32, #tpu.memory_space<vmem>>, vector<16xf32>,
      %get3A_1103 = arith.constant 8 : i32
      %get3A_1104 = arith.index_cast %get3A_1103 : i32 to index
      %get3A_1105 = arith.constant 64 : index
      %get3A_1106 = tpu.vector_load %arg13[%get3A_1104, %get3A_1105] {strides = array<i32>} : memref<13x128xf32, #tpu.memory_space<vmem>>, vector<16xf32>,
      %get3A_1107 = arith.constant 8 : i32
      %get3A_1108 = arith.index_cast %get3A_1107 : i32 to index
      %get3A_1109 = arith.constant 80 : index
      %get3A_1110 = tpu.vector_load %arg13[%get3A_1108, %get3A_1109] {strides = array<i32>} : memref<13x128xf32, #tpu.memory_space<vmem>>, vector<16xf32>,
      %get3A_1111 = arith.constant 8 : i32
      %get3A_1112 = arith.index_cast %get3A_1111 : i32 to index
      %get3A_1113 = arith.constant 96 : index
      %get3A_1114 = tpu.vector_load %arg13[%get3A_1112, %get3A_1113] {strides = array<i32>} : memref<13x128xf32, #tpu.memory_space<vmem>>, vector<16xf32>,
      %get3A_1115 = arith.constant 8 : i32
      %get3A_1116 = arith.index_cast %get3A_1115 : i32 to index
      %get3A_1117 = arith.constant 112 : index
      %get3A_1118 = tpu.vector_load %arg13[%get3A_1116, %get3A_1117] {strides = array<i32>} : memref<13x128xf32, #tpu.memory_space<vmem>>, vector<16xf32>,
      %scan3A_1119 = arith.constant 0 : i32
      %scan3A_1120 = arith.constant 0 : i32
      %scan3A_1121 = arith.constant 4 : i32
      %scan3A_1122 = arith.addi %scan3A_1120, %scan3A_1121 : i32
      %scan3A_1123 = arith.constant 1 : i32
      %scan3A_1124 = scf.for %scan3A_1467 = %scan3A_1120 to %scan3A_1122 step %scan3A_1123 iter_args(%scan3A_1468 = %scan3A_1119) -> (i32)  : i32 {
        %mul3A_1469 = arith.constant 4 : i32
        %mul3A_1470 = arith.muli %scan3A_473, %mul3A_1469 : i32
        %add3A_1471 = arith.addi %mul3A_1470, %scan3A_1467 : i32
        %mul3A_1472 = arith.constant 13 : i32
        %mul3A_1473 = arith.muli %add3A_1471, %mul3A_1472 : i32
        %add3A_1474 = arith.constant 8 : i32
        %add3A_1475 = arith.addi %mul3A_1473, %add3A_1474 : i32
        %broadcast_in_dim3A = vector.broadcast %add3A_1475 : i32 to vector<16xi32>
        %gather3A = tpu.vector_load_idx %arg11[%broadcast_in_dim3A] : memref<6656xf32, #tpu.memory_space<vmem>>[vector<16xi32>], vector<16xf32>,
        %mul3A_1476 = arith.mulf %gather3A, %get3A_1058 : vector<16xf32>
        %add3A_1477 = arith.addf %mul3A_1476, %get3A_1090 : vector<16xf32>
        %swap3A = arith.constant 9 : i32
        %swap3A_1478 = arith.index_cast %rem3A_475 : i32 to index
        %swap3A_1479 = arith.index_cast %scan3A_1467 : i32 to index
        %swap3A_1480 = arith.index_cast %swap3A : i32 to index
        %swap3A_1481 = arith.constant 0 : index
        %swap3A_1482 = tpu.vector_load %arg10[%swap3A_1478, %swap3A_1479, %swap3A_1480, %swap3A_1481] {strides = array<i32>} : memref<5x4x40x128xf32, #tpu.memory_space<vmem>>, vector<16xf32>,
        tpu.vector_store %arg10[%swap3A_1478, %swap3A_1479, %swap3A_1480, %swap3A_1481], %add3A_1477 {strides = array<i32>} : memref<5x4x40x128xf32, #tpu.memory_space<vmem>>, vector<16xf32>,
        %mul3A_1483 = arith.mulf %gather3A, %get3A_1062 : vector<16xf32>
        %add3A_1484 = arith.addf %mul3A_1483, %get3A_1094 : vector<16xf32>
        %swap3A_1485 = arith.constant 9 : i32
        %swap3A_1486 = arith.index_cast %rem3A_475 : i32 to index
        %swap3A_1487 = arith.index_cast %scan3A_1467 : i32 to index
        %swap3A_1488 = arith.index_cast %swap3A_1485 : i32 to index
        %swap3A_1489 = arith.constant 16 : index
        %swap3A_1490 = tpu.vector_load %arg10[%swap3A_1486, %swap3A_1487, %swap3A_1488, %swap3A_1489] {strides = array<i32>} : memref<5x4x40x128xf32, #tpu.memory_space<vmem>>, vector<16xf32>,
        tpu.vector_store %arg10[%swap3A_1486, %swap3A_1487, %swap3A_1488, %swap3A_1489], %add3A_1484 {strides = array<i32>} : memref<5x4x40x128xf32, #tpu.memory_space<vmem>>, vector<16xf32>,
        %mul3A_1491 = arith.mulf %gather3A, %get3A_1066 : vector<16xf32>
        %add3A_1492 = arith.addf %mul3A_1491, %get3A_1098 : vector<16xf32>
        %swap3A_1493 = arith.constant 9 : i32
        %swap3A_1494 = arith.index_cast %rem3A_475 : i32 to index
        %swap3A_1495 = arith.index_cast %scan3A_1467 : i32 to index
        %swap3A_1496 = arith.index_cast %swap3A_1493 : i32 to index
        %swap3A_1497 = arith.constant 32 : index
        %swap3A_1498 = tpu.vector_load %arg10[%swap3A_1494, %swap3A_1495, %swap3A_1496, %swap3A_1497] {strides = array<i32>} : memref<5x4x40x128xf32, #tpu.memory_space<vmem>>, vector<16xf32>,
        tpu.vector_store %arg10[%swap3A_1494, %swap3A_1495, %swap3A_1496, %swap3A_1497], %add3A_1492 {strides = array<i32>} : memref<5x4x40x128xf32, #tpu.memory_space<vmem>>, vector<16xf32>,
        %mul3A_1499 = arith.mulf %gather3A, %get3A_1070 : vector<16xf32>
        %add3A_1500 = arith.addf %mul3A_1499, %get3A_1102 : vector<16xf32>
        %swap3A_1501 = arith.constant 9 : i32
        %swap3A_1502 = arith.index_cast %rem3A_475 : i32 to index
        %swap3A_1503 = arith.index_cast %scan3A_1467 : i32 to index
        %swap3A_1504 = arith.index_cast %swap3A_1501 : i32 to index
        %swap3A_1505 = arith.constant 48 : index
        %swap3A_1506 = tpu.vector_load %arg10[%swap3A_1502, %swap3A_1503, %swap3A_1504, %swap3A_1505] {strides = array<i32>} : memref<5x4x40x128xf32, #tpu.memory_space<vmem>>, vector<16xf32>,
        tpu.vector_store %arg10[%swap3A_1502, %swap3A_1503, %swap3A_1504, %swap3A_1505], %add3A_1500 {strides = array<i32>} : memref<5x4x40x128xf32, #tpu.memory_space<vmem>>, vector<16xf32>,
        %mul3A_1507 = arith.mulf %gather3A, %get3A_1074 : vector<16xf32>
        %add3A_1508 = arith.addf %mul3A_1507, %get3A_1106 : vector<16xf32>
        %swap3A_1509 = arith.constant 9 : i32
        %swap3A_1510 = arith.index_cast %rem3A_475 : i32 to index
        %swap3A_1511 = arith.index_cast %scan3A_1467 : i32 to index
        %swap3A_1512 = arith.index_cast %swap3A_1509 : i32 to index
        %swap3A_1513 = arith.constant 64 : index
        %swap3A_1514 = tpu.vector_load %arg10[%swap3A_1510, %swap3A_1511, %swap3A_1512, %swap3A_1513] {strides = array<i32>} : memref<5x4x40x128xf32, #tpu.memory_space<vmem>>, vector<16xf32>,
        tpu.vector_store %arg10[%swap3A_1510, %swap3A_1511, %swap3A_1512, %swap3A_1513], %add3A_1508 {strides = array<i32>} : memref<5x4x40x128xf32, #tpu.memory_space<vmem>>, vector<16xf32>,
        %mul3A_1515 = arith.mulf %gather3A, %get3A_1078 : vector<16xf32>
        %add3A_1516 = arith.addf %mul3A_1515, %get3A_1110 : vector<16xf32>
        %swap3A_1517 = arith.constant 9 : i32
        %swap3A_1518 = arith.index_cast %rem3A_475 : i32 to index
        %swap3A_1519 = arith.index_cast %scan3A_1467 : i32 to index
        %swap3A_1520 = arith.index_cast %swap3A_1517 : i32 to index
        %swap3A_1521 = arith.constant 80 : index
        %swap3A_1522 = tpu.vector_load %arg10[%swap3A_1518, %swap3A_1519, %swap3A_1520, %swap3A_1521] {strides = array<i32>} : memref<5x4x40x128xf32, #tpu.memory_space<vmem>>, vector<16xf32>,
        tpu.vector_store %arg10[%swap3A_1518, %swap3A_1519, %swap3A_1520, %swap3A_1521], %add3A_1516 {strides = array<i32>} : memref<5x4x40x128xf32, #tpu.memory_space<vmem>>, vector<16xf32>,
        %mul3A_1523 = arith.mulf %gather3A, %get3A_1082 : vector<16xf32>
        %add3A_1524 = arith.addf %mul3A_1523, %get3A_1114 : vector<16xf32>
        %swap3A_1525 = arith.constant 9 : i32
        %swap3A_1526 = arith.index_cast %rem3A_475 : i32 to index
        %swap3A_1527 = arith.index_cast %scan3A_1467 : i32 to index
        %swap3A_1528 = arith.index_cast %swap3A_1525 : i32 to index
        %swap3A_1529 = arith.constant 96 : index
        %swap3A_1530 = tpu.vector_load %arg10[%swap3A_1526, %swap3A_1527, %swap3A_1528, %swap3A_1529] {strides = array<i32>} : memref<5x4x40x128xf32, #tpu.memory_space<vmem>>, vector<16xf32>,
        tpu.vector_store %arg10[%swap3A_1526, %swap3A_1527, %swap3A_1528, %swap3A_1529], %add3A_1524 {strides = array<i32>} : memref<5x4x40x128xf32, #tpu.memory_space<vmem>>, vector<16xf32>,
        %mul3A_1531 = arith.mulf %gather3A, %get3A_1086 : vector<16xf32>
        %add3A_1532 = arith.addf %mul3A_1531, %get3A_1118 : vector<16xf32>
        %swap3A_1533 = arith.constant 9 : i32
        %swap3A_1534 = arith.index_cast %rem3A_475 : i32 to index
        %swap3A_1535 = arith.index_cast %scan3A_1467 : i32 to index
        %swap3A_1536 = arith.index_cast %swap3A_1533 : i32 to index
        %swap3A_1537 = arith.constant 112 : index
        %swap3A_1538 = tpu.vector_load %arg10[%swap3A_1534, %swap3A_1535, %swap3A_1536, %swap3A_1537] {strides = array<i32>} : memref<5x4x40x128xf32, #tpu.memory_space<vmem>>, vector<16xf32>,
        tpu.vector_store %arg10[%swap3A_1534, %swap3A_1535, %swap3A_1536, %swap3A_1537], %add3A_1532 {strides = array<i32>} : memref<5x4x40x128xf32, #tpu.memory_space<vmem>>, vector<16xf32>,
        %scan3A_1539 = arith.constant 0 : i32
        scf.yield %scan3A_1539 : i32
      }
      %scan3A_1125 = arith.constant 4 : i32
      %get3A_1126 = arith.constant 9 : i32
      %get3A_1127 = arith.index_cast %get3A_1126 : i32 to index
      %get3A_1128 = arith.constant 0 : index
      %get3A_1129 = tpu.vector_load %arg12[%get3A_1127, %get3A_1128] {strides = array<i32>} : memref<13x128xf32, #tpu.memory_space<vmem>>, vector<16xf32>,
      %get3A_1130 = arith.constant 9 : i32
      %get3A_1131 = arith.index_cast %get3A_1130 : i32 to index
      %get3A_1132 = arith.constant 16 : index
      %get3A_1133 = tpu.vector_load %arg12[%get3A_1131, %get3A_1132] {strides = array<i32>} : memref<13x128xf32, #tpu.memory_space<vmem>>, vector<16xf32>,
      %get3A_1134 = arith.constant 9 : i32
      %get3A_1135 = arith.index_cast %get3A_1134 : i32 to index
      %get3A_1136 = arith.constant 32 : index
      %get3A_1137 = tpu.vector_load %arg12[%get3A_1135, %get3A_1136] {strides = array<i32>} : memref<13x128xf32, #tpu.memory_space<vmem>>, vector<16xf32>,
      %get3A_1138 = arith.constant 9 : i32
      %get3A_1139 = arith.index_cast %get3A_1138 : i32 to index
      %get3A_1140 = arith.constant 48 : index
      %get3A_1141 = tpu.vector_load %arg12[%get3A_1139, %get3A_1140] {strides = array<i32>} : memref<13x128xf32, #tpu.memory_space<vmem>>, vector<16xf32>,
      %get3A_1142 = arith.constant 9 : i32
      %get3A_1143 = arith.index_cast %get3A_1142 : i32 to index
      %get3A_1144 = arith.constant 64 : index
      %get3A_1145 = tpu.vector_load %arg12[%get3A_1143, %get3A_1144] {strides = array<i32>} : memref<13x128xf32, #tpu.memory_space<vmem>>, vector<16xf32>,
      %get3A_1146 = arith.constant 9 : i32
      %get3A_1147 = arith.index_cast %get3A_1146 : i32 to index
      %get3A_1148 = arith.constant 80 : index
      %get3A_1149 = tpu.vector_load %arg12[%get3A_1147, %get3A_1148] {strides = array<i32>} : memref<13x128xf32, #tpu.memory_space<vmem>>, vector<16xf32>,
      %get3A_1150 = arith.constant 9 : i32
      %get3A_1151 = arith.index_cast %get3A_1150 : i32 to index
      %get3A_1152 = arith.constant 96 : index
      %get3A_1153 = tpu.vector_load %arg12[%get3A_1151, %get3A_1152] {strides = array<i32>} : memref<13x128xf32, #tpu.memory_space<vmem>>, vector<16xf32>,
      %get3A_1154 = arith.constant 9 : i32
      %get3A_1155 = arith.index_cast %get3A_1154 : i32 to index
      %get3A_1156 = arith.constant 112 : index
      %get3A_1157 = tpu.vector_load %arg12[%get3A_1155, %get3A_1156] {strides = array<i32>} : memref<13x128xf32, #tpu.memory_space<vmem>>, vector<16xf32>,
      %get3A_1158 = arith.constant 9 : i32
      %get3A_1159 = arith.index_cast %get3A_1158 : i32 to index
      %get3A_1160 = arith.constant 0 : index
      %get3A_1161 = tpu.vector_load %arg13[%get3A_1159, %get3A_1160] {strides = array<i32>} : memref<13x128xf32, #tpu.memory_space<vmem>>, vector<16xf32>,
      %get3A_1162 = arith.constant 9 : i32
      %get3A_1163 = arith.index_cast %get3A_1162 : i32 to index
      %get3A_1164 = arith.constant 16 : index
      %get3A_1165 = tpu.vector_load %arg13[%get3A_1163, %get3A_1164] {strides = array<i32>} : memref<13x128xf32, #tpu.memory_space<vmem>>, vector<16xf32>,
      %get3A_1166 = arith.constant 9 : i32
      %get3A_1167 = arith.index_cast %get3A_1166 : i32 to index
      %get3A_1168 = arith.constant 32 : index
      %get3A_1169 = tpu.vector_load %arg13[%get3A_1167, %get3A_1168] {strides = array<i32>} : memref<13x128xf32, #tpu.memory_space<vmem>>, vector<16xf32>,
      %get3A_1170 = arith.constant 9 : i32
      %get3A_1171 = arith.index_cast %get3A_1170 : i32 to index
      %get3A_1172 = arith.constant 48 : index
      %get3A_1173 = tpu.vector_load %arg13[%get3A_1171, %get3A_1172] {strides = array<i32>} : memref<13x128xf32, #tpu.memory_space<vmem>>, vector<16xf32>,
      %get3A_1174 = arith.constant 9 : i32
      %get3A_1175 = arith.index_cast %get3A_1174 : i32 to index
      %get3A_1176 = arith.constant 64 : index
      %get3A_1177 = tpu.vector_load %arg13[%get3A_1175, %get3A_1176] {strides = array<i32>} : memref<13x128xf32, #tpu.memory_space<vmem>>, vector<16xf32>,
      %get3A_1178 = arith.constant 9 : i32
      %get3A_1179 = arith.index_cast %get3A_1178 : i32 to index
      %get3A_1180 = arith.constant 80 : index
      %get3A_1181 = tpu.vector_load %arg13[%get3A_1179, %get3A_1180] {strides = array<i32>} : memref<13x128xf32, #tpu.memory_space<vmem>>, vector<16xf32>,
      %get3A_1182 = arith.constant 9 : i32
      %get3A_1183 = arith.index_cast %get3A_1182 : i32 to index
      %get3A_1184 = arith.constant 96 : index
      %get3A_1185 = tpu.vector_load %arg13[%get3A_1183, %get3A_1184] {strides = array<i32>} : memref<13x128xf32, #tpu.memory_space<vmem>>, vector<16xf32>,
      %get3A_1186 = arith.constant 9 : i32
      %get3A_1187 = arith.index_cast %get3A_1186 : i32 to index
      %get3A_1188 = arith.constant 112 : index
      %get3A_1189 = tpu.vector_load %arg13[%get3A_1187, %get3A_1188] {strides = array<i32>} : memref<13x128xf32, #tpu.memory_space<vmem>>, vector<16xf32>,
      %scan3A_1190 = arith.constant 0 : i32
      %scan3A_1191 = arith.constant 0 : i32
      %scan3A_1192 = arith.constant 4 : i32
      %scan3A_1193 = arith.addi %scan3A_1191, %scan3A_1192 : i32
      %scan3A_1194 = arith.constant 1 : i32
      %scan3A_1195 = scf.for %scan3A_1467 = %scan3A_1191 to %scan3A_1193 step %scan3A_1194 iter_args(%scan3A_1468 = %scan3A_1190) -> (i32)  : i32 {
        %mul3A_1469 = arith.constant 4 : i32
        %mul3A_1470 = arith.muli %scan3A_473, %mul3A_1469 : i32
        %add3A_1471 = arith.addi %mul3A_1470, %scan3A_1467 : i32
        %mul3A_1472 = arith.constant 13 : i32
        %mul3A_1473 = arith.muli %add3A_1471, %mul3A_1472 : i32
        %add3A_1474 = arith.constant 9 : i32
        %add3A_1475 = arith.addi %mul3A_1473, %add3A_1474 : i32
        %broadcast_in_dim3A = vector.broadcast %add3A_1475 : i32 to vector<16xi32>
        %gather3A = tpu.vector_load_idx %arg11[%broadcast_in_dim3A] : memref<6656xf32, #tpu.memory_space<vmem>>[vector<16xi32>], vector<16xf32>,
        %mul3A_1476 = arith.mulf %gather3A, %get3A_1129 : vector<16xf32>
        %add3A_1477 = arith.addf %mul3A_1476, %get3A_1161 : vector<16xf32>
        %swap3A = arith.constant 10 : i32
        %swap3A_1478 = arith.index_cast %rem3A_475 : i32 to index
        %swap3A_1479 = arith.index_cast %scan3A_1467 : i32 to index
        %swap3A_1480 = arith.index_cast %swap3A : i32 to index
        %swap3A_1481 = arith.constant 0 : index
        %swap3A_1482 = tpu.vector_load %arg10[%swap3A_1478, %swap3A_1479, %swap3A_1480, %swap3A_1481] {strides = array<i32>} : memref<5x4x40x128xf32, #tpu.memory_space<vmem>>, vector<16xf32>,
        tpu.vector_store %arg10[%swap3A_1478, %swap3A_1479, %swap3A_1480, %swap3A_1481], %add3A_1477 {strides = array<i32>} : memref<5x4x40x128xf32, #tpu.memory_space<vmem>>, vector<16xf32>,
        %mul3A_1483 = arith.mulf %gather3A, %get3A_1133 : vector<16xf32>
        %add3A_1484 = arith.addf %mul3A_1483, %get3A_1165 : vector<16xf32>
        %swap3A_1485 = arith.constant 10 : i32
        %swap3A_1486 = arith.index_cast %rem3A_475 : i32 to index
        %swap3A_1487 = arith.index_cast %scan3A_1467 : i32 to index
        %swap3A_1488 = arith.index_cast %swap3A_1485 : i32 to index
        %swap3A_1489 = arith.constant 16 : index
        %swap3A_1490 = tpu.vector_load %arg10[%swap3A_1486, %swap3A_1487, %swap3A_1488, %swap3A_1489] {strides = array<i32>} : memref<5x4x40x128xf32, #tpu.memory_space<vmem>>, vector<16xf32>,
        tpu.vector_store %arg10[%swap3A_1486, %swap3A_1487, %swap3A_1488, %swap3A_1489], %add3A_1484 {strides = array<i32>} : memref<5x4x40x128xf32, #tpu.memory_space<vmem>>, vector<16xf32>,
        %mul3A_1491 = arith.mulf %gather3A, %get3A_1137 : vector<16xf32>
        %add3A_1492 = arith.addf %mul3A_1491, %get3A_1169 : vector<16xf32>
        %swap3A_1493 = arith.constant 10 : i32
        %swap3A_1494 = arith.index_cast %rem3A_475 : i32 to index
        %swap3A_1495 = arith.index_cast %scan3A_1467 : i32 to index
        %swap3A_1496 = arith.index_cast %swap3A_1493 : i32 to index
        %swap3A_1497 = arith.constant 32 : index
        %swap3A_1498 = tpu.vector_load %arg10[%swap3A_1494, %swap3A_1495, %swap3A_1496, %swap3A_1497] {strides = array<i32>} : memref<5x4x40x128xf32, #tpu.memory_space<vmem>>, vector<16xf32>,
        tpu.vector_store %arg10[%swap3A_1494, %swap3A_1495, %swap3A_1496, %swap3A_1497], %add3A_1492 {strides = array<i32>} : memref<5x4x40x128xf32, #tpu.memory_space<vmem>>, vector<16xf32>,
        %mul3A_1499 = arith.mulf %gather3A, %get3A_1141 : vector<16xf32>
        %add3A_1500 = arith.addf %mul3A_1499, %get3A_1173 : vector<16xf32>
        %swap3A_1501 = arith.constant 10 : i32
        %swap3A_1502 = arith.index_cast %rem3A_475 : i32 to index
        %swap3A_1503 = arith.index_cast %scan3A_1467 : i32 to index
        %swap3A_1504 = arith.index_cast %swap3A_1501 : i32 to index
        %swap3A_1505 = arith.constant 48 : index
        %swap3A_1506 = tpu.vector_load %arg10[%swap3A_1502, %swap3A_1503, %swap3A_1504, %swap3A_1505] {strides = array<i32>} : memref<5x4x40x128xf32, #tpu.memory_space<vmem>>, vector<16xf32>,
        tpu.vector_store %arg10[%swap3A_1502, %swap3A_1503, %swap3A_1504, %swap3A_1505], %add3A_1500 {strides = array<i32>} : memref<5x4x40x128xf32, #tpu.memory_space<vmem>>, vector<16xf32>,
        %mul3A_1507 = arith.mulf %gather3A, %get3A_1145 : vector<16xf32>
        %add3A_1508 = arith.addf %mul3A_1507, %get3A_1177 : vector<16xf32>
        %swap3A_1509 = arith.constant 10 : i32
        %swap3A_1510 = arith.index_cast %rem3A_475 : i32 to index
        %swap3A_1511 = arith.index_cast %scan3A_1467 : i32 to index
        %swap3A_1512 = arith.index_cast %swap3A_1509 : i32 to index
        %swap3A_1513 = arith.constant 64 : index
        %swap3A_1514 = tpu.vector_load %arg10[%swap3A_1510, %swap3A_1511, %swap3A_1512, %swap3A_1513] {strides = array<i32>} : memref<5x4x40x128xf32, #tpu.memory_space<vmem>>, vector<16xf32>,
        tpu.vector_store %arg10[%swap3A_1510, %swap3A_1511, %swap3A_1512, %swap3A_1513], %add3A_1508 {strides = array<i32>} : memref<5x4x40x128xf32, #tpu.memory_space<vmem>>, vector<16xf32>,
        %mul3A_1515 = arith.mulf %gather3A, %get3A_1149 : vector<16xf32>
        %add3A_1516 = arith.addf %mul3A_1515, %get3A_1181 : vector<16xf32>
        %swap3A_1517 = arith.constant 10 : i32
        %swap3A_1518 = arith.index_cast %rem3A_475 : i32 to index
        %swap3A_1519 = arith.index_cast %scan3A_1467 : i32 to index
        %swap3A_1520 = arith.index_cast %swap3A_1517 : i32 to index
        %swap3A_1521 = arith.constant 80 : index
        %swap3A_1522 = tpu.vector_load %arg10[%swap3A_1518, %swap3A_1519, %swap3A_1520, %swap3A_1521] {strides = array<i32>} : memref<5x4x40x128xf32, #tpu.memory_space<vmem>>, vector<16xf32>,
        tpu.vector_store %arg10[%swap3A_1518, %swap3A_1519, %swap3A_1520, %swap3A_1521], %add3A_1516 {strides = array<i32>} : memref<5x4x40x128xf32, #tpu.memory_space<vmem>>, vector<16xf32>,
        %mul3A_1523 = arith.mulf %gather3A, %get3A_1153 : vector<16xf32>
        %add3A_1524 = arith.addf %mul3A_1523, %get3A_1185 : vector<16xf32>
        %swap3A_1525 = arith.constant 10 : i32
        %swap3A_1526 = arith.index_cast %rem3A_475 : i32 to index
        %swap3A_1527 = arith.index_cast %scan3A_1467 : i32 to index
        %swap3A_1528 = arith.index_cast %swap3A_1525 : i32 to index
        %swap3A_1529 = arith.constant 96 : index
        %swap3A_1530 = tpu.vector_load %arg10[%swap3A_1526, %swap3A_1527, %swap3A_1528, %swap3A_1529] {strides = array<i32>} : memref<5x4x40x128xf32, #tpu.memory_space<vmem>>, vector<16xf32>,
        tpu.vector_store %arg10[%swap3A_1526, %swap3A_1527, %swap3A_1528, %swap3A_1529], %add3A_1524 {strides = array<i32>} : memref<5x4x40x128xf32, #tpu.memory_space<vmem>>, vector<16xf32>,
        %mul3A_1531 = arith.mulf %gather3A, %get3A_1157 : vector<16xf32>
        %add3A_1532 = arith.addf %mul3A_1531, %get3A_1189 : vector<16xf32>
        %swap3A_1533 = arith.constant 10 : i32
        %swap3A_1534 = arith.index_cast %rem3A_475 : i32 to index
        %swap3A_1535 = arith.index_cast %scan3A_1467 : i32 to index
        %swap3A_1536 = arith.index_cast %swap3A_1533 : i32 to index
        %swap3A_1537 = arith.constant 112 : index
        %swap3A_1538 = tpu.vector_load %arg10[%swap3A_1534, %swap3A_1535, %swap3A_1536, %swap3A_1537] {strides = array<i32>} : memref<5x4x40x128xf32, #tpu.memory_space<vmem>>, vector<16xf32>,
        tpu.vector_store %arg10[%swap3A_1534, %swap3A_1535, %swap3A_1536, %swap3A_1537], %add3A_1532 {strides = array<i32>} : memref<5x4x40x128xf32, #tpu.memory_space<vmem>>, vector<16xf32>,
        %scan3A_1539 = arith.constant 0 : i32
        scf.yield %scan3A_1539 : i32
      }
      %scan3A_1196 = arith.constant 4 : i32
      %get3A_1197 = arith.constant 10 : i32
      %get3A_1198 = arith.index_cast %get3A_1197 : i32 to index
      %get3A_1199 = arith.constant 0 : index
      %get3A_1200 = tpu.vector_load %arg12[%get3A_1198, %get3A_1199] {strides = array<i32>} : memref<13x128xf32, #tpu.memory_space<vmem>>, vector<16xf32>,
      %get3A_1201 = arith.constant 10 : i32
      %get3A_1202 = arith.index_cast %get3A_1201 : i32 to index
      %get3A_1203 = arith.constant 16 : index
      %get3A_1204 = tpu.vector_load %arg12[%get3A_1202, %get3A_1203] {strides = array<i32>} : memref<13x128xf32, #tpu.memory_space<vmem>>, vector<16xf32>,
      %get3A_1205 = arith.constant 10 : i32
      %get3A_1206 = arith.index_cast %get3A_1205 : i32 to index
      %get3A_1207 = arith.constant 32 : index
      %get3A_1208 = tpu.vector_load %arg12[%get3A_1206, %get3A_1207] {strides = array<i32>} : memref<13x128xf32, #tpu.memory_space<vmem>>, vector<16xf32>,
      %get3A_1209 = arith.constant 10 : i32
      %get3A_1210 = arith.index_cast %get3A_1209 : i32 to index
      %get3A_1211 = arith.constant 48 : index
      %get3A_1212 = tpu.vector_load %arg12[%get3A_1210, %get3A_1211] {strides = array<i32>} : memref<13x128xf32, #tpu.memory_space<vmem>>, vector<16xf32>,
      %get3A_1213 = arith.constant 10 : i32
      %get3A_1214 = arith.index_cast %get3A_1213 : i32 to index
      %get3A_1215 = arith.constant 64 : index
      %get3A_1216 = tpu.vector_load %arg12[%get3A_1214, %get3A_1215] {strides = array<i32>} : memref<13x128xf32, #tpu.memory_space<vmem>>, vector<16xf32>,
      %get3A_1217 = arith.constant 10 : i32
      %get3A_1218 = arith.index_cast %get3A_1217 : i32 to index
      %get3A_1219 = arith.constant 80 : index
      %get3A_1220 = tpu.vector_load %arg12[%get3A_1218, %get3A_1219] {strides = array<i32>} : memref<13x128xf32, #tpu.memory_space<vmem>>, vector<16xf32>,
      %get3A_1221 = arith.constant 10 : i32
      %get3A_1222 = arith.index_cast %get3A_1221 : i32 to index
      %get3A_1223 = arith.constant 96 : index
      %get3A_1224 = tpu.vector_load %arg12[%get3A_1222, %get3A_1223] {strides = array<i32>} : memref<13x128xf32, #tpu.memory_space<vmem>>, vector<16xf32>,
      %get3A_1225 = arith.constant 10 : i32
      %get3A_1226 = arith.index_cast %get3A_1225 : i32 to index
      %get3A_1227 = arith.constant 112 : index
      %get3A_1228 = tpu.vector_load %arg12[%get3A_1226, %get3A_1227] {strides = array<i32>} : memref<13x128xf32, #tpu.memory_space<vmem>>, vector<16xf32>,
      %get3A_1229 = arith.constant 10 : i32
      %get3A_1230 = arith.index_cast %get3A_1229 : i32 to index
      %get3A_1231 = arith.constant 0 : index
      %get3A_1232 = tpu.vector_load %arg13[%get3A_1230, %get3A_1231] {strides = array<i32>} : memref<13x128xf32, #tpu.memory_space<vmem>>, vector<16xf32>,
      %get3A_1233 = arith.constant 10 : i32
      %get3A_1234 = arith.index_cast %get3A_1233 : i32 to index
      %get3A_1235 = arith.constant 16 : index
      %get3A_1236 = tpu.vector_load %arg13[%get3A_1234, %get3A_1235] {strides = array<i32>} : memref<13x128xf32, #tpu.memory_space<vmem>>, vector<16xf32>,
      %get3A_1237 = arith.constant 10 : i32
      %get3A_1238 = arith.index_cast %get3A_1237 : i32 to index
      %get3A_1239 = arith.constant 32 : index
      %get3A_1240 = tpu.vector_load %arg13[%get3A_1238, %get3A_1239] {strides = array<i32>} : memref<13x128xf32, #tpu.memory_space<vmem>>, vector<16xf32>,
      %get3A_1241 = arith.constant 10 : i32
      %get3A_1242 = arith.index_cast %get3A_1241 : i32 to index
      %get3A_1243 = arith.constant 48 : index
      %get3A_1244 = tpu.vector_load %arg13[%get3A_1242, %get3A_1243] {strides = array<i32>} : memref<13x128xf32, #tpu.memory_space<vmem>>, vector<16xf32>,
      %get3A_1245 = arith.constant 10 : i32
      %get3A_1246 = arith.index_cast %get3A_1245 : i32 to index
      %get3A_1247 = arith.constant 64 : index
      %get3A_1248 = tpu.vector_load %arg13[%get3A_1246, %get3A_1247] {strides = array<i32>} : memref<13x128xf32, #tpu.memory_space<vmem>>, vector<16xf32>,
      %get3A_1249 = arith.constant 10 : i32
      %get3A_1250 = arith.index_cast %get3A_1249 : i32 to index
      %get3A_1251 = arith.constant 80 : index
      %get3A_1252 = tpu.vector_load %arg13[%get3A_1250, %get3A_1251] {strides = array<i32>} : memref<13x128xf32, #tpu.memory_space<vmem>>, vector<16xf32>,
      %get3A_1253 = arith.constant 10 : i32
      %get3A_1254 = arith.index_cast %get3A_1253 : i32 to index
      %get3A_1255 = arith.constant 96 : index
      %get3A_1256 = tpu.vector_load %arg13[%get3A_1254, %get3A_1255] {strides = array<i32>} : memref<13x128xf32, #tpu.memory_space<vmem>>, vector<16xf32>,
      %get3A_1257 = arith.constant 10 : i32
      %get3A_1258 = arith.index_cast %get3A_1257 : i32 to index
      %get3A_1259 = arith.constant 112 : index
      %get3A_1260 = tpu.vector_load %arg13[%get3A_1258, %get3A_1259] {strides = array<i32>} : memref<13x128xf32, #tpu.memory_space<vmem>>, vector<16xf32>,
      %scan3A_1261 = arith.constant 0 : i32
      %scan3A_1262 = arith.constant 0 : i32
      %scan3A_1263 = arith.constant 4 : i32
      %scan3A_1264 = arith.addi %scan3A_1262, %scan3A_1263 : i32
      %scan3A_1265 = arith.constant 1 : i32
      %scan3A_1266 = scf.for %scan3A_1467 = %scan3A_1262 to %scan3A_1264 step %scan3A_1265 iter_args(%scan3A_1468 = %scan3A_1261) -> (i32)  : i32 {
        %mul3A_1469 = arith.constant 4 : i32
        %mul3A_1470 = arith.muli %scan3A_473, %mul3A_1469 : i32
        %add3A_1471 = arith.addi %mul3A_1470, %scan3A_1467 : i32
        %mul3A_1472 = arith.constant 13 : i32
        %mul3A_1473 = arith.muli %add3A_1471, %mul3A_1472 : i32
        %add3A_1474 = arith.constant 10 : i32
        %add3A_1475 = arith.addi %mul3A_1473, %add3A_1474 : i32
        %broadcast_in_dim3A = vector.broadcast %add3A_1475 : i32 to vector<16xi32>
        %gather3A = tpu.vector_load_idx %arg11[%broadcast_in_dim3A] : memref<6656xf32, #tpu.memory_space<vmem>>[vector<16xi32>], vector<16xf32>,
        %mul3A_1476 = arith.mulf %gather3A, %get3A_1200 : vector<16xf32>
        %add3A_1477 = arith.addf %mul3A_1476, %get3A_1232 : vector<16xf32>
        %swap3A = arith.constant 11 : i32
        %swap3A_1478 = arith.index_cast %rem3A_475 : i32 to index
        %swap3A_1479 = arith.index_cast %scan3A_1467 : i32 to index
        %swap3A_1480 = arith.index_cast %swap3A : i32 to index
        %swap3A_1481 = arith.constant 0 : index
        %swap3A_1482 = tpu.vector_load %arg10[%swap3A_1478, %swap3A_1479, %swap3A_1480, %swap3A_1481] {strides = array<i32>} : memref<5x4x40x128xf32, #tpu.memory_space<vmem>>, vector<16xf32>,
        tpu.vector_store %arg10[%swap3A_1478, %swap3A_1479, %swap3A_1480, %swap3A_1481], %add3A_1477 {strides = array<i32>} : memref<5x4x40x128xf32, #tpu.memory_space<vmem>>, vector<16xf32>,
        %mul3A_1483 = arith.mulf %gather3A, %get3A_1204 : vector<16xf32>
        %add3A_1484 = arith.addf %mul3A_1483, %get3A_1236 : vector<16xf32>
        %swap3A_1485 = arith.constant 11 : i32
        %swap3A_1486 = arith.index_cast %rem3A_475 : i32 to index
        %swap3A_1487 = arith.index_cast %scan3A_1467 : i32 to index
        %swap3A_1488 = arith.index_cast %swap3A_1485 : i32 to index
        %swap3A_1489 = arith.constant 16 : index
        %swap3A_1490 = tpu.vector_load %arg10[%swap3A_1486, %swap3A_1487, %swap3A_1488, %swap3A_1489] {strides = array<i32>} : memref<5x4x40x128xf32, #tpu.memory_space<vmem>>, vector<16xf32>,
        tpu.vector_store %arg10[%swap3A_1486, %swap3A_1487, %swap3A_1488, %swap3A_1489], %add3A_1484 {strides = array<i32>} : memref<5x4x40x128xf32, #tpu.memory_space<vmem>>, vector<16xf32>,
        %mul3A_1491 = arith.mulf %gather3A, %get3A_1208 : vector<16xf32>
        %add3A_1492 = arith.addf %mul3A_1491, %get3A_1240 : vector<16xf32>
        %swap3A_1493 = arith.constant 11 : i32
        %swap3A_1494 = arith.index_cast %rem3A_475 : i32 to index
        %swap3A_1495 = arith.index_cast %scan3A_1467 : i32 to index
        %swap3A_1496 = arith.index_cast %swap3A_1493 : i32 to index
        %swap3A_1497 = arith.constant 32 : index
        %swap3A_1498 = tpu.vector_load %arg10[%swap3A_1494, %swap3A_1495, %swap3A_1496, %swap3A_1497] {strides = array<i32>} : memref<5x4x40x128xf32, #tpu.memory_space<vmem>>, vector<16xf32>,
        tpu.vector_store %arg10[%swap3A_1494, %swap3A_1495, %swap3A_1496, %swap3A_1497], %add3A_1492 {strides = array<i32>} : memref<5x4x40x128xf32, #tpu.memory_space<vmem>>, vector<16xf32>,
        %mul3A_1499 = arith.mulf %gather3A, %get3A_1212 : vector<16xf32>
        %add3A_1500 = arith.addf %mul3A_1499, %get3A_1244 : vector<16xf32>
        %swap3A_1501 = arith.constant 11 : i32
        %swap3A_1502 = arith.index_cast %rem3A_475 : i32 to index
        %swap3A_1503 = arith.index_cast %scan3A_1467 : i32 to index
        %swap3A_1504 = arith.index_cast %swap3A_1501 : i32 to index
        %swap3A_1505 = arith.constant 48 : index
        %swap3A_1506 = tpu.vector_load %arg10[%swap3A_1502, %swap3A_1503, %swap3A_1504, %swap3A_1505] {strides = array<i32>} : memref<5x4x40x128xf32, #tpu.memory_space<vmem>>, vector<16xf32>,
        tpu.vector_store %arg10[%swap3A_1502, %swap3A_1503, %swap3A_1504, %swap3A_1505], %add3A_1500 {strides = array<i32>} : memref<5x4x40x128xf32, #tpu.memory_space<vmem>>, vector<16xf32>,
        %mul3A_1507 = arith.mulf %gather3A, %get3A_1216 : vector<16xf32>
        %add3A_1508 = arith.addf %mul3A_1507, %get3A_1248 : vector<16xf32>
        %swap3A_1509 = arith.constant 11 : i32
        %swap3A_1510 = arith.index_cast %rem3A_475 : i32 to index
        %swap3A_1511 = arith.index_cast %scan3A_1467 : i32 to index
        %swap3A_1512 = arith.index_cast %swap3A_1509 : i32 to index
        %swap3A_1513 = arith.constant 64 : index
        %swap3A_1514 = tpu.vector_load %arg10[%swap3A_1510, %swap3A_1511, %swap3A_1512, %swap3A_1513] {strides = array<i32>} : memref<5x4x40x128xf32, #tpu.memory_space<vmem>>, vector<16xf32>,
        tpu.vector_store %arg10[%swap3A_1510, %swap3A_1511, %swap3A_1512, %swap3A_1513], %add3A_1508 {strides = array<i32>} : memref<5x4x40x128xf32, #tpu.memory_space<vmem>>, vector<16xf32>,
        %mul3A_1515 = arith.mulf %gather3A, %get3A_1220 : vector<16xf32>
        %add3A_1516 = arith.addf %mul3A_1515, %get3A_1252 : vector<16xf32>
        %swap3A_1517 = arith.constant 11 : i32
        %swap3A_1518 = arith.index_cast %rem3A_475 : i32 to index
        %swap3A_1519 = arith.index_cast %scan3A_1467 : i32 to index
        %swap3A_1520 = arith.index_cast %swap3A_1517 : i32 to index
        %swap3A_1521 = arith.constant 80 : index
        %swap3A_1522 = tpu.vector_load %arg10[%swap3A_1518, %swap3A_1519, %swap3A_1520, %swap3A_1521] {strides = array<i32>} : memref<5x4x40x128xf32, #tpu.memory_space<vmem>>, vector<16xf32>,
        tpu.vector_store %arg10[%swap3A_1518, %swap3A_1519, %swap3A_1520, %swap3A_1521], %add3A_1516 {strides = array<i32>} : memref<5x4x40x128xf32, #tpu.memory_space<vmem>>, vector<16xf32>,
        %mul3A_1523 = arith.mulf %gather3A, %get3A_1224 : vector<16xf32>
        %add3A_1524 = arith.addf %mul3A_1523, %get3A_1256 : vector<16xf32>
        %swap3A_1525 = arith.constant 11 : i32
        %swap3A_1526 = arith.index_cast %rem3A_475 : i32 to index
        %swap3A_1527 = arith.index_cast %scan3A_1467 : i32 to index
        %swap3A_1528 = arith.index_cast %swap3A_1525 : i32 to index
        %swap3A_1529 = arith.constant 96 : index
        %swap3A_1530 = tpu.vector_load %arg10[%swap3A_1526, %swap3A_1527, %swap3A_1528, %swap3A_1529] {strides = array<i32>} : memref<5x4x40x128xf32, #tpu.memory_space<vmem>>, vector<16xf32>,
        tpu.vector_store %arg10[%swap3A_1526, %swap3A_1527, %swap3A_1528, %swap3A_1529], %add3A_1524 {strides = array<i32>} : memref<5x4x40x128xf32, #tpu.memory_space<vmem>>, vector<16xf32>,
        %mul3A_1531 = arith.mulf %gather3A, %get3A_1228 : vector<16xf32>
        %add3A_1532 = arith.addf %mul3A_1531, %get3A_1260 : vector<16xf32>
        %swap3A_1533 = arith.constant 11 : i32
        %swap3A_1534 = arith.index_cast %rem3A_475 : i32 to index
        %swap3A_1535 = arith.index_cast %scan3A_1467 : i32 to index
        %swap3A_1536 = arith.index_cast %swap3A_1533 : i32 to index
        %swap3A_1537 = arith.constant 112 : index
        %swap3A_1538 = tpu.vector_load %arg10[%swap3A_1534, %swap3A_1535, %swap3A_1536, %swap3A_1537] {strides = array<i32>} : memref<5x4x40x128xf32, #tpu.memory_space<vmem>>, vector<16xf32>,
        tpu.vector_store %arg10[%swap3A_1534, %swap3A_1535, %swap3A_1536, %swap3A_1537], %add3A_1532 {strides = array<i32>} : memref<5x4x40x128xf32, #tpu.memory_space<vmem>>, vector<16xf32>,
        %scan3A_1539 = arith.constant 0 : i32
        scf.yield %scan3A_1539 : i32
      }
      %scan3A_1267 = arith.constant 4 : i32
      %get3A_1268 = arith.constant 11 : i32
      %get3A_1269 = arith.index_cast %get3A_1268 : i32 to index
      %get3A_1270 = arith.constant 0 : index
      %get3A_1271 = tpu.vector_load %arg12[%get3A_1269, %get3A_1270] {strides = array<i32>} : memref<13x128xf32, #tpu.memory_space<vmem>>, vector<16xf32>,
      %get3A_1272 = arith.constant 11 : i32
      %get3A_1273 = arith.index_cast %get3A_1272 : i32 to index
      %get3A_1274 = arith.constant 16 : index
      %get3A_1275 = tpu.vector_load %arg12[%get3A_1273, %get3A_1274] {strides = array<i32>} : memref<13x128xf32, #tpu.memory_space<vmem>>, vector<16xf32>,
      %get3A_1276 = arith.constant 11 : i32
      %get3A_1277 = arith.index_cast %get3A_1276 : i32 to index
      %get3A_1278 = arith.constant 32 : index
      %get3A_1279 = tpu.vector_load %arg12[%get3A_1277, %get3A_1278] {strides = array<i32>} : memref<13x128xf32, #tpu.memory_space<vmem>>, vector<16xf32>,
      %get3A_1280 = arith.constant 11 : i32
      %get3A_1281 = arith.index_cast %get3A_1280 : i32 to index
      %get3A_1282 = arith.constant 48 : index
      %get3A_1283 = tpu.vector_load %arg12[%get3A_1281, %get3A_1282] {strides = array<i32>} : memref<13x128xf32, #tpu.memory_space<vmem>>, vector<16xf32>,
      %get3A_1284 = arith.constant 11 : i32
      %get3A_1285 = arith.index_cast %get3A_1284 : i32 to index
      %get3A_1286 = arith.constant 64 : index
      %get3A_1287 = tpu.vector_load %arg12[%get3A_1285, %get3A_1286] {strides = array<i32>} : memref<13x128xf32, #tpu.memory_space<vmem>>, vector<16xf32>,
      %get3A_1288 = arith.constant 11 : i32
      %get3A_1289 = arith.index_cast %get3A_1288 : i32 to index
      %get3A_1290 = arith.constant 80 : index
      %get3A_1291 = tpu.vector_load %arg12[%get3A_1289, %get3A_1290] {strides = array<i32>} : memref<13x128xf32, #tpu.memory_space<vmem>>, vector<16xf32>,
      %get3A_1292 = arith.constant 11 : i32
      %get3A_1293 = arith.index_cast %get3A_1292 : i32 to index
      %get3A_1294 = arith.constant 96 : index
      %get3A_1295 = tpu.vector_load %arg12[%get3A_1293, %get3A_1294] {strides = array<i32>} : memref<13x128xf32, #tpu.memory_space<vmem>>, vector<16xf32>,
      %get3A_1296 = arith.constant 11 : i32
      %get3A_1297 = arith.index_cast %get3A_1296 : i32 to index
      %get3A_1298 = arith.constant 112 : index
      %get3A_1299 = tpu.vector_load %arg12[%get3A_1297, %get3A_1298] {strides = array<i32>} : memref<13x128xf32, #tpu.memory_space<vmem>>, vector<16xf32>,
      %get3A_1300 = arith.constant 11 : i32
      %get3A_1301 = arith.index_cast %get3A_1300 : i32 to index
      %get3A_1302 = arith.constant 0 : index
      %get3A_1303 = tpu.vector_load %arg13[%get3A_1301, %get3A_1302] {strides = array<i32>} : memref<13x128xf32, #tpu.memory_space<vmem>>, vector<16xf32>,
      %get3A_1304 = arith.constant 11 : i32
      %get3A_1305 = arith.index_cast %get3A_1304 : i32 to index
      %get3A_1306 = arith.constant 16 : index
      %get3A_1307 = tpu.vector_load %arg13[%get3A_1305, %get3A_1306] {strides = array<i32>} : memref<13x128xf32, #tpu.memory_space<vmem>>, vector<16xf32>,
      %get3A_1308 = arith.constant 11 : i32
      %get3A_1309 = arith.index_cast %get3A_1308 : i32 to index
      %get3A_1310 = arith.constant 32 : index
      %get3A_1311 = tpu.vector_load %arg13[%get3A_1309, %get3A_1310] {strides = array<i32>} : memref<13x128xf32, #tpu.memory_space<vmem>>, vector<16xf32>,
      %get3A_1312 = arith.constant 11 : i32
      %get3A_1313 = arith.index_cast %get3A_1312 : i32 to index
      %get3A_1314 = arith.constant 48 : index
      %get3A_1315 = tpu.vector_load %arg13[%get3A_1313, %get3A_1314] {strides = array<i32>} : memref<13x128xf32, #tpu.memory_space<vmem>>, vector<16xf32>,
      %get3A_1316 = arith.constant 11 : i32
      %get3A_1317 = arith.index_cast %get3A_1316 : i32 to index
      %get3A_1318 = arith.constant 64 : index
      %get3A_1319 = tpu.vector_load %arg13[%get3A_1317, %get3A_1318] {strides = array<i32>} : memref<13x128xf32, #tpu.memory_space<vmem>>, vector<16xf32>,
      %get3A_1320 = arith.constant 11 : i32
      %get3A_1321 = arith.index_cast %get3A_1320 : i32 to index
      %get3A_1322 = arith.constant 80 : index
      %get3A_1323 = tpu.vector_load %arg13[%get3A_1321, %get3A_1322] {strides = array<i32>} : memref<13x128xf32, #tpu.memory_space<vmem>>, vector<16xf32>,
      %get3A_1324 = arith.constant 11 : i32
      %get3A_1325 = arith.index_cast %get3A_1324 : i32 to index
      %get3A_1326 = arith.constant 96 : index
      %get3A_1327 = tpu.vector_load %arg13[%get3A_1325, %get3A_1326] {strides = array<i32>} : memref<13x128xf32, #tpu.memory_space<vmem>>, vector<16xf32>,
      %get3A_1328 = arith.constant 11 : i32
      %get3A_1329 = arith.index_cast %get3A_1328 : i32 to index
      %get3A_1330 = arith.constant 112 : index
      %get3A_1331 = tpu.vector_load %arg13[%get3A_1329, %get3A_1330] {strides = array<i32>} : memref<13x128xf32, #tpu.memory_space<vmem>>, vector<16xf32>,
      %scan3A_1332 = arith.constant 0 : i32
      %scan3A_1333 = arith.constant 0 : i32
      %scan3A_1334 = arith.constant 4 : i32
      %scan3A_1335 = arith.addi %scan3A_1333, %scan3A_1334 : i32
      %scan3A_1336 = arith.constant 1 : i32
      %scan3A_1337 = scf.for %scan3A_1467 = %scan3A_1333 to %scan3A_1335 step %scan3A_1336 iter_args(%scan3A_1468 = %scan3A_1332) -> (i32)  : i32 {
        %mul3A_1469 = arith.constant 4 : i32
        %mul3A_1470 = arith.muli %scan3A_473, %mul3A_1469 : i32
        %add3A_1471 = arith.addi %mul3A_1470, %scan3A_1467 : i32
        %mul3A_1472 = arith.constant 13 : i32
        %mul3A_1473 = arith.muli %add3A_1471, %mul3A_1472 : i32
        %add3A_1474 = arith.constant 11 : i32
        %add3A_1475 = arith.addi %mul3A_1473, %add3A_1474 : i32
        %broadcast_in_dim3A = vector.broadcast %add3A_1475 : i32 to vector<16xi32>
        %gather3A = tpu.vector_load_idx %arg11[%broadcast_in_dim3A] : memref<6656xf32, #tpu.memory_space<vmem>>[vector<16xi32>], vector<16xf32>,
        %mul3A_1476 = arith.mulf %gather3A, %get3A_1271 : vector<16xf32>
        %add3A_1477 = arith.addf %mul3A_1476, %get3A_1303 : vector<16xf32>
        %swap3A = arith.constant 12 : i32
        %swap3A_1478 = arith.index_cast %rem3A_475 : i32 to index
        %swap3A_1479 = arith.index_cast %scan3A_1467 : i32 to index
        %swap3A_1480 = arith.index_cast %swap3A : i32 to index
        %swap3A_1481 = arith.constant 0 : index
        %swap3A_1482 = tpu.vector_load %arg10[%swap3A_1478, %swap3A_1479, %swap3A_1480, %swap3A_1481] {strides = array<i32>} : memref<5x4x40x128xf32, #tpu.memory_space<vmem>>, vector<16xf32>,
        tpu.vector_store %arg10[%swap3A_1478, %swap3A_1479, %swap3A_1480, %swap3A_1481], %add3A_1477 {strides = array<i32>} : memref<5x4x40x128xf32, #tpu.memory_space<vmem>>, vector<16xf32>,
        %mul3A_1483 = arith.mulf %gather3A, %get3A_1275 : vector<16xf32>
        %add3A_1484 = arith.addf %mul3A_1483, %get3A_1307 : vector<16xf32>
        %swap3A_1485 = arith.constant 12 : i32
        %swap3A_1486 = arith.index_cast %rem3A_475 : i32 to index
        %swap3A_1487 = arith.index_cast %scan3A_1467 : i32 to index
        %swap3A_1488 = arith.index_cast %swap3A_1485 : i32 to index
        %swap3A_1489 = arith.constant 16 : index
        %swap3A_1490 = tpu.vector_load %arg10[%swap3A_1486, %swap3A_1487, %swap3A_1488, %swap3A_1489] {strides = array<i32>} : memref<5x4x40x128xf32, #tpu.memory_space<vmem>>, vector<16xf32>,
        tpu.vector_store %arg10[%swap3A_1486, %swap3A_1487, %swap3A_1488, %swap3A_1489], %add3A_1484 {strides = array<i32>} : memref<5x4x40x128xf32, #tpu.memory_space<vmem>>, vector<16xf32>,
        %mul3A_1491 = arith.mulf %gather3A, %get3A_1279 : vector<16xf32>
        %add3A_1492 = arith.addf %mul3A_1491, %get3A_1311 : vector<16xf32>
        %swap3A_1493 = arith.constant 12 : i32
        %swap3A_1494 = arith.index_cast %rem3A_475 : i32 to index
        %swap3A_1495 = arith.index_cast %scan3A_1467 : i32 to index
        %swap3A_1496 = arith.index_cast %swap3A_1493 : i32 to index
        %swap3A_1497 = arith.constant 32 : index
        %swap3A_1498 = tpu.vector_load %arg10[%swap3A_1494, %swap3A_1495, %swap3A_1496, %swap3A_1497] {strides = array<i32>} : memref<5x4x40x128xf32, #tpu.memory_space<vmem>>, vector<16xf32>,
        tpu.vector_store %arg10[%swap3A_1494, %swap3A_1495, %swap3A_1496, %swap3A_1497], %add3A_1492 {strides = array<i32>} : memref<5x4x40x128xf32, #tpu.memory_space<vmem>>, vector<16xf32>,
        %mul3A_1499 = arith.mulf %gather3A, %get3A_1283 : vector<16xf32>
        %add3A_1500 = arith.addf %mul3A_1499, %get3A_1315 : vector<16xf32>
        %swap3A_1501 = arith.constant 12 : i32
        %swap3A_1502 = arith.index_cast %rem3A_475 : i32 to index
        %swap3A_1503 = arith.index_cast %scan3A_1467 : i32 to index
        %swap3A_1504 = arith.index_cast %swap3A_1501 : i32 to index
        %swap3A_1505 = arith.constant 48 : index
        %swap3A_1506 = tpu.vector_load %arg10[%swap3A_1502, %swap3A_1503, %swap3A_1504, %swap3A_1505] {strides = array<i32>} : memref<5x4x40x128xf32, #tpu.memory_space<vmem>>, vector<16xf32>,
        tpu.vector_store %arg10[%swap3A_1502, %swap3A_1503, %swap3A_1504, %swap3A_1505], %add3A_1500 {strides = array<i32>} : memref<5x4x40x128xf32, #tpu.memory_space<vmem>>, vector<16xf32>,
        %mul3A_1507 = arith.mulf %gather3A, %get3A_1287 : vector<16xf32>
        %add3A_1508 = arith.addf %mul3A_1507, %get3A_1319 : vector<16xf32>
        %swap3A_1509 = arith.constant 12 : i32
        %swap3A_1510 = arith.index_cast %rem3A_475 : i32 to index
        %swap3A_1511 = arith.index_cast %scan3A_1467 : i32 to index
        %swap3A_1512 = arith.index_cast %swap3A_1509 : i32 to index
        %swap3A_1513 = arith.constant 64 : index
        %swap3A_1514 = tpu.vector_load %arg10[%swap3A_1510, %swap3A_1511, %swap3A_1512, %swap3A_1513] {strides = array<i32>} : memref<5x4x40x128xf32, #tpu.memory_space<vmem>>, vector<16xf32>,
        tpu.vector_store %arg10[%swap3A_1510, %swap3A_1511, %swap3A_1512, %swap3A_1513], %add3A_1508 {strides = array<i32>} : memref<5x4x40x128xf32, #tpu.memory_space<vmem>>, vector<16xf32>,
        %mul3A_1515 = arith.mulf %gather3A, %get3A_1291 : vector<16xf32>
        %add3A_1516 = arith.addf %mul3A_1515, %get3A_1323 : vector<16xf32>
        %swap3A_1517 = arith.constant 12 : i32
        %swap3A_1518 = arith.index_cast %rem3A_475 : i32 to index
        %swap3A_1519 = arith.index_cast %scan3A_1467 : i32 to index
        %swap3A_1520 = arith.index_cast %swap3A_1517 : i32 to index
        %swap3A_1521 = arith.constant 80 : index
        %swap3A_1522 = tpu.vector_load %arg10[%swap3A_1518, %swap3A_1519, %swap3A_1520, %swap3A_1521] {strides = array<i32>} : memref<5x4x40x128xf32, #tpu.memory_space<vmem>>, vector<16xf32>,
        tpu.vector_store %arg10[%swap3A_1518, %swap3A_1519, %swap3A_1520, %swap3A_1521], %add3A_1516 {strides = array<i32>} : memref<5x4x40x128xf32, #tpu.memory_space<vmem>>, vector<16xf32>,
        %mul3A_1523 = arith.mulf %gather3A, %get3A_1295 : vector<16xf32>
        %add3A_1524 = arith.addf %mul3A_1523, %get3A_1327 : vector<16xf32>
        %swap3A_1525 = arith.constant 12 : i32
        %swap3A_1526 = arith.index_cast %rem3A_475 : i32 to index
        %swap3A_1527 = arith.index_cast %scan3A_1467 : i32 to index
        %swap3A_1528 = arith.index_cast %swap3A_1525 : i32 to index
        %swap3A_1529 = arith.constant 96 : index
        %swap3A_1530 = tpu.vector_load %arg10[%swap3A_1526, %swap3A_1527, %swap3A_1528, %swap3A_1529] {strides = array<i32>} : memref<5x4x40x128xf32, #tpu.memory_space<vmem>>, vector<16xf32>,
        tpu.vector_store %arg10[%swap3A_1526, %swap3A_1527, %swap3A_1528, %swap3A_1529], %add3A_1524 {strides = array<i32>} : memref<5x4x40x128xf32, #tpu.memory_space<vmem>>, vector<16xf32>,
        %mul3A_1531 = arith.mulf %gather3A, %get3A_1299 : vector<16xf32>
        %add3A_1532 = arith.addf %mul3A_1531, %get3A_1331 : vector<16xf32>
        %swap3A_1533 = arith.constant 12 : i32
        %swap3A_1534 = arith.index_cast %rem3A_475 : i32 to index
        %swap3A_1535 = arith.index_cast %scan3A_1467 : i32 to index
        %swap3A_1536 = arith.index_cast %swap3A_1533 : i32 to index
        %swap3A_1537 = arith.constant 112 : index
        %swap3A_1538 = tpu.vector_load %arg10[%swap3A_1534, %swap3A_1535, %swap3A_1536, %swap3A_1537] {strides = array<i32>} : memref<5x4x40x128xf32, #tpu.memory_space<vmem>>, vector<16xf32>,
        tpu.vector_store %arg10[%swap3A_1534, %swap3A_1535, %swap3A_1536, %swap3A_1537], %add3A_1532 {strides = array<i32>} : memref<5x4x40x128xf32, #tpu.memory_space<vmem>>, vector<16xf32>,
        %scan3A_1539 = arith.constant 0 : i32
        scf.yield %scan3A_1539 : i32
      }
      %scan3A_1338 = arith.constant 4 : i32
      %get3A_1339 = arith.constant 12 : i32
      %get3A_1340 = arith.index_cast %get3A_1339 : i32 to index
      %get3A_1341 = arith.constant 0 : index
      %get3A_1342 = tpu.vector_load %arg12[%get3A_1340, %get3A_1341] {strides = array<i32>} : memref<13x128xf32, #tpu.memory_space<vmem>>, vector<16xf32>,
      %get3A_1343 = arith.constant 12 : i32
      %get3A_1344 = arith.index_cast %get3A_1343 : i32 to index
      %get3A_1345 = arith.constant 16 : index
      %get3A_1346 = tpu.vector_load %arg12[%get3A_1344, %get3A_1345] {strides = array<i32>} : memref<13x128xf32, #tpu.memory_space<vmem>>, vector<16xf32>,
      %get3A_1347 = arith.constant 12 : i32
      %get3A_1348 = arith.index_cast %get3A_1347 : i32 to index
      %get3A_1349 = arith.constant 32 : index
      %get3A_1350 = tpu.vector_load %arg12[%get3A_1348, %get3A_1349] {strides = array<i32>} : memref<13x128xf32, #tpu.memory_space<vmem>>, vector<16xf32>,
      %get3A_1351 = arith.constant 12 : i32
      %get3A_1352 = arith.index_cast %get3A_1351 : i32 to index
      %get3A_1353 = arith.constant 48 : index
      %get3A_1354 = tpu.vector_load %arg12[%get3A_1352, %get3A_1353] {strides = array<i32>} : memref<13x128xf32, #tpu.memory_space<vmem>>, vector<16xf32>,
      %get3A_1355 = arith.constant 12 : i32
      %get3A_1356 = arith.index_cast %get3A_1355 : i32 to index
      %get3A_1357 = arith.constant 64 : index
      %get3A_1358 = tpu.vector_load %arg12[%get3A_1356, %get3A_1357] {strides = array<i32>} : memref<13x128xf32, #tpu.memory_space<vmem>>, vector<16xf32>,
      %get3A_1359 = arith.constant 12 : i32
      %get3A_1360 = arith.index_cast %get3A_1359 : i32 to index
      %get3A_1361 = arith.constant 80 : index
      %get3A_1362 = tpu.vector_load %arg12[%get3A_1360, %get3A_1361] {strides = array<i32>} : memref<13x128xf32, #tpu.memory_space<vmem>>, vector<16xf32>,
      %get3A_1363 = arith.constant 12 : i32
      %get3A_1364 = arith.index_cast %get3A_1363 : i32 to index
      %get3A_1365 = arith.constant 96 : index
      %get3A_1366 = tpu.vector_load %arg12[%get3A_1364, %get3A_1365] {strides = array<i32>} : memref<13x128xf32, #tpu.memory_space<vmem>>, vector<16xf32>,
      %get3A_1367 = arith.constant 12 : i32
      %get3A_1368 = arith.index_cast %get3A_1367 : i32 to index
      %get3A_1369 = arith.constant 112 : index
      %get3A_1370 = tpu.vector_load %arg12[%get3A_1368, %get3A_1369] {strides = array<i32>} : memref<13x128xf32, #tpu.memory_space<vmem>>, vector<16xf32>,
      %get3A_1371 = arith.constant 12 : i32
      %get3A_1372 = arith.index_cast %get3A_1371 : i32 to index
      %get3A_1373 = arith.constant 0 : index
      %get3A_1374 = tpu.vector_load %arg13[%get3A_1372, %get3A_1373] {strides = array<i32>} : memref<13x128xf32, #tpu.memory_space<vmem>>, vector<16xf32>,
      %get3A_1375 = arith.constant 12 : i32
      %get3A_1376 = arith.index_cast %get3A_1375 : i32 to index
      %get3A_1377 = arith.constant 16 : index
      %get3A_1378 = tpu.vector_load %arg13[%get3A_1376, %get3A_1377] {strides = array<i32>} : memref<13x128xf32, #tpu.memory_space<vmem>>, vector<16xf32>,
      %get3A_1379 = arith.constant 12 : i32
      %get3A_1380 = arith.index_cast %get3A_1379 : i32 to index
      %get3A_1381 = arith.constant 32 : index
      %get3A_1382 = tpu.vector_load %arg13[%get3A_1380, %get3A_1381] {strides = array<i32>} : memref<13x128xf32, #tpu.memory_space<vmem>>, vector<16xf32>,
      %get3A_1383 = arith.constant 12 : i32
      %get3A_1384 = arith.index_cast %get3A_1383 : i32 to index
      %get3A_1385 = arith.constant 48 : index
      %get3A_1386 = tpu.vector_load %arg13[%get3A_1384, %get3A_1385] {strides = array<i32>} : memref<13x128xf32, #tpu.memory_space<vmem>>, vector<16xf32>,
      %get3A_1387 = arith.constant 12 : i32
      %get3A_1388 = arith.index_cast %get3A_1387 : i32 to index
      %get3A_1389 = arith.constant 64 : index
      %get3A_1390 = tpu.vector_load %arg13[%get3A_1388, %get3A_1389] {strides = array<i32>} : memref<13x128xf32, #tpu.memory_space<vmem>>, vector<16xf32>,
      %get3A_1391 = arith.constant 12 : i32
      %get3A_1392 = arith.index_cast %get3A_1391 : i32 to index
      %get3A_1393 = arith.constant 80 : index
      %get3A_1394 = tpu.vector_load %arg13[%get3A_1392, %get3A_1393] {strides = array<i32>} : memref<13x128xf32, #tpu.memory_space<vmem>>, vector<16xf32>,
      %get3A_1395 = arith.constant 12 : i32
      %get3A_1396 = arith.index_cast %get3A_1395 : i32 to index
      %get3A_1397 = arith.constant 96 : index
      %get3A_1398 = tpu.vector_load %arg13[%get3A_1396, %get3A_1397] {strides = array<i32>} : memref<13x128xf32, #tpu.memory_space<vmem>>, vector<16xf32>,
      %get3A_1399 = arith.constant 12 : i32
      %get3A_1400 = arith.index_cast %get3A_1399 : i32 to index
      %get3A_1401 = arith.constant 112 : index
      %get3A_1402 = tpu.vector_load %arg13[%get3A_1400, %get3A_1401] {strides = array<i32>} : memref<13x128xf32, #tpu.memory_space<vmem>>, vector<16xf32>,
      %scan3A_1403 = arith.constant 0 : i32
      %scan3A_1404 = arith.constant 0 : i32
      %scan3A_1405 = arith.constant 4 : i32
      %scan3A_1406 = arith.addi %scan3A_1404, %scan3A_1405 : i32
      %scan3A_1407 = arith.constant 1 : i32
      %scan3A_1408 = scf.for %scan3A_1467 = %scan3A_1404 to %scan3A_1406 step %scan3A_1407 iter_args(%scan3A_1468 = %scan3A_1403) -> (i32)  : i32 {
        %mul3A_1469 = arith.constant 4 : i32
        %mul3A_1470 = arith.muli %scan3A_473, %mul3A_1469 : i32
        %add3A_1471 = arith.addi %mul3A_1470, %scan3A_1467 : i32
        %mul3A_1472 = arith.constant 13 : i32
        %mul3A_1473 = arith.muli %add3A_1471, %mul3A_1472 : i32
        %add3A_1474 = arith.constant 12 : i32
        %add3A_1475 = arith.addi %mul3A_1473, %add3A_1474 : i32
        %broadcast_in_dim3A = vector.broadcast %add3A_1475 : i32 to vector<16xi32>
        %gather3A = tpu.vector_load_idx %arg11[%broadcast_in_dim3A] : memref<6656xf32, #tpu.memory_space<vmem>>[vector<16xi32>], vector<16xf32>,
        %mul3A_1476 = arith.mulf %gather3A, %get3A_1342 : vector<16xf32>
        %add3A_1477 = arith.addf %mul3A_1476, %get3A_1374 : vector<16xf32>
        %swap3A = arith.constant 13 : i32
        %swap3A_1478 = arith.index_cast %rem3A_475 : i32 to index
        %swap3A_1479 = arith.index_cast %scan3A_1467 : i32 to index
        %swap3A_1480 = arith.index_cast %swap3A : i32 to index
        %swap3A_1481 = arith.constant 0 : index
        %swap3A_1482 = tpu.vector_load %arg10[%swap3A_1478, %swap3A_1479, %swap3A_1480, %swap3A_1481] {strides = array<i32>} : memref<5x4x40x128xf32, #tpu.memory_space<vmem>>, vector<16xf32>,
        tpu.vector_store %arg10[%swap3A_1478, %swap3A_1479, %swap3A_1480, %swap3A_1481], %add3A_1477 {strides = array<i32>} : memref<5x4x40x128xf32, #tpu.memory_space<vmem>>, vector<16xf32>,
        %mul3A_1483 = arith.mulf %gather3A, %get3A_1346 : vector<16xf32>
        %add3A_1484 = arith.addf %mul3A_1483, %get3A_1378 : vector<16xf32>
        %swap3A_1485 = arith.constant 13 : i32
        %swap3A_1486 = arith.index_cast %rem3A_475 : i32 to index
        %swap3A_1487 = arith.index_cast %scan3A_1467 : i32 to index
        %swap3A_1488 = arith.index_cast %swap3A_1485 : i32 to index
        %swap3A_1489 = arith.constant 16 : index
        %swap3A_1490 = tpu.vector_load %arg10[%swap3A_1486, %swap3A_1487, %swap3A_1488, %swap3A_1489] {strides = array<i32>} : memref<5x4x40x128xf32, #tpu.memory_space<vmem>>, vector<16xf32>,
        tpu.vector_store %arg10[%swap3A_1486, %swap3A_1487, %swap3A_1488, %swap3A_1489], %add3A_1484 {strides = array<i32>} : memref<5x4x40x128xf32, #tpu.memory_space<vmem>>, vector<16xf32>,
        %mul3A_1491 = arith.mulf %gather3A, %get3A_1350 : vector<16xf32>
        %add3A_1492 = arith.addf %mul3A_1491, %get3A_1382 : vector<16xf32>
        %swap3A_1493 = arith.constant 13 : i32
        %swap3A_1494 = arith.index_cast %rem3A_475 : i32 to index
        %swap3A_1495 = arith.index_cast %scan3A_1467 : i32 to index
        %swap3A_1496 = arith.index_cast %swap3A_1493 : i32 to index
        %swap3A_1497 = arith.constant 32 : index
        %swap3A_1498 = tpu.vector_load %arg10[%swap3A_1494, %swap3A_1495, %swap3A_1496, %swap3A_1497] {strides = array<i32>} : memref<5x4x40x128xf32, #tpu.memory_space<vmem>>, vector<16xf32>,
        tpu.vector_store %arg10[%swap3A_1494, %swap3A_1495, %swap3A_1496, %swap3A_1497], %add3A_1492 {strides = array<i32>} : memref<5x4x40x128xf32, #tpu.memory_space<vmem>>, vector<16xf32>,
        %mul3A_1499 = arith.mulf %gather3A, %get3A_1354 : vector<16xf32>
        %add3A_1500 = arith.addf %mul3A_1499, %get3A_1386 : vector<16xf32>
        %swap3A_1501 = arith.constant 13 : i32
        %swap3A_1502 = arith.index_cast %rem3A_475 : i32 to index
        %swap3A_1503 = arith.index_cast %scan3A_1467 : i32 to index
        %swap3A_1504 = arith.index_cast %swap3A_1501 : i32 to index
        %swap3A_1505 = arith.constant 48 : index
        %swap3A_1506 = tpu.vector_load %arg10[%swap3A_1502, %swap3A_1503, %swap3A_1504, %swap3A_1505] {strides = array<i32>} : memref<5x4x40x128xf32, #tpu.memory_space<vmem>>, vector<16xf32>,
        tpu.vector_store %arg10[%swap3A_1502, %swap3A_1503, %swap3A_1504, %swap3A_1505], %add3A_1500 {strides = array<i32>} : memref<5x4x40x128xf32, #tpu.memory_space<vmem>>, vector<16xf32>,
        %mul3A_1507 = arith.mulf %gather3A, %get3A_1358 : vector<16xf32>
        %add3A_1508 = arith.addf %mul3A_1507, %get3A_1390 : vector<16xf32>
        %swap3A_1509 = arith.constant 13 : i32
        %swap3A_1510 = arith.index_cast %rem3A_475 : i32 to index
        %swap3A_1511 = arith.index_cast %scan3A_1467 : i32 to index
        %swap3A_1512 = arith.index_cast %swap3A_1509 : i32 to index
        %swap3A_1513 = arith.constant 64 : index
        %swap3A_1514 = tpu.vector_load %arg10[%swap3A_1510, %swap3A_1511, %swap3A_1512, %swap3A_1513] {strides = array<i32>} : memref<5x4x40x128xf32, #tpu.memory_space<vmem>>, vector<16xf32>,
        tpu.vector_store %arg10[%swap3A_1510, %swap3A_1511, %swap3A_1512, %swap3A_1513], %add3A_1508 {strides = array<i32>} : memref<5x4x40x128xf32, #tpu.memory_space<vmem>>, vector<16xf32>,
        %mul3A_1515 = arith.mulf %gather3A, %get3A_1362 : vector<16xf32>
        %add3A_1516 = arith.addf %mul3A_1515, %get3A_1394 : vector<16xf32>
        %swap3A_1517 = arith.constant 13 : i32
        %swap3A_1518 = arith.index_cast %rem3A_475 : i32 to index
        %swap3A_1519 = arith.index_cast %scan3A_1467 : i32 to index
        %swap3A_1520 = arith.index_cast %swap3A_1517 : i32 to index
        %swap3A_1521 = arith.constant 80 : index
        %swap3A_1522 = tpu.vector_load %arg10[%swap3A_1518, %swap3A_1519, %swap3A_1520, %swap3A_1521] {strides = array<i32>} : memref<5x4x40x128xf32, #tpu.memory_space<vmem>>, vector<16xf32>,
        tpu.vector_store %arg10[%swap3A_1518, %swap3A_1519, %swap3A_1520, %swap3A_1521], %add3A_1516 {strides = array<i32>} : memref<5x4x40x128xf32, #tpu.memory_space<vmem>>, vector<16xf32>,
        %mul3A_1523 = arith.mulf %gather3A, %get3A_1366 : vector<16xf32>
        %add3A_1524 = arith.addf %mul3A_1523, %get3A_1398 : vector<16xf32>
        %swap3A_1525 = arith.constant 13 : i32
        %swap3A_1526 = arith.index_cast %rem3A_475 : i32 to index
        %swap3A_1527 = arith.index_cast %scan3A_1467 : i32 to index
        %swap3A_1528 = arith.index_cast %swap3A_1525 : i32 to index
        %swap3A_1529 = arith.constant 96 : index
        %swap3A_1530 = tpu.vector_load %arg10[%swap3A_1526, %swap3A_1527, %swap3A_1528, %swap3A_1529] {strides = array<i32>} : memref<5x4x40x128xf32, #tpu.memory_space<vmem>>, vector<16xf32>,
        tpu.vector_store %arg10[%swap3A_1526, %swap3A_1527, %swap3A_1528, %swap3A_1529], %add3A_1524 {strides = array<i32>} : memref<5x4x40x128xf32, #tpu.memory_space<vmem>>, vector<16xf32>,
        %mul3A_1531 = arith.mulf %gather3A, %get3A_1370 : vector<16xf32>
        %add3A_1532 = arith.addf %mul3A_1531, %get3A_1402 : vector<16xf32>
        %swap3A_1533 = arith.constant 13 : i32
        %swap3A_1534 = arith.index_cast %rem3A_475 : i32 to index
        %swap3A_1535 = arith.index_cast %scan3A_1467 : i32 to index
        %swap3A_1536 = arith.index_cast %swap3A_1533 : i32 to index
        %swap3A_1537 = arith.constant 112 : index
        %swap3A_1538 = tpu.vector_load %arg10[%swap3A_1534, %swap3A_1535, %swap3A_1536, %swap3A_1537] {strides = array<i32>} : memref<5x4x40x128xf32, #tpu.memory_space<vmem>>, vector<16xf32>,
        tpu.vector_store %arg10[%swap3A_1534, %swap3A_1535, %swap3A_1536, %swap3A_1537], %add3A_1532 {strides = array<i32>} : memref<5x4x40x128xf32, #tpu.memory_space<vmem>>, vector<16xf32>,
        %scan3A_1539 = arith.constant 0 : i32
        scf.yield %scan3A_1539 : i32
      }
      %scan3A_1409 = arith.constant 4 : i32
      %dma_wait3A_1410 = arith.constant 0 : i32
      %dma_wait3A_1411 = arith.constant 14 : i32
      %dma_wait3A_1412 = arith.constant 0 : i32
      %dma_wait3A_1413 = tpu.memref_slice %arg10[%rem3A_475, %dma_wait3A_1410, %dma_wait3A_1411, %dma_wait3A_1412] : memref<5x4x40x128xf32, #tpu.memory_space<vmem>> -> memref<1x1x26x128xf32, #tpu.memory_space<vmem>>
      %dma_wait3A_1414 = tpu.memref_squeeze %dma_wait3A_1413 : memref<1x1x26x128xf32, #tpu.memory_space<vmem>> -> memref<26x128xf32, #tpu.memory_space<vmem>>
      %dma_wait3A_1415 = arith.constant 0 : i32
      %dma_wait3A_1416 = tpu.memref_slice %arg9[%dma_wait3A_1415] : memref<16384xi32, #tpu.memory_space<vmem>> -> memref<26xi32, #tpu.memory_space<vmem>>
      %dma_wait3A_1417 = arith.constant 0 : i32
      %dma_wait3A_1418 = arith.constant 0 : i32
      %dma_wait3A_1419 = tpu.memref_slice %arg6[%dma_wait3A_1417, %dma_wait3A_1418] : memref<26000x128xf32, #tpu.memory_space<hbm>> -> memref<26000x128xf32, #tpu.memory_space<hbm>>
      tpu.wait_indirect_dma semaphore(%arg15 : memref<!tpu.dma_semaphore, #tpu.memory_space<semaphore_mem>>) src(%dma_wait3A_1419 : memref<26000x128xf32, #tpu.memory_space<hbm>>) dst(%dma_wait3A_1414 : memref<26x128xf32, #tpu.memory_space<vmem>>)
      %dma_wait3A_1420 = arith.constant 1 : i32
      %dma_wait3A_1421 = arith.constant 14 : i32
      %dma_wait3A_1422 = arith.constant 0 : i32
      %dma_wait3A_1423 = tpu.memref_slice %arg10[%rem3A_475, %dma_wait3A_1420, %dma_wait3A_1421, %dma_wait3A_1422] : memref<5x4x40x128xf32, #tpu.memory_space<vmem>> -> memref<1x1x26x128xf32, #tpu.memory_space<vmem>>
      %dma_wait3A_1424 = tpu.memref_squeeze %dma_wait3A_1423 : memref<1x1x26x128xf32, #tpu.memory_space<vmem>> -> memref<26x128xf32, #tpu.memory_space<vmem>>
      %dma_wait3A_1425 = arith.constant 32 : i32
      %dma_wait3A_1426 = tpu.memref_slice %arg9[%dma_wait3A_1425] : memref<16384xi32, #tpu.memory_space<vmem>> -> memref<26xi32, #tpu.memory_space<vmem>>
      %dma_wait3A_1427 = arith.constant 0 : i32
      %dma_wait3A_1428 = arith.constant 0 : i32
      %dma_wait3A_1429 = tpu.memref_slice %arg6[%dma_wait3A_1427, %dma_wait3A_1428] : memref<26000x128xf32, #tpu.memory_space<hbm>> -> memref<26000x128xf32, #tpu.memory_space<hbm>>
      tpu.wait_indirect_dma semaphore(%arg15 : memref<!tpu.dma_semaphore, #tpu.memory_space<semaphore_mem>>) src(%dma_wait3A_1429 : memref<26000x128xf32, #tpu.memory_space<hbm>>) dst(%dma_wait3A_1424 : memref<26x128xf32, #tpu.memory_space<vmem>>)
      %dma_wait3A_1430 = arith.constant 2 : i32
      %dma_wait3A_1431 = arith.constant 14 : i32
      %dma_wait3A_1432 = arith.constant 0 : i32
      %dma_wait3A_1433 = tpu.memref_slice %arg10[%rem3A_475, %dma_wait3A_1430, %dma_wait3A_1431, %dma_wait3A_1432] : memref<5x4x40x128xf32, #tpu.memory_space<vmem>> -> memref<1x1x26x128xf32, #tpu.memory_space<vmem>>
      %dma_wait3A_1434 = tpu.memref_squeeze %dma_wait3A_1433 : memref<1x1x26x128xf32, #tpu.memory_space<vmem>> -> memref<26x128xf32, #tpu.memory_space<vmem>>
      %dma_wait3A_1435 = arith.constant 64 : i32
      %dma_wait3A_1436 = tpu.memref_slice %arg9[%dma_wait3A_1435] : memref<16384xi32, #tpu.memory_space<vmem>> -> memref<26xi32, #tpu.memory_space<vmem>>
      %dma_wait3A_1437 = arith.constant 0 : i32
      %dma_wait3A_1438 = arith.constant 0 : i32
      %dma_wait3A_1439 = tpu.memref_slice %arg6[%dma_wait3A_1437, %dma_wait3A_1438] : memref<26000x128xf32, #tpu.memory_space<hbm>> -> memref<26000x128xf32, #tpu.memory_space<hbm>>
      tpu.wait_indirect_dma semaphore(%arg15 : memref<!tpu.dma_semaphore, #tpu.memory_space<semaphore_mem>>) src(%dma_wait3A_1439 : memref<26000x128xf32, #tpu.memory_space<hbm>>) dst(%dma_wait3A_1434 : memref<26x128xf32, #tpu.memory_space<vmem>>)
      %dma_wait3A_1440 = arith.constant 3 : i32
      %dma_wait3A_1441 = arith.constant 14 : i32
      %dma_wait3A_1442 = arith.constant 0 : i32
      %dma_wait3A_1443 = tpu.memref_slice %arg10[%rem3A_475, %dma_wait3A_1440, %dma_wait3A_1441, %dma_wait3A_1442] : memref<5x4x40x128xf32, #tpu.memory_space<vmem>> -> memref<1x1x26x128xf32, #tpu.memory_space<vmem>>
      %dma_wait3A_1444 = tpu.memref_squeeze %dma_wait3A_1443 : memref<1x1x26x128xf32, #tpu.memory_space<vmem>> -> memref<26x128xf32, #tpu.memory_space<vmem>>
      %dma_wait3A_1445 = arith.constant 96 : i32
      %dma_wait3A_1446 = tpu.memref_slice %arg9[%dma_wait3A_1445] : memref<16384xi32, #tpu.memory_space<vmem>> -> memref<26xi32, #tpu.memory_space<vmem>>
      %dma_wait3A_1447 = arith.constant 0 : i32
      %dma_wait3A_1448 = arith.constant 0 : i32
      %dma_wait3A_1449 = tpu.memref_slice %arg6[%dma_wait3A_1447, %dma_wait3A_1448] : memref<26000x128xf32, #tpu.memory_space<hbm>> -> memref<26000x128xf32, #tpu.memory_space<hbm>>
      tpu.wait_indirect_dma semaphore(%arg15 : memref<!tpu.dma_semaphore, #tpu.memory_space<semaphore_mem>>) src(%dma_wait3A_1449 : memref<26000x128xf32, #tpu.memory_space<hbm>>) dst(%dma_wait3A_1444 : memref<26x128xf32, #tpu.memory_space<vmem>>)
      %dma_start3A_1450 = arith.constant 0 : i32
      %dma_start3A_1451 = arith.constant 0 : i32
      %dma_start3A_1452 = arith.constant 0 : i32
      %dma_start3A_1453 = tpu.memref_slice %arg10[%rem3A_475, %dma_start3A_1450, %dma_start3A_1451, %dma_start3A_1452] : memref<5x4x40x128xf32, #tpu.memory_space<vmem>> -> memref<1x4x40x128xf32, #tpu.memory_space<vmem>>
      %dma_start3A_1454 = tpu.memref_squeeze %dma_start3A_1453 : memref<1x4x40x128xf32, #tpu.memory_space<vmem>> -> memref<4x40x128xf32, #tpu.memory_space<vmem>>
      %dma_start3A_1455 = arith.constant 0 : i32
      %dma_start3A_1456 = arith.constant 0 : i32
      %dma_start3A_1457 = tpu.memref_slice %arg8[%add3A_482, %dma_start3A_1455, %dma_start3A_1456] : memref<16384x40x128xf32, #tpu.memory_space<hbm>> -> memref<4x40x128xf32, #tpu.memory_space<hbm>>
      %dma_start3A_1458 = arith.constant 0 : i32
      %dma_start3A_1459 = arith.constant 0 : i32
      %dma_start3A_1460 = tpu.memref_slice %arg8[%add3A_482, %dma_start3A_1458, %dma_start3A_1459] : memref<16384x40x128xf32, #tpu.memory_space<hbm>> -> memref<4x40x128xf32, #tpu.memory_space<hbm>>
      %dma_start3A_1461 = arith.constant 0 : i32
      %dma_start3A_1462 = arith.constant 0 : i32
      %dma_start3A_1463 = arith.constant 0 : i32
      %dma_start3A_1464 = tpu.memref_slice %arg10[%rem3A_475, %dma_start3A_1461, %dma_start3A_1462, %dma_start3A_1463] : memref<5x4x40x128xf32, #tpu.memory_space<vmem>> -> memref<1x4x40x128xf32, #tpu.memory_space<vmem>>
      %dma_start3A_1465 = tpu.memref_squeeze %dma_start3A_1464 : memref<1x4x40x128xf32, #tpu.memory_space<vmem>> -> memref<4x40x128xf32, #tpu.memory_space<vmem>>
      tpu.enqueue_dma source(%dma_start3A_1465 : memref<4x40x128xf32, #tpu.memory_space<vmem>>) target(%dma_start3A_1460 : memref<4x40x128xf32, #tpu.memory_space<hbm>>) target_semaphore(%arg16 : memref<!tpu.dma_semaphore, #tpu.memory_space<semaphore_mem>>)
      %scan3A_1466 = arith.constant 0 : i32
      scf.yield %scan3A_1466 : i32
    }
    %scan3A_377 = arith.constant 128 : i32
    %dma_wait3A_378 = arith.constant 0 : i32
    %dma_wait3A_379 = arith.constant 0 : i32
    %dma_wait3A_380 = arith.constant 0 : i32
    %dma_wait3A_381 = arith.constant 0 : i32
    %dma_wait3A_382 = tpu.memref_slice %arg10[%dma_wait3A_378, %dma_wait3A_379, %dma_wait3A_380, %dma_wait3A_381] : memref<5x4x40x128xf32, #tpu.memory_space<vmem>> -> memref<1x4x40x128xf32, #tpu.memory_space<vmem>>
    %dma_wait3A_383 = tpu.memref_squeeze %dma_wait3A_382 : memref<1x4x40x128xf32, #tpu.memory_space<vmem>> -> memref<4x40x128xf32, #tpu.memory_space<vmem>>
    %dma_wait3A_384 = arith.constant 0 : i32
    %dma_wait3A_385 = arith.constant 0 : i32
    %dma_wait3A_386 = arith.constant 0 : i32
    %dma_wait3A_387 = tpu.memref_slice %arg8[%dma_wait3A_384, %dma_wait3A_385, %dma_wait3A_386] : memref<16384x40x128xf32, #tpu.memory_space<hbm>> -> memref<4x40x128xf32, #tpu.memory_space<hbm>>
    %dma_wait3A_388 = arith.constant 0 : i32
    %dma_wait3A_389 = arith.constant 0 : i32
    %dma_wait3A_390 = arith.constant 0 : i32
    %dma_wait3A_391 = tpu.memref_slice %arg8[%dma_wait3A_388, %dma_wait3A_389, %dma_wait3A_390] : memref<16384x40x128xf32, #tpu.memory_space<hbm>> -> memref<4x40x128xf32, #tpu.memory_space<hbm>>
    %dma_wait3A_392 = arith.constant 0 : i32
    %dma_wait3A_393 = arith.constant 0 : i32
    %dma_wait3A_394 = arith.constant 0 : i32
    %dma_wait3A_395 = tpu.memref_slice %arg10[%dma_wait3A_378, %dma_wait3A_392, %dma_wait3A_393, %dma_wait3A_394] : memref<5x4x40x128xf32, #tpu.memory_space<vmem>> -> memref<1x4x40x128xf32, #tpu.memory_space<vmem>>
    %dma_wait3A_396 = tpu.memref_squeeze %dma_wait3A_395 : memref<1x4x40x128xf32, #tpu.memory_space<vmem>> -> memref<4x40x128xf32, #tpu.memory_space<vmem>>
    tpu.wait_dma2 semaphore(%arg16 : memref<!tpu.dma_semaphore, #tpu.memory_space<semaphore_mem>>) src(%dma_wait3A_396 : memref<4x40x128xf32, #tpu.memory_space<vmem>>) dst(%dma_wait3A_391 : memref<4x40x128xf32, #tpu.memory_space<hbm>>)
    %dma_wait3A_397 = arith.constant 1 : i32
    %dma_wait3A_398 = arith.constant 0 : i32
    %dma_wait3A_399 = arith.constant 0 : i32
    %dma_wait3A_400 = arith.constant 0 : i32
    %dma_wait3A_401 = tpu.memref_slice %arg10[%dma_wait3A_397, %dma_wait3A_398, %dma_wait3A_399, %dma_wait3A_400] : memref<5x4x40x128xf32, #tpu.memory_space<vmem>> -> memref<1x4x40x128xf32, #tpu.memory_space<vmem>>
    %dma_wait3A_402 = tpu.memref_squeeze %dma_wait3A_401 : memref<1x4x40x128xf32, #tpu.memory_space<vmem>> -> memref<4x40x128xf32, #tpu.memory_space<vmem>>
    %dma_wait3A_403 = arith.constant 0 : i32
    %dma_wait3A_404 = arith.constant 0 : i32
    %dma_wait3A_405 = arith.constant 0 : i32
    %dma_wait3A_406 = tpu.memref_slice %arg8[%dma_wait3A_403, %dma_wait3A_404, %dma_wait3A_405] : memref<16384x40x128xf32, #tpu.memory_space<hbm>> -> memref<4x40x128xf32, #tpu.memory_space<hbm>>
    %dma_wait3A_407 = arith.constant 0 : i32
    %dma_wait3A_408 = arith.constant 0 : i32
    %dma_wait3A_409 = arith.constant 0 : i32
    %dma_wait3A_410 = tpu.memref_slice %arg8[%dma_wait3A_407, %dma_wait3A_408, %dma_wait3A_409] : memref<16384x40x128xf32, #tpu.memory_space<hbm>> -> memref<4x40x128xf32, #tpu.memory_space<hbm>>
    %dma_wait3A_411 = arith.constant 0 : i32
    %dma_wait3A_412 = arith.constant 0 : i32
    %dma_wait3A_413 = arith.constant 0 : i32
    %dma_wait3A_414 = tpu.memref_slice %arg10[%dma_wait3A_397, %dma_wait3A_411, %dma_wait3A_412, %dma_wait3A_413] : memref<5x4x40x128xf32, #tpu.memory_space<vmem>> -> memref<1x4x40x128xf32, #tpu.memory_space<vmem>>
    %dma_wait3A_415 = tpu.memref_squeeze %dma_wait3A_414 : memref<1x4x40x128xf32, #tpu.memory_space<vmem>> -> memref<4x40x128xf32, #tpu.memory_space<vmem>>
    tpu.wait_dma2 semaphore(%arg16 : memref<!tpu.dma_semaphore, #tpu.memory_space<semaphore_mem>>) src(%dma_wait3A_415 : memref<4x40x128xf32, #tpu.memory_space<vmem>>) dst(%dma_wait3A_410 : memref<4x40x128xf32, #tpu.memory_space<hbm>>)
    %dma_wait3A_416 = arith.constant 2 : i32
    %dma_wait3A_417 = arith.constant 0 : i32
    %dma_wait3A_418 = arith.constant 0 : i32
    %dma_wait3A_419 = arith.constant 0 : i32
    %dma_wait3A_420 = tpu.memref_slice %arg10[%dma_wait3A_416, %dma_wait3A_417, %dma_wait3A_418, %dma_wait3A_419] : memref<5x4x40x128xf32, #tpu.memory_space<vmem>> -> memref<1x4x40x128xf32, #tpu.memory_space<vmem>>
    %dma_wait3A_421 = tpu.memref_squeeze %dma_wait3A_420 : memref<1x4x40x128xf32, #tpu.memory_space<vmem>> -> memref<4x40x128xf32, #tpu.memory_space<vmem>>
    %dma_wait3A_422 = arith.constant 0 : i32
    %dma_wait3A_423 = arith.constant 0 : i32
    %dma_wait3A_424 = arith.constant 0 : i32
    %dma_wait3A_425 = tpu.memref_slice %arg8[%dma_wait3A_422, %dma_wait3A_423, %dma_wait3A_424] : memref<16384x40x128xf32, #tpu.memory_space<hbm>> -> memref<4x40x128xf32, #tpu.memory_space<hbm>>
    %dma_wait3A_426 = arith.constant 0 : i32
    %dma_wait3A_427 = arith.constant 0 : i32
    %dma_wait3A_428 = arith.constant 0 : i32
    %dma_wait3A_429 = tpu.memref_slice %arg8[%dma_wait3A_426, %dma_wait3A_427, %dma_wait3A_428] : memref<16384x40x128xf32, #tpu.memory_space<hbm>> -> memref<4x40x128xf32, #tpu.memory_space<hbm>>
    %dma_wait3A_430 = arith.constant 0 : i32
    %dma_wait3A_431 = arith.constant 0 : i32
    %dma_wait3A_432 = arith.constant 0 : i32
    %dma_wait3A_433 = tpu.memref_slice %arg10[%dma_wait3A_416, %dma_wait3A_430, %dma_wait3A_431, %dma_wait3A_432] : memref<5x4x40x128xf32, #tpu.memory_space<vmem>> -> memref<1x4x40x128xf32, #tpu.memory_space<vmem>>
    %dma_wait3A_434 = tpu.memref_squeeze %dma_wait3A_433 : memref<1x4x40x128xf32, #tpu.memory_space<vmem>> -> memref<4x40x128xf32, #tpu.memory_space<vmem>>
    tpu.wait_dma2 semaphore(%arg16 : memref<!tpu.dma_semaphore, #tpu.memory_space<semaphore_mem>>) src(%dma_wait3A_434 : memref<4x40x128xf32, #tpu.memory_space<vmem>>) dst(%dma_wait3A_429 : memref<4x40x128xf32, #tpu.memory_space<hbm>>)
    %dma_wait3A_435 = arith.constant 3 : i32
    %dma_wait3A_436 = arith.constant 0 : i32
    %dma_wait3A_437 = arith.constant 0 : i32
    %dma_wait3A_438 = arith.constant 0 : i32
    %dma_wait3A_439 = tpu.memref_slice %arg10[%dma_wait3A_435, %dma_wait3A_436, %dma_wait3A_437, %dma_wait3A_438] : memref<5x4x40x128xf32, #tpu.memory_space<vmem>> -> memref<1x4x40x128xf32, #tpu.memory_space<vmem>>
    %dma_wait3A_440 = tpu.memref_squeeze %dma_wait3A_439 : memref<1x4x40x128xf32, #tpu.memory_space<vmem>> -> memref<4x40x128xf32, #tpu.memory_space<vmem>>
    %dma_wait3A_441 = arith.constant 0 : i32
    %dma_wait3A_442 = arith.constant 0 : i32
    %dma_wait3A_443 = arith.constant 0 : i32
    %dma_wait3A_444 = tpu.memref_slice %arg8[%dma_wait3A_441, %dma_wait3A_442, %dma_wait3A_443] : memref<16384x40x128xf32, #tpu.memory_space<hbm>> -> memref<4x40x128xf32, #tpu.memory_space<hbm>>
    %dma_wait3A_445 = arith.constant 0 : i32
    %dma_wait3A_446 = arith.constant 0 : i32
    %dma_wait3A_447 = arith.constant 0 : i32
    %dma_wait3A_448 = tpu.memref_slice %arg8[%dma_wait3A_445, %dma_wait3A_446, %dma_wait3A_447] : memref<16384x40x128xf32, #tpu.memory_space<hbm>> -> memref<4x40x128xf32, #tpu.memory_space<hbm>>
    %dma_wait3A_449 = arith.constant 0 : i32
    %dma_wait3A_450 = arith.constant 0 : i32
    %dma_wait3A_451 = arith.constant 0 : i32
    %dma_wait3A_452 = tpu.memref_slice %arg10[%dma_wait3A_435, %dma_wait3A_449, %dma_wait3A_450, %dma_wait3A_451] : memref<5x4x40x128xf32, #tpu.memory_space<vmem>> -> memref<1x4x40x128xf32, #tpu.memory_space<vmem>>
    %dma_wait3A_453 = tpu.memref_squeeze %dma_wait3A_452 : memref<1x4x40x128xf32, #tpu.memory_space<vmem>> -> memref<4x40x128xf32, #tpu.memory_space<vmem>>
    tpu.wait_dma2 semaphore(%arg16 : memref<!tpu.dma_semaphore, #tpu.memory_space<semaphore_mem>>) src(%dma_wait3A_453 : memref<4x40x128xf32, #tpu.memory_space<vmem>>) dst(%dma_wait3A_448 : memref<4x40x128xf32, #tpu.memory_space<hbm>>)
    %dma_wait3A_454 = arith.constant 4 : i32
    %dma_wait3A_455 = arith.constant 0 : i32
    %dma_wait3A_456 = arith.constant 0 : i32
    %dma_wait3A_457 = arith.constant 0 : i32
    %dma_wait3A_458 = tpu.memref_slice %arg10[%dma_wait3A_454, %dma_wait3A_455, %dma_wait3A_456, %dma_wait3A_457] : memref<5x4x40x128xf32, #tpu.memory_space<vmem>> -> memref<1x4x40x128xf32, #tpu.memory_space<vmem>>
    %dma_wait3A_459 = tpu.memref_squeeze %dma_wait3A_458 : memref<1x4x40x128xf32, #tpu.memory_space<vmem>> -> memref<4x40x128xf32, #tpu.memory_space<vmem>>
    %dma_wait3A_460 = arith.constant 0 : i32
    %dma_wait3A_461 = arith.constant 0 : i32
    %dma_wait3A_462 = arith.constant 0 : i32
    %dma_wait3A_463 = tpu.memref_slice %arg8[%dma_wait3A_460, %dma_wait3A_461, %dma_wait3A_462] : memref<16384x40x128xf32, #tpu.memory_space<hbm>> -> memref<4x40x128xf32, #tpu.memory_space<hbm>>
    %dma_wait3A_464 = arith.constant 0 : i32
    %dma_wait3A_465 = arith.constant 0 : i32
    %dma_wait3A_466 = arith.constant 0 : i32
    %dma_wait3A_467 = tpu.memref_slice %arg8[%dma_wait3A_464, %dma_wait3A_465, %dma_wait3A_466] : memref<16384x40x128xf32, #tpu.memory_space<hbm>> -> memref<4x40x128xf32, #tpu.memory_space<hbm>>
    %dma_wait3A_468 = arith.constant 0 : i32
    %dma_wait3A_469 = arith.constant 0 : i32
    %dma_wait3A_470 = arith.constant 0 : i32
    %dma_wait3A_471 = tpu.memref_slice %arg10[%dma_wait3A_454, %dma_wait3A_468, %dma_wait3A_469, %dma_wait3A_470] : memref<5x4x40x128xf32, #tpu.memory_space<vmem>> -> memref<1x4x40x128xf32, #tpu.memory_space<vmem>>
    %dma_wait3A_472 = tpu.memref_squeeze %dma_wait3A_471 : memref<1x4x40x128xf32, #tpu.memory_space<vmem>> -> memref<4x40x128xf32, #tpu.memory_space<vmem>>
    tpu.wait_dma2 semaphore(%arg16 : memref<!tpu.dma_semaphore, #tpu.memory_space<semaphore_mem>>) src(%dma_wait3A_472 : memref<4x40x128xf32, #tpu.memory_space<vmem>>) dst(%dma_wait3A_467 : memref<4x40x128xf32, #tpu.memory_space<hbm>>)
    return
  }
}

</mosaic_0001>

<sc_bundles>
// kernel: kernel.3.cloned.1.call-start
scs
__scs_entry_jumppad:
0x0: {  	(pc) =	sbr.rel $0x88, $3  }
0x1: {  	(tag) =	ssettag $0x0;
	lr =	simm.s32 $0x1  }
0x2: {  	[smem:$0x3F9A] =	sst lr;
	_ =	strace $0xD0000000  }
0x3: {  	_ = 	snop  }
0x4: {  	_ = 	snop  }
0x5: {  	_ = 	snop  }
0x6: {  	_ = 	snop  }
0x7: {  	_ = 	snop  }
__scs_overlays_trampoline_lowered:
0x8: {  	[smem:$0x3FA9] =	sst s0  }
0x9: {  	[smem:$0x3FAA] =	sst s1  }
0xa: {  	[smem:$0x3FAB] =	sst s2  }
0xb: {  	[smem:$0x3FAC] =	sst s3  }
0xc: {  	[smem:$0x3FAD] =	sst s4  }
0xd: {  	[smem:$0x3FAE] =	sst s5  }
0xe: {  	[smem:$0x3FAF] =	sst s6  }
0xf: {  	[smem:$0x3FB0] =	sst s7  }
0x10: {  	[smem:$0x3FB1] =	sst s8  }
0x11: {  	[smem:$0x3FB2] =	sst s9;
	s0 =	simm.s32 @!p0 $0x0  }
0x12: {  	s1 =	sld [smem:$0x3F98];
	s0 =	simm.s32 @p0 $0x1  }
0x13: {  	[smem:$0x3FB3] =	sst s0;
	s0 =	simm.s32 @!p1 $0x0  }
0x14: {  	s2 =	sld [smem:$0x3F97];
	s0 =	simm.s32 @p1 $0x1  }
0x15: {  	[smem:$0x3FB4] =	sst s0;
	s0 =	simm.s32 @!p2 $0x0  }
0x16: {  	s3 =	sld [smem:$0x3FDB];
	s0 =	simm.s32 @p2 $0x1  }
0x17: {  	s4 =	simm.s32 $0x1BF5;
	[smem:$0x3FB6] =	sst s0  }
0x18: {  	s0 =	sld [smem:$0x3F99];
	_ =	swait.ge [sflag:s4], $0x0  }
0x19: {  	s7 =	sld [smem:$0x3F9A]  }
0x1a: {  	s8 =	sadd.s32 $0xFFFFE003, lr  }
0x1b: {  	s9 =	sadd.s32 $0xFFFFFEF7, lr;
	s5 =	simm.s32 $0xFFFFFFFF;
	p2 =	slt.u32 s8, $0xFFFFF086  }
0x1c: {  	p1 =	slt.u32 s9, $0xF7A;
	s5 =	simm.s32 @!p2 $0x0  }
0x1d: {  	s5 =	simm.s32 @p1 $0x1;
	p0 =	seq.s32 s7, s2  }
0x1e: {  	s7 =	smul.u32 @!p0 $0xF7A, s2;
	p2 =	seq.s32 @!p0 s5, $0x0  }
0x1f: {  	s9 =	smul.u32 $0xF7A, s1;
	s8 =	simm.s32 @!p0 $0x1BF5;
	p2 =	por !p2, p0  }
0x20: {  	[sflag:s8] =	ssyncset.s32 @!p0 $0xFFFFF086;
	s6 =	sadd.s32 @!p0 s3, s7;
	s7 =	simm.s32 @!p0 $0x108  }
0x21: {  	s3 =	sadd.s32 s3, s9;
	s6 =	sadd.s32 @!p0 $0x88, s6;
	s7 =	simm.s32 @p2 $0x1082  }
0x22: {  	[simem:s7], [sflag:s8] =	dma.local @!p0 [hbm:s6], $0xF7A  }
0x23: {  	s9 =	sor.u32 $0xD0000000, s2;
	s6 =	simm.s32 $0x108;
	_ =	swait.ge @!p0 [sflag:s8], $0x0  }
0x24: {  	s3 =	sadd.s32 $0x88, s3;
	s6 =	simm.s32 @!p1 $0x1082;
	[sflag:s4] =	ssyncset.s32 $0xFFFFF086  }
0x25: {  	[simem:s6], [sflag:s4] =	dma.local [hbm:s3], $0xF7A  }
0x26: {  	[smem:$0x3F9A] =	sst s1;
	(tag) =	ssettag s2;
	_ =	strace s9  }
0x27: {  	s1 =	sld [smem:$0x3FAA]  }
0x28: {  	s2 =	sld [smem:$0x3FAB]  }
0x29: {  	s4 =	sld [smem:$0x3FAD]  }
0x2a: {  	p0 =	seq.s32 s5, $0x0;
	s5 =	sld [smem:$0x3FAE]  }
0x2b: {  	s6 =	sld [smem:$0x3FAF]  }
0x2c: {  	s7 =	sld [smem:$0x3FB0]  }
0x2d: {  	s3 =	simm.s32 $0x108;
	s8 =	sld [smem:$0x3FB1]  }
0x2e: {  	s3 =	simm.s32 @!p0 $0x1082;
	s9 =	sld [smem:$0x3FB2]  }
0x2f: {  	lr =	sadd.s32 s0, s3;
	s0 =	sld [smem:$0x3FA9]  }
0x30: {  	s3 =	sld [smem:$0x3FAC]  }
0x31: {  	[smem:$0x3FB5] =	sst s10  }
0x32: {  	s10 =	sld [smem:$0x3FB3];
	_ =	sdelay $0x3  }
0x33: {  	p0 =	seq.s32 s10, $0x1;
	s10 =	sld [smem:$0x3FB5];
	_ =	sdelay $0x3  }
0x34: {  	[smem:$0x3FB5] =	sst s10  }
0x35: {  	s10 =	sld [smem:$0x3FB4];
	_ =	sdelay $0x3  }
0x36: {  	p1 =	seq.s32 s10, $0x1;
	s10 =	sld [smem:$0x3FB5];
	_ =	sdelay $0x3  }
0x37: {  	[smem:$0x3FB5] =	sst s10  }
0x38: {  	s10 =	sld [smem:$0x3FB6]  }
0x39: {  	_ = 	snop;
	(pc) =	sbr.ind lr, $3  }
0x3a: {  	_ = 	snop  }
0x3b: {  	_ = 	snop  }
0x3c: {  	p2 =	seq.s32 s10, $0x1;
	s10 =	sld [smem:$0x3FB5]  }
0x3d: {  	_ =	shalt  }
0x3e: {  	_ =	shalt  }
0x3f: {  	_ =	shalt  }
0x40: {  	_ =	shalt  }
0x41: {  	_ =	shalt  }
0x42: {  	_ =	shalt  }
0x43: {  	_ =	shalt  }
0x44: {  	_ =	shalt  }
0x45: {  	_ =	shalt  }
0x46: {  	_ =	shalt  }
0x47: {  	_ =	shalt  }
0x48: {  	_ =	shalt  }
0x49: {  	_ =	shalt  }
0x4a: {  	_ =	shalt  }
0x4b: {  	_ =	shalt  }
0x4c: {  	_ =	shalt  }
0x4d: {  	_ =	shalt  }
0x4e: {  	_ =	shalt  }
0x4f: {  	_ =	shalt  }
0x50: {  	_ =	shalt  }
0x51: {  	_ =	shalt  }
0x52: {  	_ =	shalt  }
0x53: {  	_ =	shalt  }
0x54: {  	_ =	shalt  }
0x55: {  	_ =	shalt  }
0x56: {  	_ =	shalt  }
0x57: {  	_ =	shalt  }
0x58: {  	_ =	shalt  }
0x59: {  	_ =	shalt  }
0x5a: {  	_ =	shalt  }
0x5b: {  	_ =	shalt  }
0x5c: {  	_ =	shalt  }
0x5d: {  	_ =	shalt  }
0x5e: {  	_ =	shalt  }
0x5f: {  	_ =	shalt  }
0x60: {  	_ =	shalt  }
0x61: {  	_ =	shalt  }
0x62: {  	_ =	shalt  }
0x63: {  	_ =	shalt  }
0x64: {  	_ =	shalt  }
0x65: {  	_ =	shalt  }
0x66: {  	_ =	shalt  }
0x67: {  	_ =	shalt  }
0x68: {  	_ =	shalt  }
0x69: {  	_ =	shalt  }
0x6a: {  	_ =	shalt  }
0x6b: {  	_ =	shalt  }
0x6c: {  	_ =	shalt  }
0x6d: {  	_ =	shalt  }
0x6e: {  	_ =	shalt  }
0x6f: {  	_ =	shalt  }
0x70: {  	_ =	shalt  }
0x71: {  	_ =	shalt  }
0x72: {  	_ =	shalt  }
0x73: {  	_ =	shalt  }
0x74: {  	_ =	shalt  }
0x75: {  	_ =	shalt  }
0x76: {  	_ =	shalt  }
0x77: {  	_ =	shalt  }
0x78: {  	_ =	shalt  }
0x79: {  	_ =	shalt  }
0x7a: {  	_ =	shalt  }
0x7b: {  	_ =	shalt  }
0x7c: {  	_ =	shalt  }
0x7d: {  	_ =	shalt  }
0x7e: {  	_ =	shalt  }
0x7f: {  	_ =	shalt  }
0x80: {  	_ =	shalt  }
0x81: {  	_ =	shalt  }
0x82: {  	_ =	shalt  }
0x83: {  	_ =	shalt  }
0x84: {  	_ =	shalt  }
0x85: {  	_ =	shalt  }
0x86: {  	_ =	shalt  }
0x87: {  	_ =	shalt  }
.Lfunc_end0:
.L_simem_size_0:
called_computation_lowered:
.L_overlay_start_0:
0x88: {  	s2 =	sld [smem:$0x3FD9]  }
0x89: {  	s3 =	sld [smem:$0x3FFE];
	_ =	sdelay $0x1  }
0x8a: {  	s1 =	srdreg.scid  }
0x8b: {  	s0 =	sand.u32 $0x1, s1  }
0x8c: {  	s17 =	sshll.u32 s0, $0xA;
	s2 =	sadd.s32 s3, s2  }
0x8d: {  	s2 =	sadd.s32 s2, s17  }
0x8e: {  	[smem:$0x3FC1] =	sst s2  }
0x8f: {  	_ = 	snop  }
0x90: {  	s2 =	sld [smem:$0x3FC7]  }
0x91: {  	s18 =	sld [smem:$0x3FC6]  }
0x92: {  	s4 =	sld [smem:$0x3FC3]  }
0x93: {  	s5 =	sld [smem:$0x3FD0];
	(tm) =	ssettm $0x1  }
0x94: {  	s6 =	sld [smem:$0x3FFB];
	_ =	sdelay $0x3  }
0x95: {  	_ =	strace s6  }
0x96: {  	s6 =	sld [smem:$0x3FFC];
	_ =	sdelay $0x3  }
0x97: {  	_ =	strace s6  }
0x98: {  	s6 =	sld [smem:$0x3FFD];
	_ =	sdelay $0x3  }
0x99: {  	_ =	strace s6  }
0x9a: {  	_ =	strace $0x8FFFFFFF  }
0x9b: {  	s19 =	sld [smem:$0x3FDB];
	_ =	sdelay $0x1  }
0x9c: {  	s7 =	simm.s32 $_scs_section_size  }
0x9d: {  	s8 =	simm.s32 $_size__tile_overlayer_lowered;
	s9 =	simm.s32 $_tile_overlayer_lowered  }
0x9e: {  	s22 =	simm.s32 $0x1BFF;
	s21 =	sshll.u32 s9, $0x1;
	s6 =	sadd.s32 s7, s19  }
0x9f: {  	s10 =	simm.s32 $0x0;
	s20 =	sshll.u32 s8, $0x1;
	s8 =	sadd.s32 s21, s6  }
0xa0: {  	[timem:s10], [sflag:s22] =	dma.local [hbm:s8], s20  }
0xa1: {  	_ =	swait.ge [sflag:s22], s20  }
0xa2: {  	s7 =	ssub.s32 $0x0, s20;
	[sflag:s22] =	ssyncset.done $0x0  }
0xa3: {  	[sflag:s22] =	ssyncadd.s32 s7;
	_ =	sdelay $0x1  }
0xa4: {  	s23 =	simm.s32 $0x1B8B  }
0xa5: {  	_ =	swait.ge [sflag:s23], $0x1  }
0xa6: {  	[sflag:s23] =	ssyncset.done $0x0  }
0xa7: {  	s25 =	simm.s32 $0x1B8E;
	s24 =	sld [smem:$0x3FFE];
	[sflag:s23] =	ssyncadd.s32 $0xFFFFFFFF  }
0xa8: {  	s26 =	simm.s32 $execute0_lowered;
	[smem:$0x3FD2] =	sst s25  }
0xa9: {  	s8 =	sshll.u32 s26, $0x1;
	_ =	strace $0x80000046;
	[dreg:$0x1] =	wrdreg $0xFFFFFFFF  }
0xaa: {  	s28 =	simm.s32 $_size_execute0_lowered;
	s6 =	sadd.s32 s6, s8;
	[dreg:$0x0] =	wrdreg $0x0  }
0xab: {  	s8 =	sshll.u32 s28, $0x1;
	[dreg:$0x2] =	wrdreg s6  }
0xac: {  	[dreg:$0x3] =	wrdreg s8  }
0xad: {  	[dreg:$0x4] =	wrdreg $0xC0  }
0xae: {  	_ =	task [dreg:s10], $0x5FFFF  }
0xaf: {  	[dreg:$0x1] =	wrdreg $0xFFFFFFFF  }
0xb0: {  	[dreg:$0x0] =	wrdreg $0x60  }
0xb1: {  	[dreg:$0x2] =	wrdreg s24  }
0xb2: {  	[dreg:$0x3] =	wrdreg s2  }
0xb3: {  	[dreg:$0x4] =	wrdreg s18  }
0xb4: {  	[dreg:$0x5] =	wrdreg s4  }
0xb5: {  	[dreg:$0x6] =	wrdreg s5  }
0xb6: {  	[dreg:$0x7] =	wrdreg $0x9  }
0xb7: {  	_ =	task.clear_ibuf [dreg:s10], $0x8FFFF;
	_ =	strace $0x90000046  }
0xb8: {  	s29 =	simm.s32 $0x9;
	_ =	strace $0x80000048  }
0xb9: {  	_ =	swait.ge [sflag:s29], $0x1  }
0xba: {  	[sflag:s29] =	ssyncadd.s32 $0xFFFFFFFF  }
0xbb: {  	_ =	strace $0x90000048  }
0xbc: {  	_ =	sfence  }
0xbd: {  	s30 =	sld [smem:$0x0];
	_ =	sdelay $0x2  }
0xbe: {  	s31 =	sshll.u32 s1, $0xD;
	s1 =	sshrl.u32 s1, $0x2  }
0xbf: {  	s3 =	sand.u32 $0x4000, s31;
	s1 =	sadd.s32 s1, s30  }
0xc0: {  	s0 =	sor.u32 s3, s0;
	s1 =	sshll.u32 s1, $0x11  }
0xc1: {  	s0 =	sor.u32 s1, s0  }
0xc2: {  	s0 =	sadd.s32 $0x8F2B, s0  }
0xc3: {  	[sflag:s0] =	ssyncadd.remote.s32 $0x1  }
0xc4: {  	_ =	sfence.sel $0xFFFF  }
0xc5: {  	[dreg:$0x0] =	wrdreg $0xFFFFFFFF;
	(pc) =	sbr.abs _section_cstart, $3  }
0xc6: {  	[dreg:$0x1] =	wrdreg $0xFFFFFFFF  }
0xc7: {  	_ =	task.clear_ibuf [dreg:s10], $0x2FFFF;
	_ =	strace $0x9FFFFFFF  }
0xc8: {  	(tm) =	ssettm $0x7FFFFFFF  }
0xc9: {  	_ =	shalt  }
tec
execute0_lowered:
.L_overlay_start_1:
0x0: {  	(tag) =	ssettag $0x1  }
0x1: {  	s0 =	rddreg [dreg:$0x0]  }
0x2: {  	s1 =	srdreg.scid;
	s2 =	stileid.u32  }
0x3: {  	s5 =	rddreg [dreg:$0x4];
	s6 =	simm.s32 $0x0;
	s12 =	simm.s32 $0x1D000  }
0x4: {  	s16 =	simm.s32 $0x1A;
	s1 =	sand.u32 $0x1, s1;
	s2 =	sshll.u32 s2, $0x1  }
0x5: {  	s24 =	simm.s32 $0x1;
	[smem:$0x7FF] =	sst s6;
	s2 =	sor.u32 s1, s2  }
0x6: {  	s7 =	sadd.s32 $0x18000, s0;
	s1 =	ssub.s32 $0x2, s1;
	s4 =	sshll.u32 s2, $0xB  }
0x7: {  	s3 =	smul.u32 $0x340, s2;
	s8 =	sshrl.u32 s1, $0x1;
	s4 =	sadd.s32 s4, s0  }
0x8: {  	_ =	strace $0x80000047;
	s29 =	ssub.s32 s1, s8;
	s30 =	sadd.s32 $0x1800, s4  }
0x9: {  	s3 =	sadd.s32 s3, s0;
	s0 =	smax.u32 s29, $0x1;
	[dreg:$0x6] =	wrdreg s30  }
0xa: {  	s25 =	simm.s32 $0x2;
	s31 =	sadd.s32 $0x11800, s3;
	[dreg:$0x8] =	wrdreg s0  }
0xb: {  	s26 =	simm.s32 $0x0;
	s8 =	sshll.u32 s2, $0x9;
	[dreg:$0x7] =	wrdreg s31  }
.LBB2_1:
0xc: {  	s0 =	rddreg [dreg:$0x6]  }
0xd: {  	[tilespmem:s6], [sflag:$0x3] =	stream.linear.gather [hbm4b:s0+s6], $0x4000, $0x38;
	[tilespmem:$0x1FA80] =	vst v63  }
0xe: {  	s9 =	rddreg [dreg:$0x7]  }
0xf: {  	[tilespmem:s12], [sflag:$0x3] =	stream.linear.gather [hbm4b:s9+s6], $0x1A00, $0x38;
	[tilespmem:$0x1FA80] =	vst v63  }
0x10: {  	s10 =	rddreg [dreg:$0x1];
	s1 =	simm.s32 $0x1EA00  }
0x11: {  	[tilespmem:s1], [sflag:$0x3] =	stream.linear.gather [hbm4b:s10+s6], $0x680, $0x38;
	[tilespmem:$0x1FA80] =	vst v63  }
0x12: {  	s11 =	rddreg [dreg:$0x2];
	s13 =	simm.s32 $0x1F200  }
0x13: {  	[tilespmem:s13], [sflag:$0x3] =	stream.linear.gather [hbm4b:s11+s6], $0x680, $0x38;
	[tilespmem:$0x1FA80] =	vst v63  }
0x14: {  	s14 =	rddreg [dreg:$0x3];
	s15 =	simm.s32 $0x1FA00;
	s28 =	simm.s32 $0x3  }
0x15: {  	[tilespmem:s15], [sflag:$0x3] =	stream.linear.gather [hbm4b:s14+s6], $0x80, $0x38;
	[tilespmem:$0x1FA80] =	vst v63  }
0x16: {  	_ =	swait.ge [sflag:s28], $0x4000  }
0x17: {  	[sflag:s28] =	ssyncset.done $0x0  }
0x18: {  	[sflag:s28] =	ssyncadd.s32 $0xFFFFC000  }
0x19: {  	_ =	swait.ge [sflag:s28], $0x1A00  }
0x1a: {  	[sflag:s28] =	ssyncset.done $0x0  }
0x1b: {  	[sflag:s28] =	ssyncadd.s32 $0xFFFFE600  }
0x1c: {  	_ =	swait.ge [sflag:s28], $0x680  }
0x1d: {  	[sflag:s28] =	ssyncset.done $0x0  }
0x1e: {  	[sflag:s28] =	ssyncadd.s32 $0xFFFFF980  }
0x1f: {  	_ =	swait.ge [sflag:s28], $0x680  }
0x20: {  	[sflag:s28] =	ssyncset.done $0x0  }
0x21: {  	[sflag:s28] =	ssyncadd.s32 $0xFFFFF980  }
0x22: {  	_ =	swait.ge [sflag:s28], $0x80  }
0x23: {  	[sflag:s28] =	ssyncset.done $0x0  }
0x24: {  	[sflag:s28] =	ssyncadd.s32 $0xFFFFFF80  }
0x25: {  	v0 =	vld [tilespmem:$0x1FA00];
	_ =	sdelay $0x4  }
0x26: {  	[tilespmem:$0x4000] =	vst v0  }
0x27: {  	[tilespmem:$0x5400] =	vst v0  }
0x28: {  	[tilespmem:$0x6800] =	vst v0  }
0x29: {  	[tilespmem:$0x7C00] =	vst v0  }
0x2a: {  	[tilespmem:$0x9000] =	vst v0  }
0x2b: {  	[tilespmem:$0xA400] =	vst v0  }
0x2c: {  	[tilespmem:$0xB800] =	vst v0  }
0x2d: {  	[tilespmem:$0xCC00] =	vst v0  }
0x2e: {  	[tilespmem:$0xE000] =	vst v0  }
0x2f: {  	[tilespmem:$0xF400] =	vst v0  }
0x30: {  	[tilespmem:$0x10800] =	vst v0  }
0x31: {  	[tilespmem:$0x11C00] =	vst v0  }
0x32: {  	[tilespmem:$0x13000] =	vst v0  }
0x33: {  	[tilespmem:$0x14400] =	vst v0  }
0x34: {  	[tilespmem:$0x15800] =	vst v0  }
0x35: {  	v1 =	vld [tilespmem:$0x1FA10];
	[tilespmem:$0x16C00] =	vst v0  }
0x36: {  	[tilespmem:$0x18000] =	vst v0  }
0x37: {  	[tilespmem:$0x19400] =	vst v0  }
0x38: {  	[tilespmem:$0x1A800] =	vst v0  }
0x39: {  	[tilespmem:$0x1BC00] =	vst v0  }
0x3a: {  	[tilespmem:$0x4010] =	vst v1  }
0x3b: {  	[tilespmem:$0x5410] =	vst v1  }
0x3c: {  	[tilespmem:$0x6810] =	vst v1  }
0x3d: {  	[tilespmem:$0x7C10] =	vst v1  }
0x3e: {  	[tilespmem:$0x9010] =	vst v1  }
0x3f: {  	[tilespmem:$0xA410] =	vst v1  }
0x40: {  	[tilespmem:$0xB810] =	vst v1  }
0x41: {  	[tilespmem:$0xCC10] =	vst v1  }
0x42: {  	[tilespmem:$0xE010] =	vst v1  }
0x43: {  	[tilespmem:$0xF410] =	vst v1  }
0x44: {  	[tilespmem:$0x10810] =	vst v1  }
0x45: {  	[tilespmem:$0x11C10] =	vst v1  }
0x46: {  	[tilespmem:$0x13010] =	vst v1  }
0x47: {  	[tilespmem:$0x14410] =	vst v1  }
0x48: {  	[tilespmem:$0x15810] =	vst v1  }
0x49: {  	v58 =	vld [tilespmem:$0x1FA20];
	[tilespmem:$0x16C10] =	vst v1  }
0x4a: {  	[tilespmem:$0x18010] =	vst v1  }
0x4b: {  	[tilespmem:$0x19410] =	vst v1  }
0x4c: {  	[tilespmem:$0x1A810] =	vst v1  }
0x4d: {  	[tilespmem:$0x1BC10] =	vst v1  }
0x4e: {  	[tilespmem:$0x4020] =	vst v58  }
0x4f: {  	[tilespmem:$0x5420] =	vst v58  }
0x50: {  	[tilespmem:$0x6820] =	vst v58  }
0x51: {  	[tilespmem:$0x7C20] =	vst v58  }
0x52: {  	[tilespmem:$0x9020] =	vst v58  }
0x53: {  	[tilespmem:$0xA420] =	vst v58  }
0x54: {  	[tilespmem:$0xB820] =	vst v58  }
0x55: {  	[tilespmem:$0xCC20] =	vst v58  }
0x56: {  	[tilespmem:$0xE020] =	vst v58  }
0x57: {  	[tilespmem:$0xF420] =	vst v58  }
0x58: {  	[tilespmem:$0x10820] =	vst v58  }
0x59: {  	[tilespmem:$0x11C20] =	vst v58  }
0x5a: {  	[tilespmem:$0x13020] =	vst v58  }
0x5b: {  	[tilespmem:$0x14420] =	vst v58  }
0x5c: {  	[tilespmem:$0x15820] =	vst v58  }
0x5d: {  	v59 =	vld [tilespmem:$0x1FA30];
	[tilespmem:$0x16C20] =	vst v58  }
0x5e: {  	[tilespmem:$0x18020] =	vst v58  }
0x5f: {  	[tilespmem:$0x19420] =	vst v58  }
0x60: {  	[tilespmem:$0x1A820] =	vst v58  }
0x61: {  	[tilespmem:$0x1BC20] =	vst v58  }
0x62: {  	[tilespmem:$0x4030] =	vst v59  }
0x63: {  	[tilespmem:$0x5430] =	vst v59  }
0x64: {  	[tilespmem:$0x6830] =	vst v59  }
0x65: {  	[tilespmem:$0x7C30] =	vst v59  }
0x66: {  	[tilespmem:$0x9030] =	vst v59  }
0x67: {  	[tilespmem:$0xA430] =	vst v59  }
0x68: {  	[tilespmem:$0xB830] =	vst v59  }
0x69: {  	[tilespmem:$0xCC30] =	vst v59  }
0x6a: {  	[tilespmem:$0xE030] =	vst v59  }
0x6b: {  	[tilespmem:$0xF430] =	vst v59  }
0x6c: {  	[tilespmem:$0x10830] =	vst v59  }
0x6d: {  	[tilespmem:$0x11C30] =	vst v59  }
0x6e: {  	[tilespmem:$0x13030] =	vst v59  }
0x6f: {  	[tilespmem:$0x14430] =	vst v59  }
0x70: {  	[tilespmem:$0x15830] =	vst v59  }
0x71: {  	v60 =	vld [tilespmem:$0x1FA40];
	[tilespmem:$0x16C30] =	vst v59  }
0x72: {  	[tilespmem:$0x18030] =	vst v59  }
0x73: {  	[tilespmem:$0x19430] =	vst v59  }
0x74: {  	[tilespmem:$0x1A830] =	vst v59  }
0x75: {  	[tilespmem:$0x1BC30] =	vst v59  }
0x76: {  	[tilespmem:$0x4040] =	vst v60  }
0x77: {  	[tilespmem:$0x5440] =	vst v60  }
0x78: {  	[tilespmem:$0x6840] =	vst v60  }
0x79: {  	[tilespmem:$0x7C40] =	vst v60  }
0x7a: {  	[tilespmem:$0x9040] =	vst v60  }
0x7b: {  	[tilespmem:$0xA440] =	vst v60  }
0x7c: {  	[tilespmem:$0xB840] =	vst v60  }
0x7d: {  	[tilespmem:$0xCC40] =	vst v60  }
0x7e: {  	[tilespmem:$0xE040] =	vst v60  }
0x7f: {  	[tilespmem:$0xF440] =	vst v60  }
0x80: {  	[tilespmem:$0x10840] =	vst v60  }
0x81: {  	[tilespmem:$0x11C40] =	vst v60  }
0x82: {  	[tilespmem:$0x13040] =	vst v60  }
0x83: {  	[tilespmem:$0x14440] =	vst v60  }
0x84: {  	[tilespmem:$0x15840] =	vst v60  }
0x85: {  	v61 =	vld [tilespmem:$0x1FA50];
	[tilespmem:$0x16C40] =	vst v60  }
0x86: {  	[tilespmem:$0x18040] =	vst v60  }
0x87: {  	[tilespmem:$0x19440] =	vst v60  }
0x88: {  	[tilespmem:$0x1A840] =	vst v60  }
0x89: {  	[tilespmem:$0x1BC40] =	vst v60  }
0x8a: {  	[tilespmem:$0x4050] =	vst v61  }
0x8b: {  	[tilespmem:$0x5450] =	vst v61  }
0x8c: {  	[tilespmem:$0x6850] =	vst v61  }
0x8d: {  	[tilespmem:$0x7C50] =	vst v61  }
0x8e: {  	[tilespmem:$0x9050] =	vst v61  }
0x8f: {  	[tilespmem:$0xA450] =	vst v61  }
0x90: {  	[tilespmem:$0xB850] =	vst v61  }
0x91: {  	[tilespmem:$0xCC50] =	vst v61  }
0x92: {  	[tilespmem:$0xE050] =	vst v61  }
0x93: {  	[tilespmem:$0xF450] =	vst v61  }
0x94: {  	[tilespmem:$0x10850] =	vst v61  }
0x95: {  	[tilespmem:$0x11C50] =	vst v61  }
0x96: {  	[tilespmem:$0x13050] =	vst v61  }
0x97: {  	[tilespmem:$0x14450] =	vst v61  }
0x98: {  	[tilespmem:$0x15850] =	vst v61  }
0x99: {  	v62 =	vld [tilespmem:$0x1FA60];
	[tilespmem:$0x16C50] =	vst v61  }
0x9a: {  	[tilespmem:$0x18050] =	vst v61  }
0x9b: {  	[tilespmem:$0x19450] =	vst v61  }
0x9c: {  	[tilespmem:$0x1A850] =	vst v61  }
0x9d: {  	[tilespmem:$0x1BC50] =	vst v61  }
0x9e: {  	[tilespmem:$0x4060] =	vst v62  }
0x9f: {  	[tilespmem:$0x5460] =	vst v62  }
0xa0: {  	[tilespmem:$0x6860] =	vst v62  }
0xa1: {  	[tilespmem:$0x7C60] =	vst v62  }
0xa2: {  	[tilespmem:$0x9060] =	vst v62  }
0xa3: {  	[tilespmem:$0xA460] =	vst v62  }
0xa4: {  	[tilespmem:$0xB860] =	vst v62  }
0xa5: {  	[tilespmem:$0xCC60] =	vst v62  }
0xa6: {  	[tilespmem:$0xE060] =	vst v62  }
0xa7: {  	[tilespmem:$0xF460] =	vst v62  }
0xa8: {  	[tilespmem:$0x10860] =	vst v62  }
0xa9: {  	[tilespmem:$0x11C60] =	vst v62  }
0xaa: {  	[tilespmem:$0x13060] =	vst v62  }
0xab: {  	[tilespmem:$0x14460] =	vst v62  }
0xac: {  	[tilespmem:$0x15860] =	vst v62  }
0xad: {  	v63 =	vld [tilespmem:$0x1FA70];
	[tilespmem:$0x16C60] =	vst v62  }
0xae: {  	[tilespmem:$0x18060] =	vst v62  }
0xaf: {  	[tilespmem:$0x19460] =	vst v62  }
0xb0: {  	[tilespmem:$0x1A860] =	vst v62  }
0xb1: {  	[tilespmem:$0x1BC60] =	vst v62  }
0xb2: {  	[tilespmem:$0x4070] =	vst v63  }
0xb3: {  	[tilespmem:$0x5470] =	vst v63  }
0xb4: {  	[tilespmem:$0x6870] =	vst v63  }
0xb5: {  	[tilespmem:$0x7C70] =	vst v63  }
0xb6: {  	[tilespmem:$0x9070] =	vst v63  }
0xb7: {  	[tilespmem:$0xA470] =	vst v63  }
0xb8: {  	[tilespmem:$0xB870] =	vst v63  }
0xb9: {  	[tilespmem:$0xCC70] =	vst v63  }
0xba: {  	[tilespmem:$0xE070] =	vst v63  }
0xbb: {  	[tilespmem:$0xF470] =	vst v63  }
0xbc: {  	[tilespmem:$0x10870] =	vst v63  }
0xbd: {  	[tilespmem:$0x11C70] =	vst v63  }
0xbe: {  	[tilespmem:$0x13070] =	vst v63  }
0xbf: {  	[tilespmem:$0x14470] =	vst v63  }
0xc0: {  	[tilespmem:$0x15870] =	vst v63  }
0xc1: {  	[tilespmem:$0x16C70] =	vst v63  }
0xc2: {  	s17 =	simm.s32 $0x4700;
	s18 =	simm.s32 $0x20;
	s19 =	simm.s32 $0x5B00;
	[tilespmem:$0x18070] =	vst v63  }
0xc3: {  	s20 =	simm.s32 $0x40;
	s21 =	simm.s32 $0x6F00;
	s22 =	simm.s32 $0x60;
	[tilespmem:$0x19470] =	vst v63  }
0xc4: {  	s23 =	simm.s32 $0x8300;
	s29 =	simm.s32 $0x4000;
	s30 =	simm.s32 $0x4;
	[tilespmem:$0x1A870] =	vst v63  }
0xc5: {  	s31 =	simm.s32 $0x5;
	s3 =	simm.s32 $0x6;
	s2 =	simm.s32 $0x9;
	[tilespmem:$0x1BC70] =	vst v63  }
0xc6: {  	[tilespmem:s17], [sflag:$0x1] =	stream.indirect.gather [hbm4b:s7+s16], $0x80, s6, s16, $0xb8;
	[tilespmem:$0x1FA80] =	vst v63  }
0xc7: {  	s4 =	simm.s32 $0xA;
	s0 =	simm.s32 $0x7;
	s1 =	simm.s32 $0x8  }
0xc8: {  	[tilespmem:s19], [sflag:$0x1] =	stream.indirect.gather [hbm4b:s7+s16], $0x80, s18, s16, $0xb8;
	[tilespmem:$0x1FA80] =	vst v63  }
0xc9: {  	s13 =	simm.s32 $0xB;
	s14 =	simm.s32 $0xC;
	s15 =	simm.s32 $0x2  }
0xca: {  	[tilespmem:s21], [sflag:$0x1] =	stream.indirect.gather [hbm4b:s7+s16], $0x80, s20, s16, $0xb8;
	[tilespmem:$0x1FA80] =	vst v63  }
0xcb: {  	s17 =	simm.s32 $0x1;
	s18 =	simm.s32 $0x0;
	s19 =	simm.s32 $0x0  }
0xcc: {  	[tilespmem:s23], [sflag:$0x1] =	stream.indirect.gather [hbm4b:s7+s16], $0x80, s22, s16, $0xb8;
	[tilespmem:$0x1FA80] =	vst v63  }
.LBB2_2:
0xcd: {  	s9 =	smul.u32 $0xCD, s19;
	_ =	sdelay $0x1  }
0xce: {  	s10 =	sadd.s32 $0xCD, s9  }
0xcf: {  	s10 =	sshrl.u32 s10, $0xA  }
0xd0: {  	s10 =	sand.u32 $0x3F, s10  }
0xd1: {  	s20 =	smov.u32 s19;
	p0 =	seq.s32 s19, $0x7F;
	s10 =	smul.u32 $0x5, s10  }
0xd2: {  	s19 =	sadd.s32 $0x1, s19;
	p1 =	slt.u32 @!p0 s20, $0x4  }
0xd3: {  	p1 =	por p1, p0;
	s10 =	ssub.s32 s19, s10  }
0xd4: {  	s21 =	simm.s32 @!p1 $0x2;
	s10 =	sand.u32 $0xFF, s10  }
0xd5: {  	_ =	swait.ge @!p1 [sflag:s21], $0x5000;
	s10 =	smul.u32 @!p0 $0x14000, s10  }
0xd6: {  	[sflag:s21] =	ssyncset.done @!p1 $0x0  }
0xd7: {  	[sflag:s21] =	ssyncadd.s32 @!p1 $0xFFFFB000;
	s21 =	sshll.u32 @!p0 s19, $0x7;
	s10 =	sshrl.u32 @!p0 s10, $0x2  }
0xd8: {  	s23 =	simm.s32 @!p0 $0x1A;
	s21 =	sand.u32 @!p0 $0x3FFFFF80, s21;
	s22 =	sadd.s32 @!p0 $0x4700, s10  }
0xd9: {  	[tilespmem:s22], [sflag:$0x1] =	stream.indirect.gather @!p0 [hbm4b:s7+s23], $0x80, s21, s23, $0xb8;
	[tilespmem:$0x1FA80] =	vst v63  }
0xda: {  	s11 =	sor.u32 @!p0 $0x20, s21;
	s22 =	sadd.s32 @!p0 $0x5B00, s10  }
0xdb: {  	[tilespmem:s22], [sflag:$0x1] =	stream.indirect.gather @!p0 [hbm4b:s7+s23], $0x80, s11, s23, $0xb8;
	[tilespmem:$0x1FA80] =	vst v63  }
0xdc: {  	s11 =	sadd.s32 @!p0 $0x6F00, s10;
	s22 =	sor.u32 @!p0 $0x40, s21  }
0xdd: {  	[tilespmem:s11], [sflag:$0x1] =	stream.indirect.gather @!p0 [hbm4b:s7+s23], $0x80, s22, s23, $0xb8;
	[tilespmem:$0x1FA80] =	vst v63  }
0xde: {  	s10 =	sadd.s32 @!p0 $0x8300, s10;
	s11 =	sor.u32 @!p0 $0x60, s21  }
0xdf: {  	[tilespmem:s10], [sflag:$0x1] =	stream.indirect.gather @!p0 [hbm4b:s7+s23], $0x80, s11, s23, $0xb8;
	[tilespmem:$0x1FA80] =	vst v63  }
0xe0: {  	v6 =	vld [tilespmem:$0x1EA00]  }
0xe1: {  	v7 =	vld [tilespmem:$0x1EA10]  }
0xe2: {  	v0 =	vmov s18;
	v8 =	vld [tilespmem:$0x1EA20]  }
0xe3: {  	v5 =	vld [tilespmem:$0x1EA30]  }
0xe4: {  	s11 =	smulhi.u32 $0xCCCCCCCD, s20;
	v4 =	vld [tilespmem:$0x1EA40]  }
0xe5: {  	v3 =	vld [tilespmem:$0x1EA50]  }
0xe6: {  	v2 =	vld [tilespmem:$0x1EA60];
	s10 =	sshrl.u32 s11, $0x2  }
0xe7: {  	v17 =	vld.idx.msk [tilespmem:v0+s12+$0x0], $0xffff;
	s10 =	smul.u32 $0xFFF9C000, s10  }
0xe8: {  	v1 =	vld [tilespmem:$0x1EA70]  }
0xe9: {  	v16 =	vld [tilespmem:$0x1F200];
	s10 =	sshra.s32 s10, $0x2  }
0xea: {  	s9 =	sshrl.u32 s9, $0xA;
	v15 =	vld [tilespmem:$0x1F210];
	s10 =	sadd.s32 s10, s29  }
0xeb: {  	s9 =	sand.u32 $0x3F, s9;
	v13 =	vld [tilespmem:$0x1F220];
	v0 =	vmov s10  }
0xec: {  	s9 =	smul.u32 $0x5, s9;
	v11 =	vld [tilespmem:$0x1F230];
	v14 =	vmul.f32 v17, v6  }
0xed: {  	v9 =	vld [tilespmem:$0x1F240];
	v18 =	vmul.f32 v17, v7  }
0xee: {  	s9 =	ssub.s32 s20, s9;
	v10 =	vld [tilespmem:$0x1F250];
	v19 =	vmul.f32 v17, v8;
	v20 =	vadd.f32 v14, v16  }
0xef: {  	s9 =	sand.u32 $0xFF, s9;
	s22 =	simm.s32 $0x0;
	v12 =	vld [tilespmem:$0x1F260];
	v21 =	vmul.f32 v17, v5;
	v18 =	vadd.f32 v18, v15  }
0xf0: {  	s9 =	smul.u32 $0x14000, s9;
	v22 =	vmul.f32 v17, v4;
	v14 =	vld [tilespmem:$0x1F270];
	v19 =	vadd.f32 v19, v13;
	[tilespmem:v0+s22+$0x80 ss:$0x1] =	vst.idx.msk $0xffff, v20  }
0xf1: {  	v20 =	vmul.f32 v17, v3;
	[tilespmem:v0+s22+$0x90 ss:$0x1] =	vst.idx.msk $0xffff, v18;
	v18 =	vadd.f32 v21, v11  }
0xf2: {  	s23 =	sshrl.u32 s9, $0x2;
	s9 =	sadd.s32 $0xD, s18;
	v63 =	vmul.f32 v17, v2;
	[tilespmem:v0+s22+$0xA0 ss:$0x1] =	vst.idx.msk $0xffff, v19;
	v19 =	vadd.f32 v22, v9  }
0xf3: {  	[tilespmem:v0+s22+$0xB0 ss:$0x1] =	vst.idx.msk $0xffff, v18;
	v18 =	vadd.f32 v20, v10;
	v20 =	vmul.f32 v17, v1;
	v17 =	vmov s9  }
0xf4: {  	s21 =	sshll.u32 s20, $0x2;
	[tilespmem:v0+s22+$0xC0 ss:$0x1] =	vst.idx.msk $0xffff, v19;
	v19 =	vadd.f32 v63, v12  }
0xf5: {  	s20 =	sadd.s32 s8, s21;
	[tilespmem:v0+s22+$0xD0 ss:$0x1] =	vst.idx.msk $0xffff, v18;
	v18 =	vadd.f32 v20, v14  }
0xf6: {  	s21 =	sadd.s32 $0x4000, s23;
	s23 =	simm.s32 $0x5000;
	s10 =	simm.s32 $0xA000;
	[tilespmem:v0+s22+$0xE0 ss:$0x1] =	vst.idx.msk $0xffff, v19  }
.LBB2_3:
0xf7: {  	p0 =	sne.s32 s10, $0xF000;
	[tilespmem:v0+s22+$0xF0 ss:$0x1] =	vst.idx.msk $0xffff, v18;
	s11 =	smov.u32 s10;
	s10 =	sadd.s32 $0x5000, s10  }
0xf8: {  	v17 =	vld.idx.msk [tilespmem:v17+s12+$0x0], $0xffff;
	_ =	sdelay $0x5  }
0xf9: {  	v18 =	vmul.f32 v17, v6;
	v19 =	vmul.f32 v17, v7  }
0xfa: {  	v20 =	vmul.f32 v17, v8;
	v21 =	vmul.f32 v17, v5  }
0xfb: {  	v22 =	vmul.f32 v17, v4;
	v23 =	vmul.f32 v17, v3;
	v18 =	vadd.f32 v18, v16  }
0xfc: {  	s22 =	sshra.s32 s23, $0x2;
	s23 =	smov.u32 s11;
	v24 =	vmul.f32 v17, v2;
	v25 =	vmul.f32 v17, v1;
	v19 =	vadd.f32 v19, v15  }
0xfd: {  	v17 =	vadd.f32 v20, v13;
	[tilespmem:v0+s22+$0x80 ss:$0x1] =	vst.idx.msk $0xffff, v18  }
0xfe: {  	v18 =	vadd.f32 v21, v11;
	[tilespmem:v0+s22+$0x90 ss:$0x1] =	vst.idx.msk $0xffff, v19  }
.Ltmp0:
0xff: {  	s9 =	sadd.s32 $0xD, s9;
	v19 =	vadd.f32 v22, v9;
	[tilespmem:v0+s22+$0xA0 ss:$0x1] =	vst.idx.msk $0xffff, v17;
	(pc) =	sbr.rel @p0 .LBB2_3-.Ltmp0, $4  }
0x100: {  	v17 =	vmov s9;
	[tilespmem:v0+s22+$0xB0 ss:$0x1] =	vst.idx.msk $0xffff, v18;
	v18 =	vadd.f32 v23, v10  }
0x101: {  	[tilespmem:v0+s22+$0xC0 ss:$0x1] =	vst.idx.msk $0xffff, v19;
	v19 =	vadd.f32 v24, v12  }
0x102: {  	[tilespmem:v0+s22+$0xD0 ss:$0x1] =	vst.idx.msk $0xffff, v18;
	v18 =	vadd.f32 v25, v14  }
0x103: {  	[tilespmem:v0+s22+$0xE0 ss:$0x1] =	vst.idx.msk $0xffff, v19  }
0x104: {  	_ =	sdelay $0x3  }
0x105: {  	[tilespmem:v0+s22+$0xF0 ss:$0x1] =	vst.idx.msk $0xffff, v18  }
0x106: {  	v17 =	vld.idx.msk [tilespmem:v17+s12+$0x0], $0xffff;
	_ =	sdelay $0x4  }
0x107: {  	v6 =	vmul.f32 v17, v6  }
0x108: {  	v7 =	vmul.f32 v17, v7  }
0x109: {  	v8 =	vmul.f32 v17, v8;
	v6 =	vadd.f32 v6, v16  }
0x10a: {  	s9 =	sshra.s32 s23, $0x2;
	v5 =	vmul.f32 v17, v5;
	v7 =	vadd.f32 v7, v15  }
0x10b: {  	v4 =	vmul.f32 v17, v4;
	[tilespmem:v0+s9+$0x80 ss:$0x1] =	vst.idx.msk $0xffff, v6;
	v6 =	vadd.f32 v8, v13  }
0x10c: {  	v3 =	vmul.f32 v17, v3;
	v5 =	vadd.f32 v5, v11;
	[tilespmem:v0+s9+$0x90 ss:$0x1] =	vst.idx.msk $0xffff, v7  }
0x10d: {  	v2 =	vmul.f32 v17, v2;
	v4 =	vadd.f32 v4, v9;
	[tilespmem:v0+s9+$0xA0 ss:$0x1] =	vst.idx.msk $0xffff, v6  }
0x10e: {  	v1 =	vmul.f32 v17, v1;
	v3 =	vadd.f32 v3, v10;
	[tilespmem:v0+s9+$0xB0 ss:$0x1] =	vst.idx.msk $0xffff, v5  }
0x10f: {  	v2 =	vadd.f32 v2, v12;
	[tilespmem:v0+s9+$0xC0 ss:$0x1] =	vst.idx.msk $0xffff, v4  }
0x110: {  	v1 =	vadd.f32 v1, v14;
	[tilespmem:v0+s9+$0xD0 ss:$0x1] =	vst.idx.msk $0xffff, v3  }
0x111: {  	[tilespmem:v0+s9+$0xE0 ss:$0x1] =	vst.idx.msk $0xffff, v2  }
0x112: {  	[tilespmem:v0+s9+$0xF0 ss:$0x1] =	vst.idx.msk $0xffff, v1  }
0x113: {  	v10 =	vld [tilespmem:$0x1EA80]  }
0x114: {  	v11 =	vld [tilespmem:$0x1EA90]  }
0x115: {  	v5 =	vmov s17;
	v12 =	vld [tilespmem:$0x1EAA0]  }
0x116: {  	v7 =	vld [tilespmem:$0x1EAB0]  }
0x117: {  	v4 =	vld [tilespmem:$0x1EAC0]  }
0x118: {  	v3 =	vld [tilespmem:$0x1EAD0]  }
0x119: {  	v2 =	vld [tilespmem:$0x1EAE0]  }
0x11a: {  	v17 =	vld.idx.msk [tilespmem:v5+s12+$0x0], $0xffff  }
0x11b: {  	v1 =	vld [tilespmem:$0x1EAF0]  }
0x11c: {  	v16 =	vld [tilespmem:$0x1F280]  }
0x11d: {  	v15 =	vld [tilespmem:$0x1F290]  }
0x11e: {  	v14 =	vld [tilespmem:$0x1F2A0]  }
0x11f: {  	v13 =	vld [tilespmem:$0x1F2B0];
	v9 =	vmul.f32 v17, v10  }
0x120: {  	v8 =	vld [tilespmem:$0x1F2C0];
	v18 =	vmul.f32 v17, v11  }
0x121: {  	v5 =	vld [tilespmem:$0x1F2D0];
	v19 =	vmul.f32 v17, v12;
	v20 =	vadd.f32 v9, v16  }
0x122: {  	s23 =	simm.s32 $0x0;
	v6 =	vld [tilespmem:$0x1F2E0];
	v21 =	vmul.f32 v17, v7;
	v18 =	vadd.f32 v18, v15  }
0x123: {  	v22 =	vmul.f32 v17, v4;
	v9 =	vld [tilespmem:$0x1F2F0];
	v19 =	vadd.f32 v19, v14;
	[tilespmem:v0+s23+$0x100 ss:$0x1] =	vst.idx.msk $0xffff, v20  }
0x124: {  	v20 =	vmul.f32 v17, v3;
	[tilespmem:v0+s23+$0x110 ss:$0x1] =	vst.idx.msk $0xffff, v18;
	v18 =	vadd.f32 v21, v13  }
0x125: {  	s9 =	sadd.s32 $0xD, s17;
	v63 =	vmul.f32 v17, v2;
	[tilespmem:v0+s23+$0x120 ss:$0x1] =	vst.idx.msk $0xffff, v19;
	v19 =	vadd.f32 v22, v8  }
0x126: {  	[tilespmem:v0+s23+$0x130 ss:$0x1] =	vst.idx.msk $0xffff, v18;
	v18 =	vadd.f32 v20, v5;
	v20 =	vmul.f32 v17, v1;
	v17 =	vmov s9  }
0x127: {  	[tilespmem:v0+s23+$0x140 ss:$0x1] =	vst.idx.msk $0xffff, v19;
	v19 =	vadd.f32 v63, v6  }
0x128: {  	[tilespmem:v0+s23+$0x150 ss:$0x1] =	vst.idx.msk $0xffff, v18;
	v18 =	vadd.f32 v20, v9  }
0x129: {  	s22 =	simm.s32 $0x5000;
	s10 =	simm.s32 $0xA000;
	[tilespmem:v0+s23+$0x160 ss:$0x1] =	vst.idx.msk $0xffff, v19  }
.LBB2_5:
0x12a: {  	p0 =	sne.s32 s10, $0xF000;
	[tilespmem:v0+s23+$0x170 ss:$0x1] =	vst.idx.msk $0xffff, v18;
	s11 =	smov.u32 s10;
	s10 =	sadd.s32 $0x5000, s10  }
0x12b: {  	v17 =	vld.idx.msk [tilespmem:v17+s12+$0x0], $0xffff;
	_ =	sdelay $0x5  }
0x12c: {  	v18 =	vmul.f32 v17, v10;
	v19 =	vmul.f32 v17, v11  }
0x12d: {  	v20 =	vmul.f32 v17, v12;
	v21 =	vmul.f32 v17, v7  }
0x12e: {  	v22 =	vmul.f32 v17, v4;
	v23 =	vmul.f32 v17, v3;
	v18 =	vadd.f32 v18, v16  }
0x12f: {  	s23 =	sshra.s32 s22, $0x2;
	s22 =	smov.u32 s11;
	v24 =	vmul.f32 v17, v2;
	v25 =	vmul.f32 v17, v1;
	v19 =	vadd.f32 v19, v15  }
0x130: {  	v17 =	vadd.f32 v20, v14;
	[tilespmem:v0+s23+$0x100 ss:$0x1] =	vst.idx.msk $0xffff, v18  }
0x131: {  	v18 =	vadd.f32 v21, v13;
	[tilespmem:v0+s23+$0x110 ss:$0x1] =	vst.idx.msk $0xffff, v19  }
.Ltmp1:
0x132: {  	s9 =	sadd.s32 $0xD, s9;
	v19 =	vadd.f32 v22, v8;
	[tilespmem:v0+s23+$0x120 ss:$0x1] =	vst.idx.msk $0xffff, v17;
	(pc) =	sbr.rel @p0 .LBB2_5-.Ltmp1, $4  }
0x133: {  	v17 =	vmov s9;
	[tilespmem:v0+s23+$0x130 ss:$0x1] =	vst.idx.msk $0xffff, v18;
	v18 =	vadd.f32 v23, v5  }
0x134: {  	[tilespmem:v0+s23+$0x140 ss:$0x1] =	vst.idx.msk $0xffff, v19;
	v19 =	vadd.f32 v24, v6  }
0x135: {  	[tilespmem:v0+s23+$0x150 ss:$0x1] =	vst.idx.msk $0xffff, v18;
	v18 =	vadd.f32 v25, v9  }
0x136: {  	[tilespmem:v0+s23+$0x160 ss:$0x1] =	vst.idx.msk $0xffff, v19  }
0x137: {  	_ =	sdelay $0x3  }
0x138: {  	[tilespmem:v0+s23+$0x170 ss:$0x1] =	vst.idx.msk $0xffff, v18  }
0x139: {  	v17 =	vld.idx.msk [tilespmem:v17+s12+$0x0], $0xffff;
	_ =	sdelay $0x4  }
0x13a: {  	v10 =	vmul.f32 v17, v10  }
0x13b: {  	v11 =	vmul.f32 v17, v11  }
0x13c: {  	v12 =	vmul.f32 v17, v12;
	v10 =	vadd.f32 v10, v16  }
0x13d: {  	s9 =	sshra.s32 s22, $0x2;
	v7 =	vmul.f32 v17, v7;
	v11 =	vadd.f32 v11, v15  }
0x13e: {  	v4 =	vmul.f32 v17, v4;
	[tilespmem:v0+s9+$0x100 ss:$0x1] =	vst.idx.msk $0xffff, v10;
	v10 =	vadd.f32 v12, v14  }
0x13f: {  	v3 =	vmul.f32 v17, v3;
	v7 =	vadd.f32 v7, v13;
	[tilespmem:v0+s9+$0x110 ss:$0x1] =	vst.idx.msk $0xffff, v11  }
0x140: {  	v2 =	vmul.f32 v17, v2;
	v4 =	vadd.f32 v4, v8;
	[tilespmem:v0+s9+$0x120 ss:$0x1] =	vst.idx.msk $0xffff, v10  }
0x141: {  	v1 =	vmul.f32 v17, v1;
	v3 =	vadd.f32 v3, v5;
	[tilespmem:v0+s9+$0x130 ss:$0x1] =	vst.idx.msk $0xffff, v7  }
0x142: {  	v2 =	vadd.f32 v2, v6;
	[tilespmem:v0+s9+$0x140 ss:$0x1] =	vst.idx.msk $0xffff, v4  }
0x143: {  	v1 =	vadd.f32 v1, v9;
	[tilespmem:v0+s9+$0x150 ss:$0x1] =	vst.idx.msk $0xffff, v3  }
0x144: {  	[tilespmem:v0+s9+$0x160 ss:$0x1] =	vst.idx.msk $0xffff, v2  }
0x145: {  	[tilespmem:v0+s9+$0x170 ss:$0x1] =	vst.idx.msk $0xffff, v1  }
0x146: {  	v10 =	vld [tilespmem:$0x1EB00]  }
0x147: {  	v11 =	vld [tilespmem:$0x1EB10]  }
0x148: {  	v5 =	vmov s15;
	v12 =	vld [tilespmem:$0x1EB20]  }
0x149: {  	v7 =	vld [tilespmem:$0x1EB30]  }
0x14a: {  	v4 =	vld [tilespmem:$0x1EB40]  }
0x14b: {  	v3 =	vld [tilespmem:$0x1EB50]  }
0x14c: {  	v2 =	vld [tilespmem:$0x1EB60]  }
0x14d: {  	v17 =	vld.idx.msk [tilespmem:v5+s12+$0x0], $0xffff  }
0x14e: {  	v1 =	vld [tilespmem:$0x1EB70]  }
0x14f: {  	v16 =	vld [tilespmem:$0x1F300]  }
0x150: {  	v15 =	vld [tilespmem:$0x1F310]  }
0x151: {  	v14 =	vld [tilespmem:$0x1F320]  }
0x152: {  	v13 =	vld [tilespmem:$0x1F330];
	v9 =	vmul.f32 v17, v10  }
0x153: {  	v8 =	vld [tilespmem:$0x1F340];
	v18 =	vmul.f32 v17, v11  }
0x154: {  	v5 =	vld [tilespmem:$0x1F350];
	v19 =	vmul.f32 v17, v12;
	v20 =	vadd.f32 v9, v16  }
0x155: {  	s23 =	simm.s32 $0x0;
	v6 =	vld [tilespmem:$0x1F360];
	v21 =	vmul.f32 v17, v7;
	v18 =	vadd.f32 v18, v15  }
0x156: {  	v22 =	vmul.f32 v17, v4;
	v9 =	vld [tilespmem:$0x1F370];
	v19 =	vadd.f32 v19, v14;
	[tilespmem:v0+s23+$0x180 ss:$0x1] =	vst.idx.msk $0xffff, v20  }
0x157: {  	v20 =	vmul.f32 v17, v3;
	[tilespmem:v0+s23+$0x190 ss:$0x1] =	vst.idx.msk $0xffff, v18;
	v18 =	vadd.f32 v21, v13  }
0x158: {  	s9 =	sadd.s32 $0xD, s15;
	v63 =	vmul.f32 v17, v2;
	[tilespmem:v0+s23+$0x1A0 ss:$0x1] =	vst.idx.msk $0xffff, v19;
	v19 =	vadd.f32 v22, v8  }
0x159: {  	[tilespmem:v0+s23+$0x1B0 ss:$0x1] =	vst.idx.msk $0xffff, v18;
	v18 =	vadd.f32 v20, v5;
	v20 =	vmul.f32 v17, v1;
	v17 =	vmov s9  }
0x15a: {  	[tilespmem:v0+s23+$0x1C0 ss:$0x1] =	vst.idx.msk $0xffff, v19;
	v19 =	vadd.f32 v63, v6  }
0x15b: {  	[tilespmem:v0+s23+$0x1D0 ss:$0x1] =	vst.idx.msk $0xffff, v18;
	v18 =	vadd.f32 v20, v9  }
0x15c: {  	s22 =	simm.s32 $0x5000;
	s10 =	simm.s32 $0xA000;
	[tilespmem:v0+s23+$0x1E0 ss:$0x1] =	vst.idx.msk $0xffff, v19  }
.LBB2_7:
0x15d: {  	p0 =	sne.s32 s10, $0xF000;
	[tilespmem:v0+s23+$0x1F0 ss:$0x1] =	vst.idx.msk $0xffff, v18;
	s11 =	smov.u32 s10;
	s10 =	sadd.s32 $0x5000, s10  }
0x15e: {  	v17 =	vld.idx.msk [tilespmem:v17+s12+$0x0], $0xffff;
	_ =	sdelay $0x5  }
0x15f: {  	v18 =	vmul.f32 v17, v10;
	v19 =	vmul.f32 v17, v11  }
0x160: {  	v20 =	vmul.f32 v17, v12;
	v21 =	vmul.f32 v17, v7  }
0x161: {  	v22 =	vmul.f32 v17, v4;
	v23 =	vmul.f32 v17, v3;
	v18 =	vadd.f32 v18, v16  }
0x162: {  	s23 =	sshra.s32 s22, $0x2;
	s22 =	smov.u32 s11;
	v24 =	vmul.f32 v17, v2;
	v25 =	vmul.f32 v17, v1;
	v19 =	vadd.f32 v19, v15  }
0x163: {  	v17 =	vadd.f32 v20, v14;
	[tilespmem:v0+s23+$0x180 ss:$0x1] =	vst.idx.msk $0xffff, v18  }
0x164: {  	v18 =	vadd.f32 v21, v13;
	[tilespmem:v0+s23+$0x190 ss:$0x1] =	vst.idx.msk $0xffff, v19  }
.Ltmp2:
0x165: {  	s9 =	sadd.s32 $0xD, s9;
	v19 =	vadd.f32 v22, v8;
	[tilespmem:v0+s23+$0x1A0 ss:$0x1] =	vst.idx.msk $0xffff, v17;
	(pc) =	sbr.rel @p0 .LBB2_7-.Ltmp2, $4  }
0x166: {  	v17 =	vmov s9;
	[tilespmem:v0+s23+$0x1B0 ss:$0x1] =	vst.idx.msk $0xffff, v18;
	v18 =	vadd.f32 v23, v5  }
0x167: {  	[tilespmem:v0+s23+$0x1C0 ss:$0x1] =	vst.idx.msk $0xffff, v19;
	v19 =	vadd.f32 v24, v6  }
0x168: {  	[tilespmem:v0+s23+$0x1D0 ss:$0x1] =	vst.idx.msk $0xffff, v18;
	v18 =	vadd.f32 v25, v9  }
0x169: {  	[tilespmem:v0+s23+$0x1E0 ss:$0x1] =	vst.idx.msk $0xffff, v19  }
0x16a: {  	_ =	sdelay $0x3  }
0x16b: {  	[tilespmem:v0+s23+$0x1F0 ss:$0x1] =	vst.idx.msk $0xffff, v18  }
0x16c: {  	v17 =	vld.idx.msk [tilespmem:v17+s12+$0x0], $0xffff;
	_ =	sdelay $0x4  }
0x16d: {  	v10 =	vmul.f32 v17, v10  }
0x16e: {  	v11 =	vmul.f32 v17, v11  }
0x16f: {  	v12 =	vmul.f32 v17, v12;
	v10 =	vadd.f32 v10, v16  }
0x170: {  	s9 =	sshra.s32 s22, $0x2;
	v7 =	vmul.f32 v17, v7;
	v11 =	vadd.f32 v11, v15  }
0x171: {  	v4 =	vmul.f32 v17, v4;
	[tilespmem:v0+s9+$0x180 ss:$0x1] =	vst.idx.msk $0xffff, v10;
	v10 =	vadd.f32 v12, v14  }
0x172: {  	v3 =	vmul.f32 v17, v3;
	v7 =	vadd.f32 v7, v13;
	[tilespmem:v0+s9+$0x190 ss:$0x1] =	vst.idx.msk $0xffff, v11  }
0x173: {  	v2 =	vmul.f32 v17, v2;
	v4 =	vadd.f32 v4, v8;
	[tilespmem:v0+s9+$0x1A0 ss:$0x1] =	vst.idx.msk $0xffff, v10  }
0x174: {  	v1 =	vmul.f32 v17, v1;
	v3 =	vadd.f32 v3, v5;
	[tilespmem:v0+s9+$0x1B0 ss:$0x1] =	vst.idx.msk $0xffff, v7  }
0x175: {  	v2 =	vadd.f32 v2, v6;
	[tilespmem:v0+s9+$0x1C0 ss:$0x1] =	vst.idx.msk $0xffff, v4  }
0x176: {  	v1 =	vadd.f32 v1, v9;
	[tilespmem:v0+s9+$0x1D0 ss:$0x1] =	vst.idx.msk $0xffff, v3  }
0x177: {  	[tilespmem:v0+s9+$0x1E0 ss:$0x1] =	vst.idx.msk $0xffff, v2  }
0x178: {  	[tilespmem:v0+s9+$0x1F0 ss:$0x1] =	vst.idx.msk $0xffff, v1  }
0x179: {  	v10 =	vld [tilespmem:$0x1EB80]  }
0x17a: {  	v11 =	vld [tilespmem:$0x1EB90]  }
0x17b: {  	v5 =	vmov s28;
	v12 =	vld [tilespmem:$0x1EBA0]  }
0x17c: {  	v7 =	vld [tilespmem:$0x1EBB0]  }
0x17d: {  	v4 =	vld [tilespmem:$0x1EBC0]  }
0x17e: {  	v3 =	vld [tilespmem:$0x1EBD0]  }
0x17f: {  	v2 =	vld [tilespmem:$0x1EBE0]  }
0x180: {  	v17 =	vld.idx.msk [tilespmem:v5+s12+$0x0], $0xffff  }
0x181: {  	v1 =	vld [tilespmem:$0x1EBF0]  }
0x182: {  	v16 =	vld [tilespmem:$0x1F380]  }
0x183: {  	v15 =	vld [tilespmem:$0x1F390]  }
0x184: {  	v14 =	vld [tilespmem:$0x1F3A0]  }
0x185: {  	v13 =	vld [tilespmem:$0x1F3B0];
	v9 =	vmul.f32 v17, v10  }
0x186: {  	v8 =	vld [tilespmem:$0x1F3C0];
	v18 =	vmul.f32 v17, v11  }
0x187: {  	v5 =	vld [tilespmem:$0x1F3D0];
	v19 =	vmul.f32 v17, v12;
	v20 =	vadd.f32 v9, v16  }
0x188: {  	s23 =	simm.s32 $0x0;
	v6 =	vld [tilespmem:$0x1F3E0];
	v21 =	vmul.f32 v17, v7;
	v18 =	vadd.f32 v18, v15  }
0x189: {  	v22 =	vmul.f32 v17, v4;
	v9 =	vld [tilespmem:$0x1F3F0];
	v19 =	vadd.f32 v19, v14;
	[tilespmem:v0+s23+$0x200 ss:$0x1] =	vst.idx.msk $0xffff, v20  }
0x18a: {  	v20 =	vmul.f32 v17, v3;
	[tilespmem:v0+s23+$0x210 ss:$0x1] =	vst.idx.msk $0xffff, v18;
	v18 =	vadd.f32 v21, v13  }
0x18b: {  	s9 =	sadd.s32 $0xD, s28;
	v63 =	vmul.f32 v17, v2;
	[tilespmem:v0+s23+$0x220 ss:$0x1] =	vst.idx.msk $0xffff, v19;
	v19 =	vadd.f32 v22, v8  }
0x18c: {  	[tilespmem:v0+s23+$0x230 ss:$0x1] =	vst.idx.msk $0xffff, v18;
	v18 =	vadd.f32 v20, v5;
	v20 =	vmul.f32 v17, v1;
	v17 =	vmov s9  }
0x18d: {  	[tilespmem:v0+s23+$0x240 ss:$0x1] =	vst.idx.msk $0xffff, v19;
	v19 =	vadd.f32 v63, v6  }
0x18e: {  	[tilespmem:v0+s23+$0x250 ss:$0x1] =	vst.idx.msk $0xffff, v18;
	v18 =	vadd.f32 v20, v9  }
0x18f: {  	s22 =	simm.s32 $0x5000;
	s10 =	simm.s32 $0xA000;
	[tilespmem:v0+s23+$0x260 ss:$0x1] =	vst.idx.msk $0xffff, v19  }
.LBB2_9:
0x190: {  	p0 =	sne.s32 s10, $0xF000;
	[tilespmem:v0+s23+$0x270 ss:$0x1] =	vst.idx.msk $0xffff, v18;
	s11 =	smov.u32 s10;
	s10 =	sadd.s32 $0x5000, s10  }
0x191: {  	v17 =	vld.idx.msk [tilespmem:v17+s12+$0x0], $0xffff;
	_ =	sdelay $0x5  }
0x192: {  	v18 =	vmul.f32 v17, v10;
	v19 =	vmul.f32 v17, v11  }
0x193: {  	v20 =	vmul.f32 v17, v12;
	v21 =	vmul.f32 v17, v7  }
0x194: {  	v22 =	vmul.f32 v17, v4;
	v23 =	vmul.f32 v17, v3;
	v18 =	vadd.f32 v18, v16  }
0x195: {  	s23 =	sshra.s32 s22, $0x2;
	s22 =	smov.u32 s11;
	v24 =	vmul.f32 v17, v2;
	v25 =	vmul.f32 v17, v1;
	v19 =	vadd.f32 v19, v15  }
0x196: {  	v17 =	vadd.f32 v20, v14;
	[tilespmem:v0+s23+$0x200 ss:$0x1] =	vst.idx.msk $0xffff, v18  }
0x197: {  	v18 =	vadd.f32 v21, v13;
	[tilespmem:v0+s23+$0x210 ss:$0x1] =	vst.idx.msk $0xffff, v19  }
.Ltmp3:
0x198: {  	s9 =	sadd.s32 $0xD, s9;
	v19 =	vadd.f32 v22, v8;
	[tilespmem:v0+s23+$0x220 ss:$0x1] =	vst.idx.msk $0xffff, v17;
	(pc) =	sbr.rel @p0 .LBB2_9-.Ltmp3, $4  }
0x199: {  	v17 =	vmov s9;
	[tilespmem:v0+s23+$0x230 ss:$0x1] =	vst.idx.msk $0xffff, v18;
	v18 =	vadd.f32 v23, v5  }
0x19a: {  	[tilespmem:v0+s23+$0x240 ss:$0x1] =	vst.idx.msk $0xffff, v19;
	v19 =	vadd.f32 v24, v6  }
0x19b: {  	[tilespmem:v0+s23+$0x250 ss:$0x1] =	vst.idx.msk $0xffff, v18;
	v18 =	vadd.f32 v25, v9  }
0x19c: {  	[tilespmem:v0+s23+$0x260 ss:$0x1] =	vst.idx.msk $0xffff, v19  }
0x19d: {  	_ =	sdelay $0x3  }
0x19e: {  	[tilespmem:v0+s23+$0x270 ss:$0x1] =	vst.idx.msk $0xffff, v18  }
0x19f: {  	v17 =	vld.idx.msk [tilespmem:v17+s12+$0x0], $0xffff;
	_ =	sdelay $0x4  }
0x1a0: {  	v10 =	vmul.f32 v17, v10  }
0x1a1: {  	v11 =	vmul.f32 v17, v11  }
0x1a2: {  	v12 =	vmul.f32 v17, v12;
	v10 =	vadd.f32 v10, v16  }
0x1a3: {  	s9 =	sshra.s32 s22, $0x2;
	v7 =	vmul.f32 v17, v7;
	v11 =	vadd.f32 v11, v15  }
0x1a4: {  	v4 =	vmul.f32 v17, v4;
	[tilespmem:v0+s9+$0x200 ss:$0x1] =	vst.idx.msk $0xffff, v10;
	v10 =	vadd.f32 v12, v14  }
0x1a5: {  	v3 =	vmul.f32 v17, v3;
	v7 =	vadd.f32 v7, v13;
	[tilespmem:v0+s9+$0x210 ss:$0x1] =	vst.idx.msk $0xffff, v11  }
0x1a6: {  	v2 =	vmul.f32 v17, v2;
	v4 =	vadd.f32 v4, v8;
	[tilespmem:v0+s9+$0x220 ss:$0x1] =	vst.idx.msk $0xffff, v10  }
0x1a7: {  	v1 =	vmul.f32 v17, v1;
	v3 =	vadd.f32 v3, v5;
	[tilespmem:v0+s9+$0x230 ss:$0x1] =	vst.idx.msk $0xffff, v7  }
0x1a8: {  	v2 =	vadd.f32 v2, v6;
	[tilespmem:v0+s9+$0x240 ss:$0x1] =	vst.idx.msk $0xffff, v4  }
0x1a9: {  	v1 =	vadd.f32 v1, v9;
	[tilespmem:v0+s9+$0x250 ss:$0x1] =	vst.idx.msk $0xffff, v3  }
0x1aa: {  	[tilespmem:v0+s9+$0x260 ss:$0x1] =	vst.idx.msk $0xffff, v2  }
0x1ab: {  	[tilespmem:v0+s9+$0x270 ss:$0x1] =	vst.idx.msk $0xffff, v1  }
0x1ac: {  	v10 =	vld [tilespmem:$0x1EC00]  }
0x1ad: {  	v11 =	vld [tilespmem:$0x1EC10]  }
0x1ae: {  	v5 =	vmov s30;
	v12 =	vld [tilespmem:$0x1EC20]  }
0x1af: {  	v7 =	vld [tilespmem:$0x1EC30]  }
0x1b0: {  	v4 =	vld [tilespmem:$0x1EC40]  }
0x1b1: {  	v3 =	vld [tilespmem:$0x1EC50]  }
0x1b2: {  	v2 =	vld [tilespmem:$0x1EC60]  }
0x1b3: {  	v17 =	vld.idx.msk [tilespmem:v5+s12+$0x0], $0xffff  }
0x1b4: {  	v1 =	vld [tilespmem:$0x1EC70]  }
0x1b5: {  	v16 =	vld [tilespmem:$0x1F400]  }
0x1b6: {  	v15 =	vld [tilespmem:$0x1F410]  }
0x1b7: {  	v14 =	vld [tilespmem:$0x1F420]  }
0x1b8: {  	v13 =	vld [tilespmem:$0x1F430];
	v9 =	vmul.f32 v17, v10  }
0x1b9: {  	v8 =	vld [tilespmem:$0x1F440];
	v18 =	vmul.f32 v17, v11  }
0x1ba: {  	v5 =	vld [tilespmem:$0x1F450];
	v19 =	vmul.f32 v17, v12;
	v20 =	vadd.f32 v9, v16  }
0x1bb: {  	s23 =	simm.s32 $0x0;
	v6 =	vld [tilespmem:$0x1F460];
	v21 =	vmul.f32 v17, v7;
	v18 =	vadd.f32 v18, v15  }
0x1bc: {  	v22 =	vmul.f32 v17, v4;
	v9 =	vld [tilespmem:$0x1F470];
	v19 =	vadd.f32 v19, v14;
	[tilespmem:v0+s23+$0x280 ss:$0x1] =	vst.idx.msk $0xffff, v20  }
0x1bd: {  	v20 =	vmul.f32 v17, v3;
	[tilespmem:v0+s23+$0x290 ss:$0x1] =	vst.idx.msk $0xffff, v18;
	v18 =	vadd.f32 v21, v13  }
0x1be: {  	s9 =	sadd.s32 $0xD, s30;
	v63 =	vmul.f32 v17, v2;
	[tilespmem:v0+s23+$0x2A0 ss:$0x1] =	vst.idx.msk $0xffff, v19;
	v19 =	vadd.f32 v22, v8  }
0x1bf: {  	[tilespmem:v0+s23+$0x2B0 ss:$0x1] =	vst.idx.msk $0xffff, v18;
	v18 =	vadd.f32 v20, v5;
	v20 =	vmul.f32 v17, v1;
	v17 =	vmov s9  }
0x1c0: {  	[tilespmem:v0+s23+$0x2C0 ss:$0x1] =	vst.idx.msk $0xffff, v19;
	v19 =	vadd.f32 v63, v6  }
0x1c1: {  	[tilespmem:v0+s23+$0x2D0 ss:$0x1] =	vst.idx.msk $0xffff, v18;
	v18 =	vadd.f32 v20, v9  }
0x1c2: {  	s22 =	simm.s32 $0x5000;
	s10 =	simm.s32 $0xA000;
	[tilespmem:v0+s23+$0x2E0 ss:$0x1] =	vst.idx.msk $0xffff, v19  }
.LBB2_11:
0x1c3: {  	p0 =	sne.s32 s10, $0xF000;
	[tilespmem:v0+s23+$0x2F0 ss:$0x1] =	vst.idx.msk $0xffff, v18;
	s11 =	smov.u32 s10;
	s10 =	sadd.s32 $0x5000, s10  }
0x1c4: {  	v17 =	vld.idx.msk [tilespmem:v17+s12+$0x0], $0xffff;
	_ =	sdelay $0x5  }
0x1c5: {  	v18 =	vmul.f32 v17, v10;
	v19 =	vmul.f32 v17, v11  }
0x1c6: {  	v20 =	vmul.f32 v17, v12;
	v21 =	vmul.f32 v17, v7  }
0x1c7: {  	v22 =	vmul.f32 v17, v4;
	v23 =	vmul.f32 v17, v3;
	v18 =	vadd.f32 v18, v16  }
0x1c8: {  	s23 =	sshra.s32 s22, $0x2;
	s22 =	smov.u32 s11;
	v24 =	vmul.f32 v17, v2;
	v25 =	vmul.f32 v17, v1;
	v19 =	vadd.f32 v19, v15  }
0x1c9: {  	v17 =	vadd.f32 v20, v14;
	[tilespmem:v0+s23+$0x280 ss:$0x1] =	vst.idx.msk $0xffff, v18  }
0x1ca: {  	v18 =	vadd.f32 v21, v13;
	[tilespmem:v0+s23+$0x290 ss:$0x1] =	vst.idx.msk $0xffff, v19  }
.Ltmp4:
0x1cb: {  	s9 =	sadd.s32 $0xD, s9;
	v19 =	vadd.f32 v22, v8;
	[tilespmem:v0+s23+$0x2A0 ss:$0x1] =	vst.idx.msk $0xffff, v17;
	(pc) =	sbr.rel @p0 .LBB2_11-.Ltmp4, $4  }
0x1cc: {  	v17 =	vmov s9;
	[tilespmem:v0+s23+$0x2B0 ss:$0x1] =	vst.idx.msk $0xffff, v18;
	v18 =	vadd.f32 v23, v5  }
0x1cd: {  	[tilespmem:v0+s23+$0x2C0 ss:$0x1] =	vst.idx.msk $0xffff, v19;
	v19 =	vadd.f32 v24, v6  }
0x1ce: {  	[tilespmem:v0+s23+$0x2D0 ss:$0x1] =	vst.idx.msk $0xffff, v18;
	v18 =	vadd.f32 v25, v9  }
0x1cf: {  	[tilespmem:v0+s23+$0x2E0 ss:$0x1] =	vst.idx.msk $0xffff, v19  }
0x1d0: {  	_ =	sdelay $0x3  }
0x1d1: {  	[tilespmem:v0+s23+$0x2F0 ss:$0x1] =	vst.idx.msk $0xffff, v18  }
0x1d2: {  	v17 =	vld.idx.msk [tilespmem:v17+s12+$0x0], $0xffff;
	_ =	sdelay $0x4  }
0x1d3: {  	v10 =	vmul.f32 v17, v10  }
0x1d4: {  	v11 =	vmul.f32 v17, v11  }
0x1d5: {  	v12 =	vmul.f32 v17, v12;
	v10 =	vadd.f32 v10, v16  }
0x1d6: {  	s9 =	sshra.s32 s22, $0x2;
	v7 =	vmul.f32 v17, v7;
	v11 =	vadd.f32 v11, v15  }
0x1d7: {  	v4 =	vmul.f32 v17, v4;
	[tilespmem:v0+s9+$0x280 ss:$0x1] =	vst.idx.msk $0xffff, v10;
	v10 =	vadd.f32 v12, v14  }
0x1d8: {  	v3 =	vmul.f32 v17, v3;
	v7 =	vadd.f32 v7, v13;
	[tilespmem:v0+s9+$0x290 ss:$0x1] =	vst.idx.msk $0xffff, v11  }
0x1d9: {  	v2 =	vmul.f32 v17, v2;
	v4 =	vadd.f32 v4, v8;
	[tilespmem:v0+s9+$0x2A0 ss:$0x1] =	vst.idx.msk $0xffff, v10  }
0x1da: {  	v1 =	vmul.f32 v17, v1;
	v3 =	vadd.f32 v3, v5;
	[tilespmem:v0+s9+$0x2B0 ss:$0x1] =	vst.idx.msk $0xffff, v7  }
0x1db: {  	v2 =	vadd.f32 v2, v6;
	[tilespmem:v0+s9+$0x2C0 ss:$0x1] =	vst.idx.msk $0xffff, v4  }
0x1dc: {  	v1 =	vadd.f32 v1, v9;
	[tilespmem:v0+s9+$0x2D0 ss:$0x1] =	vst.idx.msk $0xffff, v3  }
0x1dd: {  	[tilespmem:v0+s9+$0x2E0 ss:$0x1] =	vst.idx.msk $0xffff, v2  }
0x1de: {  	[tilespmem:v0+s9+$0x2F0 ss:$0x1] =	vst.idx.msk $0xffff, v1  }
0x1df: {  	v10 =	vld [tilespmem:$0x1EC80]  }
0x1e0: {  	v11 =	vld [tilespmem:$0x1EC90]  }
0x1e1: {  	v5 =	vmov s31;
	v12 =	vld [tilespmem:$0x1ECA0]  }
0x1e2: {  	v7 =	vld [tilespmem:$0x1ECB0]  }
0x1e3: {  	v4 =	vld [tilespmem:$0x1ECC0]  }
0x1e4: {  	v3 =	vld [tilespmem:$0x1ECD0]  }
0x1e5: {  	v2 =	vld [tilespmem:$0x1ECE0]  }
0x1e6: {  	v17 =	vld.idx.msk [tilespmem:v5+s12+$0x0], $0xffff  }
0x1e7: {  	v1 =	vld [tilespmem:$0x1ECF0]  }
0x1e8: {  	v16 =	vld [tilespmem:$0x1F480]  }
0x1e9: {  	v15 =	vld [tilespmem:$0x1F490]  }
0x1ea: {  	v14 =	vld [tilespmem:$0x1F4A0]  }
0x1eb: {  	v13 =	vld [tilespmem:$0x1F4B0];
	v9 =	vmul.f32 v17, v10  }
0x1ec: {  	v8 =	vld [tilespmem:$0x1F4C0];
	v18 =	vmul.f32 v17, v11  }
0x1ed: {  	v5 =	vld [tilespmem:$0x1F4D0];
	v19 =	vmul.f32 v17, v12;
	v20 =	vadd.f32 v9, v16  }
0x1ee: {  	s23 =	simm.s32 $0x0;
	v6 =	vld [tilespmem:$0x1F4E0];
	v21 =	vmul.f32 v17, v7;
	v18 =	vadd.f32 v18, v15  }
0x1ef: {  	v22 =	vmul.f32 v17, v4;
	v9 =	vld [tilespmem:$0x1F4F0];
	v19 =	vadd.f32 v19, v14;
	[tilespmem:v0+s23+$0x300 ss:$0x1] =	vst.idx.msk $0xffff, v20  }
0x1f0: {  	v20 =	vmul.f32 v17, v3;
	[tilespmem:v0+s23+$0x310 ss:$0x1] =	vst.idx.msk $0xffff, v18;
	v18 =	vadd.f32 v21, v13  }
0x1f1: {  	s9 =	sadd.s32 $0xD, s31;
	v63 =	vmul.f32 v17, v2;
	[tilespmem:v0+s23+$0x320 ss:$0x1] =	vst.idx.msk $0xffff, v19;
	v19 =	vadd.f32 v22, v8  }
0x1f2: {  	[tilespmem:v0+s23+$0x330 ss:$0x1] =	vst.idx.msk $0xffff, v18;
	v18 =	vadd.f32 v20, v5;
	v20 =	vmul.f32 v17, v1;
	v17 =	vmov s9  }
0x1f3: {  	[tilespmem:v0+s23+$0x340 ss:$0x1] =	vst.idx.msk $0xffff, v19;
	v19 =	vadd.f32 v63, v6  }
0x1f4: {  	[tilespmem:v0+s23+$0x350 ss:$0x1] =	vst.idx.msk $0xffff, v18;
	v18 =	vadd.f32 v20, v9  }
0x1f5: {  	s22 =	simm.s32 $0x5000;
	s10 =	simm.s32 $0xA000;
	[tilespmem:v0+s23+$0x360 ss:$0x1] =	vst.idx.msk $0xffff, v19  }
.LBB2_13:
0x1f6: {  	p0 =	sne.s32 s10, $0xF000;
	[tilespmem:v0+s23+$0x370 ss:$0x1] =	vst.idx.msk $0xffff, v18;
	s11 =	smov.u32 s10;
	s10 =	sadd.s32 $0x5000, s10  }
0x1f7: {  	v17 =	vld.idx.msk [tilespmem:v17+s12+$0x0], $0xffff;
	_ =	sdelay $0x5  }
0x1f8: {  	v18 =	vmul.f32 v17, v10;
	v19 =	vmul.f32 v17, v11  }
0x1f9: {  	v20 =	vmul.f32 v17, v12;
	v21 =	vmul.f32 v17, v7  }
0x1fa: {  	v22 =	vmul.f32 v17, v4;
	v23 =	vmul.f32 v17, v3;
	v18 =	vadd.f32 v18, v16  }
0x1fb: {  	s23 =	sshra.s32 s22, $0x2;
	s22 =	smov.u32 s11;
	v24 =	vmul.f32 v17, v2;
	v25 =	vmul.f32 v17, v1;
	v19 =	vadd.f32 v19, v15  }
0x1fc: {  	v17 =	vadd.f32 v20, v14;
	[tilespmem:v0+s23+$0x300 ss:$0x1] =	vst.idx.msk $0xffff, v18  }
0x1fd: {  	v18 =	vadd.f32 v21, v13;
	[tilespmem:v0+s23+$0x310 ss:$0x1] =	vst.idx.msk $0xffff, v19  }
.Ltmp5:
0x1fe: {  	s9 =	sadd.s32 $0xD, s9;
	v19 =	vadd.f32 v22, v8;
	[tilespmem:v0+s23+$0x320 ss:$0x1] =	vst.idx.msk $0xffff, v17;
	(pc) =	sbr.rel @p0 .LBB2_13-.Ltmp5, $4  }
0x1ff: {  	v17 =	vmov s9;
	[tilespmem:v0+s23+$0x330 ss:$0x1] =	vst.idx.msk $0xffff, v18;
	v18 =	vadd.f32 v23, v5  }
0x200: {  	[tilespmem:v0+s23+$0x340 ss:$0x1] =	vst.idx.msk $0xffff, v19;
	v19 =	vadd.f32 v24, v6  }
0x201: {  	[tilespmem:v0+s23+$0x350 ss:$0x1] =	vst.idx.msk $0xffff, v18;
	v18 =	vadd.f32 v25, v9  }
0x202: {  	[tilespmem:v0+s23+$0x360 ss:$0x1] =	vst.idx.msk $0xffff, v19  }
0x203: {  	_ =	sdelay $0x3  }
0x204: {  	[tilespmem:v0+s23+$0x370 ss:$0x1] =	vst.idx.msk $0xffff, v18  }
0x205: {  	v17 =	vld.idx.msk [tilespmem:v17+s12+$0x0], $0xffff;
	_ =	sdelay $0x4  }
0x206: {  	v10 =	vmul.f32 v17, v10  }
0x207: {  	v11 =	vmul.f32 v17, v11  }
0x208: {  	v12 =	vmul.f32 v17, v12;
	v10 =	vadd.f32 v10, v16  }
0x209: {  	s9 =	sshra.s32 s22, $0x2;
	v7 =	vmul.f32 v17, v7;
	v11 =	vadd.f32 v11, v15  }
0x20a: {  	v4 =	vmul.f32 v17, v4;
	[tilespmem:v0+s9+$0x300 ss:$0x1] =	vst.idx.msk $0xffff, v10;
	v10 =	vadd.f32 v12, v14  }
0x20b: {  	v3 =	vmul.f32 v17, v3;
	v7 =	vadd.f32 v7, v13;
	[tilespmem:v0+s9+$0x310 ss:$0x1] =	vst.idx.msk $0xffff, v11  }
0x20c: {  	v2 =	vmul.f32 v17, v2;
	v4 =	vadd.f32 v4, v8;
	[tilespmem:v0+s9+$0x320 ss:$0x1] =	vst.idx.msk $0xffff, v10  }
0x20d: {  	v1 =	vmul.f32 v17, v1;
	v3 =	vadd.f32 v3, v5;
	[tilespmem:v0+s9+$0x330 ss:$0x1] =	vst.idx.msk $0xffff, v7  }
0x20e: {  	v2 =	vadd.f32 v2, v6;
	[tilespmem:v0+s9+$0x340 ss:$0x1] =	vst.idx.msk $0xffff, v4  }
0x20f: {  	v1 =	vadd.f32 v1, v9;
	[tilespmem:v0+s9+$0x350 ss:$0x1] =	vst.idx.msk $0xffff, v3  }
0x210: {  	[tilespmem:v0+s9+$0x360 ss:$0x1] =	vst.idx.msk $0xffff, v2  }
0x211: {  	[tilespmem:v0+s9+$0x370 ss:$0x1] =	vst.idx.msk $0xffff, v1  }
0x212: {  	v10 =	vld [tilespmem:$0x1ED00]  }
0x213: {  	v11 =	vld [tilespmem:$0x1ED10]  }
0x214: {  	v5 =	vmov s3;
	v12 =	vld [tilespmem:$0x1ED20]  }
0x215: {  	v7 =	vld [tilespmem:$0x1ED30]  }
0x216: {  	v4 =	vld [tilespmem:$0x1ED40]  }
0x217: {  	v3 =	vld [tilespmem:$0x1ED50]  }
0x218: {  	v2 =	vld [tilespmem:$0x1ED60]  }
0x219: {  	v17 =	vld.idx.msk [tilespmem:v5+s12+$0x0], $0xffff  }
0x21a: {  	v1 =	vld [tilespmem:$0x1ED70]  }
0x21b: {  	v16 =	vld [tilespmem:$0x1F500]  }
0x21c: {  	v15 =	vld [tilespmem:$0x1F510]  }
0x21d: {  	v14 =	vld [tilespmem:$0x1F520]  }
0x21e: {  	v13 =	vld [tilespmem:$0x1F530];
	v9 =	vmul.f32 v17, v10  }
0x21f: {  	v8 =	vld [tilespmem:$0x1F540];
	v18 =	vmul.f32 v17, v11  }
0x220: {  	v5 =	vld [tilespmem:$0x1F550];
	v19 =	vmul.f32 v17, v12;
	v20 =	vadd.f32 v9, v16  }
0x221: {  	s23 =	simm.s32 $0x0;
	v6 =	vld [tilespmem:$0x1F560];
	v21 =	vmul.f32 v17, v7;
	v18 =	vadd.f32 v18, v15  }
0x222: {  	v22 =	vmul.f32 v17, v4;
	v9 =	vld [tilespmem:$0x1F570];
	v19 =	vadd.f32 v19, v14;
	[tilespmem:v0+s23+$0x380 ss:$0x1] =	vst.idx.msk $0xffff, v20  }
0x223: {  	v20 =	vmul.f32 v17, v3;
	[tilespmem:v0+s23+$0x390 ss:$0x1] =	vst.idx.msk $0xffff, v18;
	v18 =	vadd.f32 v21, v13  }
0x224: {  	s9 =	sadd.s32 $0xD, s3;
	v63 =	vmul.f32 v17, v2;
	[tilespmem:v0+s23+$0x3A0 ss:$0x1] =	vst.idx.msk $0xffff, v19;
	v19 =	vadd.f32 v22, v8  }
0x225: {  	[tilespmem:v0+s23+$0x3B0 ss:$0x1] =	vst.idx.msk $0xffff, v18;
	v18 =	vadd.f32 v20, v5;
	v20 =	vmul.f32 v17, v1;
	v17 =	vmov s9  }
0x226: {  	[tilespmem:v0+s23+$0x3C0 ss:$0x1] =	vst.idx.msk $0xffff, v19;
	v19 =	vadd.f32 v63, v6  }
0x227: {  	[tilespmem:v0+s23+$0x3D0 ss:$0x1] =	vst.idx.msk $0xffff, v18;
	v18 =	vadd.f32 v20, v9  }
0x228: {  	s22 =	simm.s32 $0x5000;
	s10 =	simm.s32 $0xA000;
	[tilespmem:v0+s23+$0x3E0 ss:$0x1] =	vst.idx.msk $0xffff, v19  }
.LBB2_15:
0x229: {  	p0 =	sne.s32 s10, $0xF000;
	[tilespmem:v0+s23+$0x3F0 ss:$0x1] =	vst.idx.msk $0xffff, v18;
	s11 =	smov.u32 s10;
	s10 =	sadd.s32 $0x5000, s10  }
0x22a: {  	v17 =	vld.idx.msk [tilespmem:v17+s12+$0x0], $0xffff;
	_ =	sdelay $0x5  }
0x22b: {  	v18 =	vmul.f32 v17, v10;
	v19 =	vmul.f32 v17, v11  }
0x22c: {  	v20 =	vmul.f32 v17, v12;
	v21 =	vmul.f32 v17, v7  }
0x22d: {  	v22 =	vmul.f32 v17, v4;
	v23 =	vmul.f32 v17, v3;
	v18 =	vadd.f32 v18, v16  }
0x22e: {  	s23 =	sshra.s32 s22, $0x2;
	s22 =	smov.u32 s11;
	v24 =	vmul.f32 v17, v2;
	v25 =	vmul.f32 v17, v1;
	v19 =	vadd.f32 v19, v15  }
0x22f: {  	v17 =	vadd.f32 v20, v14;
	[tilespmem:v0+s23+$0x380 ss:$0x1] =	vst.idx.msk $0xffff, v18  }
0x230: {  	v18 =	vadd.f32 v21, v13;
	[tilespmem:v0+s23+$0x390 ss:$0x1] =	vst.idx.msk $0xffff, v19  }
.Ltmp6:
0x231: {  	s9 =	sadd.s32 $0xD, s9;
	v19 =	vadd.f32 v22, v8;
	[tilespmem:v0+s23+$0x3A0 ss:$0x1] =	vst.idx.msk $0xffff, v17;
	(pc) =	sbr.rel @p0 .LBB2_15-.Ltmp6, $4  }
0x232: {  	v17 =	vmov s9;
	[tilespmem:v0+s23+$0x3B0 ss:$0x1] =	vst.idx.msk $0xffff, v18;
	v18 =	vadd.f32 v23, v5  }
0x233: {  	[tilespmem:v0+s23+$0x3C0 ss:$0x1] =	vst.idx.msk $0xffff, v19;
	v19 =	vadd.f32 v24, v6  }
0x234: {  	[tilespmem:v0+s23+$0x3D0 ss:$0x1] =	vst.idx.msk $0xffff, v18;
	v18 =	vadd.f32 v25, v9  }
0x235: {  	[tilespmem:v0+s23+$0x3E0 ss:$0x1] =	vst.idx.msk $0xffff, v19  }
0x236: {  	_ =	sdelay $0x3  }
0x237: {  	[tilespmem:v0+s23+$0x3F0 ss:$0x1] =	vst.idx.msk $0xffff, v18  }
0x238: {  	v17 =	vld.idx.msk [tilespmem:v17+s12+$0x0], $0xffff;
	_ =	sdelay $0x4  }
0x239: {  	v10 =	vmul.f32 v17, v10  }
0x23a: {  	v11 =	vmul.f32 v17, v11  }
0x23b: {  	v12 =	vmul.f32 v17, v12;
	v10 =	vadd.f32 v10, v16  }
0x23c: {  	s9 =	sshra.s32 s22, $0x2;
	v7 =	vmul.f32 v17, v7;
	v11 =	vadd.f32 v11, v15  }
0x23d: {  	v4 =	vmul.f32 v17, v4;
	[tilespmem:v0+s9+$0x380 ss:$0x1] =	vst.idx.msk $0xffff, v10;
	v10 =	vadd.f32 v12, v14  }
0x23e: {  	v3 =	vmul.f32 v17, v3;
	v7 =	vadd.f32 v7, v13;
	[tilespmem:v0+s9+$0x390 ss:$0x1] =	vst.idx.msk $0xffff, v11  }
0x23f: {  	v2 =	vmul.f32 v17, v2;
	v4 =	vadd.f32 v4, v8;
	[tilespmem:v0+s9+$0x3A0 ss:$0x1] =	vst.idx.msk $0xffff, v10  }
0x240: {  	v1 =	vmul.f32 v17, v1;
	v3 =	vadd.f32 v3, v5;
	[tilespmem:v0+s9+$0x3B0 ss:$0x1] =	vst.idx.msk $0xffff, v7  }
0x241: {  	v2 =	vadd.f32 v2, v6;
	[tilespmem:v0+s9+$0x3C0 ss:$0x1] =	vst.idx.msk $0xffff, v4  }
0x242: {  	v1 =	vadd.f32 v1, v9;
	[tilespmem:v0+s9+$0x3D0 ss:$0x1] =	vst.idx.msk $0xffff, v3  }
0x243: {  	[tilespmem:v0+s9+$0x3E0 ss:$0x1] =	vst.idx.msk $0xffff, v2  }
0x244: {  	[tilespmem:v0+s9+$0x3F0 ss:$0x1] =	vst.idx.msk $0xffff, v1  }
0x245: {  	v10 =	vld [tilespmem:$0x1ED80]  }
0x246: {  	v11 =	vld [tilespmem:$0x1ED90]  }
0x247: {  	v5 =	vmov s0;
	v12 =	vld [tilespmem:$0x1EDA0]  }
0x248: {  	v7 =	vld [tilespmem:$0x1EDB0]  }
0x249: {  	v4 =	vld [tilespmem:$0x1EDC0]  }
0x24a: {  	v3 =	vld [tilespmem:$0x1EDD0]  }
0x24b: {  	v2 =	vld [tilespmem:$0x1EDE0]  }
0x24c: {  	v17 =	vld.idx.msk [tilespmem:v5+s12+$0x0], $0xffff  }
0x24d: {  	v1 =	vld [tilespmem:$0x1EDF0]  }
0x24e: {  	v16 =	vld [tilespmem:$0x1F580]  }
0x24f: {  	v15 =	vld [tilespmem:$0x1F590]  }
0x250: {  	v14 =	vld [tilespmem:$0x1F5A0]  }
0x251: {  	v13 =	vld [tilespmem:$0x1F5B0];
	v9 =	vmul.f32 v17, v10  }
0x252: {  	v8 =	vld [tilespmem:$0x1F5C0];
	v18 =	vmul.f32 v17, v11  }
0x253: {  	v5 =	vld [tilespmem:$0x1F5D0];
	v19 =	vmul.f32 v17, v12;
	v20 =	vadd.f32 v9, v16  }
0x254: {  	s23 =	simm.s32 $0x0;
	v6 =	vld [tilespmem:$0x1F5E0];
	v21 =	vmul.f32 v17, v7;
	v18 =	vadd.f32 v18, v15  }
0x255: {  	v22 =	vmul.f32 v17, v4;
	v9 =	vld [tilespmem:$0x1F5F0];
	v19 =	vadd.f32 v19, v14;
	[tilespmem:v0+s23+$0x400 ss:$0x1] =	vst.idx.msk $0xffff, v20  }
0x256: {  	v20 =	vmul.f32 v17, v3;
	[tilespmem:v0+s23+$0x410 ss:$0x1] =	vst.idx.msk $0xffff, v18;
	v18 =	vadd.f32 v21, v13  }
0x257: {  	s9 =	sadd.s32 $0xD, s0;
	v63 =	vmul.f32 v17, v2;
	[tilespmem:v0+s23+$0x420 ss:$0x1] =	vst.idx.msk $0xffff, v19;
	v19 =	vadd.f32 v22, v8  }
0x258: {  	[tilespmem:v0+s23+$0x430 ss:$0x1] =	vst.idx.msk $0xffff, v18;
	v18 =	vadd.f32 v20, v5;
	v20 =	vmul.f32 v17, v1;
	v17 =	vmov s9  }
0x259: {  	[tilespmem:v0+s23+$0x440 ss:$0x1] =	vst.idx.msk $0xffff, v19;
	v19 =	vadd.f32 v63, v6  }
0x25a: {  	[tilespmem:v0+s23+$0x450 ss:$0x1] =	vst.idx.msk $0xffff, v18;
	v18 =	vadd.f32 v20, v9  }
0x25b: {  	s22 =	simm.s32 $0x5000;
	s10 =	simm.s32 $0xA000;
	[tilespmem:v0+s23+$0x460 ss:$0x1] =	vst.idx.msk $0xffff, v19  }
.LBB2_17:
0x25c: {  	p0 =	sne.s32 s10, $0xF000;
	[tilespmem:v0+s23+$0x470 ss:$0x1] =	vst.idx.msk $0xffff, v18;
	s11 =	smov.u32 s10;
	s10 =	sadd.s32 $0x5000, s10  }
0x25d: {  	v17 =	vld.idx.msk [tilespmem:v17+s12+$0x0], $0xffff;
	_ =	sdelay $0x5  }
0x25e: {  	v18 =	vmul.f32 v17, v10;
	v19 =	vmul.f32 v17, v11  }
0x25f: {  	v20 =	vmul.f32 v17, v12;
	v21 =	vmul.f32 v17, v7  }
0x260: {  	v22 =	vmul.f32 v17, v4;
	v23 =	vmul.f32 v17, v3;
	v18 =	vadd.f32 v18, v16  }
0x261: {  	s23 =	sshra.s32 s22, $0x2;
	s22 =	smov.u32 s11;
	v24 =	vmul.f32 v17, v2;
	v25 =	vmul.f32 v17, v1;
	v19 =	vadd.f32 v19, v15  }
0x262: {  	v17 =	vadd.f32 v20, v14;
	[tilespmem:v0+s23+$0x400 ss:$0x1] =	vst.idx.msk $0xffff, v18  }
0x263: {  	v18 =	vadd.f32 v21, v13;
	[tilespmem:v0+s23+$0x410 ss:$0x1] =	vst.idx.msk $0xffff, v19  }
.Ltmp7:
0x264: {  	s9 =	sadd.s32 $0xD, s9;
	v19 =	vadd.f32 v22, v8;
	[tilespmem:v0+s23+$0x420 ss:$0x1] =	vst.idx.msk $0xffff, v17;
	(pc) =	sbr.rel @p0 .LBB2_17-.Ltmp7, $4  }
0x265: {  	v17 =	vmov s9;
	[tilespmem:v0+s23+$0x430 ss:$0x1] =	vst.idx.msk $0xffff, v18;
	v18 =	vadd.f32 v23, v5  }
0x266: {  	[tilespmem:v0+s23+$0x440 ss:$0x1] =	vst.idx.msk $0xffff, v19;
	v19 =	vadd.f32 v24, v6  }
0x267: {  	[tilespmem:v0+s23+$0x450 ss:$0x1] =	vst.idx.msk $0xffff, v18;
	v18 =	vadd.f32 v25, v9  }
0x268: {  	[tilespmem:v0+s23+$0x460 ss:$0x1] =	vst.idx.msk $0xffff, v19  }
0x269: {  	_ =	sdelay $0x3  }
0x26a: {  	[tilespmem:v0+s23+$0x470 ss:$0x1] =	vst.idx.msk $0xffff, v18  }
0x26b: {  	v17 =	vld.idx.msk [tilespmem:v17+s12+$0x0], $0xffff;
	_ =	sdelay $0x4  }
0x26c: {  	v10 =	vmul.f32 v17, v10  }
0x26d: {  	v11 =	vmul.f32 v17, v11  }
0x26e: {  	v12 =	vmul.f32 v17, v12;
	v10 =	vadd.f32 v10, v16  }
0x26f: {  	s9 =	sshra.s32 s22, $0x2;
	v7 =	vmul.f32 v17, v7;
	v11 =	vadd.f32 v11, v15  }
0x270: {  	v4 =	vmul.f32 v17, v4;
	[tilespmem:v0+s9+$0x400 ss:$0x1] =	vst.idx.msk $0xffff, v10;
	v10 =	vadd.f32 v12, v14  }
0x271: {  	v3 =	vmul.f32 v17, v3;
	v7 =	vadd.f32 v7, v13;
	[tilespmem:v0+s9+$0x410 ss:$0x1] =	vst.idx.msk $0xffff, v11  }
0x272: {  	v2 =	vmul.f32 v17, v2;
	v4 =	vadd.f32 v4, v8;
	[tilespmem:v0+s9+$0x420 ss:$0x1] =	vst.idx.msk $0xffff, v10  }
0x273: {  	v1 =	vmul.f32 v17, v1;
	v3 =	vadd.f32 v3, v5;
	[tilespmem:v0+s9+$0x430 ss:$0x1] =	vst.idx.msk $0xffff, v7  }
0x274: {  	v2 =	vadd.f32 v2, v6;
	[tilespmem:v0+s9+$0x440 ss:$0x1] =	vst.idx.msk $0xffff, v4  }
0x275: {  	v1 =	vadd.f32 v1, v9;
	[tilespmem:v0+s9+$0x450 ss:$0x1] =	vst.idx.msk $0xffff, v3  }
0x276: {  	[tilespmem:v0+s9+$0x460 ss:$0x1] =	vst.idx.msk $0xffff, v2  }
0x277: {  	[tilespmem:v0+s9+$0x470 ss:$0x1] =	vst.idx.msk $0xffff, v1  }
0x278: {  	v10 =	vld [tilespmem:$0x1EE00]  }
0x279: {  	v11 =	vld [tilespmem:$0x1EE10]  }
0x27a: {  	v5 =	vmov s1;
	v12 =	vld [tilespmem:$0x1EE20]  }
0x27b: {  	v7 =	vld [tilespmem:$0x1EE30]  }
0x27c: {  	v4 =	vld [tilespmem:$0x1EE40]  }
0x27d: {  	v3 =	vld [tilespmem:$0x1EE50]  }
0x27e: {  	v2 =	vld [tilespmem:$0x1EE60]  }
0x27f: {  	v17 =	vld.idx.msk [tilespmem:v5+s12+$0x0], $0xffff  }
0x280: {  	v1 =	vld [tilespmem:$0x1EE70]  }
0x281: {  	v16 =	vld [tilespmem:$0x1F600]  }
0x282: {  	v15 =	vld [tilespmem:$0x1F610]  }
0x283: {  	v14 =	vld [tilespmem:$0x1F620]  }
0x284: {  	v13 =	vld [tilespmem:$0x1F630];
	v9 =	vmul.f32 v17, v10  }
0x285: {  	v8 =	vld [tilespmem:$0x1F640];
	v18 =	vmul.f32 v17, v11  }
0x286: {  	v5 =	vld [tilespmem:$0x1F650];
	v19 =	vmul.f32 v17, v12;
	v20 =	vadd.f32 v9, v16  }
0x287: {  	s23 =	simm.s32 $0x0;
	v6 =	vld [tilespmem:$0x1F660];
	v21 =	vmul.f32 v17, v7;
	v18 =	vadd.f32 v18, v15  }
0x288: {  	v22 =	vmul.f32 v17, v4;
	v9 =	vld [tilespmem:$0x1F670];
	v19 =	vadd.f32 v19, v14;
	[tilespmem:v0+s23+$0x480 ss:$0x1] =	vst.idx.msk $0xffff, v20  }
0x289: {  	v20 =	vmul.f32 v17, v3;
	[tilespmem:v0+s23+$0x490 ss:$0x1] =	vst.idx.msk $0xffff, v18;
	v18 =	vadd.f32 v21, v13  }
0x28a: {  	s9 =	sadd.s32 $0xD, s1;
	v63 =	vmul.f32 v17, v2;
	[tilespmem:v0+s23+$0x4A0 ss:$0x1] =	vst.idx.msk $0xffff, v19;
	v19 =	vadd.f32 v22, v8  }
0x28b: {  	[tilespmem:v0+s23+$0x4B0 ss:$0x1] =	vst.idx.msk $0xffff, v18;
	v18 =	vadd.f32 v20, v5;
	v20 =	vmul.f32 v17, v1;
	v17 =	vmov s9  }
0x28c: {  	[tilespmem:v0+s23+$0x4C0 ss:$0x1] =	vst.idx.msk $0xffff, v19;
	v19 =	vadd.f32 v63, v6  }
0x28d: {  	[tilespmem:v0+s23+$0x4D0 ss:$0x1] =	vst.idx.msk $0xffff, v18;
	v18 =	vadd.f32 v20, v9  }
0x28e: {  	s22 =	simm.s32 $0x5000;
	s10 =	simm.s32 $0xA000;
	[tilespmem:v0+s23+$0x4E0 ss:$0x1] =	vst.idx.msk $0xffff, v19  }
.LBB2_19:
0x28f: {  	p0 =	sne.s32 s10, $0xF000;
	[tilespmem:v0+s23+$0x4F0 ss:$0x1] =	vst.idx.msk $0xffff, v18;
	s11 =	smov.u32 s10;
	s10 =	sadd.s32 $0x5000, s10  }
0x290: {  	v17 =	vld.idx.msk [tilespmem:v17+s12+$0x0], $0xffff;
	_ =	sdelay $0x5  }
0x291: {  	v18 =	vmul.f32 v17, v10;
	v19 =	vmul.f32 v17, v11  }
0x292: {  	v20 =	vmul.f32 v17, v12;
	v21 =	vmul.f32 v17, v7  }
0x293: {  	v22 =	vmul.f32 v17, v4;
	v23 =	vmul.f32 v17, v3;
	v18 =	vadd.f32 v18, v16  }
0x294: {  	s23 =	sshra.s32 s22, $0x2;
	s22 =	smov.u32 s11;
	v24 =	vmul.f32 v17, v2;
	v25 =	vmul.f32 v17, v1;
	v19 =	vadd.f32 v19, v15  }
0x295: {  	v17 =	vadd.f32 v20, v14;
	[tilespmem:v0+s23+$0x480 ss:$0x1] =	vst.idx.msk $0xffff, v18  }
0x296: {  	v18 =	vadd.f32 v21, v13;
	[tilespmem:v0+s23+$0x490 ss:$0x1] =	vst.idx.msk $0xffff, v19  }
.Ltmp8:
0x297: {  	s9 =	sadd.s32 $0xD, s9;
	v19 =	vadd.f32 v22, v8;
	[tilespmem:v0+s23+$0x4A0 ss:$0x1] =	vst.idx.msk $0xffff, v17;
	(pc) =	sbr.rel @p0 .LBB2_19-.Ltmp8, $4  }
0x298: {  	v17 =	vmov s9;
	[tilespmem:v0+s23+$0x4B0 ss:$0x1] =	vst.idx.msk $0xffff, v18;
	v18 =	vadd.f32 v23, v5  }
0x299: {  	[tilespmem:v0+s23+$0x4C0 ss:$0x1] =	vst.idx.msk $0xffff, v19;
	v19 =	vadd.f32 v24, v6  }
0x29a: {  	[tilespmem:v0+s23+$0x4D0 ss:$0x1] =	vst.idx.msk $0xffff, v18;
	v18 =	vadd.f32 v25, v9  }
0x29b: {  	[tilespmem:v0+s23+$0x4E0 ss:$0x1] =	vst.idx.msk $0xffff, v19  }
0x29c: {  	_ =	sdelay $0x3  }
0x29d: {  	[tilespmem:v0+s23+$0x4F0 ss:$0x1] =	vst.idx.msk $0xffff, v18  }
0x29e: {  	v17 =	vld.idx.msk [tilespmem:v17+s12+$0x0], $0xffff;
	_ =	sdelay $0x4  }
0x29f: {  	v10 =	vmul.f32 v17, v10  }
0x2a0: {  	v11 =	vmul.f32 v17, v11  }
0x2a1: {  	v12 =	vmul.f32 v17, v12;
	v10 =	vadd.f32 v10, v16  }
0x2a2: {  	s9 =	sshra.s32 s22, $0x2;
	v7 =	vmul.f32 v17, v7;
	v11 =	vadd.f32 v11, v15  }
0x2a3: {  	v4 =	vmul.f32 v17, v4;
	[tilespmem:v0+s9+$0x480 ss:$0x1] =	vst.idx.msk $0xffff, v10;
	v10 =	vadd.f32 v12, v14  }
0x2a4: {  	v3 =	vmul.f32 v17, v3;
	v7 =	vadd.f32 v7, v13;
	[tilespmem:v0+s9+$0x490 ss:$0x1] =	vst.idx.msk $0xffff, v11  }
0x2a5: {  	v2 =	vmul.f32 v17, v2;
	v4 =	vadd.f32 v4, v8;
	[tilespmem:v0+s9+$0x4A0 ss:$0x1] =	vst.idx.msk $0xffff, v10  }
0x2a6: {  	v1 =	vmul.f32 v17, v1;
	v3 =	vadd.f32 v3, v5;
	[tilespmem:v0+s9+$0x4B0 ss:$0x1] =	vst.idx.msk $0xffff, v7  }
0x2a7: {  	v2 =	vadd.f32 v2, v6;
	[tilespmem:v0+s9+$0x4C0 ss:$0x1] =	vst.idx.msk $0xffff, v4  }
0x2a8: {  	v1 =	vadd.f32 v1, v9;
	[tilespmem:v0+s9+$0x4D0 ss:$0x1] =	vst.idx.msk $0xffff, v3  }
0x2a9: {  	[tilespmem:v0+s9+$0x4E0 ss:$0x1] =	vst.idx.msk $0xffff, v2  }
0x2aa: {  	[tilespmem:v0+s9+$0x4F0 ss:$0x1] =	vst.idx.msk $0xffff, v1  }
0x2ab: {  	v10 =	vld [tilespmem:$0x1EE80]  }
0x2ac: {  	v11 =	vld [tilespmem:$0x1EE90]  }
0x2ad: {  	v5 =	vmov s2;
	v12 =	vld [tilespmem:$0x1EEA0]  }
0x2ae: {  	v7 =	vld [tilespmem:$0x1EEB0]  }
0x2af: {  	v4 =	vld [tilespmem:$0x1EEC0]  }
0x2b0: {  	v3 =	vld [tilespmem:$0x1EED0]  }
0x2b1: {  	v2 =	vld [tilespmem:$0x1EEE0]  }
0x2b2: {  	v17 =	vld.idx.msk [tilespmem:v5+s12+$0x0], $0xffff  }
0x2b3: {  	v1 =	vld [tilespmem:$0x1EEF0]  }
0x2b4: {  	v16 =	vld [tilespmem:$0x1F680]  }
0x2b5: {  	v15 =	vld [tilespmem:$0x1F690]  }
0x2b6: {  	v14 =	vld [tilespmem:$0x1F6A0]  }
0x2b7: {  	v13 =	vld [tilespmem:$0x1F6B0];
	v9 =	vmul.f32 v17, v10  }
0x2b8: {  	v8 =	vld [tilespmem:$0x1F6C0];
	v18 =	vmul.f32 v17, v11  }
0x2b9: {  	v5 =	vld [tilespmem:$0x1F6D0];
	v19 =	vmul.f32 v17, v12;
	v20 =	vadd.f32 v9, v16  }
0x2ba: {  	s23 =	simm.s32 $0x0;
	v6 =	vld [tilespmem:$0x1F6E0];
	v21 =	vmul.f32 v17, v7;
	v18 =	vadd.f32 v18, v15  }
0x2bb: {  	v22 =	vmul.f32 v17, v4;
	v9 =	vld [tilespmem:$0x1F6F0];
	v19 =	vadd.f32 v19, v14;
	[tilespmem:v0+s23+$0x500 ss:$0x1] =	vst.idx.msk $0xffff, v20  }
0x2bc: {  	v20 =	vmul.f32 v17, v3;
	[tilespmem:v0+s23+$0x510 ss:$0x1] =	vst.idx.msk $0xffff, v18;
	v18 =	vadd.f32 v21, v13  }
0x2bd: {  	s9 =	sadd.s32 $0xD, s2;
	v63 =	vmul.f32 v17, v2;
	[tilespmem:v0+s23+$0x520 ss:$0x1] =	vst.idx.msk $0xffff, v19;
	v19 =	vadd.f32 v22, v8  }
0x2be: {  	[tilespmem:v0+s23+$0x530 ss:$0x1] =	vst.idx.msk $0xffff, v18;
	v18 =	vadd.f32 v20, v5;
	v20 =	vmul.f32 v17, v1;
	v17 =	vmov s9  }
0x2bf: {  	[tilespmem:v0+s23+$0x540 ss:$0x1] =	vst.idx.msk $0xffff, v19;
	v19 =	vadd.f32 v63, v6  }
0x2c0: {  	[tilespmem:v0+s23+$0x550 ss:$0x1] =	vst.idx.msk $0xffff, v18;
	v18 =	vadd.f32 v20, v9  }
0x2c1: {  	s22 =	simm.s32 $0x5000;
	s10 =	simm.s32 $0xA000;
	[tilespmem:v0+s23+$0x560 ss:$0x1] =	vst.idx.msk $0xffff, v19  }
.LBB2_21:
0x2c2: {  	p0 =	sne.s32 s10, $0xF000;
	[tilespmem:v0+s23+$0x570 ss:$0x1] =	vst.idx.msk $0xffff, v18;
	s11 =	smov.u32 s10;
	s10 =	sadd.s32 $0x5000, s10  }
0x2c3: {  	v17 =	vld.idx.msk [tilespmem:v17+s12+$0x0], $0xffff;
	_ =	sdelay $0x5  }
0x2c4: {  	v18 =	vmul.f32 v17, v10;
	v19 =	vmul.f32 v17, v11  }
0x2c5: {  	v20 =	vmul.f32 v17, v12;
	v21 =	vmul.f32 v17, v7  }
0x2c6: {  	v22 =	vmul.f32 v17, v4;
	v23 =	vmul.f32 v17, v3;
	v18 =	vadd.f32 v18, v16  }
0x2c7: {  	s23 =	sshra.s32 s22, $0x2;
	s22 =	smov.u32 s11;
	v24 =	vmul.f32 v17, v2;
	v25 =	vmul.f32 v17, v1;
	v19 =	vadd.f32 v19, v15  }
0x2c8: {  	v17 =	vadd.f32 v20, v14;
	[tilespmem:v0+s23+$0x500 ss:$0x1] =	vst.idx.msk $0xffff, v18  }
0x2c9: {  	v18 =	vadd.f32 v21, v13;
	[tilespmem:v0+s23+$0x510 ss:$0x1] =	vst.idx.msk $0xffff, v19  }
.Ltmp9:
0x2ca: {  	s9 =	sadd.s32 $0xD, s9;
	v19 =	vadd.f32 v22, v8;
	[tilespmem:v0+s23+$0x520 ss:$0x1] =	vst.idx.msk $0xffff, v17;
	(pc) =	sbr.rel @p0 .LBB2_21-.Ltmp9, $4  }
0x2cb: {  	v17 =	vmov s9;
	[tilespmem:v0+s23+$0x530 ss:$0x1] =	vst.idx.msk $0xffff, v18;
	v18 =	vadd.f32 v23, v5  }
0x2cc: {  	[tilespmem:v0+s23+$0x540 ss:$0x1] =	vst.idx.msk $0xffff, v19;
	v19 =	vadd.f32 v24, v6  }
0x2cd: {  	[tilespmem:v0+s23+$0x550 ss:$0x1] =	vst.idx.msk $0xffff, v18;
	v18 =	vadd.f32 v25, v9  }
0x2ce: {  	[tilespmem:v0+s23+$0x560 ss:$0x1] =	vst.idx.msk $0xffff, v19  }
0x2cf: {  	_ =	sdelay $0x3  }
0x2d0: {  	[tilespmem:v0+s23+$0x570 ss:$0x1] =	vst.idx.msk $0xffff, v18  }
0x2d1: {  	v17 =	vld.idx.msk [tilespmem:v17+s12+$0x0], $0xffff;
	_ =	sdelay $0x4  }
0x2d2: {  	v10 =	vmul.f32 v17, v10  }
0x2d3: {  	v11 =	vmul.f32 v17, v11  }
0x2d4: {  	v12 =	vmul.f32 v17, v12;
	v10 =	vadd.f32 v10, v16  }
0x2d5: {  	s9 =	sshra.s32 s22, $0x2;
	v7 =	vmul.f32 v17, v7;
	v11 =	vadd.f32 v11, v15  }
0x2d6: {  	v4 =	vmul.f32 v17, v4;
	[tilespmem:v0+s9+$0x500 ss:$0x1] =	vst.idx.msk $0xffff, v10;
	v10 =	vadd.f32 v12, v14  }
0x2d7: {  	v3 =	vmul.f32 v17, v3;
	v7 =	vadd.f32 v7, v13;
	[tilespmem:v0+s9+$0x510 ss:$0x1] =	vst.idx.msk $0xffff, v11  }
0x2d8: {  	v2 =	vmul.f32 v17, v2;
	v4 =	vadd.f32 v4, v8;
	[tilespmem:v0+s9+$0x520 ss:$0x1] =	vst.idx.msk $0xffff, v10  }
0x2d9: {  	v1 =	vmul.f32 v17, v1;
	v3 =	vadd.f32 v3, v5;
	[tilespmem:v0+s9+$0x530 ss:$0x1] =	vst.idx.msk $0xffff, v7  }
0x2da: {  	v2 =	vadd.f32 v2, v6;
	[tilespmem:v0+s9+$0x540 ss:$0x1] =	vst.idx.msk $0xffff, v4  }
0x2db: {  	v1 =	vadd.f32 v1, v9;
	[tilespmem:v0+s9+$0x550 ss:$0x1] =	vst.idx.msk $0xffff, v3  }
0x2dc: {  	[tilespmem:v0+s9+$0x560 ss:$0x1] =	vst.idx.msk $0xffff, v2  }
0x2dd: {  	[tilespmem:v0+s9+$0x570 ss:$0x1] =	vst.idx.msk $0xffff, v1  }
0x2de: {  	v10 =	vld [tilespmem:$0x1EF00]  }
0x2df: {  	v11 =	vld [tilespmem:$0x1EF10]  }
0x2e0: {  	v5 =	vmov s4;
	v12 =	vld [tilespmem:$0x1EF20]  }
0x2e1: {  	v7 =	vld [tilespmem:$0x1EF30]  }
0x2e2: {  	v4 =	vld [tilespmem:$0x1EF40]  }
0x2e3: {  	v3 =	vld [tilespmem:$0x1EF50]  }
0x2e4: {  	v2 =	vld [tilespmem:$0x1EF60]  }
0x2e5: {  	v17 =	vld.idx.msk [tilespmem:v5+s12+$0x0], $0xffff  }
0x2e6: {  	v1 =	vld [tilespmem:$0x1EF70]  }
0x2e7: {  	v16 =	vld [tilespmem:$0x1F700]  }
0x2e8: {  	v15 =	vld [tilespmem:$0x1F710]  }
0x2e9: {  	v14 =	vld [tilespmem:$0x1F720]  }
0x2ea: {  	v13 =	vld [tilespmem:$0x1F730];
	v9 =	vmul.f32 v17, v10  }
0x2eb: {  	v8 =	vld [tilespmem:$0x1F740];
	v18 =	vmul.f32 v17, v11  }
0x2ec: {  	v5 =	vld [tilespmem:$0x1F750];
	v19 =	vmul.f32 v17, v12;
	v20 =	vadd.f32 v9, v16  }
0x2ed: {  	s23 =	simm.s32 $0x0;
	v6 =	vld [tilespmem:$0x1F760];
	v21 =	vmul.f32 v17, v7;
	v18 =	vadd.f32 v18, v15  }
0x2ee: {  	v22 =	vmul.f32 v17, v4;
	v9 =	vld [tilespmem:$0x1F770];
	v19 =	vadd.f32 v19, v14;
	[tilespmem:v0+s23+$0x580 ss:$0x1] =	vst.idx.msk $0xffff, v20  }
0x2ef: {  	v20 =	vmul.f32 v17, v3;
	[tilespmem:v0+s23+$0x590 ss:$0x1] =	vst.idx.msk $0xffff, v18;
	v18 =	vadd.f32 v21, v13  }
0x2f0: {  	s9 =	sadd.s32 $0xD, s4;
	v63 =	vmul.f32 v17, v2;
	[tilespmem:v0+s23+$0x5A0 ss:$0x1] =	vst.idx.msk $0xffff, v19;
	v19 =	vadd.f32 v22, v8  }
0x2f1: {  	[tilespmem:v0+s23+$0x5B0 ss:$0x1] =	vst.idx.msk $0xffff, v18;
	v18 =	vadd.f32 v20, v5;
	v20 =	vmul.f32 v17, v1;
	v17 =	vmov s9  }
0x2f2: {  	[tilespmem:v0+s23+$0x5C0 ss:$0x1] =	vst.idx.msk $0xffff, v19;
	v19 =	vadd.f32 v63, v6  }
0x2f3: {  	[tilespmem:v0+s23+$0x5D0 ss:$0x1] =	vst.idx.msk $0xffff, v18;
	v18 =	vadd.f32 v20, v9  }
0x2f4: {  	s22 =	simm.s32 $0x5000;
	s10 =	simm.s32 $0xA000;
	[tilespmem:v0+s23+$0x5E0 ss:$0x1] =	vst.idx.msk $0xffff, v19  }
.LBB2_23:
0x2f5: {  	p0 =	sne.s32 s10, $0xF000;
	[tilespmem:v0+s23+$0x5F0 ss:$0x1] =	vst.idx.msk $0xffff, v18;
	s11 =	smov.u32 s10;
	s10 =	sadd.s32 $0x5000, s10  }
0x2f6: {  	v17 =	vld.idx.msk [tilespmem:v17+s12+$0x0], $0xffff;
	_ =	sdelay $0x5  }
0x2f7: {  	v18 =	vmul.f32 v17, v10;
	v19 =	vmul.f32 v17, v11  }
0x2f8: {  	v20 =	vmul.f32 v17, v12;
	v21 =	vmul.f32 v17, v7  }
0x2f9: {  	v22 =	vmul.f32 v17, v4;
	v23 =	vmul.f32 v17, v3;
	v18 =	vadd.f32 v18, v16  }
0x2fa: {  	s23 =	sshra.s32 s22, $0x2;
	s22 =	smov.u32 s11;
	v24 =	vmul.f32 v17, v2;
	v25 =	vmul.f32 v17, v1;
	v19 =	vadd.f32 v19, v15  }
0x2fb: {  	v17 =	vadd.f32 v20, v14;
	[tilespmem:v0+s23+$0x580 ss:$0x1] =	vst.idx.msk $0xffff, v18  }
0x2fc: {  	v18 =	vadd.f32 v21, v13;
	[tilespmem:v0+s23+$0x590 ss:$0x1] =	vst.idx.msk $0xffff, v19  }
.Ltmp10:
0x2fd: {  	s9 =	sadd.s32 $0xD, s9;
	v19 =	vadd.f32 v22, v8;
	[tilespmem:v0+s23+$0x5A0 ss:$0x1] =	vst.idx.msk $0xffff, v17;
	(pc) =	sbr.rel @p0 .LBB2_23-.Ltmp10, $4  }
0x2fe: {  	v17 =	vmov s9;
	[tilespmem:v0+s23+$0x5B0 ss:$0x1] =	vst.idx.msk $0xffff, v18;
	v18 =	vadd.f32 v23, v5  }
0x2ff: {  	[tilespmem:v0+s23+$0x5C0 ss:$0x1] =	vst.idx.msk $0xffff, v19;
	v19 =	vadd.f32 v24, v6  }
0x300: {  	[tilespmem:v0+s23+$0x5D0 ss:$0x1] =	vst.idx.msk $0xffff, v18;
	v18 =	vadd.f32 v25, v9  }
0x301: {  	[tilespmem:v0+s23+$0x5E0 ss:$0x1] =	vst.idx.msk $0xffff, v19  }
0x302: {  	_ =	sdelay $0x3  }
0x303: {  	[tilespmem:v0+s23+$0x5F0 ss:$0x1] =	vst.idx.msk $0xffff, v18  }
0x304: {  	v17 =	vld.idx.msk [tilespmem:v17+s12+$0x0], $0xffff;
	_ =	sdelay $0x4  }
0x305: {  	v10 =	vmul.f32 v17, v10  }
0x306: {  	v11 =	vmul.f32 v17, v11  }
0x307: {  	v12 =	vmul.f32 v17, v12;
	v10 =	vadd.f32 v10, v16  }
0x308: {  	s9 =	sshra.s32 s22, $0x2;
	v7 =	vmul.f32 v17, v7;
	v11 =	vadd.f32 v11, v15  }
0x309: {  	v4 =	vmul.f32 v17, v4;
	[tilespmem:v0+s9+$0x580 ss:$0x1] =	vst.idx.msk $0xffff, v10;
	v10 =	vadd.f32 v12, v14  }
0x30a: {  	v3 =	vmul.f32 v17, v3;
	v7 =	vadd.f32 v7, v13;
	[tilespmem:v0+s9+$0x590 ss:$0x1] =	vst.idx.msk $0xffff, v11  }
0x30b: {  	v2 =	vmul.f32 v17, v2;
	v4 =	vadd.f32 v4, v8;
	[tilespmem:v0+s9+$0x5A0 ss:$0x1] =	vst.idx.msk $0xffff, v10  }
0x30c: {  	v1 =	vmul.f32 v17, v1;
	v3 =	vadd.f32 v3, v5;
	[tilespmem:v0+s9+$0x5B0 ss:$0x1] =	vst.idx.msk $0xffff, v7  }
0x30d: {  	v2 =	vadd.f32 v2, v6;
	[tilespmem:v0+s9+$0x5C0 ss:$0x1] =	vst.idx.msk $0xffff, v4  }
0x30e: {  	v1 =	vadd.f32 v1, v9;
	[tilespmem:v0+s9+$0x5D0 ss:$0x1] =	vst.idx.msk $0xffff, v3  }
0x30f: {  	[tilespmem:v0+s9+$0x5E0 ss:$0x1] =	vst.idx.msk $0xffff, v2  }
0x310: {  	[tilespmem:v0+s9+$0x5F0 ss:$0x1] =	vst.idx.msk $0xffff, v1  }
0x311: {  	v10 =	vld [tilespmem:$0x1EF80]  }
0x312: {  	v11 =	vld [tilespmem:$0x1EF90]  }
0x313: {  	v5 =	vmov s13;
	v12 =	vld [tilespmem:$0x1EFA0]  }
0x314: {  	v7 =	vld [tilespmem:$0x1EFB0]  }
0x315: {  	v4 =	vld [tilespmem:$0x1EFC0]  }
0x316: {  	v3 =	vld [tilespmem:$0x1EFD0]  }
0x317: {  	v2 =	vld [tilespmem:$0x1EFE0]  }
0x318: {  	v17 =	vld.idx.msk [tilespmem:v5+s12+$0x0], $0xffff  }
0x319: {  	v1 =	vld [tilespmem:$0x1EFF0]  }
0x31a: {  	v16 =	vld [tilespmem:$0x1F780]  }
0x31b: {  	v15 =	vld [tilespmem:$0x1F790]  }
0x31c: {  	v14 =	vld [tilespmem:$0x1F7A0]  }
0x31d: {  	v13 =	vld [tilespmem:$0x1F7B0];
	v9 =	vmul.f32 v17, v10  }
0x31e: {  	v8 =	vld [tilespmem:$0x1F7C0];
	v18 =	vmul.f32 v17, v11  }
0x31f: {  	v5 =	vld [tilespmem:$0x1F7D0];
	v19 =	vmul.f32 v17, v12;
	v20 =	vadd.f32 v9, v16  }
0x320: {  	s23 =	simm.s32 $0x0;
	v6 =	vld [tilespmem:$0x1F7E0];
	v21 =	vmul.f32 v17, v7;
	v18 =	vadd.f32 v18, v15  }
0x321: {  	v22 =	vmul.f32 v17, v4;
	v9 =	vld [tilespmem:$0x1F7F0];
	v19 =	vadd.f32 v19, v14;
	[tilespmem:v0+s23+$0x600 ss:$0x1] =	vst.idx.msk $0xffff, v20  }
0x322: {  	v20 =	vmul.f32 v17, v3;
	[tilespmem:v0+s23+$0x610 ss:$0x1] =	vst.idx.msk $0xffff, v18;
	v18 =	vadd.f32 v21, v13  }
0x323: {  	s9 =	sadd.s32 $0xD, s13;
	v63 =	vmul.f32 v17, v2;
	[tilespmem:v0+s23+$0x620 ss:$0x1] =	vst.idx.msk $0xffff, v19;
	v19 =	vadd.f32 v22, v8  }
0x324: {  	[tilespmem:v0+s23+$0x630 ss:$0x1] =	vst.idx.msk $0xffff, v18;
	v18 =	vadd.f32 v20, v5;
	v20 =	vmul.f32 v17, v1;
	v17 =	vmov s9  }
0x325: {  	[tilespmem:v0+s23+$0x640 ss:$0x1] =	vst.idx.msk $0xffff, v19;
	v19 =	vadd.f32 v63, v6  }
0x326: {  	[tilespmem:v0+s23+$0x650 ss:$0x1] =	vst.idx.msk $0xffff, v18;
	v18 =	vadd.f32 v20, v9  }
0x327: {  	s22 =	simm.s32 $0x5000;
	s10 =	simm.s32 $0xA000;
	[tilespmem:v0+s23+$0x660 ss:$0x1] =	vst.idx.msk $0xffff, v19  }
.LBB2_25:
0x328: {  	p0 =	sne.s32 s10, $0xF000;
	[tilespmem:v0+s23+$0x670 ss:$0x1] =	vst.idx.msk $0xffff, v18;
	s11 =	smov.u32 s10;
	s10 =	sadd.s32 $0x5000, s10  }
0x329: {  	v17 =	vld.idx.msk [tilespmem:v17+s12+$0x0], $0xffff;
	_ =	sdelay $0x5  }
0x32a: {  	v18 =	vmul.f32 v17, v10;
	v19 =	vmul.f32 v17, v11  }
0x32b: {  	v20 =	vmul.f32 v17, v12;
	v21 =	vmul.f32 v17, v7  }
0x32c: {  	v22 =	vmul.f32 v17, v4;
	v23 =	vmul.f32 v17, v3;
	v18 =	vadd.f32 v18, v16  }
0x32d: {  	s23 =	sshra.s32 s22, $0x2;
	s22 =	smov.u32 s11;
	v24 =	vmul.f32 v17, v2;
	v25 =	vmul.f32 v17, v1;
	v19 =	vadd.f32 v19, v15  }
0x32e: {  	v17 =	vadd.f32 v20, v14;
	[tilespmem:v0+s23+$0x600 ss:$0x1] =	vst.idx.msk $0xffff, v18  }
0x32f: {  	v18 =	vadd.f32 v21, v13;
	[tilespmem:v0+s23+$0x610 ss:$0x1] =	vst.idx.msk $0xffff, v19  }
.Ltmp11:
0x330: {  	s9 =	sadd.s32 $0xD, s9;
	v19 =	vadd.f32 v22, v8;
	[tilespmem:v0+s23+$0x620 ss:$0x1] =	vst.idx.msk $0xffff, v17;
	(pc) =	sbr.rel @p0 .LBB2_25-.Ltmp11, $4  }
0x331: {  	v17 =	vmov s9;
	[tilespmem:v0+s23+$0x630 ss:$0x1] =	vst.idx.msk $0xffff, v18;
	v18 =	vadd.f32 v23, v5  }
0x332: {  	[tilespmem:v0+s23+$0x640 ss:$0x1] =	vst.idx.msk $0xffff, v19;
	v19 =	vadd.f32 v24, v6  }
0x333: {  	[tilespmem:v0+s23+$0x650 ss:$0x1] =	vst.idx.msk $0xffff, v18;
	v18 =	vadd.f32 v25, v9  }
0x334: {  	[tilespmem:v0+s23+$0x660 ss:$0x1] =	vst.idx.msk $0xffff, v19  }
0x335: {  	_ =	sdelay $0x3  }
0x336: {  	[tilespmem:v0+s23+$0x670 ss:$0x1] =	vst.idx.msk $0xffff, v18  }
0x337: {  	v17 =	vld.idx.msk [tilespmem:v17+s12+$0x0], $0xffff;
	_ =	sdelay $0x4  }
0x338: {  	v10 =	vmul.f32 v17, v10  }
0x339: {  	v11 =	vmul.f32 v17, v11  }
0x33a: {  	v12 =	vmul.f32 v17, v12;
	v10 =	vadd.f32 v10, v16  }
0x33b: {  	s9 =	sshra.s32 s22, $0x2;
	v7 =	vmul.f32 v17, v7;
	v11 =	vadd.f32 v11, v15  }
0x33c: {  	v4 =	vmul.f32 v17, v4;
	[tilespmem:v0+s9+$0x600 ss:$0x1] =	vst.idx.msk $0xffff, v10;
	v10 =	vadd.f32 v12, v14  }
0x33d: {  	v3 =	vmul.f32 v17, v3;
	v7 =	vadd.f32 v7, v13;
	[tilespmem:v0+s9+$0x610 ss:$0x1] =	vst.idx.msk $0xffff, v11  }
0x33e: {  	v2 =	vmul.f32 v17, v2;
	v4 =	vadd.f32 v4, v8;
	[tilespmem:v0+s9+$0x620 ss:$0x1] =	vst.idx.msk $0xffff, v10  }
0x33f: {  	v1 =	vmul.f32 v17, v1;
	v3 =	vadd.f32 v3, v5;
	[tilespmem:v0+s9+$0x630 ss:$0x1] =	vst.idx.msk $0xffff, v7  }
0x340: {  	v2 =	vadd.f32 v2, v6;
	[tilespmem:v0+s9+$0x640 ss:$0x1] =	vst.idx.msk $0xffff, v4  }
0x341: {  	v1 =	vadd.f32 v1, v9;
	[tilespmem:v0+s9+$0x650 ss:$0x1] =	vst.idx.msk $0xffff, v3  }
0x342: {  	[tilespmem:v0+s9+$0x660 ss:$0x1] =	vst.idx.msk $0xffff, v2  }
0x343: {  	[tilespmem:v0+s9+$0x670 ss:$0x1] =	vst.idx.msk $0xffff, v1  }
0x344: {  	v10 =	vld [tilespmem:$0x1F000]  }
0x345: {  	v11 =	vld [tilespmem:$0x1F010]  }
0x346: {  	v5 =	vmov s14;
	v12 =	vld [tilespmem:$0x1F020]  }
0x347: {  	v7 =	vld [tilespmem:$0x1F030]  }
0x348: {  	v4 =	vld [tilespmem:$0x1F040]  }
0x349: {  	v3 =	vld [tilespmem:$0x1F050]  }
0x34a: {  	v2 =	vld [tilespmem:$0x1F060]  }
0x34b: {  	v17 =	vld.idx.msk [tilespmem:v5+s12+$0x0], $0xffff  }
0x34c: {  	v1 =	vld [tilespmem:$0x1F070]  }
0x34d: {  	v16 =	vld [tilespmem:$0x1F800]  }
0x34e: {  	v15 =	vld [tilespmem:$0x1F810]  }
0x34f: {  	v14 =	vld [tilespmem:$0x1F820]  }
0x350: {  	v13 =	vld [tilespmem:$0x1F830];
	v9 =	vmul.f32 v17, v10  }
0x351: {  	v8 =	vld [tilespmem:$0x1F840];
	v18 =	vmul.f32 v17, v11  }
0x352: {  	v5 =	vld [tilespmem:$0x1F850];
	v19 =	vmul.f32 v17, v12;
	v20 =	vadd.f32 v9, v16  }
0x353: {  	s23 =	simm.s32 $0x0;
	v6 =	vld [tilespmem:$0x1F860];
	v21 =	vmul.f32 v17, v7;
	v18 =	vadd.f32 v18, v15  }
0x354: {  	v22 =	vmul.f32 v17, v4;
	v9 =	vld [tilespmem:$0x1F870];
	v19 =	vadd.f32 v19, v14;
	[tilespmem:v0+s23+$0x680 ss:$0x1] =	vst.idx.msk $0xffff, v20  }
0x355: {  	v20 =	vmul.f32 v17, v3;
	[tilespmem:v0+s23+$0x690 ss:$0x1] =	vst.idx.msk $0xffff, v18;
	v18 =	vadd.f32 v21, v13  }
0x356: {  	s9 =	sadd.s32 $0xD, s14;
	v63 =	vmul.f32 v17, v2;
	[tilespmem:v0+s23+$0x6A0 ss:$0x1] =	vst.idx.msk $0xffff, v19;
	v19 =	vadd.f32 v22, v8  }
0x357: {  	[tilespmem:v0+s23+$0x6B0 ss:$0x1] =	vst.idx.msk $0xffff, v18;
	v18 =	vadd.f32 v20, v5;
	v20 =	vmul.f32 v17, v1;
	v17 =	vmov s9  }
0x358: {  	[tilespmem:v0+s23+$0x6C0 ss:$0x1] =	vst.idx.msk $0xffff, v19;
	v19 =	vadd.f32 v63, v6  }
0x359: {  	[tilespmem:v0+s23+$0x6D0 ss:$0x1] =	vst.idx.msk $0xffff, v18;
	v18 =	vadd.f32 v20, v9  }
0x35a: {  	s22 =	simm.s32 $0x5000;
	s10 =	simm.s32 $0xA000;
	[tilespmem:v0+s23+$0x6E0 ss:$0x1] =	vst.idx.msk $0xffff, v19  }
.LBB2_27:
0x35b: {  	p0 =	sne.s32 s10, $0xF000;
	[tilespmem:v0+s23+$0x6F0 ss:$0x1] =	vst.idx.msk $0xffff, v18;
	s11 =	smov.u32 s10;
	s10 =	sadd.s32 $0x5000, s10  }
0x35c: {  	v17 =	vld.idx.msk [tilespmem:v17+s12+$0x0], $0xffff;
	_ =	sdelay $0x5  }
0x35d: {  	v18 =	vmul.f32 v17, v10;
	v19 =	vmul.f32 v17, v11  }
0x35e: {  	v20 =	vmul.f32 v17, v12;
	v21 =	vmul.f32 v17, v7  }
0x35f: {  	v22 =	vmul.f32 v17, v4;
	v23 =	vmul.f32 v17, v3;
	v18 =	vadd.f32 v18, v16  }
0x360: {  	s23 =	sshra.s32 s22, $0x2;
	s22 =	smov.u32 s11;
	v24 =	vmul.f32 v17, v2;
	v25 =	vmul.f32 v17, v1;
	v19 =	vadd.f32 v19, v15  }
0x361: {  	v17 =	vadd.f32 v20, v14;
	[tilespmem:v0+s23+$0x680 ss:$0x1] =	vst.idx.msk $0xffff, v18  }
0x362: {  	v18 =	vadd.f32 v21, v13;
	[tilespmem:v0+s23+$0x690 ss:$0x1] =	vst.idx.msk $0xffff, v19  }
.Ltmp12:
0x363: {  	s9 =	sadd.s32 $0xD, s9;
	v19 =	vadd.f32 v22, v8;
	[tilespmem:v0+s23+$0x6A0 ss:$0x1] =	vst.idx.msk $0xffff, v17;
	(pc) =	sbr.rel @p0 .LBB2_27-.Ltmp12, $4  }
0x364: {  	v17 =	vmov s9;
	[tilespmem:v0+s23+$0x6B0 ss:$0x1] =	vst.idx.msk $0xffff, v18;
	v18 =	vadd.f32 v23, v5  }
0x365: {  	[tilespmem:v0+s23+$0x6C0 ss:$0x1] =	vst.idx.msk $0xffff, v19;
	v19 =	vadd.f32 v24, v6  }
0x366: {  	[tilespmem:v0+s23+$0x6D0 ss:$0x1] =	vst.idx.msk $0xffff, v18;
	v18 =	vadd.f32 v25, v9  }
0x367: {  	[tilespmem:v0+s23+$0x6E0 ss:$0x1] =	vst.idx.msk $0xffff, v19  }
0x368: {  	_ =	sdelay $0x3  }
0x369: {  	[tilespmem:v0+s23+$0x6F0 ss:$0x1] =	vst.idx.msk $0xffff, v18  }
0x36a: {  	v17 =	vld.idx.msk [tilespmem:v17+s12+$0x0], $0xffff;
	_ =	sdelay $0x4  }
0x36b: {  	v10 =	vmul.f32 v17, v10  }
0x36c: {  	v11 =	vmul.f32 v17, v11  }
0x36d: {  	v12 =	vmul.f32 v17, v12;
	v10 =	vadd.f32 v10, v16  }
0x36e: {  	s9 =	sshra.s32 s22, $0x2;
	v7 =	vmul.f32 v17, v7;
	v11 =	vadd.f32 v11, v15  }
0x36f: {  	v4 =	vmul.f32 v17, v4;
	v63 =	vadd.f32 v12, v14;
	[tilespmem:v0+s9+$0x680 ss:$0x1] =	vst.idx.msk $0xffff, v10  }
0x370: {  	v3 =	vmul.f32 v17, v3;
	v7 =	vadd.f32 v7, v13;
	[tilespmem:v0+s9+$0x690 ss:$0x1] =	vst.idx.msk $0xffff, v11  }
0x371: {  	v2 =	vmul.f32 v17, v2;
	v4 =	vadd.f32 v4, v8;
	[tilespmem:v0+s9+$0x6A0 ss:$0x1] =	vst.idx.msk $0xffff, v63  }
0x372: {  	v1 =	vmul.f32 v17, v1;
	v3 =	vadd.f32 v3, v5;
	[tilespmem:v0+s9+$0x6B0 ss:$0x1] =	vst.idx.msk $0xffff, v7  }
0x373: {  	v2 =	vadd.f32 v2, v6;
	[tilespmem:v0+s9+$0x6C0 ss:$0x1] =	vst.idx.msk $0xffff, v4  }
0x374: {  	v1 =	vadd.f32 v1, v9;
	[tilespmem:v0+s9+$0x6D0 ss:$0x1] =	vst.idx.msk $0xffff, v3  }
0x375: {  	[tilespmem:v0+s9+$0x6E0 ss:$0x1] =	vst.idx.msk $0xffff, v2  }
0x376: {  	[tilespmem:v0+s9+$0x6F0 ss:$0x1] =	vst.idx.msk $0xffff, v1  }
0x377: {  	_ =	swait.ge [sflag:s24], $0xD00  }
0x378: {  	[sflag:s24] =	ssyncset.done $0x0  }
0x379: {  	[sflag:s24] =	ssyncadd.s32 $0xFFFFF300  }
0x37a: {  	s23 =	smul.u32 $0x280, s20;
	s29 =	sadd.s32 $0x5000, s29;
	_ =	swait.ge [sflag:s24], $0xD00  }
0x37b: {  	s18 =	sadd.s32 $0x34, s18;
	s17 =	sadd.s32 $0x34, s17;
	[sflag:s24] =	ssyncset.done $0x0  }
0x37c: {  	s15 =	sadd.s32 $0x34, s15;
	s28 =	sadd.s32 $0x34, s28;
	[sflag:s24] =	ssyncadd.s32 $0xFFFFF300  }
0x37d: {  	s30 =	sadd.s32 $0x34, s30;
	s31 =	sadd.s32 $0x34, s31;
	_ =	swait.ge [sflag:s24], $0xD00  }
0x37e: {  	s3 =	sadd.s32 $0x34, s3;
	p0 =	sne.s32 s19, $0x80;
	[sflag:s24] =	ssyncset.done $0x0  }
.Ltmp13:
0x37f: {  	s0 =	sadd.s32 $0x34, s0;
	[sflag:s24] =	ssyncadd.s32 $0xFFFFF300;
	(pc) =	sbr.rel @p0 .LBB2_2-.Ltmp13, $4  }
0x380: {  	s1 =	sadd.s32 $0x34, s1;
	s2 =	sadd.s32 $0x34, s2;
	_ =	swait.ge [sflag:s24], $0xD00  }
0x381: {  	s4 =	sadd.s32 $0x34, s4;
	s13 =	sadd.s32 $0x34, s13;
	[sflag:s24] =	ssyncset.done $0x0  }
0x382: {  	s14 =	sadd.s32 $0x34, s14;
	s9 =	sadd.s32 s5, s23;
	[sflag:s24] =	ssyncadd.s32 $0xFFFFF300  }
0x383: {  	[hbm4b:s9+s6] =	stream.linear.scatter [tilespmem:s21], [sflag:$0x2], $0x5000, $0x38;
	[tilespmem:$0x1FA80] =	vst v63  }
0x384: {  	_ =	swait.ge [sflag:s25], $0x5000  }
0x385: {  	[sflag:s25] =	ssyncset.done $0x0  }
0x386: {  	[sflag:s25] =	ssyncadd.s32 $0xFFFFB000  }
0x387: {  	_ =	swait.ge [sflag:s25], $0x5000  }
0x388: {  	[sflag:s25] =	ssyncset.done $0x0  }
0x389: {  	[sflag:s25] =	ssyncadd.s32 $0xFFFFB000  }
0x38a: {  	_ =	swait.ge [sflag:s25], $0x5000  }
0x38b: {  	[sflag:s25] =	ssyncset.done $0x0  }
0x38c: {  	[sflag:s25] =	ssyncadd.s32 $0xFFFFB000  }
0x38d: {  	_ =	swait.ge [sflag:s25], $0x5000  }
0x38e: {  	[sflag:s25] =	ssyncset.done $0x0  }
0x38f: {  	[sflag:s25] =	ssyncadd.s32 $0xFFFFB000  }
0x390: {  	_ =	swait.ge [sflag:s25], $0x5000  }
0x391: {  	s26 =	sadd.s32 $0x1, s26;
	s0 =	rddreg [dreg:$0x8]  }
0x392: {  	p0 =	sne.s32 s26, s0  }
.Ltmp14:
0x393: {  	_ = 	snop;
	(pc) =	sbr.rel @p0 .LBB2_1-.Ltmp14, $3  }
0x394: {  	_ =	sdelay $0x1  }
0x395: {  	[sflag:s25] =	ssyncset.done $0x0  }
0x396: {  	[sflag:s25] =	ssyncadd.s32 $0xFFFFB000  }
0x397: {  	_ =	sfence.sel $0x180000  }
0x398: {  	[bflag:$0x0] =	sbarrier.arrive $0xFFFF  }
0x399: {  	_ =	strace $0x90000047  }
0x39a: {  	s0 =	stileid.u32;
	[bflag:$0x2] =	sbarrier.arrive $0xFFFF  }
0x39b: {  	p0 =	sne.s32 s0, $0x0;
	s0 =	rddreg [dreg:$0x5]  }
0x39c: {  	s0 =	sadd.s32 @!p0 $0x100000, s0  }
0x39d: {  	[sflag:s0] =	ssyncadd.tile.s32 @!p0 $0x1;
	_ =	shalt  }
.Lfunc_end2:
_tile_overlayer_lowered:
.L_overlay_start_2:
0x39e: {  	(tag) =	ssettag $0x2  }
0x39f: {  	s0 =	rddreg [dreg:$0x0];
	s2 =	stileid.u32  }
0x3a0: {  	s1 =	rddreg [dreg:$0x1];
	p0 =	sne.s32 s2, $0x0  }
0x3a1: {  	s3 =	rddreg [dreg:$0x2];
	[bflag:$0x3] =	sbarrier.arrive $0xFFFF;
	s2 =	simm.s32 @!p0 $0x1C04  }
0x3a2: {  	[timem:s3], [sflag:s2] =	dma.local @!p0 [hbm:s0], s1  }
0x3a3: {  	s0 =	simm.s32 @!p0 $0x4  }
0x3a4: {  	_ =	swait.ge @!p0 [sflag:s0], s1  }
0x3a5: {  	s1 =	ssub.s32 @!p0 $0x0, s1;
	[sflag:s0] =	ssyncset.done @!p0 $0x0  }
0x3a6: {  	[sflag:s0] =	ssyncadd.s32 @!p0 s1  }
0x3a7: {  	[bflag:$0x3] =	sbarrier.arrive $0xFFFF  }
0x3a8: {  	_ =	shalt  }

</sc_bundles>
